<compile_context>
chip_gen: v7x
topology: tpu7x:2x2x1
jax: 0.10.2.dev20260603
libtpu: 0.0.44.dev20260713+nightly
codegen_flags: <defaults>
</compile_context>

<pallas_src>
import numpy as np
import jax
import jax.numpy as jnp
from jax import lax
from jax.experimental import pallas as pl
from jax.experimental.pallas import tpu as pltpu
from jax.experimental.pallas import tpu_sc as plsc

_K = 15
_KP = 16
_A = 8
_KP_EXTENT = 1.2
_L = 16
_NC = 2
_NS = 16
_C = 64
_R = 4


def _mm_body(f_ref, w_ref, o_ref):
    o_ref[...] = jnp.dot(f_ref[...], w_ref[...],
                         preferred_element_type=jnp.float32
                         ).astype(jnp.bfloat16)


def _sc_body(g_h, px_h, py_h, pz_h, src_h, dst_h, kx_h, ky_h, kz_h, zero_h,
             out_h,
             px_v, py_v, pz_v, src_v, dst_v, kx_v, ky_v, kz_v,
             m_v, idx_v, rows_v, msg_v, h_sh, sem, sem2, sem3):
    npad = h_sh.shape[0]
    ew = src_h.shape[0] // _NS
    c = lax.axis_index("c")
    s = lax.axis_index("s")
    base = s * ew
    pltpu.sync_copy(px_h, px_v)
    pltpu.sync_copy(py_h, py_v)
    pltpu.sync_copy(pz_h, pz_v)
    pltpu.sync_copy(kx_h, kx_v)
    pltpu.sync_copy(ky_h, ky_v)
    pltpu.sync_copy(kz_h, kz_v)
    rpt = npad // _NS
    pltpu.sync_copy(zero_h.at[pl.ds(s * rpt, rpt), :],
                    h_sh.at[pl.ds(s * rpt, rpt), :])
    plsc.subcore_barrier()
    m_v[pl.ds(_K * _L, _L)] = jnp.zeros((_L,), jnp.float32)

    inv_ext = jnp.float32(1.0 / _KP_EXTENT)
    ce = src_v.shape[0]
    nchunk = ew // ce
    nbc = ce // _L

    def _issue(b, half, dsem):
        srcv = src_v[pl.ds(b * _L, _L)]
        grow = srcv * _KP + c
        for a in range(_A):
            idx_v[half, pl.ds(a * _L, _L)] = grow + 2 * a
        pltpu.make_async_copy(
            g_h.at[idx_v.at[half]], rows_v.at[half], dsem).start()

    def _drain(b, half, dsem):
        pltpu.make_async_copy(
            g_h.at[idx_v.at[half]], rows_v.at[half], dsem).wait()

    def _process(b, half):
        off = b * _L
        srcv = src_v[pl.ds(off, _L)]
        dstv = dst_v[pl.ds(off, _L)]

        @pl.when(b >= 2)
        def _():
            pltpu.make_async_copy(msg_v.at[half], h_sh.at[dstv], sem3).wait()
        yx = plsc.load_gather(px_v, [srcv]) - plsc.load_gather(px_v, [dstv])
        yy = plsc.load_gather(py_v, [srcv]) - plsc.load_gather(py_v, [dstv])
        yz = plsc.load_gather(pz_v, [srcv]) - plsc.load_gather(pz_v, [dstv])
        for k in range(_K):
            dx = yx - kx_v[pl.ds(k * _L, _L)]
            dy = yy - ky_v[pl.ds(k * _L, _L)]
            dz = yz - kz_v[pl.ds(k * _L, _L)]
            d2 = jnp.maximum(dx * dx + dy * dy + dz * dz, jnp.float32(1e-12))
            xi = jnp.int32(0x5F3759DF) - (plsc.bitcast(d2, jnp.int32) >> 1)
            x = plsc.bitcast(xi, jnp.float32)
            for _ in range(3):
                x = x * (jnp.float32(1.5) - jnp.float32(0.5) * d2 * x * x)
            dist = d2 * x
            m = jnp.maximum(jnp.float32(0.0),
                            jnp.float32(1.0) - dist * inv_ext)
            m_v[pl.ds(k * _L, _L)] = m

        @plsc.parallel_loop(0, _L, 1, unroll=4)
        def edge(j):
            accs = [jnp.zeros((_L,), jnp.float32) for _ in range(_R)]
            for a in range(_A):
                c0 = plsc.load_gather(
                    m_v, [jnp.full((_L,), 2 * a * _L, jnp.int32) + j])
                c1 = plsc.load_gather(
                    m_v, [jnp.full((_L,), (2 * a + 1) * _L, jnp.int32) + j])
                for ss in range(4):
                    xw = rows_v[half, a * _L + j, pl.ds(ss * 2 * _L, 2 * _L)]
                    ea, eb = plsc.unpack(xw,
                                         format=plsc.PackFormat.INTERLEAVED)
                    coef = c0 if ss < 2 else c1
                    t = (ss % 2) * 2
                    accs[t] = accs[t] + coef * ea.astype(jnp.float32)
                    accs[t + 1] = accs[t + 1] + coef * eb.astype(jnp.float32)
            for r in range(_R):
                msg_v[half, j, pl.ds(r * _L, _L)] = accs[r]

        pltpu.async_copy(msg_v.at[half], h_sh.at[dstv], sem3, add=True)

    def chunk(ch, carry):
        pltpu.sync_copy(src_h.at[pl.ds(base + ch * ce, ce)], src_v)
        pltpu.sync_copy(dst_h.at[pl.ds(base + ch * ce, ce)], dst_v)
        _issue(0, 0, sem)

        def pair(t, carry2):
            b0 = 2 * t
            b1 = b0 + 1
            _issue(b1, 1, sem2)
            _drain(b0, 0, sem)
            _process(b0, 0)

            @pl.when(b1 + 1 < nbc)
            def _():
                _issue(b1 + 1, 0, sem)

            _drain(b1, 1, sem2)
            _process(b1, 1)
            return carry2

        lax.fori_loop(0, nbc // 2, pair, 0)
        dstv0 = dst_v[pl.ds(0, _L)]
        for hh in range(2):
            pltpu.make_async_copy(msg_v.at[hh], h_sh.at[dstv0], sem3).wait()
        return carry

    lax.fori_loop(0, nchunk, chunk, 0)
    plsc.subcore_barrier()
    pltpu.sync_copy(h_sh.at[pl.ds(s * rpt, rpt), :],
                    out_h.at[pl.ds(c * npad + s * rpt, rpt), :])


def _sc_call(g2, px, py, pz, src, dst, kx, ky, kz, zero):
    n = px.shape[0]
    npad = zero.shape[0]
    e = src.shape[0]
    ew = e // _NS
    ce = 4000 if ew % 4000 == 0 else ew
    mesh = plsc.VectorSubcoreMesh(core_axis_name="c", subcore_axis_name="s",
                                  num_cores=_NC, num_subcores=_NS)
    f = pl.kernel(
        _sc_body,
        out_type=jax.ShapeDtypeStruct((_NC * npad, _C), jnp.float32),
        mesh=mesh,
        scratch_types=[
            pltpu.VMEM((n,), jnp.float32),
            pltpu.VMEM((n,), jnp.float32),
            pltpu.VMEM((n,), jnp.float32),
            pltpu.VMEM((ce,), jnp.int32),
            pltpu.VMEM((ce,), jnp.int32),
            pltpu.VMEM((_K * _L,), jnp.float32),
            pltpu.VMEM((_K * _L,), jnp.float32),
            pltpu.VMEM((_K * _L,), jnp.float32),
            pltpu.VMEM((_KP * _L,), jnp.float32),
            pltpu.VMEM((2, _A * _L), jnp.int32),
            pltpu.VMEM((2, _A * _L, 2 * _C), jnp.bfloat16),
            pltpu.VMEM((2, _L, _C), jnp.float32),
            pltpu.VMEM_SHARED((npad, _C), jnp.float32),
            pltpu.SemaphoreType.DMA,
            pltpu.SemaphoreType.DMA,
            pltpu.SemaphoreType.DMA,
        ],
        compiler_params=pltpu.CompilerParams(needs_layout_passes=False,
                                             use_tc_tiling_on_sc=False),
    )
    return f(g2, px, py, pz, src, dst, kx, ky, kz, zero)


def kernel(feats, pos, edge_index, weights, kernel_points):
    n, in_dim = feats.shape
    kk, _, out_dim = weights.shape
    feats = feats.astype(jnp.float32)
    wt = weights.astype(jnp.float32).transpose(1, 0, 2)
    wt = jnp.concatenate(
        [wt, jnp.zeros((in_dim, _KP - kk, out_dim), jnp.float32)], axis=1)
    wt = wt.reshape(in_dim, _A, 2, 2, _C)
    fi = np.empty(_C, np.int32)
    for s2 in range(2):
        for l2 in range(_L):
            fi[32 * s2 + 2 * l2] = 32 * s2 + l2
            fi[32 * s2 + 2 * l2 + 1] = 32 * s2 + _L + l2
    wt = wt[..., fi]
    wc3 = wt.transpose(0, 1, 3, 2, 4).reshape(in_dim, _KP * 2 * _C)
    bm = 400 if n % 400 == 0 else 128
    g = pl.pallas_call(
        _mm_body,
        grid=(n // bm,),
        in_specs=[
            pl.BlockSpec((bm, in_dim), lambda i: (i, 0)),
            pl.BlockSpec((in_dim, _KP * 2 * _C), lambda i: (0, 0)),
        ],
        out_specs=pl.BlockSpec((bm, _KP * 2 * _C), lambda i: (i, 0)),
        out_shape=jax.ShapeDtypeStruct((n, _KP * 2 * _C), jnp.bfloat16),
    )(feats, wc3)
    g2 = g.reshape(n * _KP, 2 * _C)

    pos32 = pos.astype(jnp.float32)
    px, py, pz = pos32[:, 0], pos32[:, 1], pos32[:, 2]
    ei = edge_index.astype(jnp.int32)
    src, dst = ei[0], ei[1]
    kb = jnp.broadcast_to(
        kernel_points.astype(jnp.float32).T[:, :, None],
        (3, kk, _L)).reshape(3, kk * _L)
    npad = ((n + _NS * 8 - 1) // (_NS * 8)) * (_NS * 8)
    zero = jnp.zeros((npad, _C), jnp.float32)
    out = _sc_call(g2, px, py, pz, src, dst, kb[0], kb[1], kb[2], zero)
    return jnp.concatenate([out[:n], out[npad:npad + n]], axis=1)

# --- scband reference (transcript-rebuilt; emitter-appended) ---
"""Pipeline reference for scband-kpconv-47081431499115 (READ-ONLY COPY).

The authoritative reference and input builder live on the scoring server;
editing this copy changes nothing except your own understanding.
"""

import jax, jax.numpy as jnp
import numpy as np

K = 15
P_DIM = 3
IN_DIM = 128
OUT_DIM = 128
KP_EXTENT = 1.2
RADIUS = 2.5
N_NODES = 10000
N_EDGES = 320000


def _load_kernels(radius, k, p_dim):
    # deterministic stand-in for KPConv kernel point initialization
    rng = np.random.default_rng(42)
    d = rng.normal(size=(k, p_dim))
    d = d / (np.linalg.norm(d, axis=1, keepdims=True) + 1e-9)
    r = rng.uniform(0.0, radius, size=(k, 1))
    kp = d * r
    kp[0, :] = 0.0  # fixed_kernel_points='center'
    return kp.astype(np.float32)


def setup_inputs(seed: int = 0):
    key = jax.random.key(seed)
    k1, k2, k3, k4 = jax.random.split(key, 4)
    feats = jax.random.normal(k1, (N_NODES, IN_DIM), dtype=jnp.float32)
    pos = jax.random.uniform(k2, (N_NODES, P_DIM), dtype=jnp.float32)
    edge_index = jax.random.randint(k3, (2, N_EDGES), 0, N_NODES)
    bound = 1.0 / np.sqrt(IN_DIM)
    weights = jax.random.uniform(k4, (K, IN_DIM, OUT_DIM), minval=-bound, maxval=bound, dtype=jnp.float32)
    kernel_points = jnp.asarray(_load_kernels(RADIUS, K, P_DIM))
    return {"feats": feats, "pos": pos, "edge_index": edge_index, "weights": weights, "kernel_points": kernel_points}


def reference(feats, pos, edge_index, weights, kernel_points):
    src = edge_index[0]
    dst = edge_index[1]
    # msg_fn: per-edge kernel correlations
    y = pos[src] - pos[dst]                       # [E, p_dim]
    y = y[:, None, :] - kernel_points[None, :, :] # [E, K, p_dim]
    m = jax.nn.relu(1.0 - jnp.sqrt(jnp.sum(y * y, axis=-1)) / KP_EXTENT)  # [E, K]
    f = feats[src]                                # [E, in_dim]
    n = feats.shape[0]
    # reduce_fn: matmul(m^T, f) over neighbors == segment_sum of m_k * f per kernel point,
    # then per-kernel matmul with weights and sum over kernel points
    h = jnp.zeros((n, weights.shape[2]), dtype=feats.dtype)
    for i in range(weights.shape[0]):
        wf = jax.ops.segment_sum(m[:, i:i + 1] * f, dst, num_segments=n)  # [N, in_dim]
        h = h + wf @ weights[i]
    return h

if __name__ == "__main__":
    import jax
    _d = setup_inputs()
    print(jax.jit(kernel)(*tuple(_d.values())))

</pallas_src>

<mosaic_0001>
#map = affine_map<(d0, d1) -> (0, 0)>
#map1 = affine_map<(d0, d1) -> (0)>
module attributes {stable_mosaic.version = 14 : i64} {
  func.func @_sc_body(%arg0: i32, %arg1: i32, %arg2: memref<160000x128xbf16, #tpu.memory_space<hbm>>, %arg3: memref<10000xf32, #tpu.memory_space<hbm>>, %arg4: memref<10000xf32, #tpu.memory_space<hbm>>, %arg5: memref<10000xf32, #tpu.memory_space<hbm>>, %arg6: memref<320000xi32, #tpu.memory_space<hbm>>, %arg7: memref<320000xi32, #tpu.memory_space<hbm>>, %arg8: memref<240xf32, #tpu.memory_space<hbm>>, %arg9: memref<240xf32, #tpu.memory_space<hbm>>, %arg10: memref<240xf32, #tpu.memory_space<hbm>>, %arg11: memref<10112x64xf32, #tpu.memory_space<hbm>>, %arg12: memref<20224x64xf32, #tpu.memory_space<hbm>>, %arg13: memref<10000xf32, #tpu.memory_space<vmem>>, %arg14: memref<10000xf32, #tpu.memory_space<vmem>>, %arg15: memref<10000xf32, #tpu.memory_space<vmem>>, %arg16: memref<4000xi32, #tpu.memory_space<vmem>>, %arg17: memref<4000xi32, #tpu.memory_space<vmem>>, %arg18: memref<240xf32, #tpu.memory_space<vmem>>, %arg19: memref<240xf32, #tpu.memory_space<vmem>>, %arg20: memref<240xf32, #tpu.memory_space<vmem>>, %arg21: memref<256xf32, #tpu.memory_space<vmem>>, %arg22: memref<2x128xi32, #tpu.memory_space<vmem>>, %arg23: memref<2x128x128xbf16, #tpu.memory_space<vmem>>, %arg24: memref<2x16x64xf32, #tpu.memory_space<vmem>>, %arg25: memref<10112x64xf32, #tpu.memory_space<vmem_shared>>, %arg26: memref<!tpu.dma_semaphore, #tpu.memory_space<semaphore_mem>>, %arg27: memref<!tpu.dma_semaphore, #tpu.memory_space<semaphore_mem>>, %arg28: memref<!tpu.dma_semaphore, #tpu.memory_space<semaphore_mem>>) attributes {dimension_semantics = [#tpu.dimension_semantics<core_parallel>, #tpu.dimension_semantics<subcore_parallel>], iteration_bounds = array<i64: 2, 16>, scalar_prefetch = 0 : i64, scratch_operands = 16 : i64, tpu.core_type = #tpu.core_type<sc_vector_subcore>, window_params = [{transform_indices = #map}, {transform_indices = #map1}, {transform_indices = #map1}, {transform_indices = #map1}, {transform_indices = #map1}, {transform_indices = #map1}, {transform_indices = #map1}, {transform_indices = #map1}, {transform_indices = #map1}, {transform_indices = #map}, {transform_indices = #map}]} {
    %mul3A = arith.constant 20000 : i32
    %mul3A_0 = arith.muli %arg1, %mul3A : i32
    "tpu.region"() ({
      %run_scoped3A = tpu.sem_alloc : memref<!tpu.dma_semaphore, #tpu.memory_space<semaphore_mem>>
      tpu.enqueue_dma source(%arg3 : memref<10000xf32, #tpu.memory_space<hbm>>) target(%arg13 : memref<10000xf32, #tpu.memory_space<vmem>>) target_semaphore(%run_scoped3A : memref<!tpu.dma_semaphore, #tpu.memory_space<semaphore_mem>>)
      tpu.wait_dma2 semaphore(%run_scoped3A : memref<!tpu.dma_semaphore, #tpu.memory_space<semaphore_mem>>) src(%arg3 : memref<10000xf32, #tpu.memory_space<hbm>>) dst(%arg13 : memref<10000xf32, #tpu.memory_space<vmem>>)
      tpu.yield
    }) : () -> ()
    "tpu.region"() ({
      %run_scoped3A = tpu.sem_alloc : memref<!tpu.dma_semaphore, #tpu.memory_space<semaphore_mem>>
      tpu.enqueue_dma source(%arg4 : memref<10000xf32, #tpu.memory_space<hbm>>) target(%arg14 : memref<10000xf32, #tpu.memory_space<vmem>>) target_semaphore(%run_scoped3A : memref<!tpu.dma_semaphore, #tpu.memory_space<semaphore_mem>>)
      tpu.wait_dma2 semaphore(%run_scoped3A : memref<!tpu.dma_semaphore, #tpu.memory_space<semaphore_mem>>) src(%arg4 : memref<10000xf32, #tpu.memory_space<hbm>>) dst(%arg14 : memref<10000xf32, #tpu.memory_space<vmem>>)
      tpu.yield
    }) : () -> ()
    "tpu.region"() ({
      %run_scoped3A = tpu.sem_alloc : memref<!tpu.dma_semaphore, #tpu.memory_space<semaphore_mem>>
      tpu.enqueue_dma source(%arg5 : memref<10000xf32, #tpu.memory_space<hbm>>) target(%arg15 : memref<10000xf32, #tpu.memory_space<vmem>>) target_semaphore(%run_scoped3A : memref<!tpu.dma_semaphore, #tpu.memory_space<semaphore_mem>>)
      tpu.wait_dma2 semaphore(%run_scoped3A : memref<!tpu.dma_semaphore, #tpu.memory_space<semaphore_mem>>) src(%arg5 : memref<10000xf32, #tpu.memory_space<hbm>>) dst(%arg15 : memref<10000xf32, #tpu.memory_space<vmem>>)
      tpu.yield
    }) : () -> ()
    "tpu.region"() ({
      %run_scoped3A = tpu.sem_alloc : memref<!tpu.dma_semaphore, #tpu.memory_space<semaphore_mem>>
      tpu.enqueue_dma source(%arg8 : memref<240xf32, #tpu.memory_space<hbm>>) target(%arg18 : memref<240xf32, #tpu.memory_space<vmem>>) target_semaphore(%run_scoped3A : memref<!tpu.dma_semaphore, #tpu.memory_space<semaphore_mem>>)
      tpu.wait_dma2 semaphore(%run_scoped3A : memref<!tpu.dma_semaphore, #tpu.memory_space<semaphore_mem>>) src(%arg8 : memref<240xf32, #tpu.memory_space<hbm>>) dst(%arg18 : memref<240xf32, #tpu.memory_space<vmem>>)
      tpu.yield
    }) : () -> ()
    "tpu.region"() ({
      %run_scoped3A = tpu.sem_alloc : memref<!tpu.dma_semaphore, #tpu.memory_space<semaphore_mem>>
      tpu.enqueue_dma source(%arg9 : memref<240xf32, #tpu.memory_space<hbm>>) target(%arg19 : memref<240xf32, #tpu.memory_space<vmem>>) target_semaphore(%run_scoped3A : memref<!tpu.dma_semaphore, #tpu.memory_space<semaphore_mem>>)
      tpu.wait_dma2 semaphore(%run_scoped3A : memref<!tpu.dma_semaphore, #tpu.memory_space<semaphore_mem>>) src(%arg9 : memref<240xf32, #tpu.memory_space<hbm>>) dst(%arg19 : memref<240xf32, #tpu.memory_space<vmem>>)
      tpu.yield
    }) : () -> ()
    "tpu.region"() ({
      %run_scoped3A = tpu.sem_alloc : memref<!tpu.dma_semaphore, #tpu.memory_space<semaphore_mem>>
      tpu.enqueue_dma source(%arg10 : memref<240xf32, #tpu.memory_space<hbm>>) target(%arg20 : memref<240xf32, #tpu.memory_space<vmem>>) target_semaphore(%run_scoped3A : memref<!tpu.dma_semaphore, #tpu.memory_space<semaphore_mem>>)
      tpu.wait_dma2 semaphore(%run_scoped3A : memref<!tpu.dma_semaphore, #tpu.memory_space<semaphore_mem>>) src(%arg10 : memref<240xf32, #tpu.memory_space<hbm>>) dst(%arg20 : memref<240xf32, #tpu.memory_space<vmem>>)
      tpu.yield
    }) : () -> ()
    %mul3A_1 = arith.constant 632 : i32
    %mul3A_2 = arith.muli %arg1, %mul3A_1 : i32
    %mul3A_3 = arith.constant 632 : i32
    %mul3A_4 = arith.muli %arg1, %mul3A_3 : i32
    "tpu.region"() ({
      %run_scoped3A = tpu.sem_alloc : memref<!tpu.dma_semaphore, #tpu.memory_space<semaphore_mem>>
      %dma_start3A = arith.constant 0 : i32
      %dma_start3A_20 = tpu.memref_slice %arg25[%mul3A_4, %dma_start3A] : memref<10112x64xf32, #tpu.memory_space<vmem_shared>> -> memref<632x64xf32, #tpu.memory_space<vmem_shared>>
      %dma_start3A_21 = arith.constant 0 : i32
      %dma_start3A_22 = tpu.memref_slice %arg11[%mul3A_2, %dma_start3A_21] : memref<10112x64xf32, #tpu.memory_space<hbm>> -> memref<632x64xf32, #tpu.memory_space<hbm>>
      tpu.enqueue_dma source(%dma_start3A_22 : memref<632x64xf32, #tpu.memory_space<hbm>>) target(%dma_start3A_20 : memref<632x64xf32, #tpu.memory_space<vmem_shared>>) target_semaphore(%run_scoped3A : memref<!tpu.dma_semaphore, #tpu.memory_space<semaphore_mem>>)
      %dma_wait3A = arith.constant 0 : i32
      %dma_wait3A_23 = tpu.memref_slice %arg25[%mul3A_4, %dma_wait3A] : memref<10112x64xf32, #tpu.memory_space<vmem_shared>> -> memref<632x64xf32, #tpu.memory_space<vmem_shared>>
      %dma_wait3A_24 = arith.constant 0 : i32
      %dma_wait3A_25 = tpu.memref_slice %arg11[%mul3A_2, %dma_wait3A_24] : memref<10112x64xf32, #tpu.memory_space<hbm>> -> memref<632x64xf32, #tpu.memory_space<hbm>>
      tpu.wait_dma2 semaphore(%run_scoped3A : memref<!tpu.dma_semaphore, #tpu.memory_space<semaphore_mem>>) src(%dma_wait3A_25 : memref<632x64xf32, #tpu.memory_space<hbm>>) dst(%dma_wait3A_23 : memref<632x64xf32, #tpu.memory_space<vmem_shared>>)
      tpu.yield
    }) : () -> ()
    %barrier3A = arith.constant 0 : index
    tpu.barrier barrier_id(%barrier3A)
    %broadcast_in_dim3A = arith.constant 0.000000e+00 : f32
    %broadcast_in_dim3A_5 = vector.broadcast %broadcast_in_dim3A : f32 to vector<16xf32>
    %swap3A = arith.constant 240 : index
    %swap3A_6 = tpu.vector_load %arg21[%swap3A] {strides = array<i32>} : memref<256xf32, #tpu.memory_space<vmem>>, vector<16xf32>,
    tpu.vector_store %arg21[%swap3A], %broadcast_in_dim3A_5 {strides = array<i32>} : memref<256xf32, #tpu.memory_space<vmem>>, vector<16xf32>,
    %scan3A = arith.constant 0 : i32
    %scan3A_7 = arith.constant 0.833333313 : f32
    %scan3A_8 = arith.constant 0 : i32
    %scan3A_9 = arith.constant 5 : i32
    %scan3A_10 = arith.addi %scan3A_8, %scan3A_9 : i32
    %scan3A_11 = arith.constant 1 : i32
    scf.for %scan3A_20 = %scan3A_8 to %scan3A_10 step %scan3A_11  : i32 {
      %mul3A_21 = arith.constant 4000 : i32
      %mul3A_22 = arith.muli %scan3A_20, %mul3A_21 : i32
      %add3A_23 = arith.addi %mul3A_0, %mul3A_22 : i32
      "tpu.region"() ({
        %run_scoped3A = tpu.sem_alloc : memref<!tpu.dma_semaphore, #tpu.memory_space<semaphore_mem>>
        %dma_start3A_123 = tpu.memref_slice %arg6[%add3A_23] : memref<320000xi32, #tpu.memory_space<hbm>> -> memref<4000xi32, #tpu.memory_space<hbm>>
        %dma_start3A_124 = tpu.memref_slice %arg6[%add3A_23] : memref<320000xi32, #tpu.memory_space<hbm>> -> memref<4000xi32, #tpu.memory_space<hbm>>
        tpu.enqueue_dma source(%dma_start3A_124 : memref<4000xi32, #tpu.memory_space<hbm>>) target(%arg16 : memref<4000xi32, #tpu.memory_space<vmem>>) target_semaphore(%run_scoped3A : memref<!tpu.dma_semaphore, #tpu.memory_space<semaphore_mem>>)
        %dma_wait3A_125 = tpu.memref_slice %arg6[%add3A_23] : memref<320000xi32, #tpu.memory_space<hbm>> -> memref<4000xi32, #tpu.memory_space<hbm>>
        %dma_wait3A_126 = tpu.memref_slice %arg6[%add3A_23] : memref<320000xi32, #tpu.memory_space<hbm>> -> memref<4000xi32, #tpu.memory_space<hbm>>
        tpu.wait_dma2 semaphore(%run_scoped3A : memref<!tpu.dma_semaphore, #tpu.memory_space<semaphore_mem>>) src(%dma_wait3A_126 : memref<4000xi32, #tpu.memory_space<hbm>>) dst(%arg16 : memref<4000xi32, #tpu.memory_space<vmem>>)
        tpu.yield
      }) : () -> ()
      %mul3A_24 = arith.constant 4000 : i32
      %mul3A_25 = arith.muli %scan3A_20, %mul3A_24 : i32
      %add3A_26 = arith.addi %mul3A_0, %mul3A_25 : i32
      "tpu.region"() ({
        %run_scoped3A = tpu.sem_alloc : memref<!tpu.dma_semaphore, #tpu.memory_space<semaphore_mem>>
        %dma_start3A_123 = tpu.memref_slice %arg7[%add3A_26] : memref<320000xi32, #tpu.memory_space<hbm>> -> memref<4000xi32, #tpu.memory_space<hbm>>
        %dma_start3A_124 = tpu.memref_slice %arg7[%add3A_26] : memref<320000xi32, #tpu.memory_space<hbm>> -> memref<4000xi32, #tpu.memory_space<hbm>>
        tpu.enqueue_dma source(%dma_start3A_124 : memref<4000xi32, #tpu.memory_space<hbm>>) target(%arg17 : memref<4000xi32, #tpu.memory_space<vmem>>) target_semaphore(%run_scoped3A : memref<!tpu.dma_semaphore, #tpu.memory_space<semaphore_mem>>)
        %dma_wait3A_125 = tpu.memref_slice %arg7[%add3A_26] : memref<320000xi32, #tpu.memory_space<hbm>> -> memref<4000xi32, #tpu.memory_space<hbm>>
        %dma_wait3A_126 = tpu.memref_slice %arg7[%add3A_26] : memref<320000xi32, #tpu.memory_space<hbm>> -> memref<4000xi32, #tpu.memory_space<hbm>>
        tpu.wait_dma2 semaphore(%run_scoped3A : memref<!tpu.dma_semaphore, #tpu.memory_space<semaphore_mem>>) src(%dma_wait3A_126 : memref<4000xi32, #tpu.memory_space<hbm>>) dst(%arg17 : memref<4000xi32, #tpu.memory_space<vmem>>)
        tpu.yield
      }) : () -> ()
      %get3A = arith.constant 0 : index
      %get3A_27 = tpu.vector_load %arg16[%get3A] {strides = array<i32>} : memref<4000xi32, #tpu.memory_space<vmem>>, vector<16xi32>,
      %mul3A_28 = arith.constant 16 : i32
      %mul3A_29 = vector.broadcast %mul3A_28 : i32 to vector<16xi32>
      %mul3A_30 = arith.muli %get3A_27, %mul3A_29 : vector<16xi32>
      %add3A_31 = vector.broadcast %arg0 : i32 to vector<16xi32>
      %add3A_32 = arith.addi %mul3A_30, %add3A_31 : vector<16xi32>
      %add3A_33 = arith.constant 0 : i32
      %add3A_34 = vector.broadcast %add3A_33 : i32 to vector<16xi32>
      %add3A_35 = arith.addi %add3A_32, %add3A_34 : vector<16xi32>
      %swap3A_36 = arith.constant 0 : i32
      %swap3A_37 = arith.index_cast %swap3A_36 : i32 to index
      %swap3A_38 = arith.constant 0 : index
      %swap3A_39 = tpu.vector_load %arg22[%swap3A_37, %swap3A_38] {strides = array<i32>} : memref<2x128xi32, #tpu.memory_space<vmem>>, vector<16xi32>,
      tpu.vector_store %arg22[%swap3A_37, %swap3A_38], %add3A_35 {strides = array<i32>} : memref<2x128xi32, #tpu.memory_space<vmem>>, vector<16xi32>,
      %add3A_40 = arith.constant 2 : i32
      %add3A_41 = vector.broadcast %add3A_40 : i32 to vector<16xi32>
      %add3A_42 = arith.addi %add3A_32, %add3A_41 : vector<16xi32>
      %swap3A_43 = arith.constant 0 : i32
      %swap3A_44 = arith.index_cast %swap3A_43 : i32 to index
      %swap3A_45 = arith.constant 16 : index
      %swap3A_46 = tpu.vector_load %arg22[%swap3A_44, %swap3A_45] {strides = array<i32>} : memref<2x128xi32, #tpu.memory_space<vmem>>, vector<16xi32>,
      tpu.vector_store %arg22[%swap3A_44, %swap3A_45], %add3A_42 {strides = array<i32>} : memref<2x128xi32, #tpu.memory_space<vmem>>, vector<16xi32>,
      %add3A_47 = arith.constant 4 : i32
      %add3A_48 = vector.broadcast %add3A_47 : i32 to vector<16xi32>
      %add3A_49 = arith.addi %add3A_32, %add3A_48 : vector<16xi32>
      %swap3A_50 = arith.constant 0 : i32
      %swap3A_51 = arith.index_cast %swap3A_50 : i32 to index
      %swap3A_52 = arith.constant 32 : index
      %swap3A_53 = tpu.vector_load %arg22[%swap3A_51, %swap3A_52] {strides = array<i32>} : memref<2x128xi32, #tpu.memory_space<vmem>>, vector<16xi32>,
      tpu.vector_store %arg22[%swap3A_51, %swap3A_52], %add3A_49 {strides = array<i32>} : memref<2x128xi32, #tpu.memory_space<vmem>>, vector<16xi32>,
      %add3A_54 = arith.constant 6 : i32
      %add3A_55 = vector.broadcast %add3A_54 : i32 to vector<16xi32>
      %add3A_56 = arith.addi %add3A_32, %add3A_55 : vector<16xi32>
      %swap3A_57 = arith.constant 0 : i32
      %swap3A_58 = arith.index_cast %swap3A_57 : i32 to index
      %swap3A_59 = arith.constant 48 : index
      %swap3A_60 = tpu.vector_load %arg22[%swap3A_58, %swap3A_59] {strides = array<i32>} : memref<2x128xi32, #tpu.memory_space<vmem>>, vector<16xi32>,
      tpu.vector_store %arg22[%swap3A_58, %swap3A_59], %add3A_56 {strides = array<i32>} : memref<2x128xi32, #tpu.memory_space<vmem>>, vector<16xi32>,
      %add3A_61 = arith.constant 8 : i32
      %add3A_62 = vector.broadcast %add3A_61 : i32 to vector<16xi32>
      %add3A_63 = arith.addi %add3A_32, %add3A_62 : vector<16xi32>
      %swap3A_64 = arith.constant 0 : i32
      %swap3A_65 = arith.index_cast %swap3A_64 : i32 to index
      %swap3A_66 = arith.constant 64 : index
      %swap3A_67 = tpu.vector_load %arg22[%swap3A_65, %swap3A_66] {strides = array<i32>} : memref<2x128xi32, #tpu.memory_space<vmem>>, vector<16xi32>,
      tpu.vector_store %arg22[%swap3A_65, %swap3A_66], %add3A_63 {strides = array<i32>} : memref<2x128xi32, #tpu.memory_space<vmem>>, vector<16xi32>,
      %add3A_68 = arith.constant 10 : i32
      %add3A_69 = vector.broadcast %add3A_68 : i32 to vector<16xi32>
      %add3A_70 = arith.addi %add3A_32, %add3A_69 : vector<16xi32>
      %swap3A_71 = arith.constant 0 : i32
      %swap3A_72 = arith.index_cast %swap3A_71 : i32 to index
      %swap3A_73 = arith.constant 80 : index
      %swap3A_74 = tpu.vector_load %arg22[%swap3A_72, %swap3A_73] {strides = array<i32>} : memref<2x128xi32, #tpu.memory_space<vmem>>, vector<16xi32>,
      tpu.vector_store %arg22[%swap3A_72, %swap3A_73], %add3A_70 {strides = array<i32>} : memref<2x128xi32, #tpu.memory_space<vmem>>, vector<16xi32>,
      %add3A_75 = arith.constant 12 : i32
      %add3A_76 = vector.broadcast %add3A_75 : i32 to vector<16xi32>
      %add3A_77 = arith.addi %add3A_32, %add3A_76 : vector<16xi32>
      %swap3A_78 = arith.constant 0 : i32
      %swap3A_79 = arith.index_cast %swap3A_78 : i32 to index
      %swap3A_80 = arith.constant 96 : index
      %swap3A_81 = tpu.vector_load %arg22[%swap3A_79, %swap3A_80] {strides = array<i32>} : memref<2x128xi32, #tpu.memory_space<vmem>>, vector<16xi32>,
      tpu.vector_store %arg22[%swap3A_79, %swap3A_80], %add3A_77 {strides = array<i32>} : memref<2x128xi32, #tpu.memory_space<vmem>>, vector<16xi32>,
      %add3A_82 = arith.constant 14 : i32
      %add3A_83 = vector.broadcast %add3A_82 : i32 to vector<16xi32>
      %add3A_84 = arith.addi %add3A_32, %add3A_83 : vector<16xi32>
      %swap3A_85 = arith.constant 0 : i32
      %swap3A_86 = arith.index_cast %swap3A_85 : i32 to index
      %swap3A_87 = arith.constant 112 : index
      %swap3A_88 = tpu.vector_load %arg22[%swap3A_86, %swap3A_87] {strides = array<i32>} : memref<2x128xi32, #tpu.memory_space<vmem>>, vector<16xi32>,
      tpu.vector_store %arg22[%swap3A_86, %swap3A_87], %add3A_84 {strides = array<i32>} : memref<2x128xi32, #tpu.memory_space<vmem>>, vector<16xi32>,
      %dma_start3A = arith.constant 0 : i32
      %dma_start3A_89 = arith.constant 0 : i32
      %dma_start3A_90 = arith.constant 0 : i32
      %dma_start3A_91 = arith.constant 0 : i32
      %dma_start3A_92 = tpu.memref_slice %arg23[%dma_start3A_89, %dma_start3A_90, %dma_start3A_91] : memref<2x128x128xbf16, #tpu.memory_space<vmem>> -> memref<1x128x128xbf16, #tpu.memory_space<vmem>>
      %dma_start3A_93 = tpu.memref_squeeze %dma_start3A_92 : memref<1x128x128xbf16, #tpu.memory_space<vmem>> -> memref<128x128xbf16, #tpu.memory_space<vmem>>
      %dma_start3A_94 = arith.constant 0 : i32
      %dma_start3A_95 = tpu.memref_slice %arg22[%dma_start3A, %dma_start3A_94] : memref<2x128xi32, #tpu.memory_space<vmem>> -> memref<1x128xi32, #tpu.memory_space<vmem>>
      %dma_start3A_96 = tpu.memref_squeeze %dma_start3A_95 : memref<1x128xi32, #tpu.memory_space<vmem>> -> memref<128xi32, #tpu.memory_space<vmem>>
      %dma_start3A_97 = arith.constant 0 : i32
      %dma_start3A_98 = arith.constant 0 : i32
      %dma_start3A_99 = tpu.memref_slice %arg2[%dma_start3A_97, %dma_start3A_98] : memref<160000x128xbf16, #tpu.memory_space<hbm>> -> memref<160000x128xbf16, #tpu.memory_space<hbm>>
      tpu.enqueue_indirect_dma source(%dma_start3A_99 : memref<160000x128xbf16, #tpu.memory_space<hbm>>) target(%dma_start3A_93 : memref<128x128xbf16, #tpu.memory_space<vmem>>) offsets(%dma_start3A_96 : memref<128xi32, #tpu.memory_space<vmem>>) semaphore(%arg26 : memref<!tpu.dma_semaphore, #tpu.memory_space<semaphore_mem>>)
      %scan3A_100 = arith.constant 0 : i32
      %scan3A_101 = arith.constant 0 : i32
      %scan3A_102 = arith.constant 125 : i32
      %scan3A_103 = arith.addi %scan3A_101, %scan3A_102 : i32
      %scan3A_104 = arith.constant 1 : i32
      scf.for %scan3A_123 = %scan3A_101 to %scan3A_103 step %scan3A_104  : i32 {
        %mul3A_124 = arith.constant 2 : i32
        %mul3A_125 = arith.muli %mul3A_124, %scan3A_123 : i32
        %add3A_126 = arith.constant 1 : i32
        %add3A_127 = arith.addi %mul3A_125, %add3A_126 : i32
        %mul3A_128 = arith.constant 16 : i32
        %mul3A_129 = arith.muli %add3A_127, %mul3A_128 : i32
        %get3A_130 = arith.index_cast %mul3A_129 : i32 to index
        %get3A_131 = tpu.vector_load %arg16[%get3A_130] {strides = array<i32>} : memref<4000xi32, #tpu.memory_space<vmem>>, vector<16xi32>,
        %mul3A_132 = arith.constant 16 : i32
        %mul3A_133 = vector.broadcast %mul3A_132 : i32 to vector<16xi32>
        %mul3A_134 = arith.muli %get3A_131, %mul3A_133 : vector<16xi32>
        %add3A_135 = vector.broadcast %arg0 : i32 to vector<16xi32>
        %add3A_136 = arith.addi %mul3A_134, %add3A_135 : vector<16xi32>
        %add3A_137 = arith.constant 0 : i32
        %add3A_138 = vector.broadcast %add3A_137 : i32 to vector<16xi32>
        %add3A_139 = arith.addi %add3A_136, %add3A_138 : vector<16xi32>
        %swap3A_140 = arith.constant 1 : i32
        %swap3A_141 = arith.index_cast %swap3A_140 : i32 to index
        %swap3A_142 = arith.constant 0 : index
        %swap3A_143 = tpu.vector_load %arg22[%swap3A_141, %swap3A_142] {strides = array<i32>} : memref<2x128xi32, #tpu.memory_space<vmem>>, vector<16xi32>,
        tpu.vector_store %arg22[%swap3A_141, %swap3A_142], %add3A_139 {strides = array<i32>} : memref<2x128xi32, #tpu.memory_space<vmem>>, vector<16xi32>,
        %add3A_144 = arith.constant 2 : i32
        %add3A_145 = vector.broadcast %add3A_144 : i32 to vector<16xi32>
        %add3A_146 = arith.addi %add3A_136, %add3A_145 : vector<16xi32>
        %swap3A_147 = arith.constant 1 : i32
        %swap3A_148 = arith.index_cast %swap3A_147 : i32 to index
        %swap3A_149 = arith.constant 16 : index
        %swap3A_150 = tpu.vector_load %arg22[%swap3A_148, %swap3A_149] {strides = array<i32>} : memref<2x128xi32, #tpu.memory_space<vmem>>, vector<16xi32>,
        tpu.vector_store %arg22[%swap3A_148, %swap3A_149], %add3A_146 {strides = array<i32>} : memref<2x128xi32, #tpu.memory_space<vmem>>, vector<16xi32>,
        %add3A_151 = arith.constant 4 : i32
        %add3A_152 = vector.broadcast %add3A_151 : i32 to vector<16xi32>
        %add3A_153 = arith.addi %add3A_136, %add3A_152 : vector<16xi32>
        %swap3A_154 = arith.constant 1 : i32
        %swap3A_155 = arith.index_cast %swap3A_154 : i32 to index
        %swap3A_156 = arith.constant 32 : index
        %swap3A_157 = tpu.vector_load %arg22[%swap3A_155, %swap3A_156] {strides = array<i32>} : memref<2x128xi32, #tpu.memory_space<vmem>>, vector<16xi32>,
        tpu.vector_store %arg22[%swap3A_155, %swap3A_156], %add3A_153 {strides = array<i32>} : memref<2x128xi32, #tpu.memory_space<vmem>>, vector<16xi32>,
        %add3A_158 = arith.constant 6 : i32
        %add3A_159 = vector.broadcast %add3A_158 : i32 to vector<16xi32>
        %add3A_160 = arith.addi %add3A_136, %add3A_159 : vector<16xi32>
        %swap3A_161 = arith.constant 1 : i32
        %swap3A_162 = arith.index_cast %swap3A_161 : i32 to index
        %swap3A_163 = arith.constant 48 : index
        %swap3A_164 = tpu.vector_load %arg22[%swap3A_162, %swap3A_163] {strides = array<i32>} : memref<2x128xi32, #tpu.memory_space<vmem>>, vector<16xi32>,
        tpu.vector_store %arg22[%swap3A_162, %swap3A_163], %add3A_160 {strides = array<i32>} : memref<2x128xi32, #tpu.memory_space<vmem>>, vector<16xi32>,
        %add3A_165 = arith.constant 8 : i32
        %add3A_166 = vector.broadcast %add3A_165 : i32 to vector<16xi32>
        %add3A_167 = arith.addi %add3A_136, %add3A_166 : vector<16xi32>
        %swap3A_168 = arith.constant 1 : i32
        %swap3A_169 = arith.index_cast %swap3A_168 : i32 to index
        %swap3A_170 = arith.constant 64 : index
        %swap3A_171 = tpu.vector_load %arg22[%swap3A_169, %swap3A_170] {strides = array<i32>} : memref<2x128xi32, #tpu.memory_space<vmem>>, vector<16xi32>,
        tpu.vector_store %arg22[%swap3A_169, %swap3A_170], %add3A_167 {strides = array<i32>} : memref<2x128xi32, #tpu.memory_space<vmem>>, vector<16xi32>,
        %add3A_172 = arith.constant 10 : i32
        %add3A_173 = vector.broadcast %add3A_172 : i32 to vector<16xi32>
        %add3A_174 = arith.addi %add3A_136, %add3A_173 : vector<16xi32>
        %swap3A_175 = arith.constant 1 : i32
        %swap3A_176 = arith.index_cast %swap3A_175 : i32 to index
        %swap3A_177 = arith.constant 80 : index
        %swap3A_178 = tpu.vector_load %arg22[%swap3A_176, %swap3A_177] {strides = array<i32>} : memref<2x128xi32, #tpu.memory_space<vmem>>, vector<16xi32>,
        tpu.vector_store %arg22[%swap3A_176, %swap3A_177], %add3A_174 {strides = array<i32>} : memref<2x128xi32, #tpu.memory_space<vmem>>, vector<16xi32>,
        %add3A_179 = arith.constant 12 : i32
        %add3A_180 = vector.broadcast %add3A_179 : i32 to vector<16xi32>
        %add3A_181 = arith.addi %add3A_136, %add3A_180 : vector<16xi32>
        %swap3A_182 = arith.constant 1 : i32
        %swap3A_183 = arith.index_cast %swap3A_182 : i32 to index
        %swap3A_184 = arith.constant 96 : index
        %swap3A_185 = tpu.vector_load %arg22[%swap3A_183, %swap3A_184] {strides = array<i32>} : memref<2x128xi32, #tpu.memory_space<vmem>>, vector<16xi32>,
        tpu.vector_store %arg22[%swap3A_183, %swap3A_184], %add3A_181 {strides = array<i32>} : memref<2x128xi32, #tpu.memory_space<vmem>>, vector<16xi32>,
        %add3A_186 = arith.constant 14 : i32
        %add3A_187 = vector.broadcast %add3A_186 : i32 to vector<16xi32>
        %add3A_188 = arith.addi %add3A_136, %add3A_187 : vector<16xi32>
        %swap3A_189 = arith.constant 1 : i32
        %swap3A_190 = arith.index_cast %swap3A_189 : i32 to index
        %swap3A_191 = arith.constant 112 : index
        %swap3A_192 = tpu.vector_load %arg22[%swap3A_190, %swap3A_191] {strides = array<i32>} : memref<2x128xi32, #tpu.memory_space<vmem>>, vector<16xi32>,
        tpu.vector_store %arg22[%swap3A_190, %swap3A_191], %add3A_188 {strides = array<i32>} : memref<2x128xi32, #tpu.memory_space<vmem>>, vector<16xi32>,
        %dma_start3A_193 = arith.constant 1 : i32
        %dma_start3A_194 = arith.constant 1 : i32
        %dma_start3A_195 = arith.constant 0 : i32
        %dma_start3A_196 = arith.constant 0 : i32
        %dma_start3A_197 = tpu.memref_slice %arg23[%dma_start3A_194, %dma_start3A_195, %dma_start3A_196] : memref<2x128x128xbf16, #tpu.memory_space<vmem>> -> memref<1x128x128xbf16, #tpu.memory_space<vmem>>
        %dma_start3A_198 = tpu.memref_squeeze %dma_start3A_197 : memref<1x128x128xbf16, #tpu.memory_space<vmem>> -> memref<128x128xbf16, #tpu.memory_space<vmem>>
        %dma_start3A_199 = arith.constant 0 : i32
        %dma_start3A_200 = tpu.memref_slice %arg22[%dma_start3A_193, %dma_start3A_199] : memref<2x128xi32, #tpu.memory_space<vmem>> -> memref<1x128xi32, #tpu.memory_space<vmem>>
        %dma_start3A_201 = tpu.memref_squeeze %dma_start3A_200 : memref<1x128xi32, #tpu.memory_space<vmem>> -> memref<128xi32, #tpu.memory_space<vmem>>
        %dma_start3A_202 = arith.constant 0 : i32
        %dma_start3A_203 = arith.constant 0 : i32
        %dma_start3A_204 = tpu.memref_slice %arg2[%dma_start3A_202, %dma_start3A_203] : memref<160000x128xbf16, #tpu.memory_space<hbm>> -> memref<160000x128xbf16, #tpu.memory_space<hbm>>
        tpu.enqueue_indirect_dma source(%dma_start3A_204 : memref<160000x128xbf16, #tpu.memory_space<hbm>>) target(%dma_start3A_198 : memref<128x128xbf16, #tpu.memory_space<vmem>>) offsets(%dma_start3A_201 : memref<128xi32, #tpu.memory_space<vmem>>) semaphore(%arg27 : memref<!tpu.dma_semaphore, #tpu.memory_space<semaphore_mem>>)
        %dma_wait3A_205 = arith.constant 0 : i32
        %dma_wait3A_206 = arith.constant 0 : i32
        %dma_wait3A_207 = arith.constant 0 : i32
        %dma_wait3A_208 = arith.constant 0 : i32
        %dma_wait3A_209 = tpu.memref_slice %arg23[%dma_wait3A_206, %dma_wait3A_207, %dma_wait3A_208] : memref<2x128x128xbf16, #tpu.memory_space<vmem>> -> memref<1x128x128xbf16, #tpu.memory_space<vmem>>
        %dma_wait3A_210 = tpu.memref_squeeze %dma_wait3A_209 : memref<1x128x128xbf16, #tpu.memory_space<vmem>> -> memref<128x128xbf16, #tpu.memory_space<vmem>>
        %dma_wait3A_211 = arith.constant 0 : i32
        %dma_wait3A_212 = tpu.memref_slice %arg22[%dma_wait3A_205, %dma_wait3A_211] : memref<2x128xi32, #tpu.memory_space<vmem>> -> memref<1x128xi32, #tpu.memory_space<vmem>>
        %dma_wait3A_213 = tpu.memref_squeeze %dma_wait3A_212 : memref<1x128xi32, #tpu.memory_space<vmem>> -> memref<128xi32, #tpu.memory_space<vmem>>
        %dma_wait3A_214 = arith.constant 0 : i32
        %dma_wait3A_215 = arith.constant 0 : i32
        %dma_wait3A_216 = tpu.memref_slice %arg2[%dma_wait3A_214, %dma_wait3A_215] : memref<160000x128xbf16, #tpu.memory_space<hbm>> -> memref<160000x128xbf16, #tpu.memory_space<hbm>>
        tpu.wait_indirect_dma semaphore(%arg26 : memref<!tpu.dma_semaphore, #tpu.memory_space<semaphore_mem>>) src(%dma_wait3A_216 : memref<160000x128xbf16, #tpu.memory_space<hbm>>) dst(%dma_wait3A_210 : memref<128x128xbf16, #tpu.memory_space<vmem>>)
        %mul3A_217 = arith.constant 16 : i32
        %mul3A_218 = arith.muli %mul3A_125, %mul3A_217 : i32
        %get3A_219 = arith.index_cast %mul3A_218 : i32 to index
        %get3A_220 = tpu.vector_load %arg16[%get3A_219] {strides = array<i32>} : memref<4000xi32, #tpu.memory_space<vmem>>, vector<16xi32>,
        %get3A_221 = arith.index_cast %mul3A_218 : i32 to index
        %get3A_222 = tpu.vector_load %arg17[%get3A_221] {strides = array<i32>} : memref<4000xi32, #tpu.memory_space<vmem>>, vector<16xi32>,
        %ge3A = arith.constant 2 : i32
        %ge3A_223 = arith.cmpi sge, %mul3A_125, %ge3A : i32
        %convert_element_type3A = arith.extui %ge3A_223 : i1 to i32
        %cond3A = arith.constant 0 : i32
        %cond3A_224 = arith.cmpi ne, %convert_element_type3A, %cond3A : i32
        scf.if %cond3A_224 {
          %dma_wait3A_2178 = arith.constant 0 : i32
          %dma_wait3A_2179 = arith.constant 0 : i32
          %dma_wait3A_2180 = arith.constant 0 : i32
          %dma_wait3A_2181 = tpu.memref_slice %arg24[%dma_wait3A_2178, %dma_wait3A_2179, %dma_wait3A_2180] : memref<2x16x64xf32, #tpu.memory_space<vmem>> -> memref<1x16x64xf32, #tpu.memory_space<vmem>>
          %dma_wait3A_2182 = tpu.memref_squeeze %dma_wait3A_2181 : memref<1x16x64xf32, #tpu.memory_space<vmem>> -> memref<16x64xf32, #tpu.memory_space<vmem>>
          %dma_wait3A_2183 = arith.constant 0 : i32
          %dma_wait3A_2184 = arith.constant 0 : i32
          %dma_wait3A_2185 = tpu.memref_slice %arg25[%dma_wait3A_2183, %dma_wait3A_2184] : memref<10112x64xf32, #tpu.memory_space<vmem_shared>> -> memref<10112x64xf32, #tpu.memory_space<vmem_shared>>
          tpu.wait_indirect_dma semaphore(%arg28 : memref<!tpu.dma_semaphore, #tpu.memory_space<semaphore_mem>>) src(%dma_wait3A_2182 : memref<16x64xf32, #tpu.memory_space<vmem>>) dst(%dma_wait3A_2185 : memref<10112x64xf32, #tpu.memory_space<vmem_shared>>)
        } else {
        }
        %gather3A = tpu.vector_load_idx %arg13[%get3A_220] : memref<10000xf32, #tpu.memory_space<vmem>>[vector<16xi32>], vector<16xf32>,
        %gather3A_225 = tpu.vector_load_idx %arg13[%get3A_222] : memref<10000xf32, #tpu.memory_space<vmem>>[vector<16xi32>], vector<16xf32>,
        %sub3A = arith.subf %gather3A, %gather3A_225 : vector<16xf32>
        %gather3A_226 = tpu.vector_load_idx %arg14[%get3A_220] : memref<10000xf32, #tpu.memory_space<vmem>>[vector<16xi32>], vector<16xf32>,
        %gather3A_227 = tpu.vector_load_idx %arg14[%get3A_222] : memref<10000xf32, #tpu.memory_space<vmem>>[vector<16xi32>], vector<16xf32>,
        %sub3A_228 = arith.subf %gather3A_226, %gather3A_227 : vector<16xf32>
        %gather3A_229 = tpu.vector_load_idx %arg15[%get3A_220] : memref<10000xf32, #tpu.memory_space<vmem>>[vector<16xi32>], vector<16xf32>,
        %gather3A_230 = tpu.vector_load_idx %arg15[%get3A_222] : memref<10000xf32, #tpu.memory_space<vmem>>[vector<16xi32>], vector<16xf32>,
        %sub3A_231 = arith.subf %gather3A_229, %gather3A_230 : vector<16xf32>
        %get3A_232 = arith.constant 0 : index
        %get3A_233 = tpu.vector_load %arg18[%get3A_232] {strides = array<i32>} : memref<240xf32, #tpu.memory_space<vmem>>, vector<16xf32>,
        %sub3A_234 = arith.subf %sub3A, %get3A_233 : vector<16xf32>
        %get3A_235 = arith.constant 0 : index
        %get3A_236 = tpu.vector_load %arg19[%get3A_235] {strides = array<i32>} : memref<240xf32, #tpu.memory_space<vmem>>, vector<16xf32>,
        %sub3A_237 = arith.subf %sub3A_228, %get3A_236 : vector<16xf32>
        %get3A_238 = arith.constant 0 : index
        %get3A_239 = tpu.vector_load %arg20[%get3A_238] {strides = array<i32>} : memref<240xf32, #tpu.memory_space<vmem>>, vector<16xf32>,
        %sub3A_240 = arith.subf %sub3A_231, %get3A_239 : vector<16xf32>
        %mul3A_241 = arith.mulf %sub3A_234, %sub3A_234 : vector<16xf32>
        %mul3A_242 = arith.mulf %sub3A_237, %sub3A_237 : vector<16xf32>
        %add3A_243 = arith.addf %mul3A_241, %mul3A_242 : vector<16xf32>
        %mul3A_244 = arith.mulf %sub3A_240, %sub3A_240 : vector<16xf32>
        %add3A_245 = arith.addf %add3A_243, %mul3A_244 : vector<16xf32>
        %max3A = arith.constant 9.99999996E-13 : f32
        %max3A_246 = vector.broadcast %max3A : f32 to vector<16xf32>
        %max3A_247 = arith.maximumf %add3A_245, %max3A_246 : vector<16xf32>
        %bitcast3A = vector.bitcast %max3A_247 : vector<16xf32> to vector<16xi32>
        %shift_right_arithmetic3A = arith.constant 1 : i32
        %shift_right_arithmetic3A_248 = vector.broadcast %shift_right_arithmetic3A : i32 to vector<16xi32>
        %shift_right_arithmetic3A_249 = arith.shrsi %bitcast3A, %shift_right_arithmetic3A_248 : vector<16xi32>
        %sub3A_250 = arith.constant 1597463007 : i32
        %sub3A_251 = vector.broadcast %sub3A_250 : i32 to vector<16xi32>
        %sub3A_252 = arith.subi %sub3A_251, %shift_right_arithmetic3A_249 : vector<16xi32>
        %bitcast3A_253 = vector.bitcast %sub3A_252 : vector<16xi32> to vector<16xf32>
        %mul3A_254 = arith.constant 5.000000e-01 : f32
        %mul3A_255 = vector.broadcast %mul3A_254 : f32 to vector<16xf32>
        %mul3A_256 = arith.mulf %mul3A_255, %max3A_247 : vector<16xf32>
        %mul3A_257 = arith.mulf %mul3A_256, %bitcast3A_253 : vector<16xf32>
        %mul3A_258 = arith.mulf %mul3A_257, %bitcast3A_253 : vector<16xf32>
        %sub3A_259 = arith.constant 1.500000e+00 : f32
        %sub3A_260 = vector.broadcast %sub3A_259 : f32 to vector<16xf32>
        %sub3A_261 = arith.subf %sub3A_260, %mul3A_258 : vector<16xf32>
        %mul3A_262 = arith.mulf %bitcast3A_253, %sub3A_261 : vector<16xf32>
        %mul3A_263 = arith.constant 5.000000e-01 : f32
        %mul3A_264 = vector.broadcast %mul3A_263 : f32 to vector<16xf32>
        %mul3A_265 = arith.mulf %mul3A_264, %max3A_247 : vector<16xf32>
        %mul3A_266 = arith.mulf %mul3A_265, %mul3A_262 : vector<16xf32>
        %mul3A_267 = arith.mulf %mul3A_266, %mul3A_262 : vector<16xf32>
        %sub3A_268 = arith.constant 1.500000e+00 : f32
        %sub3A_269 = vector.broadcast %sub3A_268 : f32 to vector<16xf32>
        %sub3A_270 = arith.subf %sub3A_269, %mul3A_267 : vector<16xf32>
        %mul3A_271 = arith.mulf %mul3A_262, %sub3A_270 : vector<16xf32>
        %mul3A_272 = arith.constant 5.000000e-01 : f32
        %mul3A_273 = vector.broadcast %mul3A_272 : f32 to vector<16xf32>
        %mul3A_274 = arith.mulf %mul3A_273, %max3A_247 : vector<16xf32>
        %mul3A_275 = arith.mulf %mul3A_274, %mul3A_271 : vector<16xf32>
        %mul3A_276 = arith.mulf %mul3A_275, %mul3A_271 : vector<16xf32>
        %sub3A_277 = arith.constant 1.500000e+00 : f32
        %sub3A_278 = vector.broadcast %sub3A_277 : f32 to vector<16xf32>
        %sub3A_279 = arith.subf %sub3A_278, %mul3A_276 : vector<16xf32>
        %mul3A_280 = arith.mulf %mul3A_271, %sub3A_279 : vector<16xf32>
        %mul3A_281 = arith.mulf %max3A_247, %mul3A_280 : vector<16xf32>
        %mul3A_282 = vector.broadcast %scan3A_7 : f32 to vector<16xf32>
        %mul3A_283 = arith.mulf %mul3A_281, %mul3A_282 : vector<16xf32>
        %sub3A_284 = arith.constant 1.000000e+00 : f32
        %sub3A_285 = vector.broadcast %sub3A_284 : f32 to vector<16xf32>
        %sub3A_286 = arith.subf %sub3A_285, %mul3A_283 : vector<16xf32>
        %max3A_287 = arith.constant 0.000000e+00 : f32
        %max3A_288 = vector.broadcast %max3A_287 : f32 to vector<16xf32>
        %max3A_289 = arith.maximumf %max3A_288, %sub3A_286 : vector<16xf32>
        %swap3A_290 = arith.constant 0 : index
        %swap3A_291 = tpu.vector_load %arg21[%swap3A_290] {strides = array<i32>} : memref<256xf32, #tpu.memory_space<vmem>>, vector<16xf32>,
        tpu.vector_store %arg21[%swap3A_290], %max3A_289 {strides = array<i32>} : memref<256xf32, #tpu.memory_space<vmem>>, vector<16xf32>,
        %get3A_292 = arith.constant 16 : index
        %get3A_293 = tpu.vector_load %arg18[%get3A_292] {strides = array<i32>} : memref<240xf32, #tpu.memory_space<vmem>>, vector<16xf32>,
        %sub3A_294 = arith.subf %sub3A, %get3A_293 : vector<16xf32>
        %get3A_295 = arith.constant 16 : index
        %get3A_296 = tpu.vector_load %arg19[%get3A_295] {strides = array<i32>} : memref<240xf32, #tpu.memory_space<vmem>>, vector<16xf32>,
        %sub3A_297 = arith.subf %sub3A_228, %get3A_296 : vector<16xf32>
        %get3A_298 = arith.constant 16 : index
        %get3A_299 = tpu.vector_load %arg20[%get3A_298] {strides = array<i32>} : memref<240xf32, #tpu.memory_space<vmem>>, vector<16xf32>,
        %sub3A_300 = arith.subf %sub3A_231, %get3A_299 : vector<16xf32>
        %mul3A_301 = arith.mulf %sub3A_294, %sub3A_294 : vector<16xf32>
        %mul3A_302 = arith.mulf %sub3A_297, %sub3A_297 : vector<16xf32>
        %add3A_303 = arith.addf %mul3A_301, %mul3A_302 : vector<16xf32>
        %mul3A_304 = arith.mulf %sub3A_300, %sub3A_300 : vector<16xf32>
        %add3A_305 = arith.addf %add3A_303, %mul3A_304 : vector<16xf32>
        %max3A_306 = arith.constant 9.99999996E-13 : f32
        %max3A_307 = vector.broadcast %max3A_306 : f32 to vector<16xf32>
        %max3A_308 = arith.maximumf %add3A_305, %max3A_307 : vector<16xf32>
        %bitcast3A_309 = vector.bitcast %max3A_308 : vector<16xf32> to vector<16xi32>
        %shift_right_arithmetic3A_310 = arith.constant 1 : i32
        %shift_right_arithmetic3A_311 = vector.broadcast %shift_right_arithmetic3A_310 : i32 to vector<16xi32>
        %shift_right_arithmetic3A_312 = arith.shrsi %bitcast3A_309, %shift_right_arithmetic3A_311 : vector<16xi32>
        %sub3A_313 = arith.constant 1597463007 : i32
        %sub3A_314 = vector.broadcast %sub3A_313 : i32 to vector<16xi32>
        %sub3A_315 = arith.subi %sub3A_314, %shift_right_arithmetic3A_312 : vector<16xi32>
        %bitcast3A_316 = vector.bitcast %sub3A_315 : vector<16xi32> to vector<16xf32>
        %mul3A_317 = arith.constant 5.000000e-01 : f32
        %mul3A_318 = vector.broadcast %mul3A_317 : f32 to vector<16xf32>
        %mul3A_319 = arith.mulf %mul3A_318, %max3A_308 : vector<16xf32>
        %mul3A_320 = arith.mulf %mul3A_319, %bitcast3A_316 : vector<16xf32>
        %mul3A_321 = arith.mulf %mul3A_320, %bitcast3A_316 : vector<16xf32>
        %sub3A_322 = arith.constant 1.500000e+00 : f32
        %sub3A_323 = vector.broadcast %sub3A_322 : f32 to vector<16xf32>
        %sub3A_324 = arith.subf %sub3A_323, %mul3A_321 : vector<16xf32>
        %mul3A_325 = arith.mulf %bitcast3A_316, %sub3A_324 : vector<16xf32>
        %mul3A_326 = arith.constant 5.000000e-01 : f32
        %mul3A_327 = vector.broadcast %mul3A_326 : f32 to vector<16xf32>
        %mul3A_328 = arith.mulf %mul3A_327, %max3A_308 : vector<16xf32>
        %mul3A_329 = arith.mulf %mul3A_328, %mul3A_325 : vector<16xf32>
        %mul3A_330 = arith.mulf %mul3A_329, %mul3A_325 : vector<16xf32>
        %sub3A_331 = arith.constant 1.500000e+00 : f32
        %sub3A_332 = vector.broadcast %sub3A_331 : f32 to vector<16xf32>
        %sub3A_333 = arith.subf %sub3A_332, %mul3A_330 : vector<16xf32>
        %mul3A_334 = arith.mulf %mul3A_325, %sub3A_333 : vector<16xf32>
        %mul3A_335 = arith.constant 5.000000e-01 : f32
        %mul3A_336 = vector.broadcast %mul3A_335 : f32 to vector<16xf32>
        %mul3A_337 = arith.mulf %mul3A_336, %max3A_308 : vector<16xf32>
        %mul3A_338 = arith.mulf %mul3A_337, %mul3A_334 : vector<16xf32>
        %mul3A_339 = arith.mulf %mul3A_338, %mul3A_334 : vector<16xf32>
        %sub3A_340 = arith.constant 1.500000e+00 : f32
        %sub3A_341 = vector.broadcast %sub3A_340 : f32 to vector<16xf32>
        %sub3A_342 = arith.subf %sub3A_341, %mul3A_339 : vector<16xf32>
        %mul3A_343 = arith.mulf %mul3A_334, %sub3A_342 : vector<16xf32>
        %mul3A_344 = arith.mulf %max3A_308, %mul3A_343 : vector<16xf32>
        %mul3A_345 = vector.broadcast %scan3A_7 : f32 to vector<16xf32>
        %mul3A_346 = arith.mulf %mul3A_344, %mul3A_345 : vector<16xf32>
        %sub3A_347 = arith.constant 1.000000e+00 : f32
        %sub3A_348 = vector.broadcast %sub3A_347 : f32 to vector<16xf32>
        %sub3A_349 = arith.subf %sub3A_348, %mul3A_346 : vector<16xf32>
        %max3A_350 = arith.constant 0.000000e+00 : f32
        %max3A_351 = vector.broadcast %max3A_350 : f32 to vector<16xf32>
        %max3A_352 = arith.maximumf %max3A_351, %sub3A_349 : vector<16xf32>
        %swap3A_353 = arith.constant 16 : index
        %swap3A_354 = tpu.vector_load %arg21[%swap3A_353] {strides = array<i32>} : memref<256xf32, #tpu.memory_space<vmem>>, vector<16xf32>,
        tpu.vector_store %arg21[%swap3A_353], %max3A_352 {strides = array<i32>} : memref<256xf32, #tpu.memory_space<vmem>>, vector<16xf32>,
        %get3A_355 = arith.constant 32 : index
        %get3A_356 = tpu.vector_load %arg18[%get3A_355] {strides = array<i32>} : memref<240xf32, #tpu.memory_space<vmem>>, vector<16xf32>,
        %sub3A_357 = arith.subf %sub3A, %get3A_356 : vector<16xf32>
        %get3A_358 = arith.constant 32 : index
        %get3A_359 = tpu.vector_load %arg19[%get3A_358] {strides = array<i32>} : memref<240xf32, #tpu.memory_space<vmem>>, vector<16xf32>,
        %sub3A_360 = arith.subf %sub3A_228, %get3A_359 : vector<16xf32>
        %get3A_361 = arith.constant 32 : index
        %get3A_362 = tpu.vector_load %arg20[%get3A_361] {strides = array<i32>} : memref<240xf32, #tpu.memory_space<vmem>>, vector<16xf32>,
        %sub3A_363 = arith.subf %sub3A_231, %get3A_362 : vector<16xf32>
        %mul3A_364 = arith.mulf %sub3A_357, %sub3A_357 : vector<16xf32>
        %mul3A_365 = arith.mulf %sub3A_360, %sub3A_360 : vector<16xf32>
        %add3A_366 = arith.addf %mul3A_364, %mul3A_365 : vector<16xf32>
        %mul3A_367 = arith.mulf %sub3A_363, %sub3A_363 : vector<16xf32>
        %add3A_368 = arith.addf %add3A_366, %mul3A_367 : vector<16xf32>
        %max3A_369 = arith.constant 9.99999996E-13 : f32
        %max3A_370 = vector.broadcast %max3A_369 : f32 to vector<16xf32>
        %max3A_371 = arith.maximumf %add3A_368, %max3A_370 : vector<16xf32>
        %bitcast3A_372 = vector.bitcast %max3A_371 : vector<16xf32> to vector<16xi32>
        %shift_right_arithmetic3A_373 = arith.constant 1 : i32
        %shift_right_arithmetic3A_374 = vector.broadcast %shift_right_arithmetic3A_373 : i32 to vector<16xi32>
        %shift_right_arithmetic3A_375 = arith.shrsi %bitcast3A_372, %shift_right_arithmetic3A_374 : vector<16xi32>
        %sub3A_376 = arith.constant 1597463007 : i32
        %sub3A_377 = vector.broadcast %sub3A_376 : i32 to vector<16xi32>
        %sub3A_378 = arith.subi %sub3A_377, %shift_right_arithmetic3A_375 : vector<16xi32>
        %bitcast3A_379 = vector.bitcast %sub3A_378 : vector<16xi32> to vector<16xf32>
        %mul3A_380 = arith.constant 5.000000e-01 : f32
        %mul3A_381 = vector.broadcast %mul3A_380 : f32 to vector<16xf32>
        %mul3A_382 = arith.mulf %mul3A_381, %max3A_371 : vector<16xf32>
        %mul3A_383 = arith.mulf %mul3A_382, %bitcast3A_379 : vector<16xf32>
        %mul3A_384 = arith.mulf %mul3A_383, %bitcast3A_379 : vector<16xf32>
        %sub3A_385 = arith.constant 1.500000e+00 : f32
        %sub3A_386 = vector.broadcast %sub3A_385 : f32 to vector<16xf32>
        %sub3A_387 = arith.subf %sub3A_386, %mul3A_384 : vector<16xf32>
        %mul3A_388 = arith.mulf %bitcast3A_379, %sub3A_387 : vector<16xf32>
        %mul3A_389 = arith.constant 5.000000e-01 : f32
        %mul3A_390 = vector.broadcast %mul3A_389 : f32 to vector<16xf32>
        %mul3A_391 = arith.mulf %mul3A_390, %max3A_371 : vector<16xf32>
        %mul3A_392 = arith.mulf %mul3A_391, %mul3A_388 : vector<16xf32>
        %mul3A_393 = arith.mulf %mul3A_392, %mul3A_388 : vector<16xf32>
        %sub3A_394 = arith.constant 1.500000e+00 : f32
        %sub3A_395 = vector.broadcast %sub3A_394 : f32 to vector<16xf32>
        %sub3A_396 = arith.subf %sub3A_395, %mul3A_393 : vector<16xf32>
        %mul3A_397 = arith.mulf %mul3A_388, %sub3A_396 : vector<16xf32>
        %mul3A_398 = arith.constant 5.000000e-01 : f32
        %mul3A_399 = vector.broadcast %mul3A_398 : f32 to vector<16xf32>
        %mul3A_400 = arith.mulf %mul3A_399, %max3A_371 : vector<16xf32>
        %mul3A_401 = arith.mulf %mul3A_400, %mul3A_397 : vector<16xf32>
        %mul3A_402 = arith.mulf %mul3A_401, %mul3A_397 : vector<16xf32>
        %sub3A_403 = arith.constant 1.500000e+00 : f32
        %sub3A_404 = vector.broadcast %sub3A_403 : f32 to vector<16xf32>
        %sub3A_405 = arith.subf %sub3A_404, %mul3A_402 : vector<16xf32>
        %mul3A_406 = arith.mulf %mul3A_397, %sub3A_405 : vector<16xf32>
        %mul3A_407 = arith.mulf %max3A_371, %mul3A_406 : vector<16xf32>
        %mul3A_408 = vector.broadcast %scan3A_7 : f32 to vector<16xf32>
        %mul3A_409 = arith.mulf %mul3A_407, %mul3A_408 : vector<16xf32>
        %sub3A_410 = arith.constant 1.000000e+00 : f32
        %sub3A_411 = vector.broadcast %sub3A_410 : f32 to vector<16xf32>
        %sub3A_412 = arith.subf %sub3A_411, %mul3A_409 : vector<16xf32>
        %max3A_413 = arith.constant 0.000000e+00 : f32
        %max3A_414 = vector.broadcast %max3A_413 : f32 to vector<16xf32>
        %max3A_415 = arith.maximumf %max3A_414, %sub3A_412 : vector<16xf32>
        %swap3A_416 = arith.constant 32 : index
        %swap3A_417 = tpu.vector_load %arg21[%swap3A_416] {strides = array<i32>} : memref<256xf32, #tpu.memory_space<vmem>>, vector<16xf32>,
        tpu.vector_store %arg21[%swap3A_416], %max3A_415 {strides = array<i32>} : memref<256xf32, #tpu.memory_space<vmem>>, vector<16xf32>,
        %get3A_418 = arith.constant 48 : index
        %get3A_419 = tpu.vector_load %arg18[%get3A_418] {strides = array<i32>} : memref<240xf32, #tpu.memory_space<vmem>>, vector<16xf32>,
        %sub3A_420 = arith.subf %sub3A, %get3A_419 : vector<16xf32>
        %get3A_421 = arith.constant 48 : index
        %get3A_422 = tpu.vector_load %arg19[%get3A_421] {strides = array<i32>} : memref<240xf32, #tpu.memory_space<vmem>>, vector<16xf32>,
        %sub3A_423 = arith.subf %sub3A_228, %get3A_422 : vector<16xf32>
        %get3A_424 = arith.constant 48 : index
        %get3A_425 = tpu.vector_load %arg20[%get3A_424] {strides = array<i32>} : memref<240xf32, #tpu.memory_space<vmem>>, vector<16xf32>,
        %sub3A_426 = arith.subf %sub3A_231, %get3A_425 : vector<16xf32>
        %mul3A_427 = arith.mulf %sub3A_420, %sub3A_420 : vector<16xf32>
        %mul3A_428 = arith.mulf %sub3A_423, %sub3A_423 : vector<16xf32>
        %add3A_429 = arith.addf %mul3A_427, %mul3A_428 : vector<16xf32>
        %mul3A_430 = arith.mulf %sub3A_426, %sub3A_426 : vector<16xf32>
        %add3A_431 = arith.addf %add3A_429, %mul3A_430 : vector<16xf32>
        %max3A_432 = arith.constant 9.99999996E-13 : f32
        %max3A_433 = vector.broadcast %max3A_432 : f32 to vector<16xf32>
        %max3A_434 = arith.maximumf %add3A_431, %max3A_433 : vector<16xf32>
        %bitcast3A_435 = vector.bitcast %max3A_434 : vector<16xf32> to vector<16xi32>
        %shift_right_arithmetic3A_436 = arith.constant 1 : i32
        %shift_right_arithmetic3A_437 = vector.broadcast %shift_right_arithmetic3A_436 : i32 to vector<16xi32>
        %shift_right_arithmetic3A_438 = arith.shrsi %bitcast3A_435, %shift_right_arithmetic3A_437 : vector<16xi32>
        %sub3A_439 = arith.constant 1597463007 : i32
        %sub3A_440 = vector.broadcast %sub3A_439 : i32 to vector<16xi32>
        %sub3A_441 = arith.subi %sub3A_440, %shift_right_arithmetic3A_438 : vector<16xi32>
        %bitcast3A_442 = vector.bitcast %sub3A_441 : vector<16xi32> to vector<16xf32>
        %mul3A_443 = arith.constant 5.000000e-01 : f32
        %mul3A_444 = vector.broadcast %mul3A_443 : f32 to vector<16xf32>
        %mul3A_445 = arith.mulf %mul3A_444, %max3A_434 : vector<16xf32>
        %mul3A_446 = arith.mulf %mul3A_445, %bitcast3A_442 : vector<16xf32>
        %mul3A_447 = arith.mulf %mul3A_446, %bitcast3A_442 : vector<16xf32>
        %sub3A_448 = arith.constant 1.500000e+00 : f32
        %sub3A_449 = vector.broadcast %sub3A_448 : f32 to vector<16xf32>
        %sub3A_450 = arith.subf %sub3A_449, %mul3A_447 : vector<16xf32>
        %mul3A_451 = arith.mulf %bitcast3A_442, %sub3A_450 : vector<16xf32>
        %mul3A_452 = arith.constant 5.000000e-01 : f32
        %mul3A_453 = vector.broadcast %mul3A_452 : f32 to vector<16xf32>
        %mul3A_454 = arith.mulf %mul3A_453, %max3A_434 : vector<16xf32>
        %mul3A_455 = arith.mulf %mul3A_454, %mul3A_451 : vector<16xf32>
        %mul3A_456 = arith.mulf %mul3A_455, %mul3A_451 : vector<16xf32>
        %sub3A_457 = arith.constant 1.500000e+00 : f32
        %sub3A_458 = vector.broadcast %sub3A_457 : f32 to vector<16xf32>
        %sub3A_459 = arith.subf %sub3A_458, %mul3A_456 : vector<16xf32>
        %mul3A_460 = arith.mulf %mul3A_451, %sub3A_459 : vector<16xf32>
        %mul3A_461 = arith.constant 5.000000e-01 : f32
        %mul3A_462 = vector.broadcast %mul3A_461 : f32 to vector<16xf32>
        %mul3A_463 = arith.mulf %mul3A_462, %max3A_434 : vector<16xf32>
        %mul3A_464 = arith.mulf %mul3A_463, %mul3A_460 : vector<16xf32>
        %mul3A_465 = arith.mulf %mul3A_464, %mul3A_460 : vector<16xf32>
        %sub3A_466 = arith.constant 1.500000e+00 : f32
        %sub3A_467 = vector.broadcast %sub3A_466 : f32 to vector<16xf32>
        %sub3A_468 = arith.subf %sub3A_467, %mul3A_465 : vector<16xf32>
        %mul3A_469 = arith.mulf %mul3A_460, %sub3A_468 : vector<16xf32>
        %mul3A_470 = arith.mulf %max3A_434, %mul3A_469 : vector<16xf32>
        %mul3A_471 = vector.broadcast %scan3A_7 : f32 to vector<16xf32>
        %mul3A_472 = arith.mulf %mul3A_470, %mul3A_471 : vector<16xf32>
        %sub3A_473 = arith.constant 1.000000e+00 : f32
        %sub3A_474 = vector.broadcast %sub3A_473 : f32 to vector<16xf32>
        %sub3A_475 = arith.subf %sub3A_474, %mul3A_472 : vector<16xf32>
        %max3A_476 = arith.constant 0.000000e+00 : f32
        %max3A_477 = vector.broadcast %max3A_476 : f32 to vector<16xf32>
        %max3A_478 = arith.maximumf %max3A_477, %sub3A_475 : vector<16xf32>
        %swap3A_479 = arith.constant 48 : index
        %swap3A_480 = tpu.vector_load %arg21[%swap3A_479] {strides = array<i32>} : memref<256xf32, #tpu.memory_space<vmem>>, vector<16xf32>,
        tpu.vector_store %arg21[%swap3A_479], %max3A_478 {strides = array<i32>} : memref<256xf32, #tpu.memory_space<vmem>>, vector<16xf32>,
        %get3A_481 = arith.constant 64 : index
        %get3A_482 = tpu.vector_load %arg18[%get3A_481] {strides = array<i32>} : memref<240xf32, #tpu.memory_space<vmem>>, vector<16xf32>,
        %sub3A_483 = arith.subf %sub3A, %get3A_482 : vector<16xf32>
        %get3A_484 = arith.constant 64 : index
        %get3A_485 = tpu.vector_load %arg19[%get3A_484] {strides = array<i32>} : memref<240xf32, #tpu.memory_space<vmem>>, vector<16xf32>,
        %sub3A_486 = arith.subf %sub3A_228, %get3A_485 : vector<16xf32>
        %get3A_487 = arith.constant 64 : index
        %get3A_488 = tpu.vector_load %arg20[%get3A_487] {strides = array<i32>} : memref<240xf32, #tpu.memory_space<vmem>>, vector<16xf32>,
        %sub3A_489 = arith.subf %sub3A_231, %get3A_488 : vector<16xf32>
        %mul3A_490 = arith.mulf %sub3A_483, %sub3A_483 : vector<16xf32>
        %mul3A_491 = arith.mulf %sub3A_486, %sub3A_486 : vector<16xf32>
        %add3A_492 = arith.addf %mul3A_490, %mul3A_491 : vector<16xf32>
        %mul3A_493 = arith.mulf %sub3A_489, %sub3A_489 : vector<16xf32>
        %add3A_494 = arith.addf %add3A_492, %mul3A_493 : vector<16xf32>
        %max3A_495 = arith.constant 9.99999996E-13 : f32
        %max3A_496 = vector.broadcast %max3A_495 : f32 to vector<16xf32>
        %max3A_497 = arith.maximumf %add3A_494, %max3A_496 : vector<16xf32>
        %bitcast3A_498 = vector.bitcast %max3A_497 : vector<16xf32> to vector<16xi32>
        %shift_right_arithmetic3A_499 = arith.constant 1 : i32
        %shift_right_arithmetic3A_500 = vector.broadcast %shift_right_arithmetic3A_499 : i32 to vector<16xi32>
        %shift_right_arithmetic3A_501 = arith.shrsi %bitcast3A_498, %shift_right_arithmetic3A_500 : vector<16xi32>
        %sub3A_502 = arith.constant 1597463007 : i32
        %sub3A_503 = vector.broadcast %sub3A_502 : i32 to vector<16xi32>
        %sub3A_504 = arith.subi %sub3A_503, %shift_right_arithmetic3A_501 : vector<16xi32>
        %bitcast3A_505 = vector.bitcast %sub3A_504 : vector<16xi32> to vector<16xf32>
        %mul3A_506 = arith.constant 5.000000e-01 : f32
        %mul3A_507 = vector.broadcast %mul3A_506 : f32 to vector<16xf32>
        %mul3A_508 = arith.mulf %mul3A_507, %max3A_497 : vector<16xf32>
        %mul3A_509 = arith.mulf %mul3A_508, %bitcast3A_505 : vector<16xf32>
        %mul3A_510 = arith.mulf %mul3A_509, %bitcast3A_505 : vector<16xf32>
        %sub3A_511 = arith.constant 1.500000e+00 : f32
        %sub3A_512 = vector.broadcast %sub3A_511 : f32 to vector<16xf32>
        %sub3A_513 = arith.subf %sub3A_512, %mul3A_510 : vector<16xf32>
        %mul3A_514 = arith.mulf %bitcast3A_505, %sub3A_513 : vector<16xf32>
        %mul3A_515 = arith.constant 5.000000e-01 : f32
        %mul3A_516 = vector.broadcast %mul3A_515 : f32 to vector<16xf32>
        %mul3A_517 = arith.mulf %mul3A_516, %max3A_497 : vector<16xf32>
        %mul3A_518 = arith.mulf %mul3A_517, %mul3A_514 : vector<16xf32>
        %mul3A_519 = arith.mulf %mul3A_518, %mul3A_514 : vector<16xf32>
        %sub3A_520 = arith.constant 1.500000e+00 : f32
        %sub3A_521 = vector.broadcast %sub3A_520 : f32 to vector<16xf32>
        %sub3A_522 = arith.subf %sub3A_521, %mul3A_519 : vector<16xf32>
        %mul3A_523 = arith.mulf %mul3A_514, %sub3A_522 : vector<16xf32>
        %mul3A_524 = arith.constant 5.000000e-01 : f32
        %mul3A_525 = vector.broadcast %mul3A_524 : f32 to vector<16xf32>
        %mul3A_526 = arith.mulf %mul3A_525, %max3A_497 : vector<16xf32>
        %mul3A_527 = arith.mulf %mul3A_526, %mul3A_523 : vector<16xf32>
        %mul3A_528 = arith.mulf %mul3A_527, %mul3A_523 : vector<16xf32>
        %sub3A_529 = arith.constant 1.500000e+00 : f32
        %sub3A_530 = vector.broadcast %sub3A_529 : f32 to vector<16xf32>
        %sub3A_531 = arith.subf %sub3A_530, %mul3A_528 : vector<16xf32>
        %mul3A_532 = arith.mulf %mul3A_523, %sub3A_531 : vector<16xf32>
        %mul3A_533 = arith.mulf %max3A_497, %mul3A_532 : vector<16xf32>
        %mul3A_534 = vector.broadcast %scan3A_7 : f32 to vector<16xf32>
        %mul3A_535 = arith.mulf %mul3A_533, %mul3A_534 : vector<16xf32>
        %sub3A_536 = arith.constant 1.000000e+00 : f32
        %sub3A_537 = vector.broadcast %sub3A_536 : f32 to vector<16xf32>
        %sub3A_538 = arith.subf %sub3A_537, %mul3A_535 : vector<16xf32>
        %max3A_539 = arith.constant 0.000000e+00 : f32
        %max3A_540 = vector.broadcast %max3A_539 : f32 to vector<16xf32>
        %max3A_541 = arith.maximumf %max3A_540, %sub3A_538 : vector<16xf32>
        %swap3A_542 = arith.constant 64 : index
        %swap3A_543 = tpu.vector_load %arg21[%swap3A_542] {strides = array<i32>} : memref<256xf32, #tpu.memory_space<vmem>>, vector<16xf32>,
        tpu.vector_store %arg21[%swap3A_542], %max3A_541 {strides = array<i32>} : memref<256xf32, #tpu.memory_space<vmem>>, vector<16xf32>,
        %get3A_544 = arith.constant 80 : index
        %get3A_545 = tpu.vector_load %arg18[%get3A_544] {strides = array<i32>} : memref<240xf32, #tpu.memory_space<vmem>>, vector<16xf32>,
        %sub3A_546 = arith.subf %sub3A, %get3A_545 : vector<16xf32>
        %get3A_547 = arith.constant 80 : index
        %get3A_548 = tpu.vector_load %arg19[%get3A_547] {strides = array<i32>} : memref<240xf32, #tpu.memory_space<vmem>>, vector<16xf32>,
        %sub3A_549 = arith.subf %sub3A_228, %get3A_548 : vector<16xf32>
        %get3A_550 = arith.constant 80 : index
        %get3A_551 = tpu.vector_load %arg20[%get3A_550] {strides = array<i32>} : memref<240xf32, #tpu.memory_space<vmem>>, vector<16xf32>,
        %sub3A_552 = arith.subf %sub3A_231, %get3A_551 : vector<16xf32>
        %mul3A_553 = arith.mulf %sub3A_546, %sub3A_546 : vector<16xf32>
        %mul3A_554 = arith.mulf %sub3A_549, %sub3A_549 : vector<16xf32>
        %add3A_555 = arith.addf %mul3A_553, %mul3A_554 : vector<16xf32>
        %mul3A_556 = arith.mulf %sub3A_552, %sub3A_552 : vector<16xf32>
        %add3A_557 = arith.addf %add3A_555, %mul3A_556 : vector<16xf32>
        %max3A_558 = arith.constant 9.99999996E-13 : f32
        %max3A_559 = vector.broadcast %max3A_558 : f32 to vector<16xf32>
        %max3A_560 = arith.maximumf %add3A_557, %max3A_559 : vector<16xf32>
        %bitcast3A_561 = vector.bitcast %max3A_560 : vector<16xf32> to vector<16xi32>
        %shift_right_arithmetic3A_562 = arith.constant 1 : i32
        %shift_right_arithmetic3A_563 = vector.broadcast %shift_right_arithmetic3A_562 : i32 to vector<16xi32>
        %shift_right_arithmetic3A_564 = arith.shrsi %bitcast3A_561, %shift_right_arithmetic3A_563 : vector<16xi32>
        %sub3A_565 = arith.constant 1597463007 : i32
        %sub3A_566 = vector.broadcast %sub3A_565 : i32 to vector<16xi32>
        %sub3A_567 = arith.subi %sub3A_566, %shift_right_arithmetic3A_564 : vector<16xi32>
        %bitcast3A_568 = vector.bitcast %sub3A_567 : vector<16xi32> to vector<16xf32>
        %mul3A_569 = arith.constant 5.000000e-01 : f32
        %mul3A_570 = vector.broadcast %mul3A_569 : f32 to vector<16xf32>
        %mul3A_571 = arith.mulf %mul3A_570, %max3A_560 : vector<16xf32>
        %mul3A_572 = arith.mulf %mul3A_571, %bitcast3A_568 : vector<16xf32>
        %mul3A_573 = arith.mulf %mul3A_572, %bitcast3A_568 : vector<16xf32>
        %sub3A_574 = arith.constant 1.500000e+00 : f32
        %sub3A_575 = vector.broadcast %sub3A_574 : f32 to vector<16xf32>
        %sub3A_576 = arith.subf %sub3A_575, %mul3A_573 : vector<16xf32>
        %mul3A_577 = arith.mulf %bitcast3A_568, %sub3A_576 : vector<16xf32>
        %mul3A_578 = arith.constant 5.000000e-01 : f32
        %mul3A_579 = vector.broadcast %mul3A_578 : f32 to vector<16xf32>
        %mul3A_580 = arith.mulf %mul3A_579, %max3A_560 : vector<16xf32>
        %mul3A_581 = arith.mulf %mul3A_580, %mul3A_577 : vector<16xf32>
        %mul3A_582 = arith.mulf %mul3A_581, %mul3A_577 : vector<16xf32>
        %sub3A_583 = arith.constant 1.500000e+00 : f32
        %sub3A_584 = vector.broadcast %sub3A_583 : f32 to vector<16xf32>
        %sub3A_585 = arith.subf %sub3A_584, %mul3A_582 : vector<16xf32>
        %mul3A_586 = arith.mulf %mul3A_577, %sub3A_585 : vector<16xf32>
        %mul3A_587 = arith.constant 5.000000e-01 : f32
        %mul3A_588 = vector.broadcast %mul3A_587 : f32 to vector<16xf32>
        %mul3A_589 = arith.mulf %mul3A_588, %max3A_560 : vector<16xf32>
        %mul3A_590 = arith.mulf %mul3A_589, %mul3A_586 : vector<16xf32>
        %mul3A_591 = arith.mulf %mul3A_590, %mul3A_586 : vector<16xf32>
        %sub3A_592 = arith.constant 1.500000e+00 : f32
        %sub3A_593 = vector.broadcast %sub3A_592 : f32 to vector<16xf32>
        %sub3A_594 = arith.subf %sub3A_593, %mul3A_591 : vector<16xf32>
        %mul3A_595 = arith.mulf %mul3A_586, %sub3A_594 : vector<16xf32>
        %mul3A_596 = arith.mulf %max3A_560, %mul3A_595 : vector<16xf32>
        %mul3A_597 = vector.broadcast %scan3A_7 : f32 to vector<16xf32>
        %mul3A_598 = arith.mulf %mul3A_596, %mul3A_597 : vector<16xf32>
        %sub3A_599 = arith.constant 1.000000e+00 : f32
        %sub3A_600 = vector.broadcast %sub3A_599 : f32 to vector<16xf32>
        %sub3A_601 = arith.subf %sub3A_600, %mul3A_598 : vector<16xf32>
        %max3A_602 = arith.constant 0.000000e+00 : f32
        %max3A_603 = vector.broadcast %max3A_602 : f32 to vector<16xf32>
        %max3A_604 = arith.maximumf %max3A_603, %sub3A_601 : vector<16xf32>
        %swap3A_605 = arith.constant 80 : index
        %swap3A_606 = tpu.vector_load %arg21[%swap3A_605] {strides = array<i32>} : memref<256xf32, #tpu.memory_space<vmem>>, vector<16xf32>,
        tpu.vector_store %arg21[%swap3A_605], %max3A_604 {strides = array<i32>} : memref<256xf32, #tpu.memory_space<vmem>>, vector<16xf32>,
        %get3A_607 = arith.constant 96 : index
        %get3A_608 = tpu.vector_load %arg18[%get3A_607] {strides = array<i32>} : memref<240xf32, #tpu.memory_space<vmem>>, vector<16xf32>,
        %sub3A_609 = arith.subf %sub3A, %get3A_608 : vector<16xf32>
        %get3A_610 = arith.constant 96 : index
        %get3A_611 = tpu.vector_load %arg19[%get3A_610] {strides = array<i32>} : memref<240xf32, #tpu.memory_space<vmem>>, vector<16xf32>,
        %sub3A_612 = arith.subf %sub3A_228, %get3A_611 : vector<16xf32>
        %get3A_613 = arith.constant 96 : index
        %get3A_614 = tpu.vector_load %arg20[%get3A_613] {strides = array<i32>} : memref<240xf32, #tpu.memory_space<vmem>>, vector<16xf32>,
        %sub3A_615 = arith.subf %sub3A_231, %get3A_614 : vector<16xf32>
        %mul3A_616 = arith.mulf %sub3A_609, %sub3A_609 : vector<16xf32>
        %mul3A_617 = arith.mulf %sub3A_612, %sub3A_612 : vector<16xf32>
        %add3A_618 = arith.addf %mul3A_616, %mul3A_617 : vector<16xf32>
        %mul3A_619 = arith.mulf %sub3A_615, %sub3A_615 : vector<16xf32>
        %add3A_620 = arith.addf %add3A_618, %mul3A_619 : vector<16xf32>
        %max3A_621 = arith.constant 9.99999996E-13 : f32
        %max3A_622 = vector.broadcast %max3A_621 : f32 to vector<16xf32>
        %max3A_623 = arith.maximumf %add3A_620, %max3A_622 : vector<16xf32>
        %bitcast3A_624 = vector.bitcast %max3A_623 : vector<16xf32> to vector<16xi32>
        %shift_right_arithmetic3A_625 = arith.constant 1 : i32
        %shift_right_arithmetic3A_626 = vector.broadcast %shift_right_arithmetic3A_625 : i32 to vector<16xi32>
        %shift_right_arithmetic3A_627 = arith.shrsi %bitcast3A_624, %shift_right_arithmetic3A_626 : vector<16xi32>
        %sub3A_628 = arith.constant 1597463007 : i32
        %sub3A_629 = vector.broadcast %sub3A_628 : i32 to vector<16xi32>
        %sub3A_630 = arith.subi %sub3A_629, %shift_right_arithmetic3A_627 : vector<16xi32>
        %bitcast3A_631 = vector.bitcast %sub3A_630 : vector<16xi32> to vector<16xf32>
        %mul3A_632 = arith.constant 5.000000e-01 : f32
        %mul3A_633 = vector.broadcast %mul3A_632 : f32 to vector<16xf32>
        %mul3A_634 = arith.mulf %mul3A_633, %max3A_623 : vector<16xf32>
        %mul3A_635 = arith.mulf %mul3A_634, %bitcast3A_631 : vector<16xf32>
        %mul3A_636 = arith.mulf %mul3A_635, %bitcast3A_631 : vector<16xf32>
        %sub3A_637 = arith.constant 1.500000e+00 : f32
        %sub3A_638 = vector.broadcast %sub3A_637 : f32 to vector<16xf32>
        %sub3A_639 = arith.subf %sub3A_638, %mul3A_636 : vector<16xf32>
        %mul3A_640 = arith.mulf %bitcast3A_631, %sub3A_639 : vector<16xf32>
        %mul3A_641 = arith.constant 5.000000e-01 : f32
        %mul3A_642 = vector.broadcast %mul3A_641 : f32 to vector<16xf32>
        %mul3A_643 = arith.mulf %mul3A_642, %max3A_623 : vector<16xf32>
        %mul3A_644 = arith.mulf %mul3A_643, %mul3A_640 : vector<16xf32>
        %mul3A_645 = arith.mulf %mul3A_644, %mul3A_640 : vector<16xf32>
        %sub3A_646 = arith.constant 1.500000e+00 : f32
        %sub3A_647 = vector.broadcast %sub3A_646 : f32 to vector<16xf32>
        %sub3A_648 = arith.subf %sub3A_647, %mul3A_645 : vector<16xf32>
        %mul3A_649 = arith.mulf %mul3A_640, %sub3A_648 : vector<16xf32>
        %mul3A_650 = arith.constant 5.000000e-01 : f32
        %mul3A_651 = vector.broadcast %mul3A_650 : f32 to vector<16xf32>
        %mul3A_652 = arith.mulf %mul3A_651, %max3A_623 : vector<16xf32>
        %mul3A_653 = arith.mulf %mul3A_652, %mul3A_649 : vector<16xf32>
        %mul3A_654 = arith.mulf %mul3A_653, %mul3A_649 : vector<16xf32>
        %sub3A_655 = arith.constant 1.500000e+00 : f32
        %sub3A_656 = vector.broadcast %sub3A_655 : f32 to vector<16xf32>
        %sub3A_657 = arith.subf %sub3A_656, %mul3A_654 : vector<16xf32>
        %mul3A_658 = arith.mulf %mul3A_649, %sub3A_657 : vector<16xf32>
        %mul3A_659 = arith.mulf %max3A_623, %mul3A_658 : vector<16xf32>
        %mul3A_660 = vector.broadcast %scan3A_7 : f32 to vector<16xf32>
        %mul3A_661 = arith.mulf %mul3A_659, %mul3A_660 : vector<16xf32>
        %sub3A_662 = arith.constant 1.000000e+00 : f32
        %sub3A_663 = vector.broadcast %sub3A_662 : f32 to vector<16xf32>
        %sub3A_664 = arith.subf %sub3A_663, %mul3A_661 : vector<16xf32>
        %max3A_665 = arith.constant 0.000000e+00 : f32
        %max3A_666 = vector.broadcast %max3A_665 : f32 to vector<16xf32>
        %max3A_667 = arith.maximumf %max3A_666, %sub3A_664 : vector<16xf32>
        %swap3A_668 = arith.constant 96 : index
        %swap3A_669 = tpu.vector_load %arg21[%swap3A_668] {strides = array<i32>} : memref<256xf32, #tpu.memory_space<vmem>>, vector<16xf32>,
        tpu.vector_store %arg21[%swap3A_668], %max3A_667 {strides = array<i32>} : memref<256xf32, #tpu.memory_space<vmem>>, vector<16xf32>,
        %get3A_670 = arith.constant 112 : index
        %get3A_671 = tpu.vector_load %arg18[%get3A_670] {strides = array<i32>} : memref<240xf32, #tpu.memory_space<vmem>>, vector<16xf32>,
        %sub3A_672 = arith.subf %sub3A, %get3A_671 : vector<16xf32>
        %get3A_673 = arith.constant 112 : index
        %get3A_674 = tpu.vector_load %arg19[%get3A_673] {strides = array<i32>} : memref<240xf32, #tpu.memory_space<vmem>>, vector<16xf32>,
        %sub3A_675 = arith.subf %sub3A_228, %get3A_674 : vector<16xf32>
        %get3A_676 = arith.constant 112 : index
        %get3A_677 = tpu.vector_load %arg20[%get3A_676] {strides = array<i32>} : memref<240xf32, #tpu.memory_space<vmem>>, vector<16xf32>,
        %sub3A_678 = arith.subf %sub3A_231, %get3A_677 : vector<16xf32>
        %mul3A_679 = arith.mulf %sub3A_672, %sub3A_672 : vector<16xf32>
        %mul3A_680 = arith.mulf %sub3A_675, %sub3A_675 : vector<16xf32>
        %add3A_681 = arith.addf %mul3A_679, %mul3A_680 : vector<16xf32>
        %mul3A_682 = arith.mulf %sub3A_678, %sub3A_678 : vector<16xf32>
        %add3A_683 = arith.addf %add3A_681, %mul3A_682 : vector<16xf32>
        %max3A_684 = arith.constant 9.99999996E-13 : f32
        %max3A_685 = vector.broadcast %max3A_684 : f32 to vector<16xf32>
        %max3A_686 = arith.maximumf %add3A_683, %max3A_685 : vector<16xf32>
        %bitcast3A_687 = vector.bitcast %max3A_686 : vector<16xf32> to vector<16xi32>
        %shift_right_arithmetic3A_688 = arith.constant 1 : i32
        %shift_right_arithmetic3A_689 = vector.broadcast %shift_right_arithmetic3A_688 : i32 to vector<16xi32>
        %shift_right_arithmetic3A_690 = arith.shrsi %bitcast3A_687, %shift_right_arithmetic3A_689 : vector<16xi32>
        %sub3A_691 = arith.constant 1597463007 : i32
        %sub3A_692 = vector.broadcast %sub3A_691 : i32 to vector<16xi32>
        %sub3A_693 = arith.subi %sub3A_692, %shift_right_arithmetic3A_690 : vector<16xi32>
        %bitcast3A_694 = vector.bitcast %sub3A_693 : vector<16xi32> to vector<16xf32>
        %mul3A_695 = arith.constant 5.000000e-01 : f32
        %mul3A_696 = vector.broadcast %mul3A_695 : f32 to vector<16xf32>
        %mul3A_697 = arith.mulf %mul3A_696, %max3A_686 : vector<16xf32>
        %mul3A_698 = arith.mulf %mul3A_697, %bitcast3A_694 : vector<16xf32>
        %mul3A_699 = arith.mulf %mul3A_698, %bitcast3A_694 : vector<16xf32>
        %sub3A_700 = arith.constant 1.500000e+00 : f32
        %sub3A_701 = vector.broadcast %sub3A_700 : f32 to vector<16xf32>
        %sub3A_702 = arith.subf %sub3A_701, %mul3A_699 : vector<16xf32>
        %mul3A_703 = arith.mulf %bitcast3A_694, %sub3A_702 : vector<16xf32>
        %mul3A_704 = arith.constant 5.000000e-01 : f32
        %mul3A_705 = vector.broadcast %mul3A_704 : f32 to vector<16xf32>
        %mul3A_706 = arith.mulf %mul3A_705, %max3A_686 : vector<16xf32>
        %mul3A_707 = arith.mulf %mul3A_706, %mul3A_703 : vector<16xf32>
        %mul3A_708 = arith.mulf %mul3A_707, %mul3A_703 : vector<16xf32>
        %sub3A_709 = arith.constant 1.500000e+00 : f32
        %sub3A_710 = vector.broadcast %sub3A_709 : f32 to vector<16xf32>
        %sub3A_711 = arith.subf %sub3A_710, %mul3A_708 : vector<16xf32>
        %mul3A_712 = arith.mulf %mul3A_703, %sub3A_711 : vector<16xf32>
        %mul3A_713 = arith.constant 5.000000e-01 : f32
        %mul3A_714 = vector.broadcast %mul3A_713 : f32 to vector<16xf32>
        %mul3A_715 = arith.mulf %mul3A_714, %max3A_686 : vector<16xf32>
        %mul3A_716 = arith.mulf %mul3A_715, %mul3A_712 : vector<16xf32>
        %mul3A_717 = arith.mulf %mul3A_716, %mul3A_712 : vector<16xf32>
        %sub3A_718 = arith.constant 1.500000e+00 : f32
        %sub3A_719 = vector.broadcast %sub3A_718 : f32 to vector<16xf32>
        %sub3A_720 = arith.subf %sub3A_719, %mul3A_717 : vector<16xf32>
        %mul3A_721 = arith.mulf %mul3A_712, %sub3A_720 : vector<16xf32>
        %mul3A_722 = arith.mulf %max3A_686, %mul3A_721 : vector<16xf32>
        %mul3A_723 = vector.broadcast %scan3A_7 : f32 to vector<16xf32>
        %mul3A_724 = arith.mulf %mul3A_722, %mul3A_723 : vector<16xf32>
        %sub3A_725 = arith.constant 1.000000e+00 : f32
        %sub3A_726 = vector.broadcast %sub3A_725 : f32 to vector<16xf32>
        %sub3A_727 = arith.subf %sub3A_726, %mul3A_724 : vector<16xf32>
        %max3A_728 = arith.constant 0.000000e+00 : f32
        %max3A_729 = vector.broadcast %max3A_728 : f32 to vector<16xf32>
        %max3A_730 = arith.maximumf %max3A_729, %sub3A_727 : vector<16xf32>
        %swap3A_731 = arith.constant 112 : index
        %swap3A_732 = tpu.vector_load %arg21[%swap3A_731] {strides = array<i32>} : memref<256xf32, #tpu.memory_space<vmem>>, vector<16xf32>,
        tpu.vector_store %arg21[%swap3A_731], %max3A_730 {strides = array<i32>} : memref<256xf32, #tpu.memory_space<vmem>>, vector<16xf32>,
        %get3A_733 = arith.constant 128 : index
        %get3A_734 = tpu.vector_load %arg18[%get3A_733] {strides = array<i32>} : memref<240xf32, #tpu.memory_space<vmem>>, vector<16xf32>,
        %sub3A_735 = arith.subf %sub3A, %get3A_734 : vector<16xf32>
        %get3A_736 = arith.constant 128 : index
        %get3A_737 = tpu.vector_load %arg19[%get3A_736] {strides = array<i32>} : memref<240xf32, #tpu.memory_space<vmem>>, vector<16xf32>,
        %sub3A_738 = arith.subf %sub3A_228, %get3A_737 : vector<16xf32>
        %get3A_739 = arith.constant 128 : index
        %get3A_740 = tpu.vector_load %arg20[%get3A_739] {strides = array<i32>} : memref<240xf32, #tpu.memory_space<vmem>>, vector<16xf32>,
        %sub3A_741 = arith.subf %sub3A_231, %get3A_740 : vector<16xf32>
        %mul3A_742 = arith.mulf %sub3A_735, %sub3A_735 : vector<16xf32>
        %mul3A_743 = arith.mulf %sub3A_738, %sub3A_738 : vector<16xf32>
        %add3A_744 = arith.addf %mul3A_742, %mul3A_743 : vector<16xf32>
        %mul3A_745 = arith.mulf %sub3A_741, %sub3A_741 : vector<16xf32>
        %add3A_746 = arith.addf %add3A_744, %mul3A_745 : vector<16xf32>
        %max3A_747 = arith.constant 9.99999996E-13 : f32
        %max3A_748 = vector.broadcast %max3A_747 : f32 to vector<16xf32>
        %max3A_749 = arith.maximumf %add3A_746, %max3A_748 : vector<16xf32>
        %bitcast3A_750 = vector.bitcast %max3A_749 : vector<16xf32> to vector<16xi32>
        %shift_right_arithmetic3A_751 = arith.constant 1 : i32
        %shift_right_arithmetic3A_752 = vector.broadcast %shift_right_arithmetic3A_751 : i32 to vector<16xi32>
        %shift_right_arithmetic3A_753 = arith.shrsi %bitcast3A_750, %shift_right_arithmetic3A_752 : vector<16xi32>
        %sub3A_754 = arith.constant 1597463007 : i32
        %sub3A_755 = vector.broadcast %sub3A_754 : i32 to vector<16xi32>
        %sub3A_756 = arith.subi %sub3A_755, %shift_right_arithmetic3A_753 : vector<16xi32>
        %bitcast3A_757 = vector.bitcast %sub3A_756 : vector<16xi32> to vector<16xf32>
        %mul3A_758 = arith.constant 5.000000e-01 : f32
        %mul3A_759 = vector.broadcast %mul3A_758 : f32 to vector<16xf32>
        %mul3A_760 = arith.mulf %mul3A_759, %max3A_749 : vector<16xf32>
        %mul3A_761 = arith.mulf %mul3A_760, %bitcast3A_757 : vector<16xf32>
        %mul3A_762 = arith.mulf %mul3A_761, %bitcast3A_757 : vector<16xf32>
        %sub3A_763 = arith.constant 1.500000e+00 : f32
        %sub3A_764 = vector.broadcast %sub3A_763 : f32 to vector<16xf32>
        %sub3A_765 = arith.subf %sub3A_764, %mul3A_762 : vector<16xf32>
        %mul3A_766 = arith.mulf %bitcast3A_757, %sub3A_765 : vector<16xf32>
        %mul3A_767 = arith.constant 5.000000e-01 : f32
        %mul3A_768 = vector.broadcast %mul3A_767 : f32 to vector<16xf32>
        %mul3A_769 = arith.mulf %mul3A_768, %max3A_749 : vector<16xf32>
        %mul3A_770 = arith.mulf %mul3A_769, %mul3A_766 : vector<16xf32>
        %mul3A_771 = arith.mulf %mul3A_770, %mul3A_766 : vector<16xf32>
        %sub3A_772 = arith.constant 1.500000e+00 : f32
        %sub3A_773 = vector.broadcast %sub3A_772 : f32 to vector<16xf32>
        %sub3A_774 = arith.subf %sub3A_773, %mul3A_771 : vector<16xf32>
        %mul3A_775 = arith.mulf %mul3A_766, %sub3A_774 : vector<16xf32>
        %mul3A_776 = arith.constant 5.000000e-01 : f32
        %mul3A_777 = vector.broadcast %mul3A_776 : f32 to vector<16xf32>
        %mul3A_778 = arith.mulf %mul3A_777, %max3A_749 : vector<16xf32>
        %mul3A_779 = arith.mulf %mul3A_778, %mul3A_775 : vector<16xf32>
        %mul3A_780 = arith.mulf %mul3A_779, %mul3A_775 : vector<16xf32>
        %sub3A_781 = arith.constant 1.500000e+00 : f32
        %sub3A_782 = vector.broadcast %sub3A_781 : f32 to vector<16xf32>
        %sub3A_783 = arith.subf %sub3A_782, %mul3A_780 : vector<16xf32>
        %mul3A_784 = arith.mulf %mul3A_775, %sub3A_783 : vector<16xf32>
        %mul3A_785 = arith.mulf %max3A_749, %mul3A_784 : vector<16xf32>
        %mul3A_786 = vector.broadcast %scan3A_7 : f32 to vector<16xf32>
        %mul3A_787 = arith.mulf %mul3A_785, %mul3A_786 : vector<16xf32>
        %sub3A_788 = arith.constant 1.000000e+00 : f32
        %sub3A_789 = vector.broadcast %sub3A_788 : f32 to vector<16xf32>
        %sub3A_790 = arith.subf %sub3A_789, %mul3A_787 : vector<16xf32>
        %max3A_791 = arith.constant 0.000000e+00 : f32
        %max3A_792 = vector.broadcast %max3A_791 : f32 to vector<16xf32>
        %max3A_793 = arith.maximumf %max3A_792, %sub3A_790 : vector<16xf32>
        %swap3A_794 = arith.constant 128 : index
        %swap3A_795 = tpu.vector_load %arg21[%swap3A_794] {strides = array<i32>} : memref<256xf32, #tpu.memory_space<vmem>>, vector<16xf32>,
        tpu.vector_store %arg21[%swap3A_794], %max3A_793 {strides = array<i32>} : memref<256xf32, #tpu.memory_space<vmem>>, vector<16xf32>,
        %get3A_796 = arith.constant 144 : index
        %get3A_797 = tpu.vector_load %arg18[%get3A_796] {strides = array<i32>} : memref<240xf32, #tpu.memory_space<vmem>>, vector<16xf32>,
        %sub3A_798 = arith.subf %sub3A, %get3A_797 : vector<16xf32>
        %get3A_799 = arith.constant 144 : index
        %get3A_800 = tpu.vector_load %arg19[%get3A_799] {strides = array<i32>} : memref<240xf32, #tpu.memory_space<vmem>>, vector<16xf32>,
        %sub3A_801 = arith.subf %sub3A_228, %get3A_800 : vector<16xf32>
        %get3A_802 = arith.constant 144 : index
        %get3A_803 = tpu.vector_load %arg20[%get3A_802] {strides = array<i32>} : memref<240xf32, #tpu.memory_space<vmem>>, vector<16xf32>,
        %sub3A_804 = arith.subf %sub3A_231, %get3A_803 : vector<16xf32>
        %mul3A_805 = arith.mulf %sub3A_798, %sub3A_798 : vector<16xf32>
        %mul3A_806 = arith.mulf %sub3A_801, %sub3A_801 : vector<16xf32>
        %add3A_807 = arith.addf %mul3A_805, %mul3A_806 : vector<16xf32>
        %mul3A_808 = arith.mulf %sub3A_804, %sub3A_804 : vector<16xf32>
        %add3A_809 = arith.addf %add3A_807, %mul3A_808 : vector<16xf32>
        %max3A_810 = arith.constant 9.99999996E-13 : f32
        %max3A_811 = vector.broadcast %max3A_810 : f32 to vector<16xf32>
        %max3A_812 = arith.maximumf %add3A_809, %max3A_811 : vector<16xf32>
        %bitcast3A_813 = vector.bitcast %max3A_812 : vector<16xf32> to vector<16xi32>
        %shift_right_arithmetic3A_814 = arith.constant 1 : i32
        %shift_right_arithmetic3A_815 = vector.broadcast %shift_right_arithmetic3A_814 : i32 to vector<16xi32>
        %shift_right_arithmetic3A_816 = arith.shrsi %bitcast3A_813, %shift_right_arithmetic3A_815 : vector<16xi32>
        %sub3A_817 = arith.constant 1597463007 : i32
        %sub3A_818 = vector.broadcast %sub3A_817 : i32 to vector<16xi32>
        %sub3A_819 = arith.subi %sub3A_818, %shift_right_arithmetic3A_816 : vector<16xi32>
        %bitcast3A_820 = vector.bitcast %sub3A_819 : vector<16xi32> to vector<16xf32>
        %mul3A_821 = arith.constant 5.000000e-01 : f32
        %mul3A_822 = vector.broadcast %mul3A_821 : f32 to vector<16xf32>
        %mul3A_823 = arith.mulf %mul3A_822, %max3A_812 : vector<16xf32>
        %mul3A_824 = arith.mulf %mul3A_823, %bitcast3A_820 : vector<16xf32>
        %mul3A_825 = arith.mulf %mul3A_824, %bitcast3A_820 : vector<16xf32>
        %sub3A_826 = arith.constant 1.500000e+00 : f32
        %sub3A_827 = vector.broadcast %sub3A_826 : f32 to vector<16xf32>
        %sub3A_828 = arith.subf %sub3A_827, %mul3A_825 : vector<16xf32>
        %mul3A_829 = arith.mulf %bitcast3A_820, %sub3A_828 : vector<16xf32>
        %mul3A_830 = arith.constant 5.000000e-01 : f32
        %mul3A_831 = vector.broadcast %mul3A_830 : f32 to vector<16xf32>
        %mul3A_832 = arith.mulf %mul3A_831, %max3A_812 : vector<16xf32>
        %mul3A_833 = arith.mulf %mul3A_832, %mul3A_829 : vector<16xf32>
        %mul3A_834 = arith.mulf %mul3A_833, %mul3A_829 : vector<16xf32>
        %sub3A_835 = arith.constant 1.500000e+00 : f32
        %sub3A_836 = vector.broadcast %sub3A_835 : f32 to vector<16xf32>
        %sub3A_837 = arith.subf %sub3A_836, %mul3A_834 : vector<16xf32>
        %mul3A_838 = arith.mulf %mul3A_829, %sub3A_837 : vector<16xf32>
        %mul3A_839 = arith.constant 5.000000e-01 : f32
        %mul3A_840 = vector.broadcast %mul3A_839 : f32 to vector<16xf32>
        %mul3A_841 = arith.mulf %mul3A_840, %max3A_812 : vector<16xf32>
        %mul3A_842 = arith.mulf %mul3A_841, %mul3A_838 : vector<16xf32>
        %mul3A_843 = arith.mulf %mul3A_842, %mul3A_838 : vector<16xf32>
        %sub3A_844 = arith.constant 1.500000e+00 : f32
        %sub3A_845 = vector.broadcast %sub3A_844 : f32 to vector<16xf32>
        %sub3A_846 = arith.subf %sub3A_845, %mul3A_843 : vector<16xf32>
        %mul3A_847 = arith.mulf %mul3A_838, %sub3A_846 : vector<16xf32>
        %mul3A_848 = arith.mulf %max3A_812, %mul3A_847 : vector<16xf32>
        %mul3A_849 = vector.broadcast %scan3A_7 : f32 to vector<16xf32>
        %mul3A_850 = arith.mulf %mul3A_848, %mul3A_849 : vector<16xf32>
        %sub3A_851 = arith.constant 1.000000e+00 : f32
        %sub3A_852 = vector.broadcast %sub3A_851 : f32 to vector<16xf32>
        %sub3A_853 = arith.subf %sub3A_852, %mul3A_850 : vector<16xf32>
        %max3A_854 = arith.constant 0.000000e+00 : f32
        %max3A_855 = vector.broadcast %max3A_854 : f32 to vector<16xf32>
        %max3A_856 = arith.maximumf %max3A_855, %sub3A_853 : vector<16xf32>
        %swap3A_857 = arith.constant 144 : index
        %swap3A_858 = tpu.vector_load %arg21[%swap3A_857] {strides = array<i32>} : memref<256xf32, #tpu.memory_space<vmem>>, vector<16xf32>,
        tpu.vector_store %arg21[%swap3A_857], %max3A_856 {strides = array<i32>} : memref<256xf32, #tpu.memory_space<vmem>>, vector<16xf32>,
        %get3A_859 = arith.constant 160 : index
        %get3A_860 = tpu.vector_load %arg18[%get3A_859] {strides = array<i32>} : memref<240xf32, #tpu.memory_space<vmem>>, vector<16xf32>,
        %sub3A_861 = arith.subf %sub3A, %get3A_860 : vector<16xf32>
        %get3A_862 = arith.constant 160 : index
        %get3A_863 = tpu.vector_load %arg19[%get3A_862] {strides = array<i32>} : memref<240xf32, #tpu.memory_space<vmem>>, vector<16xf32>,
        %sub3A_864 = arith.subf %sub3A_228, %get3A_863 : vector<16xf32>
        %get3A_865 = arith.constant 160 : index
        %get3A_866 = tpu.vector_load %arg20[%get3A_865] {strides = array<i32>} : memref<240xf32, #tpu.memory_space<vmem>>, vector<16xf32>,
        %sub3A_867 = arith.subf %sub3A_231, %get3A_866 : vector<16xf32>
        %mul3A_868 = arith.mulf %sub3A_861, %sub3A_861 : vector<16xf32>
        %mul3A_869 = arith.mulf %sub3A_864, %sub3A_864 : vector<16xf32>
        %add3A_870 = arith.addf %mul3A_868, %mul3A_869 : vector<16xf32>
        %mul3A_871 = arith.mulf %sub3A_867, %sub3A_867 : vector<16xf32>
        %add3A_872 = arith.addf %add3A_870, %mul3A_871 : vector<16xf32>
        %max3A_873 = arith.constant 9.99999996E-13 : f32
        %max3A_874 = vector.broadcast %max3A_873 : f32 to vector<16xf32>
        %max3A_875 = arith.maximumf %add3A_872, %max3A_874 : vector<16xf32>
        %bitcast3A_876 = vector.bitcast %max3A_875 : vector<16xf32> to vector<16xi32>
        %shift_right_arithmetic3A_877 = arith.constant 1 : i32
        %shift_right_arithmetic3A_878 = vector.broadcast %shift_right_arithmetic3A_877 : i32 to vector<16xi32>
        %shift_right_arithmetic3A_879 = arith.shrsi %bitcast3A_876, %shift_right_arithmetic3A_878 : vector<16xi32>
        %sub3A_880 = arith.constant 1597463007 : i32
        %sub3A_881 = vector.broadcast %sub3A_880 : i32 to vector<16xi32>
        %sub3A_882 = arith.subi %sub3A_881, %shift_right_arithmetic3A_879 : vector<16xi32>
        %bitcast3A_883 = vector.bitcast %sub3A_882 : vector<16xi32> to vector<16xf32>
        %mul3A_884 = arith.constant 5.000000e-01 : f32
        %mul3A_885 = vector.broadcast %mul3A_884 : f32 to vector<16xf32>
        %mul3A_886 = arith.mulf %mul3A_885, %max3A_875 : vector<16xf32>
        %mul3A_887 = arith.mulf %mul3A_886, %bitcast3A_883 : vector<16xf32>
        %mul3A_888 = arith.mulf %mul3A_887, %bitcast3A_883 : vector<16xf32>
        %sub3A_889 = arith.constant 1.500000e+00 : f32
        %sub3A_890 = vector.broadcast %sub3A_889 : f32 to vector<16xf32>
        %sub3A_891 = arith.subf %sub3A_890, %mul3A_888 : vector<16xf32>
        %mul3A_892 = arith.mulf %bitcast3A_883, %sub3A_891 : vector<16xf32>
        %mul3A_893 = arith.constant 5.000000e-01 : f32
        %mul3A_894 = vector.broadcast %mul3A_893 : f32 to vector<16xf32>
        %mul3A_895 = arith.mulf %mul3A_894, %max3A_875 : vector<16xf32>
        %mul3A_896 = arith.mulf %mul3A_895, %mul3A_892 : vector<16xf32>
        %mul3A_897 = arith.mulf %mul3A_896, %mul3A_892 : vector<16xf32>
        %sub3A_898 = arith.constant 1.500000e+00 : f32
        %sub3A_899 = vector.broadcast %sub3A_898 : f32 to vector<16xf32>
        %sub3A_900 = arith.subf %sub3A_899, %mul3A_897 : vector<16xf32>
        %mul3A_901 = arith.mulf %mul3A_892, %sub3A_900 : vector<16xf32>
        %mul3A_902 = arith.constant 5.000000e-01 : f32
        %mul3A_903 = vector.broadcast %mul3A_902 : f32 to vector<16xf32>
        %mul3A_904 = arith.mulf %mul3A_903, %max3A_875 : vector<16xf32>
        %mul3A_905 = arith.mulf %mul3A_904, %mul3A_901 : vector<16xf32>
        %mul3A_906 = arith.mulf %mul3A_905, %mul3A_901 : vector<16xf32>
        %sub3A_907 = arith.constant 1.500000e+00 : f32
        %sub3A_908 = vector.broadcast %sub3A_907 : f32 to vector<16xf32>
        %sub3A_909 = arith.subf %sub3A_908, %mul3A_906 : vector<16xf32>
        %mul3A_910 = arith.mulf %mul3A_901, %sub3A_909 : vector<16xf32>
        %mul3A_911 = arith.mulf %max3A_875, %mul3A_910 : vector<16xf32>
        %mul3A_912 = vector.broadcast %scan3A_7 : f32 to vector<16xf32>
        %mul3A_913 = arith.mulf %mul3A_911, %mul3A_912 : vector<16xf32>
        %sub3A_914 = arith.constant 1.000000e+00 : f32
        %sub3A_915 = vector.broadcast %sub3A_914 : f32 to vector<16xf32>
        %sub3A_916 = arith.subf %sub3A_915, %mul3A_913 : vector<16xf32>
        %max3A_917 = arith.constant 0.000000e+00 : f32
        %max3A_918 = vector.broadcast %max3A_917 : f32 to vector<16xf32>
        %max3A_919 = arith.maximumf %max3A_918, %sub3A_916 : vector<16xf32>
        %swap3A_920 = arith.constant 160 : index
        %swap3A_921 = tpu.vector_load %arg21[%swap3A_920] {strides = array<i32>} : memref<256xf32, #tpu.memory_space<vmem>>, vector<16xf32>,
        tpu.vector_store %arg21[%swap3A_920], %max3A_919 {strides = array<i32>} : memref<256xf32, #tpu.memory_space<vmem>>, vector<16xf32>,
        %get3A_922 = arith.constant 176 : index
        %get3A_923 = tpu.vector_load %arg18[%get3A_922] {strides = array<i32>} : memref<240xf32, #tpu.memory_space<vmem>>, vector<16xf32>,
        %sub3A_924 = arith.subf %sub3A, %get3A_923 : vector<16xf32>
        %get3A_925 = arith.constant 176 : index
        %get3A_926 = tpu.vector_load %arg19[%get3A_925] {strides = array<i32>} : memref<240xf32, #tpu.memory_space<vmem>>, vector<16xf32>,
        %sub3A_927 = arith.subf %sub3A_228, %get3A_926 : vector<16xf32>
        %get3A_928 = arith.constant 176 : index
        %get3A_929 = tpu.vector_load %arg20[%get3A_928] {strides = array<i32>} : memref<240xf32, #tpu.memory_space<vmem>>, vector<16xf32>,
        %sub3A_930 = arith.subf %sub3A_231, %get3A_929 : vector<16xf32>
        %mul3A_931 = arith.mulf %sub3A_924, %sub3A_924 : vector<16xf32>
        %mul3A_932 = arith.mulf %sub3A_927, %sub3A_927 : vector<16xf32>
        %add3A_933 = arith.addf %mul3A_931, %mul3A_932 : vector<16xf32>
        %mul3A_934 = arith.mulf %sub3A_930, %sub3A_930 : vector<16xf32>
        %add3A_935 = arith.addf %add3A_933, %mul3A_934 : vector<16xf32>
        %max3A_936 = arith.constant 9.99999996E-13 : f32
        %max3A_937 = vector.broadcast %max3A_936 : f32 to vector<16xf32>
        %max3A_938 = arith.maximumf %add3A_935, %max3A_937 : vector<16xf32>
        %bitcast3A_939 = vector.bitcast %max3A_938 : vector<16xf32> to vector<16xi32>
        %shift_right_arithmetic3A_940 = arith.constant 1 : i32
        %shift_right_arithmetic3A_941 = vector.broadcast %shift_right_arithmetic3A_940 : i32 to vector<16xi32>
        %shift_right_arithmetic3A_942 = arith.shrsi %bitcast3A_939, %shift_right_arithmetic3A_941 : vector<16xi32>
        %sub3A_943 = arith.constant 1597463007 : i32
        %sub3A_944 = vector.broadcast %sub3A_943 : i32 to vector<16xi32>
        %sub3A_945 = arith.subi %sub3A_944, %shift_right_arithmetic3A_942 : vector<16xi32>
        %bitcast3A_946 = vector.bitcast %sub3A_945 : vector<16xi32> to vector<16xf32>
        %mul3A_947 = arith.constant 5.000000e-01 : f32
        %mul3A_948 = vector.broadcast %mul3A_947 : f32 to vector<16xf32>
        %mul3A_949 = arith.mulf %mul3A_948, %max3A_938 : vector<16xf32>
        %mul3A_950 = arith.mulf %mul3A_949, %bitcast3A_946 : vector<16xf32>
        %mul3A_951 = arith.mulf %mul3A_950, %bitcast3A_946 : vector<16xf32>
        %sub3A_952 = arith.constant 1.500000e+00 : f32
        %sub3A_953 = vector.broadcast %sub3A_952 : f32 to vector<16xf32>
        %sub3A_954 = arith.subf %sub3A_953, %mul3A_951 : vector<16xf32>
        %mul3A_955 = arith.mulf %bitcast3A_946, %sub3A_954 : vector<16xf32>
        %mul3A_956 = arith.constant 5.000000e-01 : f32
        %mul3A_957 = vector.broadcast %mul3A_956 : f32 to vector<16xf32>
        %mul3A_958 = arith.mulf %mul3A_957, %max3A_938 : vector<16xf32>
        %mul3A_959 = arith.mulf %mul3A_958, %mul3A_955 : vector<16xf32>
        %mul3A_960 = arith.mulf %mul3A_959, %mul3A_955 : vector<16xf32>
        %sub3A_961 = arith.constant 1.500000e+00 : f32
        %sub3A_962 = vector.broadcast %sub3A_961 : f32 to vector<16xf32>
        %sub3A_963 = arith.subf %sub3A_962, %mul3A_960 : vector<16xf32>
        %mul3A_964 = arith.mulf %mul3A_955, %sub3A_963 : vector<16xf32>
        %mul3A_965 = arith.constant 5.000000e-01 : f32
        %mul3A_966 = vector.broadcast %mul3A_965 : f32 to vector<16xf32>
        %mul3A_967 = arith.mulf %mul3A_966, %max3A_938 : vector<16xf32>
        %mul3A_968 = arith.mulf %mul3A_967, %mul3A_964 : vector<16xf32>
        %mul3A_969 = arith.mulf %mul3A_968, %mul3A_964 : vector<16xf32>
        %sub3A_970 = arith.constant 1.500000e+00 : f32
        %sub3A_971 = vector.broadcast %sub3A_970 : f32 to vector<16xf32>
        %sub3A_972 = arith.subf %sub3A_971, %mul3A_969 : vector<16xf32>
        %mul3A_973 = arith.mulf %mul3A_964, %sub3A_972 : vector<16xf32>
        %mul3A_974 = arith.mulf %max3A_938, %mul3A_973 : vector<16xf32>
        %mul3A_975 = vector.broadcast %scan3A_7 : f32 to vector<16xf32>
        %mul3A_976 = arith.mulf %mul3A_974, %mul3A_975 : vector<16xf32>
        %sub3A_977 = arith.constant 1.000000e+00 : f32
        %sub3A_978 = vector.broadcast %sub3A_977 : f32 to vector<16xf32>
        %sub3A_979 = arith.subf %sub3A_978, %mul3A_976 : vector<16xf32>
        %max3A_980 = arith.constant 0.000000e+00 : f32
        %max3A_981 = vector.broadcast %max3A_980 : f32 to vector<16xf32>
        %max3A_982 = arith.maximumf %max3A_981, %sub3A_979 : vector<16xf32>
        %swap3A_983 = arith.constant 176 : index
        %swap3A_984 = tpu.vector_load %arg21[%swap3A_983] {strides = array<i32>} : memref<256xf32, #tpu.memory_space<vmem>>, vector<16xf32>,
        tpu.vector_store %arg21[%swap3A_983], %max3A_982 {strides = array<i32>} : memref<256xf32, #tpu.memory_space<vmem>>, vector<16xf32>,
        %get3A_985 = arith.constant 192 : index
        %get3A_986 = tpu.vector_load %arg18[%get3A_985] {strides = array<i32>} : memref<240xf32, #tpu.memory_space<vmem>>, vector<16xf32>,
        %sub3A_987 = arith.subf %sub3A, %get3A_986 : vector<16xf32>
        %get3A_988 = arith.constant 192 : index
        %get3A_989 = tpu.vector_load %arg19[%get3A_988] {strides = array<i32>} : memref<240xf32, #tpu.memory_space<vmem>>, vector<16xf32>,
        %sub3A_990 = arith.subf %sub3A_228, %get3A_989 : vector<16xf32>
        %get3A_991 = arith.constant 192 : index
        %get3A_992 = tpu.vector_load %arg20[%get3A_991] {strides = array<i32>} : memref<240xf32, #tpu.memory_space<vmem>>, vector<16xf32>,
        %sub3A_993 = arith.subf %sub3A_231, %get3A_992 : vector<16xf32>
        %mul3A_994 = arith.mulf %sub3A_987, %sub3A_987 : vector<16xf32>
        %mul3A_995 = arith.mulf %sub3A_990, %sub3A_990 : vector<16xf32>
        %add3A_996 = arith.addf %mul3A_994, %mul3A_995 : vector<16xf32>
        %mul3A_997 = arith.mulf %sub3A_993, %sub3A_993 : vector<16xf32>
        %add3A_998 = arith.addf %add3A_996, %mul3A_997 : vector<16xf32>
        %max3A_999 = arith.constant 9.99999996E-13 : f32
        %max3A_1000 = vector.broadcast %max3A_999 : f32 to vector<16xf32>
        %max3A_1001 = arith.maximumf %add3A_998, %max3A_1000 : vector<16xf32>
        %bitcast3A_1002 = vector.bitcast %max3A_1001 : vector<16xf32> to vector<16xi32>
        %shift_right_arithmetic3A_1003 = arith.constant 1 : i32
        %shift_right_arithmetic3A_1004 = vector.broadcast %shift_right_arithmetic3A_1003 : i32 to vector<16xi32>
        %shift_right_arithmetic3A_1005 = arith.shrsi %bitcast3A_1002, %shift_right_arithmetic3A_1004 : vector<16xi32>
        %sub3A_1006 = arith.constant 1597463007 : i32
        %sub3A_1007 = vector.broadcast %sub3A_1006 : i32 to vector<16xi32>
        %sub3A_1008 = arith.subi %sub3A_1007, %shift_right_arithmetic3A_1005 : vector<16xi32>
        %bitcast3A_1009 = vector.bitcast %sub3A_1008 : vector<16xi32> to vector<16xf32>
        %mul3A_1010 = arith.constant 5.000000e-01 : f32
        %mul3A_1011 = vector.broadcast %mul3A_1010 : f32 to vector<16xf32>
        %mul3A_1012 = arith.mulf %mul3A_1011, %max3A_1001 : vector<16xf32>
        %mul3A_1013 = arith.mulf %mul3A_1012, %bitcast3A_1009 : vector<16xf32>
        %mul3A_1014 = arith.mulf %mul3A_1013, %bitcast3A_1009 : vector<16xf32>
        %sub3A_1015 = arith.constant 1.500000e+00 : f32
        %sub3A_1016 = vector.broadcast %sub3A_1015 : f32 to vector<16xf32>
        %sub3A_1017 = arith.subf %sub3A_1016, %mul3A_1014 : vector<16xf32>
        %mul3A_1018 = arith.mulf %bitcast3A_1009, %sub3A_1017 : vector<16xf32>
        %mul3A_1019 = arith.constant 5.000000e-01 : f32
        %mul3A_1020 = vector.broadcast %mul3A_1019 : f32 to vector<16xf32>
        %mul3A_1021 = arith.mulf %mul3A_1020, %max3A_1001 : vector<16xf32>
        %mul3A_1022 = arith.mulf %mul3A_1021, %mul3A_1018 : vector<16xf32>
        %mul3A_1023 = arith.mulf %mul3A_1022, %mul3A_1018 : vector<16xf32>
        %sub3A_1024 = arith.constant 1.500000e+00 : f32
        %sub3A_1025 = vector.broadcast %sub3A_1024 : f32 to vector<16xf32>
        %sub3A_1026 = arith.subf %sub3A_1025, %mul3A_1023 : vector<16xf32>
        %mul3A_1027 = arith.mulf %mul3A_1018, %sub3A_1026 : vector<16xf32>
        %mul3A_1028 = arith.constant 5.000000e-01 : f32
        %mul3A_1029 = vector.broadcast %mul3A_1028 : f32 to vector<16xf32>
        %mul3A_1030 = arith.mulf %mul3A_1029, %max3A_1001 : vector<16xf32>
        %mul3A_1031 = arith.mulf %mul3A_1030, %mul3A_1027 : vector<16xf32>
        %mul3A_1032 = arith.mulf %mul3A_1031, %mul3A_1027 : vector<16xf32>
        %sub3A_1033 = arith.constant 1.500000e+00 : f32
        %sub3A_1034 = vector.broadcast %sub3A_1033 : f32 to vector<16xf32>
        %sub3A_1035 = arith.subf %sub3A_1034, %mul3A_1032 : vector<16xf32>
        %mul3A_1036 = arith.mulf %mul3A_1027, %sub3A_1035 : vector<16xf32>
        %mul3A_1037 = arith.mulf %max3A_1001, %mul3A_1036 : vector<16xf32>
        %mul3A_1038 = vector.broadcast %scan3A_7 : f32 to vector<16xf32>
        %mul3A_1039 = arith.mulf %mul3A_1037, %mul3A_1038 : vector<16xf32>
        %sub3A_1040 = arith.constant 1.000000e+00 : f32
        %sub3A_1041 = vector.broadcast %sub3A_1040 : f32 to vector<16xf32>
        %sub3A_1042 = arith.subf %sub3A_1041, %mul3A_1039 : vector<16xf32>
        %max3A_1043 = arith.constant 0.000000e+00 : f32
        %max3A_1044 = vector.broadcast %max3A_1043 : f32 to vector<16xf32>
        %max3A_1045 = arith.maximumf %max3A_1044, %sub3A_1042 : vector<16xf32>
        %swap3A_1046 = arith.constant 192 : index
        %swap3A_1047 = tpu.vector_load %arg21[%swap3A_1046] {strides = array<i32>} : memref<256xf32, #tpu.memory_space<vmem>>, vector<16xf32>,
        tpu.vector_store %arg21[%swap3A_1046], %max3A_1045 {strides = array<i32>} : memref<256xf32, #tpu.memory_space<vmem>>, vector<16xf32>,
        %get3A_1048 = arith.constant 208 : index
        %get3A_1049 = tpu.vector_load %arg18[%get3A_1048] {strides = array<i32>} : memref<240xf32, #tpu.memory_space<vmem>>, vector<16xf32>,
        %sub3A_1050 = arith.subf %sub3A, %get3A_1049 : vector<16xf32>
        %get3A_1051 = arith.constant 208 : index
        %get3A_1052 = tpu.vector_load %arg19[%get3A_1051] {strides = array<i32>} : memref<240xf32, #tpu.memory_space<vmem>>, vector<16xf32>,
        %sub3A_1053 = arith.subf %sub3A_228, %get3A_1052 : vector<16xf32>
        %get3A_1054 = arith.constant 208 : index
        %get3A_1055 = tpu.vector_load %arg20[%get3A_1054] {strides = array<i32>} : memref<240xf32, #tpu.memory_space<vmem>>, vector<16xf32>,
        %sub3A_1056 = arith.subf %sub3A_231, %get3A_1055 : vector<16xf32>
        %mul3A_1057 = arith.mulf %sub3A_1050, %sub3A_1050 : vector<16xf32>
        %mul3A_1058 = arith.mulf %sub3A_1053, %sub3A_1053 : vector<16xf32>
        %add3A_1059 = arith.addf %mul3A_1057, %mul3A_1058 : vector<16xf32>
        %mul3A_1060 = arith.mulf %sub3A_1056, %sub3A_1056 : vector<16xf32>
        %add3A_1061 = arith.addf %add3A_1059, %mul3A_1060 : vector<16xf32>
        %max3A_1062 = arith.constant 9.99999996E-13 : f32
        %max3A_1063 = vector.broadcast %max3A_1062 : f32 to vector<16xf32>
        %max3A_1064 = arith.maximumf %add3A_1061, %max3A_1063 : vector<16xf32>
        %bitcast3A_1065 = vector.bitcast %max3A_1064 : vector<16xf32> to vector<16xi32>
        %shift_right_arithmetic3A_1066 = arith.constant 1 : i32
        %shift_right_arithmetic3A_1067 = vector.broadcast %shift_right_arithmetic3A_1066 : i32 to vector<16xi32>
        %shift_right_arithmetic3A_1068 = arith.shrsi %bitcast3A_1065, %shift_right_arithmetic3A_1067 : vector<16xi32>
        %sub3A_1069 = arith.constant 1597463007 : i32
        %sub3A_1070 = vector.broadcast %sub3A_1069 : i32 to vector<16xi32>
        %sub3A_1071 = arith.subi %sub3A_1070, %shift_right_arithmetic3A_1068 : vector<16xi32>
        %bitcast3A_1072 = vector.bitcast %sub3A_1071 : vector<16xi32> to vector<16xf32>
        %mul3A_1073 = arith.constant 5.000000e-01 : f32
        %mul3A_1074 = vector.broadcast %mul3A_1073 : f32 to vector<16xf32>
        %mul3A_1075 = arith.mulf %mul3A_1074, %max3A_1064 : vector<16xf32>
        %mul3A_1076 = arith.mulf %mul3A_1075, %bitcast3A_1072 : vector<16xf32>
        %mul3A_1077 = arith.mulf %mul3A_1076, %bitcast3A_1072 : vector<16xf32>
        %sub3A_1078 = arith.constant 1.500000e+00 : f32
        %sub3A_1079 = vector.broadcast %sub3A_1078 : f32 to vector<16xf32>
        %sub3A_1080 = arith.subf %sub3A_1079, %mul3A_1077 : vector<16xf32>
        %mul3A_1081 = arith.mulf %bitcast3A_1072, %sub3A_1080 : vector<16xf32>
        %mul3A_1082 = arith.constant 5.000000e-01 : f32
        %mul3A_1083 = vector.broadcast %mul3A_1082 : f32 to vector<16xf32>
        %mul3A_1084 = arith.mulf %mul3A_1083, %max3A_1064 : vector<16xf32>
        %mul3A_1085 = arith.mulf %mul3A_1084, %mul3A_1081 : vector<16xf32>
        %mul3A_1086 = arith.mulf %mul3A_1085, %mul3A_1081 : vector<16xf32>
        %sub3A_1087 = arith.constant 1.500000e+00 : f32
        %sub3A_1088 = vector.broadcast %sub3A_1087 : f32 to vector<16xf32>
        %sub3A_1089 = arith.subf %sub3A_1088, %mul3A_1086 : vector<16xf32>
        %mul3A_1090 = arith.mulf %mul3A_1081, %sub3A_1089 : vector<16xf32>
        %mul3A_1091 = arith.constant 5.000000e-01 : f32
        %mul3A_1092 = vector.broadcast %mul3A_1091 : f32 to vector<16xf32>
        %mul3A_1093 = arith.mulf %mul3A_1092, %max3A_1064 : vector<16xf32>
        %mul3A_1094 = arith.mulf %mul3A_1093, %mul3A_1090 : vector<16xf32>
        %mul3A_1095 = arith.mulf %mul3A_1094, %mul3A_1090 : vector<16xf32>
        %sub3A_1096 = arith.constant 1.500000e+00 : f32
        %sub3A_1097 = vector.broadcast %sub3A_1096 : f32 to vector<16xf32>
        %sub3A_1098 = arith.subf %sub3A_1097, %mul3A_1095 : vector<16xf32>
        %mul3A_1099 = arith.mulf %mul3A_1090, %sub3A_1098 : vector<16xf32>
        %mul3A_1100 = arith.mulf %max3A_1064, %mul3A_1099 : vector<16xf32>
        %mul3A_1101 = vector.broadcast %scan3A_7 : f32 to vector<16xf32>
        %mul3A_1102 = arith.mulf %mul3A_1100, %mul3A_1101 : vector<16xf32>
        %sub3A_1103 = arith.constant 1.000000e+00 : f32
        %sub3A_1104 = vector.broadcast %sub3A_1103 : f32 to vector<16xf32>
        %sub3A_1105 = arith.subf %sub3A_1104, %mul3A_1102 : vector<16xf32>
        %max3A_1106 = arith.constant 0.000000e+00 : f32
        %max3A_1107 = vector.broadcast %max3A_1106 : f32 to vector<16xf32>
        %max3A_1108 = arith.maximumf %max3A_1107, %sub3A_1105 : vector<16xf32>
        %swap3A_1109 = arith.constant 208 : index
        %swap3A_1110 = tpu.vector_load %arg21[%swap3A_1109] {strides = array<i32>} : memref<256xf32, #tpu.memory_space<vmem>>, vector<16xf32>,
        tpu.vector_store %arg21[%swap3A_1109], %max3A_1108 {strides = array<i32>} : memref<256xf32, #tpu.memory_space<vmem>>, vector<16xf32>,
        %get3A_1111 = arith.constant 224 : index
        %get3A_1112 = tpu.vector_load %arg18[%get3A_1111] {strides = array<i32>} : memref<240xf32, #tpu.memory_space<vmem>>, vector<16xf32>,
        %sub3A_1113 = arith.subf %sub3A, %get3A_1112 : vector<16xf32>
        %get3A_1114 = arith.constant 224 : index
        %get3A_1115 = tpu.vector_load %arg19[%get3A_1114] {strides = array<i32>} : memref<240xf32, #tpu.memory_space<vmem>>, vector<16xf32>,
        %sub3A_1116 = arith.subf %sub3A_228, %get3A_1115 : vector<16xf32>
        %get3A_1117 = arith.constant 224 : index
        %get3A_1118 = tpu.vector_load %arg20[%get3A_1117] {strides = array<i32>} : memref<240xf32, #tpu.memory_space<vmem>>, vector<16xf32>,
        %sub3A_1119 = arith.subf %sub3A_231, %get3A_1118 : vector<16xf32>
        %mul3A_1120 = arith.mulf %sub3A_1113, %sub3A_1113 : vector<16xf32>
        %mul3A_1121 = arith.mulf %sub3A_1116, %sub3A_1116 : vector<16xf32>
        %add3A_1122 = arith.addf %mul3A_1120, %mul3A_1121 : vector<16xf32>
        %mul3A_1123 = arith.mulf %sub3A_1119, %sub3A_1119 : vector<16xf32>
        %add3A_1124 = arith.addf %add3A_1122, %mul3A_1123 : vector<16xf32>
        %max3A_1125 = arith.constant 9.99999996E-13 : f32
        %max3A_1126 = vector.broadcast %max3A_1125 : f32 to vector<16xf32>
        %max3A_1127 = arith.maximumf %add3A_1124, %max3A_1126 : vector<16xf32>
        %bitcast3A_1128 = vector.bitcast %max3A_1127 : vector<16xf32> to vector<16xi32>
        %shift_right_arithmetic3A_1129 = arith.constant 1 : i32
        %shift_right_arithmetic3A_1130 = vector.broadcast %shift_right_arithmetic3A_1129 : i32 to vector<16xi32>
        %shift_right_arithmetic3A_1131 = arith.shrsi %bitcast3A_1128, %shift_right_arithmetic3A_1130 : vector<16xi32>
        %sub3A_1132 = arith.constant 1597463007 : i32
        %sub3A_1133 = vector.broadcast %sub3A_1132 : i32 to vector<16xi32>
        %sub3A_1134 = arith.subi %sub3A_1133, %shift_right_arithmetic3A_1131 : vector<16xi32>
        %bitcast3A_1135 = vector.bitcast %sub3A_1134 : vector<16xi32> to vector<16xf32>
        %mul3A_1136 = arith.constant 5.000000e-01 : f32
        %mul3A_1137 = vector.broadcast %mul3A_1136 : f32 to vector<16xf32>
        %mul3A_1138 = arith.mulf %mul3A_1137, %max3A_1127 : vector<16xf32>
        %mul3A_1139 = arith.mulf %mul3A_1138, %bitcast3A_1135 : vector<16xf32>
        %mul3A_1140 = arith.mulf %mul3A_1139, %bitcast3A_1135 : vector<16xf32>
        %sub3A_1141 = arith.constant 1.500000e+00 : f32
        %sub3A_1142 = vector.broadcast %sub3A_1141 : f32 to vector<16xf32>
        %sub3A_1143 = arith.subf %sub3A_1142, %mul3A_1140 : vector<16xf32>
        %mul3A_1144 = arith.mulf %bitcast3A_1135, %sub3A_1143 : vector<16xf32>
        %mul3A_1145 = arith.constant 5.000000e-01 : f32
        %mul3A_1146 = vector.broadcast %mul3A_1145 : f32 to vector<16xf32>
        %mul3A_1147 = arith.mulf %mul3A_1146, %max3A_1127 : vector<16xf32>
        %mul3A_1148 = arith.mulf %mul3A_1147, %mul3A_1144 : vector<16xf32>
        %mul3A_1149 = arith.mulf %mul3A_1148, %mul3A_1144 : vector<16xf32>
        %sub3A_1150 = arith.constant 1.500000e+00 : f32
        %sub3A_1151 = vector.broadcast %sub3A_1150 : f32 to vector<16xf32>
        %sub3A_1152 = arith.subf %sub3A_1151, %mul3A_1149 : vector<16xf32>
        %mul3A_1153 = arith.mulf %mul3A_1144, %sub3A_1152 : vector<16xf32>
        %mul3A_1154 = arith.constant 5.000000e-01 : f32
        %mul3A_1155 = vector.broadcast %mul3A_1154 : f32 to vector<16xf32>
        %mul3A_1156 = arith.mulf %mul3A_1155, %max3A_1127 : vector<16xf32>
        %mul3A_1157 = arith.mulf %mul3A_1156, %mul3A_1153 : vector<16xf32>
        %mul3A_1158 = arith.mulf %mul3A_1157, %mul3A_1153 : vector<16xf32>
        %sub3A_1159 = arith.constant 1.500000e+00 : f32
        %sub3A_1160 = vector.broadcast %sub3A_1159 : f32 to vector<16xf32>
        %sub3A_1161 = arith.subf %sub3A_1160, %mul3A_1158 : vector<16xf32>
        %mul3A_1162 = arith.mulf %mul3A_1153, %sub3A_1161 : vector<16xf32>
        %mul3A_1163 = arith.mulf %max3A_1127, %mul3A_1162 : vector<16xf32>
        %mul3A_1164 = vector.broadcast %scan3A_7 : f32 to vector<16xf32>
        %mul3A_1165 = arith.mulf %mul3A_1163, %mul3A_1164 : vector<16xf32>
        %sub3A_1166 = arith.constant 1.000000e+00 : f32
        %sub3A_1167 = vector.broadcast %sub3A_1166 : f32 to vector<16xf32>
        %sub3A_1168 = arith.subf %sub3A_1167, %mul3A_1165 : vector<16xf32>
        %max3A_1169 = arith.constant 0.000000e+00 : f32
        %max3A_1170 = vector.broadcast %max3A_1169 : f32 to vector<16xf32>
        %max3A_1171 = arith.maximumf %max3A_1170, %sub3A_1168 : vector<16xf32>
        %swap3A_1172 = arith.constant 224 : index
        %swap3A_1173 = tpu.vector_load %arg21[%swap3A_1172] {strides = array<i32>} : memref<256xf32, #tpu.memory_space<vmem>>, vector<16xf32>,
        tpu.vector_store %arg21[%swap3A_1172], %max3A_1171 {strides = array<i32>} : memref<256xf32, #tpu.memory_space<vmem>>, vector<16xf32>,
        %parallel_loop3A = arith.constant 0 : i32
        %parallel_loop3A_1174 = arith.constant 16 : i32
        %parallel_loop3A_1175 = arith.constant 1 : i32
        scf.for %parallel_loop3A_2178 = %parallel_loop3A to %parallel_loop3A_1174 step %parallel_loop3A_1175  : i32 {
          %parallel_loop3A_2179 = arith.constant 0.000000e+00 : f32
          %parallel_loop3A_2180 = vector.broadcast %parallel_loop3A_2179 : f32 to vector<16xf32>
          %parallel_loop3A_2181 = arith.constant 0.000000e+00 : f32
          %parallel_loop3A_2182 = vector.broadcast %parallel_loop3A_2181 : f32 to vector<16xf32>
          %parallel_loop3A_2183 = arith.constant 0.000000e+00 : f32
          %parallel_loop3A_2184 = vector.broadcast %parallel_loop3A_2183 : f32 to vector<16xf32>
          %parallel_loop3A_2185 = arith.constant 0.000000e+00 : f32
          %parallel_loop3A_2186 = vector.broadcast %parallel_loop3A_2185 : f32 to vector<16xf32>
          %parallel_loop3A_2187 = arith.constant 0 : i32
          %parallel_loop3A_2188 = vector.broadcast %parallel_loop3A_2187 : i32 to vector<16xi32>
          %parallel_loop3A_2189 = vector.broadcast %parallel_loop3A_2178 : i32 to vector<16xi32>
          %parallel_loop3A_2190 = arith.addi %parallel_loop3A_2188, %parallel_loop3A_2189 : vector<16xi32>
          %parallel_loop3A_2191 = tpu.vector_load_idx %arg21[%parallel_loop3A_2190] : memref<256xf32, #tpu.memory_space<vmem>>[vector<16xi32>], vector<16xf32>,
          %parallel_loop3A_2192 = arith.constant 16 : i32
          %parallel_loop3A_2193 = vector.broadcast %parallel_loop3A_2192 : i32 to vector<16xi32>
          %parallel_loop3A_2194 = vector.broadcast %parallel_loop3A_2178 : i32 to vector<16xi32>
          %parallel_loop3A_2195 = arith.addi %parallel_loop3A_2193, %parallel_loop3A_2194 : vector<16xi32>
          %parallel_loop3A_2196 = tpu.vector_load_idx %arg21[%parallel_loop3A_2195] : memref<256xf32, #tpu.memory_space<vmem>>[vector<16xi32>], vector<16xf32>,
          %parallel_loop3A_2197 = arith.constant 0 : i32
          %parallel_loop3A_2198 = arith.addi %parallel_loop3A_2197, %parallel_loop3A_2178 : i32
          %parallel_loop3A_2199 = arith.constant 0 : i32
          %parallel_loop3A_2200 = arith.index_cast %parallel_loop3A_2199 : i32 to index
          %parallel_loop3A_2201 = arith.index_cast %parallel_loop3A_2198 : i32 to index
          %parallel_loop3A_2202 = arith.constant 0 : index
          %parallel_loop3A_2203 = tpu.vector_load %arg23[%parallel_loop3A_2200, %parallel_loop3A_2201, %parallel_loop3A_2202] {strides = array<i32>} : memref<2x128x128xbf16, #tpu.memory_space<vmem>>, vector<32xbf16>,
          %parallel_loop3A_2204 = tpu.unpack_subelements %parallel_loop3A_2203, 0 {pack_format = #tpu.pack_format<interleaved>} : vector<32xbf16> -> vector<16xf32>
          %parallel_loop3A_2205 = tpu.unpack_subelements %parallel_loop3A_2203, 1 {pack_format = #tpu.pack_format<interleaved>} : vector<32xbf16> -> vector<16xf32>
          %parallel_loop3A_2206 = arith.mulf %parallel_loop3A_2191, %parallel_loop3A_2204 : vector<16xf32>
          %parallel_loop3A_2207 = arith.addf %parallel_loop3A_2180, %parallel_loop3A_2206 : vector<16xf32>
          %parallel_loop3A_2208 = arith.mulf %parallel_loop3A_2191, %parallel_loop3A_2205 : vector<16xf32>
          %parallel_loop3A_2209 = arith.addf %parallel_loop3A_2182, %parallel_loop3A_2208 : vector<16xf32>
          %parallel_loop3A_2210 = arith.constant 0 : i32
          %parallel_loop3A_2211 = arith.addi %parallel_loop3A_2210, %parallel_loop3A_2178 : i32
          %parallel_loop3A_2212 = arith.constant 0 : i32
          %parallel_loop3A_2213 = arith.index_cast %parallel_loop3A_2212 : i32 to index
          %parallel_loop3A_2214 = arith.index_cast %parallel_loop3A_2211 : i32 to index
          %parallel_loop3A_2215 = arith.constant 32 : index
          %parallel_loop3A_2216 = tpu.vector_load %arg23[%parallel_loop3A_2213, %parallel_loop3A_2214, %parallel_loop3A_2215] {strides = array<i32>} : memref<2x128x128xbf16, #tpu.memory_space<vmem>>, vector<32xbf16>,
          %parallel_loop3A_2217 = tpu.unpack_subelements %parallel_loop3A_2216, 0 {pack_format = #tpu.pack_format<interleaved>} : vector<32xbf16> -> vector<16xf32>
          %parallel_loop3A_2218 = tpu.unpack_subelements %parallel_loop3A_2216, 1 {pack_format = #tpu.pack_format<interleaved>} : vector<32xbf16> -> vector<16xf32>
          %parallel_loop3A_2219 = arith.mulf %parallel_loop3A_2191, %parallel_loop3A_2217 : vector<16xf32>
          %parallel_loop3A_2220 = arith.addf %parallel_loop3A_2184, %parallel_loop3A_2219 : vector<16xf32>
          %parallel_loop3A_2221 = arith.mulf %parallel_loop3A_2191, %parallel_loop3A_2218 : vector<16xf32>
          %parallel_loop3A_2222 = arith.addf %parallel_loop3A_2186, %parallel_loop3A_2221 : vector<16xf32>
          %parallel_loop3A_2223 = arith.constant 0 : i32
          %parallel_loop3A_2224 = arith.addi %parallel_loop3A_2223, %parallel_loop3A_2178 : i32
          %parallel_loop3A_2225 = arith.constant 0 : i32
          %parallel_loop3A_2226 = arith.index_cast %parallel_loop3A_2225 : i32 to index
          %parallel_loop3A_2227 = arith.index_cast %parallel_loop3A_2224 : i32 to index
          %parallel_loop3A_2228 = arith.constant 64 : index
          %parallel_loop3A_2229 = tpu.vector_load %arg23[%parallel_loop3A_2226, %parallel_loop3A_2227, %parallel_loop3A_2228] {strides = array<i32>} : memref<2x128x128xbf16, #tpu.memory_space<vmem>>, vector<32xbf16>,
          %parallel_loop3A_2230 = tpu.unpack_subelements %parallel_loop3A_2229, 0 {pack_format = #tpu.pack_format<interleaved>} : vector<32xbf16> -> vector<16xf32>
          %parallel_loop3A_2231 = tpu.unpack_subelements %parallel_loop3A_2229, 1 {pack_format = #tpu.pack_format<interleaved>} : vector<32xbf16> -> vector<16xf32>
          %parallel_loop3A_2232 = arith.mulf %parallel_loop3A_2196, %parallel_loop3A_2230 : vector<16xf32>
          %parallel_loop3A_2233 = arith.addf %parallel_loop3A_2207, %parallel_loop3A_2232 : vector<16xf32>
          %parallel_loop3A_2234 = arith.mulf %parallel_loop3A_2196, %parallel_loop3A_2231 : vector<16xf32>
          %parallel_loop3A_2235 = arith.addf %parallel_loop3A_2209, %parallel_loop3A_2234 : vector<16xf32>
          %parallel_loop3A_2236 = arith.constant 0 : i32
          %parallel_loop3A_2237 = arith.addi %parallel_loop3A_2236, %parallel_loop3A_2178 : i32
          %parallel_loop3A_2238 = arith.constant 0 : i32
          %parallel_loop3A_2239 = arith.index_cast %parallel_loop3A_2238 : i32 to index
          %parallel_loop3A_2240 = arith.index_cast %parallel_loop3A_2237 : i32 to index
          %parallel_loop3A_2241 = arith.constant 96 : index
          %parallel_loop3A_2242 = tpu.vector_load %arg23[%parallel_loop3A_2239, %parallel_loop3A_2240, %parallel_loop3A_2241] {strides = array<i32>} : memref<2x128x128xbf16, #tpu.memory_space<vmem>>, vector<32xbf16>,
          %parallel_loop3A_2243 = tpu.unpack_subelements %parallel_loop3A_2242, 0 {pack_format = #tpu.pack_format<interleaved>} : vector<32xbf16> -> vector<16xf32>
          %parallel_loop3A_2244 = tpu.unpack_subelements %parallel_loop3A_2242, 1 {pack_format = #tpu.pack_format<interleaved>} : vector<32xbf16> -> vector<16xf32>
          %parallel_loop3A_2245 = arith.mulf %parallel_loop3A_2196, %parallel_loop3A_2243 : vector<16xf32>
          %parallel_loop3A_2246 = arith.addf %parallel_loop3A_2220, %parallel_loop3A_2245 : vector<16xf32>
          %parallel_loop3A_2247 = arith.mulf %parallel_loop3A_2196, %parallel_loop3A_2244 : vector<16xf32>
          %parallel_loop3A_2248 = arith.addf %parallel_loop3A_2222, %parallel_loop3A_2247 : vector<16xf32>
          %parallel_loop3A_2249 = arith.constant 32 : i32
          %parallel_loop3A_2250 = vector.broadcast %parallel_loop3A_2249 : i32 to vector<16xi32>
          %parallel_loop3A_2251 = vector.broadcast %parallel_loop3A_2178 : i32 to vector<16xi32>
          %parallel_loop3A_2252 = arith.addi %parallel_loop3A_2250, %parallel_loop3A_2251 : vector<16xi32>
          %parallel_loop3A_2253 = tpu.vector_load_idx %arg21[%parallel_loop3A_2252] : memref<256xf32, #tpu.memory_space<vmem>>[vector<16xi32>], vector<16xf32>,
          %parallel_loop3A_2254 = arith.constant 48 : i32
          %parallel_loop3A_2255 = vector.broadcast %parallel_loop3A_2254 : i32 to vector<16xi32>
          %parallel_loop3A_2256 = vector.broadcast %parallel_loop3A_2178 : i32 to vector<16xi32>
          %parallel_loop3A_2257 = arith.addi %parallel_loop3A_2255, %parallel_loop3A_2256 : vector<16xi32>
          %parallel_loop3A_2258 = tpu.vector_load_idx %arg21[%parallel_loop3A_2257] : memref<256xf32, #tpu.memory_space<vmem>>[vector<16xi32>], vector<16xf32>,
          %parallel_loop3A_2259 = arith.constant 16 : i32
          %parallel_loop3A_2260 = arith.addi %parallel_loop3A_2259, %parallel_loop3A_2178 : i32
          %parallel_loop3A_2261 = arith.constant 0 : i32
          %parallel_loop3A_2262 = arith.index_cast %parallel_loop3A_2261 : i32 to index
          %parallel_loop3A_2263 = arith.index_cast %parallel_loop3A_2260 : i32 to index
          %parallel_loop3A_2264 = arith.constant 0 : index
          %parallel_loop3A_2265 = tpu.vector_load %arg23[%parallel_loop3A_2262, %parallel_loop3A_2263, %parallel_loop3A_2264] {strides = array<i32>} : memref<2x128x128xbf16, #tpu.memory_space<vmem>>, vector<32xbf16>,
          %parallel_loop3A_2266 = tpu.unpack_subelements %parallel_loop3A_2265, 0 {pack_format = #tpu.pack_format<interleaved>} : vector<32xbf16> -> vector<16xf32>
          %parallel_loop3A_2267 = tpu.unpack_subelements %parallel_loop3A_2265, 1 {pack_format = #tpu.pack_format<interleaved>} : vector<32xbf16> -> vector<16xf32>
          %parallel_loop3A_2268 = arith.mulf %parallel_loop3A_2253, %parallel_loop3A_2266 : vector<16xf32>
          %parallel_loop3A_2269 = arith.addf %parallel_loop3A_2233, %parallel_loop3A_2268 : vector<16xf32>
          %parallel_loop3A_2270 = arith.mulf %parallel_loop3A_2253, %parallel_loop3A_2267 : vector<16xf32>
          %parallel_loop3A_2271 = arith.addf %parallel_loop3A_2235, %parallel_loop3A_2270 : vector<16xf32>
          %parallel_loop3A_2272 = arith.constant 16 : i32
          %parallel_loop3A_2273 = arith.addi %parallel_loop3A_2272, %parallel_loop3A_2178 : i32
          %parallel_loop3A_2274 = arith.constant 0 : i32
          %parallel_loop3A_2275 = arith.index_cast %parallel_loop3A_2274 : i32 to index
          %parallel_loop3A_2276 = arith.index_cast %parallel_loop3A_2273 : i32 to index
          %parallel_loop3A_2277 = arith.constant 32 : index
          %parallel_loop3A_2278 = tpu.vector_load %arg23[%parallel_loop3A_2275, %parallel_loop3A_2276, %parallel_loop3A_2277] {strides = array<i32>} : memref<2x128x128xbf16, #tpu.memory_space<vmem>>, vector<32xbf16>,
          %parallel_loop3A_2279 = tpu.unpack_subelements %parallel_loop3A_2278, 0 {pack_format = #tpu.pack_format<interleaved>} : vector<32xbf16> -> vector<16xf32>
          %parallel_loop3A_2280 = tpu.unpack_subelements %parallel_loop3A_2278, 1 {pack_format = #tpu.pack_format<interleaved>} : vector<32xbf16> -> vector<16xf32>
          %parallel_loop3A_2281 = arith.mulf %parallel_loop3A_2253, %parallel_loop3A_2279 : vector<16xf32>
          %parallel_loop3A_2282 = arith.addf %parallel_loop3A_2246, %parallel_loop3A_2281 : vector<16xf32>
          %parallel_loop3A_2283 = arith.mulf %parallel_loop3A_2253, %parallel_loop3A_2280 : vector<16xf32>
          %parallel_loop3A_2284 = arith.addf %parallel_loop3A_2248, %parallel_loop3A_2283 : vector<16xf32>
          %parallel_loop3A_2285 = arith.constant 16 : i32
          %parallel_loop3A_2286 = arith.addi %parallel_loop3A_2285, %parallel_loop3A_2178 : i32
          %parallel_loop3A_2287 = arith.constant 0 : i32
          %parallel_loop3A_2288 = arith.index_cast %parallel_loop3A_2287 : i32 to index
          %parallel_loop3A_2289 = arith.index_cast %parallel_loop3A_2286 : i32 to index
          %parallel_loop3A_2290 = arith.constant 64 : index
          %parallel_loop3A_2291 = tpu.vector_load %arg23[%parallel_loop3A_2288, %parallel_loop3A_2289, %parallel_loop3A_2290] {strides = array<i32>} : memref<2x128x128xbf16, #tpu.memory_space<vmem>>, vector<32xbf16>,
          %parallel_loop3A_2292 = tpu.unpack_subelements %parallel_loop3A_2291, 0 {pack_format = #tpu.pack_format<interleaved>} : vector<32xbf16> -> vector<16xf32>
          %parallel_loop3A_2293 = tpu.unpack_subelements %parallel_loop3A_2291, 1 {pack_format = #tpu.pack_format<interleaved>} : vector<32xbf16> -> vector<16xf32>
          %parallel_loop3A_2294 = arith.mulf %parallel_loop3A_2258, %parallel_loop3A_2292 : vector<16xf32>
          %parallel_loop3A_2295 = arith.addf %parallel_loop3A_2269, %parallel_loop3A_2294 : vector<16xf32>
          %parallel_loop3A_2296 = arith.mulf %parallel_loop3A_2258, %parallel_loop3A_2293 : vector<16xf32>
          %parallel_loop3A_2297 = arith.addf %parallel_loop3A_2271, %parallel_loop3A_2296 : vector<16xf32>
          %parallel_loop3A_2298 = arith.constant 16 : i32
          %parallel_loop3A_2299 = arith.addi %parallel_loop3A_2298, %parallel_loop3A_2178 : i32
          %parallel_loop3A_2300 = arith.constant 0 : i32
          %parallel_loop3A_2301 = arith.index_cast %parallel_loop3A_2300 : i32 to index
          %parallel_loop3A_2302 = arith.index_cast %parallel_loop3A_2299 : i32 to index
          %parallel_loop3A_2303 = arith.constant 96 : index
          %parallel_loop3A_2304 = tpu.vector_load %arg23[%parallel_loop3A_2301, %parallel_loop3A_2302, %parallel_loop3A_2303] {strides = array<i32>} : memref<2x128x128xbf16, #tpu.memory_space<vmem>>, vector<32xbf16>,
          %parallel_loop3A_2305 = tpu.unpack_subelements %parallel_loop3A_2304, 0 {pack_format = #tpu.pack_format<interleaved>} : vector<32xbf16> -> vector<16xf32>
          %parallel_loop3A_2306 = tpu.unpack_subelements %parallel_loop3A_2304, 1 {pack_format = #tpu.pack_format<interleaved>} : vector<32xbf16> -> vector<16xf32>
          %parallel_loop3A_2307 = arith.mulf %parallel_loop3A_2258, %parallel_loop3A_2305 : vector<16xf32>
          %parallel_loop3A_2308 = arith.addf %parallel_loop3A_2282, %parallel_loop3A_2307 : vector<16xf32>
          %parallel_loop3A_2309 = arith.mulf %parallel_loop3A_2258, %parallel_loop3A_2306 : vector<16xf32>
          %parallel_loop3A_2310 = arith.addf %parallel_loop3A_2284, %parallel_loop3A_2309 : vector<16xf32>
          %parallel_loop3A_2311 = arith.constant 64 : i32
          %parallel_loop3A_2312 = vector.broadcast %parallel_loop3A_2311 : i32 to vector<16xi32>
          %parallel_loop3A_2313 = vector.broadcast %parallel_loop3A_2178 : i32 to vector<16xi32>
          %parallel_loop3A_2314 = arith.addi %parallel_loop3A_2312, %parallel_loop3A_2313 : vector<16xi32>
          %parallel_loop3A_2315 = tpu.vector_load_idx %arg21[%parallel_loop3A_2314] : memref<256xf32, #tpu.memory_space<vmem>>[vector<16xi32>], vector<16xf32>,
          %parallel_loop3A_2316 = arith.constant 80 : i32
          %parallel_loop3A_2317 = vector.broadcast %parallel_loop3A_2316 : i32 to vector<16xi32>
          %parallel_loop3A_2318 = vector.broadcast %parallel_loop3A_2178 : i32 to vector<16xi32>
          %parallel_loop3A_2319 = arith.addi %parallel_loop3A_2317, %parallel_loop3A_2318 : vector<16xi32>
          %parallel_loop3A_2320 = tpu.vector_load_idx %arg21[%parallel_loop3A_2319] : memref<256xf32, #tpu.memory_space<vmem>>[vector<16xi32>], vector<16xf32>,
          %parallel_loop3A_2321 = arith.constant 32 : i32
          %parallel_loop3A_2322 = arith.addi %parallel_loop3A_2321, %parallel_loop3A_2178 : i32
          %parallel_loop3A_2323 = arith.constant 0 : i32
          %parallel_loop3A_2324 = arith.index_cast %parallel_loop3A_2323 : i32 to index
          %parallel_loop3A_2325 = arith.index_cast %parallel_loop3A_2322 : i32 to index
          %parallel_loop3A_2326 = arith.constant 0 : index
          %parallel_loop3A_2327 = tpu.vector_load %arg23[%parallel_loop3A_2324, %parallel_loop3A_2325, %parallel_loop3A_2326] {strides = array<i32>} : memref<2x128x128xbf16, #tpu.memory_space<vmem>>, vector<32xbf16>,
          %parallel_loop3A_2328 = tpu.unpack_subelements %parallel_loop3A_2327, 0 {pack_format = #tpu.pack_format<interleaved>} : vector<32xbf16> -> vector<16xf32>
          %parallel_loop3A_2329 = tpu.unpack_subelements %parallel_loop3A_2327, 1 {pack_format = #tpu.pack_format<interleaved>} : vector<32xbf16> -> vector<16xf32>
          %parallel_loop3A_2330 = arith.mulf %parallel_loop3A_2315, %parallel_loop3A_2328 : vector<16xf32>
          %parallel_loop3A_2331 = arith.addf %parallel_loop3A_2295, %parallel_loop3A_2330 : vector<16xf32>
          %parallel_loop3A_2332 = arith.mulf %parallel_loop3A_2315, %parallel_loop3A_2329 : vector<16xf32>
          %parallel_loop3A_2333 = arith.addf %parallel_loop3A_2297, %parallel_loop3A_2332 : vector<16xf32>
          %parallel_loop3A_2334 = arith.constant 32 : i32
          %parallel_loop3A_2335 = arith.addi %parallel_loop3A_2334, %parallel_loop3A_2178 : i32
          %parallel_loop3A_2336 = arith.constant 0 : i32
          %parallel_loop3A_2337 = arith.index_cast %parallel_loop3A_2336 : i32 to index
          %parallel_loop3A_2338 = arith.index_cast %parallel_loop3A_2335 : i32 to index
          %parallel_loop3A_2339 = arith.constant 32 : index
          %parallel_loop3A_2340 = tpu.vector_load %arg23[%parallel_loop3A_2337, %parallel_loop3A_2338, %parallel_loop3A_2339] {strides = array<i32>} : memref<2x128x128xbf16, #tpu.memory_space<vmem>>, vector<32xbf16>,
          %parallel_loop3A_2341 = tpu.unpack_subelements %parallel_loop3A_2340, 0 {pack_format = #tpu.pack_format<interleaved>} : vector<32xbf16> -> vector<16xf32>
          %parallel_loop3A_2342 = tpu.unpack_subelements %parallel_loop3A_2340, 1 {pack_format = #tpu.pack_format<interleaved>} : vector<32xbf16> -> vector<16xf32>
          %parallel_loop3A_2343 = arith.mulf %parallel_loop3A_2315, %parallel_loop3A_2341 : vector<16xf32>
          %parallel_loop3A_2344 = arith.addf %parallel_loop3A_2308, %parallel_loop3A_2343 : vector<16xf32>
          %parallel_loop3A_2345 = arith.mulf %parallel_loop3A_2315, %parallel_loop3A_2342 : vector<16xf32>
          %parallel_loop3A_2346 = arith.addf %parallel_loop3A_2310, %parallel_loop3A_2345 : vector<16xf32>
          %parallel_loop3A_2347 = arith.constant 32 : i32
          %parallel_loop3A_2348 = arith.addi %parallel_loop3A_2347, %parallel_loop3A_2178 : i32
          %parallel_loop3A_2349 = arith.constant 0 : i32
          %parallel_loop3A_2350 = arith.index_cast %parallel_loop3A_2349 : i32 to index
          %parallel_loop3A_2351 = arith.index_cast %parallel_loop3A_2348 : i32 to index
          %parallel_loop3A_2352 = arith.constant 64 : index
          %parallel_loop3A_2353 = tpu.vector_load %arg23[%parallel_loop3A_2350, %parallel_loop3A_2351, %parallel_loop3A_2352] {strides = array<i32>} : memref<2x128x128xbf16, #tpu.memory_space<vmem>>, vector<32xbf16>,
          %parallel_loop3A_2354 = tpu.unpack_subelements %parallel_loop3A_2353, 0 {pack_format = #tpu.pack_format<interleaved>} : vector<32xbf16> -> vector<16xf32>
          %parallel_loop3A_2355 = tpu.unpack_subelements %parallel_loop3A_2353, 1 {pack_format = #tpu.pack_format<interleaved>} : vector<32xbf16> -> vector<16xf32>
          %parallel_loop3A_2356 = arith.mulf %parallel_loop3A_2320, %parallel_loop3A_2354 : vector<16xf32>
          %parallel_loop3A_2357 = arith.addf %parallel_loop3A_2331, %parallel_loop3A_2356 : vector<16xf32>
          %parallel_loop3A_2358 = arith.mulf %parallel_loop3A_2320, %parallel_loop3A_2355 : vector<16xf32>
          %parallel_loop3A_2359 = arith.addf %parallel_loop3A_2333, %parallel_loop3A_2358 : vector<16xf32>
          %parallel_loop3A_2360 = arith.constant 32 : i32
          %parallel_loop3A_2361 = arith.addi %parallel_loop3A_2360, %parallel_loop3A_2178 : i32
          %parallel_loop3A_2362 = arith.constant 0 : i32
          %parallel_loop3A_2363 = arith.index_cast %parallel_loop3A_2362 : i32 to index
          %parallel_loop3A_2364 = arith.index_cast %parallel_loop3A_2361 : i32 to index
          %parallel_loop3A_2365 = arith.constant 96 : index
          %parallel_loop3A_2366 = tpu.vector_load %arg23[%parallel_loop3A_2363, %parallel_loop3A_2364, %parallel_loop3A_2365] {strides = array<i32>} : memref<2x128x128xbf16, #tpu.memory_space<vmem>>, vector<32xbf16>,
          %parallel_loop3A_2367 = tpu.unpack_subelements %parallel_loop3A_2366, 0 {pack_format = #tpu.pack_format<interleaved>} : vector<32xbf16> -> vector<16xf32>
          %parallel_loop3A_2368 = tpu.unpack_subelements %parallel_loop3A_2366, 1 {pack_format = #tpu.pack_format<interleaved>} : vector<32xbf16> -> vector<16xf32>
          %parallel_loop3A_2369 = arith.mulf %parallel_loop3A_2320, %parallel_loop3A_2367 : vector<16xf32>
          %parallel_loop3A_2370 = arith.addf %parallel_loop3A_2344, %parallel_loop3A_2369 : vector<16xf32>
          %parallel_loop3A_2371 = arith.mulf %parallel_loop3A_2320, %parallel_loop3A_2368 : vector<16xf32>
          %parallel_loop3A_2372 = arith.addf %parallel_loop3A_2346, %parallel_loop3A_2371 : vector<16xf32>
          %parallel_loop3A_2373 = arith.constant 96 : i32
          %parallel_loop3A_2374 = vector.broadcast %parallel_loop3A_2373 : i32 to vector<16xi32>
          %parallel_loop3A_2375 = vector.broadcast %parallel_loop3A_2178 : i32 to vector<16xi32>
          %parallel_loop3A_2376 = arith.addi %parallel_loop3A_2374, %parallel_loop3A_2375 : vector<16xi32>
          %parallel_loop3A_2377 = tpu.vector_load_idx %arg21[%parallel_loop3A_2376] : memref<256xf32, #tpu.memory_space<vmem>>[vector<16xi32>], vector<16xf32>,
          %parallel_loop3A_2378 = arith.constant 112 : i32
          %parallel_loop3A_2379 = vector.broadcast %parallel_loop3A_2378 : i32 to vector<16xi32>
          %parallel_loop3A_2380 = vector.broadcast %parallel_loop3A_2178 : i32 to vector<16xi32>
          %parallel_loop3A_2381 = arith.addi %parallel_loop3A_2379, %parallel_loop3A_2380 : vector<16xi32>
          %parallel_loop3A_2382 = tpu.vector_load_idx %arg21[%parallel_loop3A_2381] : memref<256xf32, #tpu.memory_space<vmem>>[vector<16xi32>], vector<16xf32>,
          %parallel_loop3A_2383 = arith.constant 48 : i32
          %parallel_loop3A_2384 = arith.addi %parallel_loop3A_2383, %parallel_loop3A_2178 : i32
          %parallel_loop3A_2385 = arith.constant 0 : i32
          %parallel_loop3A_2386 = arith.index_cast %parallel_loop3A_2385 : i32 to index
          %parallel_loop3A_2387 = arith.index_cast %parallel_loop3A_2384 : i32 to index
          %parallel_loop3A_2388 = arith.constant 0 : index
          %parallel_loop3A_2389 = tpu.vector_load %arg23[%parallel_loop3A_2386, %parallel_loop3A_2387, %parallel_loop3A_2388] {strides = array<i32>} : memref<2x128x128xbf16, #tpu.memory_space<vmem>>, vector<32xbf16>,
          %parallel_loop3A_2390 = tpu.unpack_subelements %parallel_loop3A_2389, 0 {pack_format = #tpu.pack_format<interleaved>} : vector<32xbf16> -> vector<16xf32>
          %parallel_loop3A_2391 = tpu.unpack_subelements %parallel_loop3A_2389, 1 {pack_format = #tpu.pack_format<interleaved>} : vector<32xbf16> -> vector<16xf32>
          %parallel_loop3A_2392 = arith.mulf %parallel_loop3A_2377, %parallel_loop3A_2390 : vector<16xf32>
          %parallel_loop3A_2393 = arith.addf %parallel_loop3A_2357, %parallel_loop3A_2392 : vector<16xf32>
          %parallel_loop3A_2394 = arith.mulf %parallel_loop3A_2377, %parallel_loop3A_2391 : vector<16xf32>
          %parallel_loop3A_2395 = arith.addf %parallel_loop3A_2359, %parallel_loop3A_2394 : vector<16xf32>
          %parallel_loop3A_2396 = arith.constant 48 : i32
          %parallel_loop3A_2397 = arith.addi %parallel_loop3A_2396, %parallel_loop3A_2178 : i32
          %parallel_loop3A_2398 = arith.constant 0 : i32
          %parallel_loop3A_2399 = arith.index_cast %parallel_loop3A_2398 : i32 to index
          %parallel_loop3A_2400 = arith.index_cast %parallel_loop3A_2397 : i32 to index
          %parallel_loop3A_2401 = arith.constant 32 : index
          %parallel_loop3A_2402 = tpu.vector_load %arg23[%parallel_loop3A_2399, %parallel_loop3A_2400, %parallel_loop3A_2401] {strides = array<i32>} : memref<2x128x128xbf16, #tpu.memory_space<vmem>>, vector<32xbf16>,
          %parallel_loop3A_2403 = tpu.unpack_subelements %parallel_loop3A_2402, 0 {pack_format = #tpu.pack_format<interleaved>} : vector<32xbf16> -> vector<16xf32>
          %parallel_loop3A_2404 = tpu.unpack_subelements %parallel_loop3A_2402, 1 {pack_format = #tpu.pack_format<interleaved>} : vector<32xbf16> -> vector<16xf32>
          %parallel_loop3A_2405 = arith.mulf %parallel_loop3A_2377, %parallel_loop3A_2403 : vector<16xf32>
          %parallel_loop3A_2406 = arith.addf %parallel_loop3A_2370, %parallel_loop3A_2405 : vector<16xf32>
          %parallel_loop3A_2407 = arith.mulf %parallel_loop3A_2377, %parallel_loop3A_2404 : vector<16xf32>
          %parallel_loop3A_2408 = arith.addf %parallel_loop3A_2372, %parallel_loop3A_2407 : vector<16xf32>
          %parallel_loop3A_2409 = arith.constant 48 : i32
          %parallel_loop3A_2410 = arith.addi %parallel_loop3A_2409, %parallel_loop3A_2178 : i32
          %parallel_loop3A_2411 = arith.constant 0 : i32
          %parallel_loop3A_2412 = arith.index_cast %parallel_loop3A_2411 : i32 to index
          %parallel_loop3A_2413 = arith.index_cast %parallel_loop3A_2410 : i32 to index
          %parallel_loop3A_2414 = arith.constant 64 : index
          %parallel_loop3A_2415 = tpu.vector_load %arg23[%parallel_loop3A_2412, %parallel_loop3A_2413, %parallel_loop3A_2414] {strides = array<i32>} : memref<2x128x128xbf16, #tpu.memory_space<vmem>>, vector<32xbf16>,
          %parallel_loop3A_2416 = tpu.unpack_subelements %parallel_loop3A_2415, 0 {pack_format = #tpu.pack_format<interleaved>} : vector<32xbf16> -> vector<16xf32>
          %parallel_loop3A_2417 = tpu.unpack_subelements %parallel_loop3A_2415, 1 {pack_format = #tpu.pack_format<interleaved>} : vector<32xbf16> -> vector<16xf32>
          %parallel_loop3A_2418 = arith.mulf %parallel_loop3A_2382, %parallel_loop3A_2416 : vector<16xf32>
          %parallel_loop3A_2419 = arith.addf %parallel_loop3A_2393, %parallel_loop3A_2418 : vector<16xf32>
          %parallel_loop3A_2420 = arith.mulf %parallel_loop3A_2382, %parallel_loop3A_2417 : vector<16xf32>
          %parallel_loop3A_2421 = arith.addf %parallel_loop3A_2395, %parallel_loop3A_2420 : vector<16xf32>
          %parallel_loop3A_2422 = arith.constant 48 : i32
          %parallel_loop3A_2423 = arith.addi %parallel_loop3A_2422, %parallel_loop3A_2178 : i32
          %parallel_loop3A_2424 = arith.constant 0 : i32
          %parallel_loop3A_2425 = arith.index_cast %parallel_loop3A_2424 : i32 to index
          %parallel_loop3A_2426 = arith.index_cast %parallel_loop3A_2423 : i32 to index
          %parallel_loop3A_2427 = arith.constant 96 : index
          %parallel_loop3A_2428 = tpu.vector_load %arg23[%parallel_loop3A_2425, %parallel_loop3A_2426, %parallel_loop3A_2427] {strides = array<i32>} : memref<2x128x128xbf16, #tpu.memory_space<vmem>>, vector<32xbf16>,
          %parallel_loop3A_2429 = tpu.unpack_subelements %parallel_loop3A_2428, 0 {pack_format = #tpu.pack_format<interleaved>} : vector<32xbf16> -> vector<16xf32>
          %parallel_loop3A_2430 = tpu.unpack_subelements %parallel_loop3A_2428, 1 {pack_format = #tpu.pack_format<interleaved>} : vector<32xbf16> -> vector<16xf32>
          %parallel_loop3A_2431 = arith.mulf %parallel_loop3A_2382, %parallel_loop3A_2429 : vector<16xf32>
          %parallel_loop3A_2432 = arith.addf %parallel_loop3A_2406, %parallel_loop3A_2431 : vector<16xf32>
          %parallel_loop3A_2433 = arith.mulf %parallel_loop3A_2382, %parallel_loop3A_2430 : vector<16xf32>
          %parallel_loop3A_2434 = arith.addf %parallel_loop3A_2408, %parallel_loop3A_2433 : vector<16xf32>
          %parallel_loop3A_2435 = arith.constant 128 : i32
          %parallel_loop3A_2436 = vector.broadcast %parallel_loop3A_2435 : i32 to vector<16xi32>
          %parallel_loop3A_2437 = vector.broadcast %parallel_loop3A_2178 : i32 to vector<16xi32>
          %parallel_loop3A_2438 = arith.addi %parallel_loop3A_2436, %parallel_loop3A_2437 : vector<16xi32>
          %parallel_loop3A_2439 = tpu.vector_load_idx %arg21[%parallel_loop3A_2438] : memref<256xf32, #tpu.memory_space<vmem>>[vector<16xi32>], vector<16xf32>,
          %parallel_loop3A_2440 = arith.constant 144 : i32
          %parallel_loop3A_2441 = vector.broadcast %parallel_loop3A_2440 : i32 to vector<16xi32>
          %parallel_loop3A_2442 = vector.broadcast %parallel_loop3A_2178 : i32 to vector<16xi32>
          %parallel_loop3A_2443 = arith.addi %parallel_loop3A_2441, %parallel_loop3A_2442 : vector<16xi32>
          %parallel_loop3A_2444 = tpu.vector_load_idx %arg21[%parallel_loop3A_2443] : memref<256xf32, #tpu.memory_space<vmem>>[vector<16xi32>], vector<16xf32>,
          %parallel_loop3A_2445 = arith.constant 64 : i32
          %parallel_loop3A_2446 = arith.addi %parallel_loop3A_2445, %parallel_loop3A_2178 : i32
          %parallel_loop3A_2447 = arith.constant 0 : i32
          %parallel_loop3A_2448 = arith.index_cast %parallel_loop3A_2447 : i32 to index
          %parallel_loop3A_2449 = arith.index_cast %parallel_loop3A_2446 : i32 to index
          %parallel_loop3A_2450 = arith.constant 0 : index
          %parallel_loop3A_2451 = tpu.vector_load %arg23[%parallel_loop3A_2448, %parallel_loop3A_2449, %parallel_loop3A_2450] {strides = array<i32>} : memref<2x128x128xbf16, #tpu.memory_space<vmem>>, vector<32xbf16>,
          %parallel_loop3A_2452 = tpu.unpack_subelements %parallel_loop3A_2451, 0 {pack_format = #tpu.pack_format<interleaved>} : vector<32xbf16> -> vector<16xf32>
          %parallel_loop3A_2453 = tpu.unpack_subelements %parallel_loop3A_2451, 1 {pack_format = #tpu.pack_format<interleaved>} : vector<32xbf16> -> vector<16xf32>
          %parallel_loop3A_2454 = arith.mulf %parallel_loop3A_2439, %parallel_loop3A_2452 : vector<16xf32>
          %parallel_loop3A_2455 = arith.addf %parallel_loop3A_2419, %parallel_loop3A_2454 : vector<16xf32>
          %parallel_loop3A_2456 = arith.mulf %parallel_loop3A_2439, %parallel_loop3A_2453 : vector<16xf32>
          %parallel_loop3A_2457 = arith.addf %parallel_loop3A_2421, %parallel_loop3A_2456 : vector<16xf32>
          %parallel_loop3A_2458 = arith.constant 64 : i32
          %parallel_loop3A_2459 = arith.addi %parallel_loop3A_2458, %parallel_loop3A_2178 : i32
          %parallel_loop3A_2460 = arith.constant 0 : i32
          %parallel_loop3A_2461 = arith.index_cast %parallel_loop3A_2460 : i32 to index
          %parallel_loop3A_2462 = arith.index_cast %parallel_loop3A_2459 : i32 to index
          %parallel_loop3A_2463 = arith.constant 32 : index
          %parallel_loop3A_2464 = tpu.vector_load %arg23[%parallel_loop3A_2461, %parallel_loop3A_2462, %parallel_loop3A_2463] {strides = array<i32>} : memref<2x128x128xbf16, #tpu.memory_space<vmem>>, vector<32xbf16>,
          %parallel_loop3A_2465 = tpu.unpack_subelements %parallel_loop3A_2464, 0 {pack_format = #tpu.pack_format<interleaved>} : vector<32xbf16> -> vector<16xf32>
          %parallel_loop3A_2466 = tpu.unpack_subelements %parallel_loop3A_2464, 1 {pack_format = #tpu.pack_format<interleaved>} : vector<32xbf16> -> vector<16xf32>
          %parallel_loop3A_2467 = arith.mulf %parallel_loop3A_2439, %parallel_loop3A_2465 : vector<16xf32>
          %parallel_loop3A_2468 = arith.addf %parallel_loop3A_2432, %parallel_loop3A_2467 : vector<16xf32>
          %parallel_loop3A_2469 = arith.mulf %parallel_loop3A_2439, %parallel_loop3A_2466 : vector<16xf32>
          %parallel_loop3A_2470 = arith.addf %parallel_loop3A_2434, %parallel_loop3A_2469 : vector<16xf32>
          %parallel_loop3A_2471 = arith.constant 64 : i32
          %parallel_loop3A_2472 = arith.addi %parallel_loop3A_2471, %parallel_loop3A_2178 : i32
          %parallel_loop3A_2473 = arith.constant 0 : i32
          %parallel_loop3A_2474 = arith.index_cast %parallel_loop3A_2473 : i32 to index
          %parallel_loop3A_2475 = arith.index_cast %parallel_loop3A_2472 : i32 to index
          %parallel_loop3A_2476 = arith.constant 64 : index
          %parallel_loop3A_2477 = tpu.vector_load %arg23[%parallel_loop3A_2474, %parallel_loop3A_2475, %parallel_loop3A_2476] {strides = array<i32>} : memref<2x128x128xbf16, #tpu.memory_space<vmem>>, vector<32xbf16>,
          %parallel_loop3A_2478 = tpu.unpack_subelements %parallel_loop3A_2477, 0 {pack_format = #tpu.pack_format<interleaved>} : vector<32xbf16> -> vector<16xf32>
          %parallel_loop3A_2479 = tpu.unpack_subelements %parallel_loop3A_2477, 1 {pack_format = #tpu.pack_format<interleaved>} : vector<32xbf16> -> vector<16xf32>
          %parallel_loop3A_2480 = arith.mulf %parallel_loop3A_2444, %parallel_loop3A_2478 : vector<16xf32>
          %parallel_loop3A_2481 = arith.addf %parallel_loop3A_2455, %parallel_loop3A_2480 : vector<16xf32>
          %parallel_loop3A_2482 = arith.mulf %parallel_loop3A_2444, %parallel_loop3A_2479 : vector<16xf32>
          %parallel_loop3A_2483 = arith.addf %parallel_loop3A_2457, %parallel_loop3A_2482 : vector<16xf32>
          %parallel_loop3A_2484 = arith.constant 64 : i32
          %parallel_loop3A_2485 = arith.addi %parallel_loop3A_2484, %parallel_loop3A_2178 : i32
          %parallel_loop3A_2486 = arith.constant 0 : i32
          %parallel_loop3A_2487 = arith.index_cast %parallel_loop3A_2486 : i32 to index
          %parallel_loop3A_2488 = arith.index_cast %parallel_loop3A_2485 : i32 to index
          %parallel_loop3A_2489 = arith.constant 96 : index
          %parallel_loop3A_2490 = tpu.vector_load %arg23[%parallel_loop3A_2487, %parallel_loop3A_2488, %parallel_loop3A_2489] {strides = array<i32>} : memref<2x128x128xbf16, #tpu.memory_space<vmem>>, vector<32xbf16>,
          %parallel_loop3A_2491 = tpu.unpack_subelements %parallel_loop3A_2490, 0 {pack_format = #tpu.pack_format<interleaved>} : vector<32xbf16> -> vector<16xf32>
          %parallel_loop3A_2492 = tpu.unpack_subelements %parallel_loop3A_2490, 1 {pack_format = #tpu.pack_format<interleaved>} : vector<32xbf16> -> vector<16xf32>
          %parallel_loop3A_2493 = arith.mulf %parallel_loop3A_2444, %parallel_loop3A_2491 : vector<16xf32>
          %parallel_loop3A_2494 = arith.addf %parallel_loop3A_2468, %parallel_loop3A_2493 : vector<16xf32>
          %parallel_loop3A_2495 = arith.mulf %parallel_loop3A_2444, %parallel_loop3A_2492 : vector<16xf32>
          %parallel_loop3A_2496 = arith.addf %parallel_loop3A_2470, %parallel_loop3A_2495 : vector<16xf32>
          %parallel_loop3A_2497 = arith.constant 160 : i32
          %parallel_loop3A_2498 = vector.broadcast %parallel_loop3A_2497 : i32 to vector<16xi32>
          %parallel_loop3A_2499 = vector.broadcast %parallel_loop3A_2178 : i32 to vector<16xi32>
          %parallel_loop3A_2500 = arith.addi %parallel_loop3A_2498, %parallel_loop3A_2499 : vector<16xi32>
          %parallel_loop3A_2501 = tpu.vector_load_idx %arg21[%parallel_loop3A_2500] : memref<256xf32, #tpu.memory_space<vmem>>[vector<16xi32>], vector<16xf32>,
          %parallel_loop3A_2502 = arith.constant 176 : i32
          %parallel_loop3A_2503 = vector.broadcast %parallel_loop3A_2502 : i32 to vector<16xi32>
          %parallel_loop3A_2504 = vector.broadcast %parallel_loop3A_2178 : i32 to vector<16xi32>
          %parallel_loop3A_2505 = arith.addi %parallel_loop3A_2503, %parallel_loop3A_2504 : vector<16xi32>
          %parallel_loop3A_2506 = tpu.vector_load_idx %arg21[%parallel_loop3A_2505] : memref<256xf32, #tpu.memory_space<vmem>>[vector<16xi32>], vector<16xf32>,
          %parallel_loop3A_2507 = arith.constant 80 : i32
          %parallel_loop3A_2508 = arith.addi %parallel_loop3A_2507, %parallel_loop3A_2178 : i32
          %parallel_loop3A_2509 = arith.constant 0 : i32
          %parallel_loop3A_2510 = arith.index_cast %parallel_loop3A_2509 : i32 to index
          %parallel_loop3A_2511 = arith.index_cast %parallel_loop3A_2508 : i32 to index
          %parallel_loop3A_2512 = arith.constant 0 : index
          %parallel_loop3A_2513 = tpu.vector_load %arg23[%parallel_loop3A_2510, %parallel_loop3A_2511, %parallel_loop3A_2512] {strides = array<i32>} : memref<2x128x128xbf16, #tpu.memory_space<vmem>>, vector<32xbf16>,
          %parallel_loop3A_2514 = tpu.unpack_subelements %parallel_loop3A_2513, 0 {pack_format = #tpu.pack_format<interleaved>} : vector<32xbf16> -> vector<16xf32>
          %parallel_loop3A_2515 = tpu.unpack_subelements %parallel_loop3A_2513, 1 {pack_format = #tpu.pack_format<interleaved>} : vector<32xbf16> -> vector<16xf32>
          %parallel_loop3A_2516 = arith.mulf %parallel_loop3A_2501, %parallel_loop3A_2514 : vector<16xf32>
          %parallel_loop3A_2517 = arith.addf %parallel_loop3A_2481, %parallel_loop3A_2516 : vector<16xf32>
          %parallel_loop3A_2518 = arith.mulf %parallel_loop3A_2501, %parallel_loop3A_2515 : vector<16xf32>
          %parallel_loop3A_2519 = arith.addf %parallel_loop3A_2483, %parallel_loop3A_2518 : vector<16xf32>
          %parallel_loop3A_2520 = arith.constant 80 : i32
          %parallel_loop3A_2521 = arith.addi %parallel_loop3A_2520, %parallel_loop3A_2178 : i32
          %parallel_loop3A_2522 = arith.constant 0 : i32
          %parallel_loop3A_2523 = arith.index_cast %parallel_loop3A_2522 : i32 to index
          %parallel_loop3A_2524 = arith.index_cast %parallel_loop3A_2521 : i32 to index
          %parallel_loop3A_2525 = arith.constant 32 : index
          %parallel_loop3A_2526 = tpu.vector_load %arg23[%parallel_loop3A_2523, %parallel_loop3A_2524, %parallel_loop3A_2525] {strides = array<i32>} : memref<2x128x128xbf16, #tpu.memory_space<vmem>>, vector<32xbf16>,
          %parallel_loop3A_2527 = tpu.unpack_subelements %parallel_loop3A_2526, 0 {pack_format = #tpu.pack_format<interleaved>} : vector<32xbf16> -> vector<16xf32>
          %parallel_loop3A_2528 = tpu.unpack_subelements %parallel_loop3A_2526, 1 {pack_format = #tpu.pack_format<interleaved>} : vector<32xbf16> -> vector<16xf32>
          %parallel_loop3A_2529 = arith.mulf %parallel_loop3A_2501, %parallel_loop3A_2527 : vector<16xf32>
          %parallel_loop3A_2530 = arith.addf %parallel_loop3A_2494, %parallel_loop3A_2529 : vector<16xf32>
          %parallel_loop3A_2531 = arith.mulf %parallel_loop3A_2501, %parallel_loop3A_2528 : vector<16xf32>
          %parallel_loop3A_2532 = arith.addf %parallel_loop3A_2496, %parallel_loop3A_2531 : vector<16xf32>
          %parallel_loop3A_2533 = arith.constant 80 : i32
          %parallel_loop3A_2534 = arith.addi %parallel_loop3A_2533, %parallel_loop3A_2178 : i32
          %parallel_loop3A_2535 = arith.constant 0 : i32
          %parallel_loop3A_2536 = arith.index_cast %parallel_loop3A_2535 : i32 to index
          %parallel_loop3A_2537 = arith.index_cast %parallel_loop3A_2534 : i32 to index
          %parallel_loop3A_2538 = arith.constant 64 : index
          %parallel_loop3A_2539 = tpu.vector_load %arg23[%parallel_loop3A_2536, %parallel_loop3A_2537, %parallel_loop3A_2538] {strides = array<i32>} : memref<2x128x128xbf16, #tpu.memory_space<vmem>>, vector<32xbf16>,
          %parallel_loop3A_2540 = tpu.unpack_subelements %parallel_loop3A_2539, 0 {pack_format = #tpu.pack_format<interleaved>} : vector<32xbf16> -> vector<16xf32>
          %parallel_loop3A_2541 = tpu.unpack_subelements %parallel_loop3A_2539, 1 {pack_format = #tpu.pack_format<interleaved>} : vector<32xbf16> -> vector<16xf32>
          %parallel_loop3A_2542 = arith.mulf %parallel_loop3A_2506, %parallel_loop3A_2540 : vector<16xf32>
          %parallel_loop3A_2543 = arith.addf %parallel_loop3A_2517, %parallel_loop3A_2542 : vector<16xf32>
          %parallel_loop3A_2544 = arith.mulf %parallel_loop3A_2506, %parallel_loop3A_2541 : vector<16xf32>
          %parallel_loop3A_2545 = arith.addf %parallel_loop3A_2519, %parallel_loop3A_2544 : vector<16xf32>
          %parallel_loop3A_2546 = arith.constant 80 : i32
          %parallel_loop3A_2547 = arith.addi %parallel_loop3A_2546, %parallel_loop3A_2178 : i32
          %parallel_loop3A_2548 = arith.constant 0 : i32
          %parallel_loop3A_2549 = arith.index_cast %parallel_loop3A_2548 : i32 to index
          %parallel_loop3A_2550 = arith.index_cast %parallel_loop3A_2547 : i32 to index
          %parallel_loop3A_2551 = arith.constant 96 : index
          %parallel_loop3A_2552 = tpu.vector_load %arg23[%parallel_loop3A_2549, %parallel_loop3A_2550, %parallel_loop3A_2551] {strides = array<i32>} : memref<2x128x128xbf16, #tpu.memory_space<vmem>>, vector<32xbf16>,
          %parallel_loop3A_2553 = tpu.unpack_subelements %parallel_loop3A_2552, 0 {pack_format = #tpu.pack_format<interleaved>} : vector<32xbf16> -> vector<16xf32>
          %parallel_loop3A_2554 = tpu.unpack_subelements %parallel_loop3A_2552, 1 {pack_format = #tpu.pack_format<interleaved>} : vector<32xbf16> -> vector<16xf32>
          %parallel_loop3A_2555 = arith.mulf %parallel_loop3A_2506, %parallel_loop3A_2553 : vector<16xf32>
          %parallel_loop3A_2556 = arith.addf %parallel_loop3A_2530, %parallel_loop3A_2555 : vector<16xf32>
          %parallel_loop3A_2557 = arith.mulf %parallel_loop3A_2506, %parallel_loop3A_2554 : vector<16xf32>
          %parallel_loop3A_2558 = arith.addf %parallel_loop3A_2532, %parallel_loop3A_2557 : vector<16xf32>
          %parallel_loop3A_2559 = arith.constant 192 : i32
          %parallel_loop3A_2560 = vector.broadcast %parallel_loop3A_2559 : i32 to vector<16xi32>
          %parallel_loop3A_2561 = vector.broadcast %parallel_loop3A_2178 : i32 to vector<16xi32>
          %parallel_loop3A_2562 = arith.addi %parallel_loop3A_2560, %parallel_loop3A_2561 : vector<16xi32>
          %parallel_loop3A_2563 = tpu.vector_load_idx %arg21[%parallel_loop3A_2562] : memref<256xf32, #tpu.memory_space<vmem>>[vector<16xi32>], vector<16xf32>,
          %parallel_loop3A_2564 = arith.constant 208 : i32
          %parallel_loop3A_2565 = vector.broadcast %parallel_loop3A_2564 : i32 to vector<16xi32>
          %parallel_loop3A_2566 = vector.broadcast %parallel_loop3A_2178 : i32 to vector<16xi32>
          %parallel_loop3A_2567 = arith.addi %parallel_loop3A_2565, %parallel_loop3A_2566 : vector<16xi32>
          %parallel_loop3A_2568 = tpu.vector_load_idx %arg21[%parallel_loop3A_2567] : memref<256xf32, #tpu.memory_space<vmem>>[vector<16xi32>], vector<16xf32>,
          %parallel_loop3A_2569 = arith.constant 96 : i32
          %parallel_loop3A_2570 = arith.addi %parallel_loop3A_2569, %parallel_loop3A_2178 : i32
          %parallel_loop3A_2571 = arith.constant 0 : i32
          %parallel_loop3A_2572 = arith.index_cast %parallel_loop3A_2571 : i32 to index
          %parallel_loop3A_2573 = arith.index_cast %parallel_loop3A_2570 : i32 to index
          %parallel_loop3A_2574 = arith.constant 0 : index
          %parallel_loop3A_2575 = tpu.vector_load %arg23[%parallel_loop3A_2572, %parallel_loop3A_2573, %parallel_loop3A_2574] {strides = array<i32>} : memref<2x128x128xbf16, #tpu.memory_space<vmem>>, vector<32xbf16>,
          %parallel_loop3A_2576 = tpu.unpack_subelements %parallel_loop3A_2575, 0 {pack_format = #tpu.pack_format<interleaved>} : vector<32xbf16> -> vector<16xf32>
          %parallel_loop3A_2577 = tpu.unpack_subelements %parallel_loop3A_2575, 1 {pack_format = #tpu.pack_format<interleaved>} : vector<32xbf16> -> vector<16xf32>
          %parallel_loop3A_2578 = arith.mulf %parallel_loop3A_2563, %parallel_loop3A_2576 : vector<16xf32>
          %parallel_loop3A_2579 = arith.addf %parallel_loop3A_2543, %parallel_loop3A_2578 : vector<16xf32>
          %parallel_loop3A_2580 = arith.mulf %parallel_loop3A_2563, %parallel_loop3A_2577 : vector<16xf32>
          %parallel_loop3A_2581 = arith.addf %parallel_loop3A_2545, %parallel_loop3A_2580 : vector<16xf32>
          %parallel_loop3A_2582 = arith.constant 96 : i32
          %parallel_loop3A_2583 = arith.addi %parallel_loop3A_2582, %parallel_loop3A_2178 : i32
          %parallel_loop3A_2584 = arith.constant 0 : i32
          %parallel_loop3A_2585 = arith.index_cast %parallel_loop3A_2584 : i32 to index
          %parallel_loop3A_2586 = arith.index_cast %parallel_loop3A_2583 : i32 to index
          %parallel_loop3A_2587 = arith.constant 32 : index
          %parallel_loop3A_2588 = tpu.vector_load %arg23[%parallel_loop3A_2585, %parallel_loop3A_2586, %parallel_loop3A_2587] {strides = array<i32>} : memref<2x128x128xbf16, #tpu.memory_space<vmem>>, vector<32xbf16>,
          %parallel_loop3A_2589 = tpu.unpack_subelements %parallel_loop3A_2588, 0 {pack_format = #tpu.pack_format<interleaved>} : vector<32xbf16> -> vector<16xf32>
          %parallel_loop3A_2590 = tpu.unpack_subelements %parallel_loop3A_2588, 1 {pack_format = #tpu.pack_format<interleaved>} : vector<32xbf16> -> vector<16xf32>
          %parallel_loop3A_2591 = arith.mulf %parallel_loop3A_2563, %parallel_loop3A_2589 : vector<16xf32>
          %parallel_loop3A_2592 = arith.addf %parallel_loop3A_2556, %parallel_loop3A_2591 : vector<16xf32>
          %parallel_loop3A_2593 = arith.mulf %parallel_loop3A_2563, %parallel_loop3A_2590 : vector<16xf32>
          %parallel_loop3A_2594 = arith.addf %parallel_loop3A_2558, %parallel_loop3A_2593 : vector<16xf32>
          %parallel_loop3A_2595 = arith.constant 96 : i32
          %parallel_loop3A_2596 = arith.addi %parallel_loop3A_2595, %parallel_loop3A_2178 : i32
          %parallel_loop3A_2597 = arith.constant 0 : i32
          %parallel_loop3A_2598 = arith.index_cast %parallel_loop3A_2597 : i32 to index
          %parallel_loop3A_2599 = arith.index_cast %parallel_loop3A_2596 : i32 to index
          %parallel_loop3A_2600 = arith.constant 64 : index
          %parallel_loop3A_2601 = tpu.vector_load %arg23[%parallel_loop3A_2598, %parallel_loop3A_2599, %parallel_loop3A_2600] {strides = array<i32>} : memref<2x128x128xbf16, #tpu.memory_space<vmem>>, vector<32xbf16>,
          %parallel_loop3A_2602 = tpu.unpack_subelements %parallel_loop3A_2601, 0 {pack_format = #tpu.pack_format<interleaved>} : vector<32xbf16> -> vector<16xf32>
          %parallel_loop3A_2603 = tpu.unpack_subelements %parallel_loop3A_2601, 1 {pack_format = #tpu.pack_format<interleaved>} : vector<32xbf16> -> vector<16xf32>
          %parallel_loop3A_2604 = arith.mulf %parallel_loop3A_2568, %parallel_loop3A_2602 : vector<16xf32>
          %parallel_loop3A_2605 = arith.addf %parallel_loop3A_2579, %parallel_loop3A_2604 : vector<16xf32>
          %parallel_loop3A_2606 = arith.mulf %parallel_loop3A_2568, %parallel_loop3A_2603 : vector<16xf32>
          %parallel_loop3A_2607 = arith.addf %parallel_loop3A_2581, %parallel_loop3A_2606 : vector<16xf32>
          %parallel_loop3A_2608 = arith.constant 96 : i32
          %parallel_loop3A_2609 = arith.addi %parallel_loop3A_2608, %parallel_loop3A_2178 : i32
          %parallel_loop3A_2610 = arith.constant 0 : i32
          %parallel_loop3A_2611 = arith.index_cast %parallel_loop3A_2610 : i32 to index
          %parallel_loop3A_2612 = arith.index_cast %parallel_loop3A_2609 : i32 to index
          %parallel_loop3A_2613 = arith.constant 96 : index
          %parallel_loop3A_2614 = tpu.vector_load %arg23[%parallel_loop3A_2611, %parallel_loop3A_2612, %parallel_loop3A_2613] {strides = array<i32>} : memref<2x128x128xbf16, #tpu.memory_space<vmem>>, vector<32xbf16>,
          %parallel_loop3A_2615 = tpu.unpack_subelements %parallel_loop3A_2614, 0 {pack_format = #tpu.pack_format<interleaved>} : vector<32xbf16> -> vector<16xf32>
          %parallel_loop3A_2616 = tpu.unpack_subelements %parallel_loop3A_2614, 1 {pack_format = #tpu.pack_format<interleaved>} : vector<32xbf16> -> vector<16xf32>
          %parallel_loop3A_2617 = arith.mulf %parallel_loop3A_2568, %parallel_loop3A_2615 : vector<16xf32>
          %parallel_loop3A_2618 = arith.addf %parallel_loop3A_2592, %parallel_loop3A_2617 : vector<16xf32>
          %parallel_loop3A_2619 = arith.mulf %parallel_loop3A_2568, %parallel_loop3A_2616 : vector<16xf32>
          %parallel_loop3A_2620 = arith.addf %parallel_loop3A_2594, %parallel_loop3A_2619 : vector<16xf32>
          %parallel_loop3A_2621 = arith.constant 224 : i32
          %parallel_loop3A_2622 = vector.broadcast %parallel_loop3A_2621 : i32 to vector<16xi32>
          %parallel_loop3A_2623 = vector.broadcast %parallel_loop3A_2178 : i32 to vector<16xi32>
          %parallel_loop3A_2624 = arith.addi %parallel_loop3A_2622, %parallel_loop3A_2623 : vector<16xi32>
          %parallel_loop3A_2625 = tpu.vector_load_idx %arg21[%parallel_loop3A_2624] : memref<256xf32, #tpu.memory_space<vmem>>[vector<16xi32>], vector<16xf32>,
          %parallel_loop3A_2626 = arith.constant 240 : i32
          %parallel_loop3A_2627 = vector.broadcast %parallel_loop3A_2626 : i32 to vector<16xi32>
          %parallel_loop3A_2628 = vector.broadcast %parallel_loop3A_2178 : i32 to vector<16xi32>
          %parallel_loop3A_2629 = arith.addi %parallel_loop3A_2627, %parallel_loop3A_2628 : vector<16xi32>
          %parallel_loop3A_2630 = tpu.vector_load_idx %arg21[%parallel_loop3A_2629] : memref<256xf32, #tpu.memory_space<vmem>>[vector<16xi32>], vector<16xf32>,
          %parallel_loop3A_2631 = arith.constant 112 : i32
          %parallel_loop3A_2632 = arith.addi %parallel_loop3A_2631, %parallel_loop3A_2178 : i32
          %parallel_loop3A_2633 = arith.constant 0 : i32
          %parallel_loop3A_2634 = arith.index_cast %parallel_loop3A_2633 : i32 to index
          %parallel_loop3A_2635 = arith.index_cast %parallel_loop3A_2632 : i32 to index
          %parallel_loop3A_2636 = arith.constant 0 : index
          %parallel_loop3A_2637 = tpu.vector_load %arg23[%parallel_loop3A_2634, %parallel_loop3A_2635, %parallel_loop3A_2636] {strides = array<i32>} : memref<2x128x128xbf16, #tpu.memory_space<vmem>>, vector<32xbf16>,
          %parallel_loop3A_2638 = tpu.unpack_subelements %parallel_loop3A_2637, 0 {pack_format = #tpu.pack_format<interleaved>} : vector<32xbf16> -> vector<16xf32>
          %parallel_loop3A_2639 = tpu.unpack_subelements %parallel_loop3A_2637, 1 {pack_format = #tpu.pack_format<interleaved>} : vector<32xbf16> -> vector<16xf32>
          %parallel_loop3A_2640 = arith.mulf %parallel_loop3A_2625, %parallel_loop3A_2638 : vector<16xf32>
          %parallel_loop3A_2641 = arith.addf %parallel_loop3A_2605, %parallel_loop3A_2640 : vector<16xf32>
          %parallel_loop3A_2642 = arith.mulf %parallel_loop3A_2625, %parallel_loop3A_2639 : vector<16xf32>
          %parallel_loop3A_2643 = arith.addf %parallel_loop3A_2607, %parallel_loop3A_2642 : vector<16xf32>
          %parallel_loop3A_2644 = arith.constant 112 : i32
          %parallel_loop3A_2645 = arith.addi %parallel_loop3A_2644, %parallel_loop3A_2178 : i32
          %parallel_loop3A_2646 = arith.constant 0 : i32
          %parallel_loop3A_2647 = arith.index_cast %parallel_loop3A_2646 : i32 to index
          %parallel_loop3A_2648 = arith.index_cast %parallel_loop3A_2645 : i32 to index
          %parallel_loop3A_2649 = arith.constant 32 : index
          %parallel_loop3A_2650 = tpu.vector_load %arg23[%parallel_loop3A_2647, %parallel_loop3A_2648, %parallel_loop3A_2649] {strides = array<i32>} : memref<2x128x128xbf16, #tpu.memory_space<vmem>>, vector<32xbf16>,
          %parallel_loop3A_2651 = tpu.unpack_subelements %parallel_loop3A_2650, 0 {pack_format = #tpu.pack_format<interleaved>} : vector<32xbf16> -> vector<16xf32>
          %parallel_loop3A_2652 = tpu.unpack_subelements %parallel_loop3A_2650, 1 {pack_format = #tpu.pack_format<interleaved>} : vector<32xbf16> -> vector<16xf32>
          %parallel_loop3A_2653 = arith.mulf %parallel_loop3A_2625, %parallel_loop3A_2651 : vector<16xf32>
          %parallel_loop3A_2654 = arith.addf %parallel_loop3A_2618, %parallel_loop3A_2653 : vector<16xf32>
          %parallel_loop3A_2655 = arith.mulf %parallel_loop3A_2625, %parallel_loop3A_2652 : vector<16xf32>
          %parallel_loop3A_2656 = arith.addf %parallel_loop3A_2620, %parallel_loop3A_2655 : vector<16xf32>
          %parallel_loop3A_2657 = arith.constant 112 : i32
          %parallel_loop3A_2658 = arith.addi %parallel_loop3A_2657, %parallel_loop3A_2178 : i32
          %parallel_loop3A_2659 = arith.constant 0 : i32
          %parallel_loop3A_2660 = arith.index_cast %parallel_loop3A_2659 : i32 to index
          %parallel_loop3A_2661 = arith.index_cast %parallel_loop3A_2658 : i32 to index
          %parallel_loop3A_2662 = arith.constant 64 : index
          %parallel_loop3A_2663 = tpu.vector_load %arg23[%parallel_loop3A_2660, %parallel_loop3A_2661, %parallel_loop3A_2662] {strides = array<i32>} : memref<2x128x128xbf16, #tpu.memory_space<vmem>>, vector<32xbf16>,
          %parallel_loop3A_2664 = tpu.unpack_subelements %parallel_loop3A_2663, 0 {pack_format = #tpu.pack_format<interleaved>} : vector<32xbf16> -> vector<16xf32>
          %parallel_loop3A_2665 = tpu.unpack_subelements %parallel_loop3A_2663, 1 {pack_format = #tpu.pack_format<interleaved>} : vector<32xbf16> -> vector<16xf32>
          %parallel_loop3A_2666 = arith.mulf %parallel_loop3A_2630, %parallel_loop3A_2664 : vector<16xf32>
          %parallel_loop3A_2667 = arith.addf %parallel_loop3A_2641, %parallel_loop3A_2666 : vector<16xf32>
          %parallel_loop3A_2668 = arith.mulf %parallel_loop3A_2630, %parallel_loop3A_2665 : vector<16xf32>
          %parallel_loop3A_2669 = arith.addf %parallel_loop3A_2643, %parallel_loop3A_2668 : vector<16xf32>
          %parallel_loop3A_2670 = arith.constant 112 : i32
          %parallel_loop3A_2671 = arith.addi %parallel_loop3A_2670, %parallel_loop3A_2178 : i32
          %parallel_loop3A_2672 = arith.constant 0 : i32
          %parallel_loop3A_2673 = arith.index_cast %parallel_loop3A_2672 : i32 to index
          %parallel_loop3A_2674 = arith.index_cast %parallel_loop3A_2671 : i32 to index
          %parallel_loop3A_2675 = arith.constant 96 : index
          %parallel_loop3A_2676 = tpu.vector_load %arg23[%parallel_loop3A_2673, %parallel_loop3A_2674, %parallel_loop3A_2675] {strides = array<i32>} : memref<2x128x128xbf16, #tpu.memory_space<vmem>>, vector<32xbf16>,
          %parallel_loop3A_2677 = tpu.unpack_subelements %parallel_loop3A_2676, 0 {pack_format = #tpu.pack_format<interleaved>} : vector<32xbf16> -> vector<16xf32>
          %parallel_loop3A_2678 = tpu.unpack_subelements %parallel_loop3A_2676, 1 {pack_format = #tpu.pack_format<interleaved>} : vector<32xbf16> -> vector<16xf32>
          %parallel_loop3A_2679 = arith.mulf %parallel_loop3A_2630, %parallel_loop3A_2677 : vector<16xf32>
          %parallel_loop3A_2680 = arith.addf %parallel_loop3A_2654, %parallel_loop3A_2679 : vector<16xf32>
          %parallel_loop3A_2681 = arith.mulf %parallel_loop3A_2630, %parallel_loop3A_2678 : vector<16xf32>
          %parallel_loop3A_2682 = arith.addf %parallel_loop3A_2656, %parallel_loop3A_2681 : vector<16xf32>
          %parallel_loop3A_2683 = arith.constant 0 : i32
          %parallel_loop3A_2684 = arith.index_cast %parallel_loop3A_2683 : i32 to index
          %parallel_loop3A_2685 = arith.index_cast %parallel_loop3A_2178 : i32 to index
          %parallel_loop3A_2686 = arith.constant 0 : index
          %parallel_loop3A_2687 = tpu.vector_load %arg24[%parallel_loop3A_2684, %parallel_loop3A_2685, %parallel_loop3A_2686] {strides = array<i32>} : memref<2x16x64xf32, #tpu.memory_space<vmem>>, vector<16xf32>,
          tpu.vector_store %arg24[%parallel_loop3A_2684, %parallel_loop3A_2685, %parallel_loop3A_2686], %parallel_loop3A_2667 {strides = array<i32>} : memref<2x16x64xf32, #tpu.memory_space<vmem>>, vector<16xf32>,
          %parallel_loop3A_2688 = arith.constant 0 : i32
          %parallel_loop3A_2689 = arith.index_cast %parallel_loop3A_2688 : i32 to index
          %parallel_loop3A_2690 = arith.index_cast %parallel_loop3A_2178 : i32 to index
          %parallel_loop3A_2691 = arith.constant 16 : index
          %parallel_loop3A_2692 = tpu.vector_load %arg24[%parallel_loop3A_2689, %parallel_loop3A_2690, %parallel_loop3A_2691] {strides = array<i32>} : memref<2x16x64xf32, #tpu.memory_space<vmem>>, vector<16xf32>,
          tpu.vector_store %arg24[%parallel_loop3A_2689, %parallel_loop3A_2690, %parallel_loop3A_2691], %parallel_loop3A_2669 {strides = array<i32>} : memref<2x16x64xf32, #tpu.memory_space<vmem>>, vector<16xf32>,
          %parallel_loop3A_2693 = arith.constant 0 : i32
          %parallel_loop3A_2694 = arith.index_cast %parallel_loop3A_2693 : i32 to index
          %parallel_loop3A_2695 = arith.index_cast %parallel_loop3A_2178 : i32 to index
          %parallel_loop3A_2696 = arith.constant 32 : index
          %parallel_loop3A_2697 = tpu.vector_load %arg24[%parallel_loop3A_2694, %parallel_loop3A_2695, %parallel_loop3A_2696] {strides = array<i32>} : memref<2x16x64xf32, #tpu.memory_space<vmem>>, vector<16xf32>,
          tpu.vector_store %arg24[%parallel_loop3A_2694, %parallel_loop3A_2695, %parallel_loop3A_2696], %parallel_loop3A_2680 {strides = array<i32>} : memref<2x16x64xf32, #tpu.memory_space<vmem>>, vector<16xf32>,
          %parallel_loop3A_2698 = arith.constant 0 : i32
          %parallel_loop3A_2699 = arith.index_cast %parallel_loop3A_2698 : i32 to index
          %parallel_loop3A_2700 = arith.index_cast %parallel_loop3A_2178 : i32 to index
          %parallel_loop3A_2701 = arith.constant 48 : index
          %parallel_loop3A_2702 = tpu.vector_load %arg24[%parallel_loop3A_2699, %parallel_loop3A_2700, %parallel_loop3A_2701] {strides = array<i32>} : memref<2x16x64xf32, #tpu.memory_space<vmem>>, vector<16xf32>,
          tpu.vector_store %arg24[%parallel_loop3A_2699, %parallel_loop3A_2700, %parallel_loop3A_2701], %parallel_loop3A_2682 {strides = array<i32>} : memref<2x16x64xf32, #tpu.memory_space<vmem>>, vector<16xf32>,
        } {sc.loop_unroll_factor = 4 : i64, sc.parallel_access}
        %dma_start3A_1176 = arith.constant 0 : i32
        %dma_start3A_1177 = arith.constant 0 : i32
        %dma_start3A_1178 = arith.constant 0 : i32
        %dma_start3A_1179 = tpu.memref_slice %arg24[%dma_start3A_1176, %dma_start3A_1177, %dma_start3A_1178] : memref<2x16x64xf32, #tpu.memory_space<vmem>> -> memref<1x16x64xf32, #tpu.memory_space<vmem>>
        %dma_start3A_1180 = tpu.memref_squeeze %dma_start3A_1179 : memref<1x16x64xf32, #tpu.memory_space<vmem>> -> memref<16x64xf32, #tpu.memory_space<vmem>>
        %dma_start3A_1181 = arith.constant 0 : i32
        %dma_start3A_1182 = arith.constant 0 : i32
        %dma_start3A_1183 = tpu.memref_slice %arg25[%dma_start3A_1181, %dma_start3A_1182] : memref<10112x64xf32, #tpu.memory_space<vmem_shared>> -> memref<10112x64xf32, #tpu.memory_space<vmem_shared>>
        tpu.enqueue_indirect_dma source(%dma_start3A_1180 : memref<16x64xf32, #tpu.memory_space<vmem>>) target(%dma_start3A_1183 : memref<10112x64xf32, #tpu.memory_space<vmem_shared>>) offsets(%get3A_222 : vector<16xi32>) semaphore(%arg28 : memref<!tpu.dma_semaphore, #tpu.memory_space<semaphore_mem>>) {add = true}
        %add3A_1184 = arith.constant 1 : i32
        %add3A_1185 = arith.addi %add3A_127, %add3A_1184 : i32
        %lt3A = arith.constant 250 : i32
        %lt3A_1186 = arith.cmpi slt, %add3A_1185, %lt3A : i32
        %convert_element_type3A_1187 = arith.extui %lt3A_1186 : i1 to i32
        %cond3A_1188 = arith.constant 0 : i32
        %cond3A_1189 = arith.cmpi ne, %convert_element_type3A_1187, %cond3A_1188 : i32
        scf.if %cond3A_1189 {
          %add3A_2178 = arith.constant 1 : i32
          %add3A_2179 = arith.addi %add3A_127, %add3A_2178 : i32
          %mul3A_2180 = arith.constant 16 : i32
          %mul3A_2181 = arith.muli %add3A_2179, %mul3A_2180 : i32
          %get3A_2182 = arith.index_cast %mul3A_2181 : i32 to index
          %get3A_2183 = tpu.vector_load %arg16[%get3A_2182] {strides = array<i32>} : memref<4000xi32, #tpu.memory_space<vmem>>, vector<16xi32>,
          %mul3A_2184 = arith.constant 16 : i32
          %mul3A_2185 = vector.broadcast %mul3A_2184 : i32 to vector<16xi32>
          %mul3A_2186 = arith.muli %get3A_2183, %mul3A_2185 : vector<16xi32>
          %add3A_2187 = vector.broadcast %arg0 : i32 to vector<16xi32>
          %add3A_2188 = arith.addi %mul3A_2186, %add3A_2187 : vector<16xi32>
          %add3A_2189 = arith.constant 0 : i32
          %add3A_2190 = vector.broadcast %add3A_2189 : i32 to vector<16xi32>
          %add3A_2191 = arith.addi %add3A_2188, %add3A_2190 : vector<16xi32>
          %swap3A_2192 = arith.constant 0 : i32
          %swap3A_2193 = arith.index_cast %swap3A_2192 : i32 to index
          %swap3A_2194 = arith.constant 0 : index
          %swap3A_2195 = tpu.vector_load %arg22[%swap3A_2193, %swap3A_2194] {strides = array<i32>} : memref<2x128xi32, #tpu.memory_space<vmem>>, vector<16xi32>,
          tpu.vector_store %arg22[%swap3A_2193, %swap3A_2194], %add3A_2191 {strides = array<i32>} : memref<2x128xi32, #tpu.memory_space<vmem>>, vector<16xi32>,
          %add3A_2196 = arith.constant 2 : i32
          %add3A_2197 = vector.broadcast %add3A_2196 : i32 to vector<16xi32>
          %add3A_2198 = arith.addi %add3A_2188, %add3A_2197 : vector<16xi32>
          %swap3A_2199 = arith.constant 0 : i32
          %swap3A_2200 = arith.index_cast %swap3A_2199 : i32 to index
          %swap3A_2201 = arith.constant 16 : index
          %swap3A_2202 = tpu.vector_load %arg22[%swap3A_2200, %swap3A_2201] {strides = array<i32>} : memref<2x128xi32, #tpu.memory_space<vmem>>, vector<16xi32>,
          tpu.vector_store %arg22[%swap3A_2200, %swap3A_2201], %add3A_2198 {strides = array<i32>} : memref<2x128xi32, #tpu.memory_space<vmem>>, vector<16xi32>,
          %add3A_2203 = arith.constant 4 : i32
          %add3A_2204 = vector.broadcast %add3A_2203 : i32 to vector<16xi32>
          %add3A_2205 = arith.addi %add3A_2188, %add3A_2204 : vector<16xi32>
          %swap3A_2206 = arith.constant 0 : i32
          %swap3A_2207 = arith.index_cast %swap3A_2206 : i32 to index
          %swap3A_2208 = arith.constant 32 : index
          %swap3A_2209 = tpu.vector_load %arg22[%swap3A_2207, %swap3A_2208] {strides = array<i32>} : memref<2x128xi32, #tpu.memory_space<vmem>>, vector<16xi32>,
          tpu.vector_store %arg22[%swap3A_2207, %swap3A_2208], %add3A_2205 {strides = array<i32>} : memref<2x128xi32, #tpu.memory_space<vmem>>, vector<16xi32>,
          %add3A_2210 = arith.constant 6 : i32
          %add3A_2211 = vector.broadcast %add3A_2210 : i32 to vector<16xi32>
          %add3A_2212 = arith.addi %add3A_2188, %add3A_2211 : vector<16xi32>
          %swap3A_2213 = arith.constant 0 : i32
          %swap3A_2214 = arith.index_cast %swap3A_2213 : i32 to index
          %swap3A_2215 = arith.constant 48 : index
          %swap3A_2216 = tpu.vector_load %arg22[%swap3A_2214, %swap3A_2215] {strides = array<i32>} : memref<2x128xi32, #tpu.memory_space<vmem>>, vector<16xi32>,
          tpu.vector_store %arg22[%swap3A_2214, %swap3A_2215], %add3A_2212 {strides = array<i32>} : memref<2x128xi32, #tpu.memory_space<vmem>>, vector<16xi32>,
          %add3A_2217 = arith.constant 8 : i32
          %add3A_2218 = vector.broadcast %add3A_2217 : i32 to vector<16xi32>
          %add3A_2219 = arith.addi %add3A_2188, %add3A_2218 : vector<16xi32>
          %swap3A_2220 = arith.constant 0 : i32
          %swap3A_2221 = arith.index_cast %swap3A_2220 : i32 to index
          %swap3A_2222 = arith.constant 64 : index
          %swap3A_2223 = tpu.vector_load %arg22[%swap3A_2221, %swap3A_2222] {strides = array<i32>} : memref<2x128xi32, #tpu.memory_space<vmem>>, vector<16xi32>,
          tpu.vector_store %arg22[%swap3A_2221, %swap3A_2222], %add3A_2219 {strides = array<i32>} : memref<2x128xi32, #tpu.memory_space<vmem>>, vector<16xi32>,
          %add3A_2224 = arith.constant 10 : i32
          %add3A_2225 = vector.broadcast %add3A_2224 : i32 to vector<16xi32>
          %add3A_2226 = arith.addi %add3A_2188, %add3A_2225 : vector<16xi32>
          %swap3A_2227 = arith.constant 0 : i32
          %swap3A_2228 = arith.index_cast %swap3A_2227 : i32 to index
          %swap3A_2229 = arith.constant 80 : index
          %swap3A_2230 = tpu.vector_load %arg22[%swap3A_2228, %swap3A_2229] {strides = array<i32>} : memref<2x128xi32, #tpu.memory_space<vmem>>, vector<16xi32>,
          tpu.vector_store %arg22[%swap3A_2228, %swap3A_2229], %add3A_2226 {strides = array<i32>} : memref<2x128xi32, #tpu.memory_space<vmem>>, vector<16xi32>,
          %add3A_2231 = arith.constant 12 : i32
          %add3A_2232 = vector.broadcast %add3A_2231 : i32 to vector<16xi32>
          %add3A_2233 = arith.addi %add3A_2188, %add3A_2232 : vector<16xi32>
          %swap3A_2234 = arith.constant 0 : i32
          %swap3A_2235 = arith.index_cast %swap3A_2234 : i32 to index
          %swap3A_2236 = arith.constant 96 : index
          %swap3A_2237 = tpu.vector_load %arg22[%swap3A_2235, %swap3A_2236] {strides = array<i32>} : memref<2x128xi32, #tpu.memory_space<vmem>>, vector<16xi32>,
          tpu.vector_store %arg22[%swap3A_2235, %swap3A_2236], %add3A_2233 {strides = array<i32>} : memref<2x128xi32, #tpu.memory_space<vmem>>, vector<16xi32>,
          %add3A_2238 = arith.constant 14 : i32
          %add3A_2239 = vector.broadcast %add3A_2238 : i32 to vector<16xi32>
          %add3A_2240 = arith.addi %add3A_2188, %add3A_2239 : vector<16xi32>
          %swap3A_2241 = arith.constant 0 : i32
          %swap3A_2242 = arith.index_cast %swap3A_2241 : i32 to index
          %swap3A_2243 = arith.constant 112 : index
          %swap3A_2244 = tpu.vector_load %arg22[%swap3A_2242, %swap3A_2243] {strides = array<i32>} : memref<2x128xi32, #tpu.memory_space<vmem>>, vector<16xi32>,
          tpu.vector_store %arg22[%swap3A_2242, %swap3A_2243], %add3A_2240 {strides = array<i32>} : memref<2x128xi32, #tpu.memory_space<vmem>>, vector<16xi32>,
          %dma_start3A_2245 = arith.constant 0 : i32
          %dma_start3A_2246 = arith.constant 0 : i32
          %dma_start3A_2247 = arith.constant 0 : i32
          %dma_start3A_2248 = arith.constant 0 : i32
          %dma_start3A_2249 = tpu.memref_slice %arg23[%dma_start3A_2246, %dma_start3A_2247, %dma_start3A_2248] : memref<2x128x128xbf16, #tpu.memory_space<vmem>> -> memref<1x128x128xbf16, #tpu.memory_space<vmem>>
          %dma_start3A_2250 = tpu.memref_squeeze %dma_start3A_2249 : memref<1x128x128xbf16, #tpu.memory_space<vmem>> -> memref<128x128xbf16, #tpu.memory_space<vmem>>
          %dma_start3A_2251 = arith.constant 0 : i32
          %dma_start3A_2252 = tpu.memref_slice %arg22[%dma_start3A_2245, %dma_start3A_2251] : memref<2x128xi32, #tpu.memory_space<vmem>> -> memref<1x128xi32, #tpu.memory_space<vmem>>
          %dma_start3A_2253 = tpu.memref_squeeze %dma_start3A_2252 : memref<1x128xi32, #tpu.memory_space<vmem>> -> memref<128xi32, #tpu.memory_space<vmem>>
          %dma_start3A_2254 = arith.constant 0 : i32
          %dma_start3A_2255 = arith.constant 0 : i32
          %dma_start3A_2256 = tpu.memref_slice %arg2[%dma_start3A_2254, %dma_start3A_2255] : memref<160000x128xbf16, #tpu.memory_space<hbm>> -> memref<160000x128xbf16, #tpu.memory_space<hbm>>
          tpu.enqueue_indirect_dma source(%dma_start3A_2256 : memref<160000x128xbf16, #tpu.memory_space<hbm>>) target(%dma_start3A_2250 : memref<128x128xbf16, #tpu.memory_space<vmem>>) offsets(%dma_start3A_2253 : memref<128xi32, #tpu.memory_space<vmem>>) semaphore(%arg26 : memref<!tpu.dma_semaphore, #tpu.memory_space<semaphore_mem>>)
        } else {
        }
        %dma_wait3A_1190 = arith.constant 1 : i32
        %dma_wait3A_1191 = arith.constant 1 : i32
        %dma_wait3A_1192 = arith.constant 0 : i32
        %dma_wait3A_1193 = arith.constant 0 : i32
        %dma_wait3A_1194 = tpu.memref_slice %arg23[%dma_wait3A_1191, %dma_wait3A_1192, %dma_wait3A_1193] : memref<2x128x128xbf16, #tpu.memory_space<vmem>> -> memref<1x128x128xbf16, #tpu.memory_space<vmem>>
        %dma_wait3A_1195 = tpu.memref_squeeze %dma_wait3A_1194 : memref<1x128x128xbf16, #tpu.memory_space<vmem>> -> memref<128x128xbf16, #tpu.memory_space<vmem>>
        %dma_wait3A_1196 = arith.constant 0 : i32
        %dma_wait3A_1197 = tpu.memref_slice %arg22[%dma_wait3A_1190, %dma_wait3A_1196] : memref<2x128xi32, #tpu.memory_space<vmem>> -> memref<1x128xi32, #tpu.memory_space<vmem>>
        %dma_wait3A_1198 = tpu.memref_squeeze %dma_wait3A_1197 : memref<1x128xi32, #tpu.memory_space<vmem>> -> memref<128xi32, #tpu.memory_space<vmem>>
        %dma_wait3A_1199 = arith.constant 0 : i32
        %dma_wait3A_1200 = arith.constant 0 : i32
        %dma_wait3A_1201 = tpu.memref_slice %arg2[%dma_wait3A_1199, %dma_wait3A_1200] : memref<160000x128xbf16, #tpu.memory_space<hbm>> -> memref<160000x128xbf16, #tpu.memory_space<hbm>>
        tpu.wait_indirect_dma semaphore(%arg27 : memref<!tpu.dma_semaphore, #tpu.memory_space<semaphore_mem>>) src(%dma_wait3A_1201 : memref<160000x128xbf16, #tpu.memory_space<hbm>>) dst(%dma_wait3A_1195 : memref<128x128xbf16, #tpu.memory_space<vmem>>)
        %mul3A_1202 = arith.constant 16 : i32
        %mul3A_1203 = arith.muli %add3A_127, %mul3A_1202 : i32
        %get3A_1204 = arith.index_cast %mul3A_1203 : i32 to index
        %get3A_1205 = tpu.vector_load %arg16[%get3A_1204] {strides = array<i32>} : memref<4000xi32, #tpu.memory_space<vmem>>, vector<16xi32>,
        %get3A_1206 = arith.index_cast %mul3A_1203 : i32 to index
        %get3A_1207 = tpu.vector_load %arg17[%get3A_1206] {strides = array<i32>} : memref<4000xi32, #tpu.memory_space<vmem>>, vector<16xi32>,
        %ge3A_1208 = arith.constant 2 : i32
        %ge3A_1209 = arith.cmpi sge, %add3A_127, %ge3A_1208 : i32
        %convert_element_type3A_1210 = arith.extui %ge3A_1209 : i1 to i32
        %cond3A_1211 = arith.constant 0 : i32
        %cond3A_1212 = arith.cmpi ne, %convert_element_type3A_1210, %cond3A_1211 : i32
        scf.if %cond3A_1212 {
          %dma_wait3A_2178 = arith.constant 1 : i32
          %dma_wait3A_2179 = arith.constant 0 : i32
          %dma_wait3A_2180 = arith.constant 0 : i32
          %dma_wait3A_2181 = tpu.memref_slice %arg24[%dma_wait3A_2178, %dma_wait3A_2179, %dma_wait3A_2180] : memref<2x16x64xf32, #tpu.memory_space<vmem>> -> memref<1x16x64xf32, #tpu.memory_space<vmem>>
          %dma_wait3A_2182 = tpu.memref_squeeze %dma_wait3A_2181 : memref<1x16x64xf32, #tpu.memory_space<vmem>> -> memref<16x64xf32, #tpu.memory_space<vmem>>
          %dma_wait3A_2183 = arith.constant 0 : i32
          %dma_wait3A_2184 = arith.constant 0 : i32
          %dma_wait3A_2185 = tpu.memref_slice %arg25[%dma_wait3A_2183, %dma_wait3A_2184] : memref<10112x64xf32, #tpu.memory_space<vmem_shared>> -> memref<10112x64xf32, #tpu.memory_space<vmem_shared>>
          tpu.wait_indirect_dma semaphore(%arg28 : memref<!tpu.dma_semaphore, #tpu.memory_space<semaphore_mem>>) src(%dma_wait3A_2182 : memref<16x64xf32, #tpu.memory_space<vmem>>) dst(%dma_wait3A_2185 : memref<10112x64xf32, #tpu.memory_space<vmem_shared>>)
        } else {
        }
        %gather3A_1213 = tpu.vector_load_idx %arg13[%get3A_1205] : memref<10000xf32, #tpu.memory_space<vmem>>[vector<16xi32>], vector<16xf32>,
        %gather3A_1214 = tpu.vector_load_idx %arg13[%get3A_1207] : memref<10000xf32, #tpu.memory_space<vmem>>[vector<16xi32>], vector<16xf32>,
        %sub3A_1215 = arith.subf %gather3A_1213, %gather3A_1214 : vector<16xf32>
        %gather3A_1216 = tpu.vector_load_idx %arg14[%get3A_1205] : memref<10000xf32, #tpu.memory_space<vmem>>[vector<16xi32>], vector<16xf32>,
        %gather3A_1217 = tpu.vector_load_idx %arg14[%get3A_1207] : memref<10000xf32, #tpu.memory_space<vmem>>[vector<16xi32>], vector<16xf32>,
        %sub3A_1218 = arith.subf %gather3A_1216, %gather3A_1217 : vector<16xf32>
        %gather3A_1219 = tpu.vector_load_idx %arg15[%get3A_1205] : memref<10000xf32, #tpu.memory_space<vmem>>[vector<16xi32>], vector<16xf32>,
        %gather3A_1220 = tpu.vector_load_idx %arg15[%get3A_1207] : memref<10000xf32, #tpu.memory_space<vmem>>[vector<16xi32>], vector<16xf32>,
        %sub3A_1221 = arith.subf %gather3A_1219, %gather3A_1220 : vector<16xf32>
        %get3A_1222 = arith.constant 0 : index
        %get3A_1223 = tpu.vector_load %arg18[%get3A_1222] {strides = array<i32>} : memref<240xf32, #tpu.memory_space<vmem>>, vector<16xf32>,
        %sub3A_1224 = arith.subf %sub3A_1215, %get3A_1223 : vector<16xf32>
        %get3A_1225 = arith.constant 0 : index
        %get3A_1226 = tpu.vector_load %arg19[%get3A_1225] {strides = array<i32>} : memref<240xf32, #tpu.memory_space<vmem>>, vector<16xf32>,
        %sub3A_1227 = arith.subf %sub3A_1218, %get3A_1226 : vector<16xf32>
        %get3A_1228 = arith.constant 0 : index
        %get3A_1229 = tpu.vector_load %arg20[%get3A_1228] {strides = array<i32>} : memref<240xf32, #tpu.memory_space<vmem>>, vector<16xf32>,
        %sub3A_1230 = arith.subf %sub3A_1221, %get3A_1229 : vector<16xf32>
        %mul3A_1231 = arith.mulf %sub3A_1224, %sub3A_1224 : vector<16xf32>
        %mul3A_1232 = arith.mulf %sub3A_1227, %sub3A_1227 : vector<16xf32>
        %add3A_1233 = arith.addf %mul3A_1231, %mul3A_1232 : vector<16xf32>
        %mul3A_1234 = arith.mulf %sub3A_1230, %sub3A_1230 : vector<16xf32>
        %add3A_1235 = arith.addf %add3A_1233, %mul3A_1234 : vector<16xf32>
        %max3A_1236 = arith.constant 9.99999996E-13 : f32
        %max3A_1237 = vector.broadcast %max3A_1236 : f32 to vector<16xf32>
        %max3A_1238 = arith.maximumf %add3A_1235, %max3A_1237 : vector<16xf32>
        %bitcast3A_1239 = vector.bitcast %max3A_1238 : vector<16xf32> to vector<16xi32>
        %shift_right_arithmetic3A_1240 = arith.constant 1 : i32
        %shift_right_arithmetic3A_1241 = vector.broadcast %shift_right_arithmetic3A_1240 : i32 to vector<16xi32>
        %shift_right_arithmetic3A_1242 = arith.shrsi %bitcast3A_1239, %shift_right_arithmetic3A_1241 : vector<16xi32>
        %sub3A_1243 = arith.constant 1597463007 : i32
        %sub3A_1244 = vector.broadcast %sub3A_1243 : i32 to vector<16xi32>
        %sub3A_1245 = arith.subi %sub3A_1244, %shift_right_arithmetic3A_1242 : vector<16xi32>
        %bitcast3A_1246 = vector.bitcast %sub3A_1245 : vector<16xi32> to vector<16xf32>
        %mul3A_1247 = arith.constant 5.000000e-01 : f32
        %mul3A_1248 = vector.broadcast %mul3A_1247 : f32 to vector<16xf32>
        %mul3A_1249 = arith.mulf %mul3A_1248, %max3A_1238 : vector<16xf32>
        %mul3A_1250 = arith.mulf %mul3A_1249, %bitcast3A_1246 : vector<16xf32>
        %mul3A_1251 = arith.mulf %mul3A_1250, %bitcast3A_1246 : vector<16xf32>
        %sub3A_1252 = arith.constant 1.500000e+00 : f32
        %sub3A_1253 = vector.broadcast %sub3A_1252 : f32 to vector<16xf32>
        %sub3A_1254 = arith.subf %sub3A_1253, %mul3A_1251 : vector<16xf32>
        %mul3A_1255 = arith.mulf %bitcast3A_1246, %sub3A_1254 : vector<16xf32>
        %mul3A_1256 = arith.constant 5.000000e-01 : f32
        %mul3A_1257 = vector.broadcast %mul3A_1256 : f32 to vector<16xf32>
        %mul3A_1258 = arith.mulf %mul3A_1257, %max3A_1238 : vector<16xf32>
        %mul3A_1259 = arith.mulf %mul3A_1258, %mul3A_1255 : vector<16xf32>
        %mul3A_1260 = arith.mulf %mul3A_1259, %mul3A_1255 : vector<16xf32>
        %sub3A_1261 = arith.constant 1.500000e+00 : f32
        %sub3A_1262 = vector.broadcast %sub3A_1261 : f32 to vector<16xf32>
        %sub3A_1263 = arith.subf %sub3A_1262, %mul3A_1260 : vector<16xf32>
        %mul3A_1264 = arith.mulf %mul3A_1255, %sub3A_1263 : vector<16xf32>
        %mul3A_1265 = arith.constant 5.000000e-01 : f32
        %mul3A_1266 = vector.broadcast %mul3A_1265 : f32 to vector<16xf32>
        %mul3A_1267 = arith.mulf %mul3A_1266, %max3A_1238 : vector<16xf32>
        %mul3A_1268 = arith.mulf %mul3A_1267, %mul3A_1264 : vector<16xf32>
        %mul3A_1269 = arith.mulf %mul3A_1268, %mul3A_1264 : vector<16xf32>
        %sub3A_1270 = arith.constant 1.500000e+00 : f32
        %sub3A_1271 = vector.broadcast %sub3A_1270 : f32 to vector<16xf32>
        %sub3A_1272 = arith.subf %sub3A_1271, %mul3A_1269 : vector<16xf32>
        %mul3A_1273 = arith.mulf %mul3A_1264, %sub3A_1272 : vector<16xf32>
        %mul3A_1274 = arith.mulf %max3A_1238, %mul3A_1273 : vector<16xf32>
        %mul3A_1275 = vector.broadcast %scan3A_7 : f32 to vector<16xf32>
        %mul3A_1276 = arith.mulf %mul3A_1274, %mul3A_1275 : vector<16xf32>
        %sub3A_1277 = arith.constant 1.000000e+00 : f32
        %sub3A_1278 = vector.broadcast %sub3A_1277 : f32 to vector<16xf32>
        %sub3A_1279 = arith.subf %sub3A_1278, %mul3A_1276 : vector<16xf32>
        %max3A_1280 = arith.constant 0.000000e+00 : f32
        %max3A_1281 = vector.broadcast %max3A_1280 : f32 to vector<16xf32>
        %max3A_1282 = arith.maximumf %max3A_1281, %sub3A_1279 : vector<16xf32>
        %swap3A_1283 = arith.constant 0 : index
        %swap3A_1284 = tpu.vector_load %arg21[%swap3A_1283] {strides = array<i32>} : memref<256xf32, #tpu.memory_space<vmem>>, vector<16xf32>,
        tpu.vector_store %arg21[%swap3A_1283], %max3A_1282 {strides = array<i32>} : memref<256xf32, #tpu.memory_space<vmem>>, vector<16xf32>,
        %get3A_1285 = arith.constant 16 : index
        %get3A_1286 = tpu.vector_load %arg18[%get3A_1285] {strides = array<i32>} : memref<240xf32, #tpu.memory_space<vmem>>, vector<16xf32>,
        %sub3A_1287 = arith.subf %sub3A_1215, %get3A_1286 : vector<16xf32>
        %get3A_1288 = arith.constant 16 : index
        %get3A_1289 = tpu.vector_load %arg19[%get3A_1288] {strides = array<i32>} : memref<240xf32, #tpu.memory_space<vmem>>, vector<16xf32>,
        %sub3A_1290 = arith.subf %sub3A_1218, %get3A_1289 : vector<16xf32>
        %get3A_1291 = arith.constant 16 : index
        %get3A_1292 = tpu.vector_load %arg20[%get3A_1291] {strides = array<i32>} : memref<240xf32, #tpu.memory_space<vmem>>, vector<16xf32>,
        %sub3A_1293 = arith.subf %sub3A_1221, %get3A_1292 : vector<16xf32>
        %mul3A_1294 = arith.mulf %sub3A_1287, %sub3A_1287 : vector<16xf32>
        %mul3A_1295 = arith.mulf %sub3A_1290, %sub3A_1290 : vector<16xf32>
        %add3A_1296 = arith.addf %mul3A_1294, %mul3A_1295 : vector<16xf32>
        %mul3A_1297 = arith.mulf %sub3A_1293, %sub3A_1293 : vector<16xf32>
        %add3A_1298 = arith.addf %add3A_1296, %mul3A_1297 : vector<16xf32>
        %max3A_1299 = arith.constant 9.99999996E-13 : f32
        %max3A_1300 = vector.broadcast %max3A_1299 : f32 to vector<16xf32>
        %max3A_1301 = arith.maximumf %add3A_1298, %max3A_1300 : vector<16xf32>
        %bitcast3A_1302 = vector.bitcast %max3A_1301 : vector<16xf32> to vector<16xi32>
        %shift_right_arithmetic3A_1303 = arith.constant 1 : i32
        %shift_right_arithmetic3A_1304 = vector.broadcast %shift_right_arithmetic3A_1303 : i32 to vector<16xi32>
        %shift_right_arithmetic3A_1305 = arith.shrsi %bitcast3A_1302, %shift_right_arithmetic3A_1304 : vector<16xi32>
        %sub3A_1306 = arith.constant 1597463007 : i32
        %sub3A_1307 = vector.broadcast %sub3A_1306 : i32 to vector<16xi32>
        %sub3A_1308 = arith.subi %sub3A_1307, %shift_right_arithmetic3A_1305 : vector<16xi32>
        %bitcast3A_1309 = vector.bitcast %sub3A_1308 : vector<16xi32> to vector<16xf32>
        %mul3A_1310 = arith.constant 5.000000e-01 : f32
        %mul3A_1311 = vector.broadcast %mul3A_1310 : f32 to vector<16xf32>
        %mul3A_1312 = arith.mulf %mul3A_1311, %max3A_1301 : vector<16xf32>
        %mul3A_1313 = arith.mulf %mul3A_1312, %bitcast3A_1309 : vector<16xf32>
        %mul3A_1314 = arith.mulf %mul3A_1313, %bitcast3A_1309 : vector<16xf32>
        %sub3A_1315 = arith.constant 1.500000e+00 : f32
        %sub3A_1316 = vector.broadcast %sub3A_1315 : f32 to vector<16xf32>
        %sub3A_1317 = arith.subf %sub3A_1316, %mul3A_1314 : vector<16xf32>
        %mul3A_1318 = arith.mulf %bitcast3A_1309, %sub3A_1317 : vector<16xf32>
        %mul3A_1319 = arith.constant 5.000000e-01 : f32
        %mul3A_1320 = vector.broadcast %mul3A_1319 : f32 to vector<16xf32>
        %mul3A_1321 = arith.mulf %mul3A_1320, %max3A_1301 : vector<16xf32>
        %mul3A_1322 = arith.mulf %mul3A_1321, %mul3A_1318 : vector<16xf32>
        %mul3A_1323 = arith.mulf %mul3A_1322, %mul3A_1318 : vector<16xf32>
        %sub3A_1324 = arith.constant 1.500000e+00 : f32
        %sub3A_1325 = vector.broadcast %sub3A_1324 : f32 to vector<16xf32>
        %sub3A_1326 = arith.subf %sub3A_1325, %mul3A_1323 : vector<16xf32>
        %mul3A_1327 = arith.mulf %mul3A_1318, %sub3A_1326 : vector<16xf32>
        %mul3A_1328 = arith.constant 5.000000e-01 : f32
        %mul3A_1329 = vector.broadcast %mul3A_1328 : f32 to vector<16xf32>
        %mul3A_1330 = arith.mulf %mul3A_1329, %max3A_1301 : vector<16xf32>
        %mul3A_1331 = arith.mulf %mul3A_1330, %mul3A_1327 : vector<16xf32>
        %mul3A_1332 = arith.mulf %mul3A_1331, %mul3A_1327 : vector<16xf32>
        %sub3A_1333 = arith.constant 1.500000e+00 : f32
        %sub3A_1334 = vector.broadcast %sub3A_1333 : f32 to vector<16xf32>
        %sub3A_1335 = arith.subf %sub3A_1334, %mul3A_1332 : vector<16xf32>
        %mul3A_1336 = arith.mulf %mul3A_1327, %sub3A_1335 : vector<16xf32>
        %mul3A_1337 = arith.mulf %max3A_1301, %mul3A_1336 : vector<16xf32>
        %mul3A_1338 = vector.broadcast %scan3A_7 : f32 to vector<16xf32>
        %mul3A_1339 = arith.mulf %mul3A_1337, %mul3A_1338 : vector<16xf32>
        %sub3A_1340 = arith.constant 1.000000e+00 : f32
        %sub3A_1341 = vector.broadcast %sub3A_1340 : f32 to vector<16xf32>
        %sub3A_1342 = arith.subf %sub3A_1341, %mul3A_1339 : vector<16xf32>
        %max3A_1343 = arith.constant 0.000000e+00 : f32
        %max3A_1344 = vector.broadcast %max3A_1343 : f32 to vector<16xf32>
        %max3A_1345 = arith.maximumf %max3A_1344, %sub3A_1342 : vector<16xf32>
        %swap3A_1346 = arith.constant 16 : index
        %swap3A_1347 = tpu.vector_load %arg21[%swap3A_1346] {strides = array<i32>} : memref<256xf32, #tpu.memory_space<vmem>>, vector<16xf32>,
        tpu.vector_store %arg21[%swap3A_1346], %max3A_1345 {strides = array<i32>} : memref<256xf32, #tpu.memory_space<vmem>>, vector<16xf32>,
        %get3A_1348 = arith.constant 32 : index
        %get3A_1349 = tpu.vector_load %arg18[%get3A_1348] {strides = array<i32>} : memref<240xf32, #tpu.memory_space<vmem>>, vector<16xf32>,
        %sub3A_1350 = arith.subf %sub3A_1215, %get3A_1349 : vector<16xf32>
        %get3A_1351 = arith.constant 32 : index
        %get3A_1352 = tpu.vector_load %arg19[%get3A_1351] {strides = array<i32>} : memref<240xf32, #tpu.memory_space<vmem>>, vector<16xf32>,
        %sub3A_1353 = arith.subf %sub3A_1218, %get3A_1352 : vector<16xf32>
        %get3A_1354 = arith.constant 32 : index
        %get3A_1355 = tpu.vector_load %arg20[%get3A_1354] {strides = array<i32>} : memref<240xf32, #tpu.memory_space<vmem>>, vector<16xf32>,
        %sub3A_1356 = arith.subf %sub3A_1221, %get3A_1355 : vector<16xf32>
        %mul3A_1357 = arith.mulf %sub3A_1350, %sub3A_1350 : vector<16xf32>
        %mul3A_1358 = arith.mulf %sub3A_1353, %sub3A_1353 : vector<16xf32>
        %add3A_1359 = arith.addf %mul3A_1357, %mul3A_1358 : vector<16xf32>
        %mul3A_1360 = arith.mulf %sub3A_1356, %sub3A_1356 : vector<16xf32>
        %add3A_1361 = arith.addf %add3A_1359, %mul3A_1360 : vector<16xf32>
        %max3A_1362 = arith.constant 9.99999996E-13 : f32
        %max3A_1363 = vector.broadcast %max3A_1362 : f32 to vector<16xf32>
        %max3A_1364 = arith.maximumf %add3A_1361, %max3A_1363 : vector<16xf32>
        %bitcast3A_1365 = vector.bitcast %max3A_1364 : vector<16xf32> to vector<16xi32>
        %shift_right_arithmetic3A_1366 = arith.constant 1 : i32
        %shift_right_arithmetic3A_1367 = vector.broadcast %shift_right_arithmetic3A_1366 : i32 to vector<16xi32>
        %shift_right_arithmetic3A_1368 = arith.shrsi %bitcast3A_1365, %shift_right_arithmetic3A_1367 : vector<16xi32>
        %sub3A_1369 = arith.constant 1597463007 : i32
        %sub3A_1370 = vector.broadcast %sub3A_1369 : i32 to vector<16xi32>
        %sub3A_1371 = arith.subi %sub3A_1370, %shift_right_arithmetic3A_1368 : vector<16xi32>
        %bitcast3A_1372 = vector.bitcast %sub3A_1371 : vector<16xi32> to vector<16xf32>
        %mul3A_1373 = arith.constant 5.000000e-01 : f32
        %mul3A_1374 = vector.broadcast %mul3A_1373 : f32 to vector<16xf32>
        %mul3A_1375 = arith.mulf %mul3A_1374, %max3A_1364 : vector<16xf32>
        %mul3A_1376 = arith.mulf %mul3A_1375, %bitcast3A_1372 : vector<16xf32>
        %mul3A_1377 = arith.mulf %mul3A_1376, %bitcast3A_1372 : vector<16xf32>
        %sub3A_1378 = arith.constant 1.500000e+00 : f32
        %sub3A_1379 = vector.broadcast %sub3A_1378 : f32 to vector<16xf32>
        %sub3A_1380 = arith.subf %sub3A_1379, %mul3A_1377 : vector<16xf32>
        %mul3A_1381 = arith.mulf %bitcast3A_1372, %sub3A_1380 : vector<16xf32>
        %mul3A_1382 = arith.constant 5.000000e-01 : f32
        %mul3A_1383 = vector.broadcast %mul3A_1382 : f32 to vector<16xf32>
        %mul3A_1384 = arith.mulf %mul3A_1383, %max3A_1364 : vector<16xf32>
        %mul3A_1385 = arith.mulf %mul3A_1384, %mul3A_1381 : vector<16xf32>
        %mul3A_1386 = arith.mulf %mul3A_1385, %mul3A_1381 : vector<16xf32>
        %sub3A_1387 = arith.constant 1.500000e+00 : f32
        %sub3A_1388 = vector.broadcast %sub3A_1387 : f32 to vector<16xf32>
        %sub3A_1389 = arith.subf %sub3A_1388, %mul3A_1386 : vector<16xf32>
        %mul3A_1390 = arith.mulf %mul3A_1381, %sub3A_1389 : vector<16xf32>
        %mul3A_1391 = arith.constant 5.000000e-01 : f32
        %mul3A_1392 = vector.broadcast %mul3A_1391 : f32 to vector<16xf32>
        %mul3A_1393 = arith.mulf %mul3A_1392, %max3A_1364 : vector<16xf32>
        %mul3A_1394 = arith.mulf %mul3A_1393, %mul3A_1390 : vector<16xf32>
        %mul3A_1395 = arith.mulf %mul3A_1394, %mul3A_1390 : vector<16xf32>
        %sub3A_1396 = arith.constant 1.500000e+00 : f32
        %sub3A_1397 = vector.broadcast %sub3A_1396 : f32 to vector<16xf32>
        %sub3A_1398 = arith.subf %sub3A_1397, %mul3A_1395 : vector<16xf32>
        %mul3A_1399 = arith.mulf %mul3A_1390, %sub3A_1398 : vector<16xf32>
        %mul3A_1400 = arith.mulf %max3A_1364, %mul3A_1399 : vector<16xf32>
        %mul3A_1401 = vector.broadcast %scan3A_7 : f32 to vector<16xf32>
        %mul3A_1402 = arith.mulf %mul3A_1400, %mul3A_1401 : vector<16xf32>
        %sub3A_1403 = arith.constant 1.000000e+00 : f32
        %sub3A_1404 = vector.broadcast %sub3A_1403 : f32 to vector<16xf32>
        %sub3A_1405 = arith.subf %sub3A_1404, %mul3A_1402 : vector<16xf32>
        %max3A_1406 = arith.constant 0.000000e+00 : f32
        %max3A_1407 = vector.broadcast %max3A_1406 : f32 to vector<16xf32>
        %max3A_1408 = arith.maximumf %max3A_1407, %sub3A_1405 : vector<16xf32>
        %swap3A_1409 = arith.constant 32 : index
        %swap3A_1410 = tpu.vector_load %arg21[%swap3A_1409] {strides = array<i32>} : memref<256xf32, #tpu.memory_space<vmem>>, vector<16xf32>,
        tpu.vector_store %arg21[%swap3A_1409], %max3A_1408 {strides = array<i32>} : memref<256xf32, #tpu.memory_space<vmem>>, vector<16xf32>,
        %get3A_1411 = arith.constant 48 : index
        %get3A_1412 = tpu.vector_load %arg18[%get3A_1411] {strides = array<i32>} : memref<240xf32, #tpu.memory_space<vmem>>, vector<16xf32>,
        %sub3A_1413 = arith.subf %sub3A_1215, %get3A_1412 : vector<16xf32>
        %get3A_1414 = arith.constant 48 : index
        %get3A_1415 = tpu.vector_load %arg19[%get3A_1414] {strides = array<i32>} : memref<240xf32, #tpu.memory_space<vmem>>, vector<16xf32>,
        %sub3A_1416 = arith.subf %sub3A_1218, %get3A_1415 : vector<16xf32>
        %get3A_1417 = arith.constant 48 : index
        %get3A_1418 = tpu.vector_load %arg20[%get3A_1417] {strides = array<i32>} : memref<240xf32, #tpu.memory_space<vmem>>, vector<16xf32>,
        %sub3A_1419 = arith.subf %sub3A_1221, %get3A_1418 : vector<16xf32>
        %mul3A_1420 = arith.mulf %sub3A_1413, %sub3A_1413 : vector<16xf32>
        %mul3A_1421 = arith.mulf %sub3A_1416, %sub3A_1416 : vector<16xf32>
        %add3A_1422 = arith.addf %mul3A_1420, %mul3A_1421 : vector<16xf32>
        %mul3A_1423 = arith.mulf %sub3A_1419, %sub3A_1419 : vector<16xf32>
        %add3A_1424 = arith.addf %add3A_1422, %mul3A_1423 : vector<16xf32>
        %max3A_1425 = arith.constant 9.99999996E-13 : f32
        %max3A_1426 = vector.broadcast %max3A_1425 : f32 to vector<16xf32>
        %max3A_1427 = arith.maximumf %add3A_1424, %max3A_1426 : vector<16xf32>
        %bitcast3A_1428 = vector.bitcast %max3A_1427 : vector<16xf32> to vector<16xi32>
        %shift_right_arithmetic3A_1429 = arith.constant 1 : i32
        %shift_right_arithmetic3A_1430 = vector.broadcast %shift_right_arithmetic3A_1429 : i32 to vector<16xi32>
        %shift_right_arithmetic3A_1431 = arith.shrsi %bitcast3A_1428, %shift_right_arithmetic3A_1430 : vector<16xi32>
        %sub3A_1432 = arith.constant 1597463007 : i32
        %sub3A_1433 = vector.broadcast %sub3A_1432 : i32 to vector<16xi32>
        %sub3A_1434 = arith.subi %sub3A_1433, %shift_right_arithmetic3A_1431 : vector<16xi32>
        %bitcast3A_1435 = vector.bitcast %sub3A_1434 : vector<16xi32> to vector<16xf32>
        %mul3A_1436 = arith.constant 5.000000e-01 : f32
        %mul3A_1437 = vector.broadcast %mul3A_1436 : f32 to vector<16xf32>
        %mul3A_1438 = arith.mulf %mul3A_1437, %max3A_1427 : vector<16xf32>
        %mul3A_1439 = arith.mulf %mul3A_1438, %bitcast3A_1435 : vector<16xf32>
        %mul3A_1440 = arith.mulf %mul3A_1439, %bitcast3A_1435 : vector<16xf32>
        %sub3A_1441 = arith.constant 1.500000e+00 : f32
        %sub3A_1442 = vector.broadcast %sub3A_1441 : f32 to vector<16xf32>
        %sub3A_1443 = arith.subf %sub3A_1442, %mul3A_1440 : vector<16xf32>
        %mul3A_1444 = arith.mulf %bitcast3A_1435, %sub3A_1443 : vector<16xf32>
        %mul3A_1445 = arith.constant 5.000000e-01 : f32
        %mul3A_1446 = vector.broadcast %mul3A_1445 : f32 to vector<16xf32>
        %mul3A_1447 = arith.mulf %mul3A_1446, %max3A_1427 : vector<16xf32>
        %mul3A_1448 = arith.mulf %mul3A_1447, %mul3A_1444 : vector<16xf32>
        %mul3A_1449 = arith.mulf %mul3A_1448, %mul3A_1444 : vector<16xf32>
        %sub3A_1450 = arith.constant 1.500000e+00 : f32
        %sub3A_1451 = vector.broadcast %sub3A_1450 : f32 to vector<16xf32>
        %sub3A_1452 = arith.subf %sub3A_1451, %mul3A_1449 : vector<16xf32>
        %mul3A_1453 = arith.mulf %mul3A_1444, %sub3A_1452 : vector<16xf32>
        %mul3A_1454 = arith.constant 5.000000e-01 : f32
        %mul3A_1455 = vector.broadcast %mul3A_1454 : f32 to vector<16xf32>
        %mul3A_1456 = arith.mulf %mul3A_1455, %max3A_1427 : vector<16xf32>
        %mul3A_1457 = arith.mulf %mul3A_1456, %mul3A_1453 : vector<16xf32>
        %mul3A_1458 = arith.mulf %mul3A_1457, %mul3A_1453 : vector<16xf32>
        %sub3A_1459 = arith.constant 1.500000e+00 : f32
        %sub3A_1460 = vector.broadcast %sub3A_1459 : f32 to vector<16xf32>
        %sub3A_1461 = arith.subf %sub3A_1460, %mul3A_1458 : vector<16xf32>
        %mul3A_1462 = arith.mulf %mul3A_1453, %sub3A_1461 : vector<16xf32>
        %mul3A_1463 = arith.mulf %max3A_1427, %mul3A_1462 : vector<16xf32>
        %mul3A_1464 = vector.broadcast %scan3A_7 : f32 to vector<16xf32>
        %mul3A_1465 = arith.mulf %mul3A_1463, %mul3A_1464 : vector<16xf32>
        %sub3A_1466 = arith.constant 1.000000e+00 : f32
        %sub3A_1467 = vector.broadcast %sub3A_1466 : f32 to vector<16xf32>
        %sub3A_1468 = arith.subf %sub3A_1467, %mul3A_1465 : vector<16xf32>
        %max3A_1469 = arith.constant 0.000000e+00 : f32
        %max3A_1470 = vector.broadcast %max3A_1469 : f32 to vector<16xf32>
        %max3A_1471 = arith.maximumf %max3A_1470, %sub3A_1468 : vector<16xf32>
        %swap3A_1472 = arith.constant 48 : index
        %swap3A_1473 = tpu.vector_load %arg21[%swap3A_1472] {strides = array<i32>} : memref<256xf32, #tpu.memory_space<vmem>>, vector<16xf32>,
        tpu.vector_store %arg21[%swap3A_1472], %max3A_1471 {strides = array<i32>} : memref<256xf32, #tpu.memory_space<vmem>>, vector<16xf32>,
        %get3A_1474 = arith.constant 64 : index
        %get3A_1475 = tpu.vector_load %arg18[%get3A_1474] {strides = array<i32>} : memref<240xf32, #tpu.memory_space<vmem>>, vector<16xf32>,
        %sub3A_1476 = arith.subf %sub3A_1215, %get3A_1475 : vector<16xf32>
        %get3A_1477 = arith.constant 64 : index
        %get3A_1478 = tpu.vector_load %arg19[%get3A_1477] {strides = array<i32>} : memref<240xf32, #tpu.memory_space<vmem>>, vector<16xf32>,
        %sub3A_1479 = arith.subf %sub3A_1218, %get3A_1478 : vector<16xf32>
        %get3A_1480 = arith.constant 64 : index
        %get3A_1481 = tpu.vector_load %arg20[%get3A_1480] {strides = array<i32>} : memref<240xf32, #tpu.memory_space<vmem>>, vector<16xf32>,
        %sub3A_1482 = arith.subf %sub3A_1221, %get3A_1481 : vector<16xf32>
        %mul3A_1483 = arith.mulf %sub3A_1476, %sub3A_1476 : vector<16xf32>
        %mul3A_1484 = arith.mulf %sub3A_1479, %sub3A_1479 : vector<16xf32>
        %add3A_1485 = arith.addf %mul3A_1483, %mul3A_1484 : vector<16xf32>
        %mul3A_1486 = arith.mulf %sub3A_1482, %sub3A_1482 : vector<16xf32>
        %add3A_1487 = arith.addf %add3A_1485, %mul3A_1486 : vector<16xf32>
        %max3A_1488 = arith.constant 9.99999996E-13 : f32
        %max3A_1489 = vector.broadcast %max3A_1488 : f32 to vector<16xf32>
        %max3A_1490 = arith.maximumf %add3A_1487, %max3A_1489 : vector<16xf32>
        %bitcast3A_1491 = vector.bitcast %max3A_1490 : vector<16xf32> to vector<16xi32>
        %shift_right_arithmetic3A_1492 = arith.constant 1 : i32
        %shift_right_arithmetic3A_1493 = vector.broadcast %shift_right_arithmetic3A_1492 : i32 to vector<16xi32>
        %shift_right_arithmetic3A_1494 = arith.shrsi %bitcast3A_1491, %shift_right_arithmetic3A_1493 : vector<16xi32>
        %sub3A_1495 = arith.constant 1597463007 : i32
        %sub3A_1496 = vector.broadcast %sub3A_1495 : i32 to vector<16xi32>
        %sub3A_1497 = arith.subi %sub3A_1496, %shift_right_arithmetic3A_1494 : vector<16xi32>
        %bitcast3A_1498 = vector.bitcast %sub3A_1497 : vector<16xi32> to vector<16xf32>
        %mul3A_1499 = arith.constant 5.000000e-01 : f32
        %mul3A_1500 = vector.broadcast %mul3A_1499 : f32 to vector<16xf32>
        %mul3A_1501 = arith.mulf %mul3A_1500, %max3A_1490 : vector<16xf32>
        %mul3A_1502 = arith.mulf %mul3A_1501, %bitcast3A_1498 : vector<16xf32>
        %mul3A_1503 = arith.mulf %mul3A_1502, %bitcast3A_1498 : vector<16xf32>
        %sub3A_1504 = arith.constant 1.500000e+00 : f32
        %sub3A_1505 = vector.broadcast %sub3A_1504 : f32 to vector<16xf32>
        %sub3A_1506 = arith.subf %sub3A_1505, %mul3A_1503 : vector<16xf32>
        %mul3A_1507 = arith.mulf %bitcast3A_1498, %sub3A_1506 : vector<16xf32>
        %mul3A_1508 = arith.constant 5.000000e-01 : f32
        %mul3A_1509 = vector.broadcast %mul3A_1508 : f32 to vector<16xf32>
        %mul3A_1510 = arith.mulf %mul3A_1509, %max3A_1490 : vector<16xf32>
        %mul3A_1511 = arith.mulf %mul3A_1510, %mul3A_1507 : vector<16xf32>
        %mul3A_1512 = arith.mulf %mul3A_1511, %mul3A_1507 : vector<16xf32>
        %sub3A_1513 = arith.constant 1.500000e+00 : f32
        %sub3A_1514 = vector.broadcast %sub3A_1513 : f32 to vector<16xf32>
        %sub3A_1515 = arith.subf %sub3A_1514, %mul3A_1512 : vector<16xf32>
        %mul3A_1516 = arith.mulf %mul3A_1507, %sub3A_1515 : vector<16xf32>
        %mul3A_1517 = arith.constant 5.000000e-01 : f32
        %mul3A_1518 = vector.broadcast %mul3A_1517 : f32 to vector<16xf32>
        %mul3A_1519 = arith.mulf %mul3A_1518, %max3A_1490 : vector<16xf32>
        %mul3A_1520 = arith.mulf %mul3A_1519, %mul3A_1516 : vector<16xf32>
        %mul3A_1521 = arith.mulf %mul3A_1520, %mul3A_1516 : vector<16xf32>
        %sub3A_1522 = arith.constant 1.500000e+00 : f32
        %sub3A_1523 = vector.broadcast %sub3A_1522 : f32 to vector<16xf32>
        %sub3A_1524 = arith.subf %sub3A_1523, %mul3A_1521 : vector<16xf32>
        %mul3A_1525 = arith.mulf %mul3A_1516, %sub3A_1524 : vector<16xf32>
        %mul3A_1526 = arith.mulf %max3A_1490, %mul3A_1525 : vector<16xf32>
        %mul3A_1527 = vector.broadcast %scan3A_7 : f32 to vector<16xf32>
        %mul3A_1528 = arith.mulf %mul3A_1526, %mul3A_1527 : vector<16xf32>
        %sub3A_1529 = arith.constant 1.000000e+00 : f32
        %sub3A_1530 = vector.broadcast %sub3A_1529 : f32 to vector<16xf32>
        %sub3A_1531 = arith.subf %sub3A_1530, %mul3A_1528 : vector<16xf32>
        %max3A_1532 = arith.constant 0.000000e+00 : f32
        %max3A_1533 = vector.broadcast %max3A_1532 : f32 to vector<16xf32>
        %max3A_1534 = arith.maximumf %max3A_1533, %sub3A_1531 : vector<16xf32>
        %swap3A_1535 = arith.constant 64 : index
        %swap3A_1536 = tpu.vector_load %arg21[%swap3A_1535] {strides = array<i32>} : memref<256xf32, #tpu.memory_space<vmem>>, vector<16xf32>,
        tpu.vector_store %arg21[%swap3A_1535], %max3A_1534 {strides = array<i32>} : memref<256xf32, #tpu.memory_space<vmem>>, vector<16xf32>,
        %get3A_1537 = arith.constant 80 : index
        %get3A_1538 = tpu.vector_load %arg18[%get3A_1537] {strides = array<i32>} : memref<240xf32, #tpu.memory_space<vmem>>, vector<16xf32>,
        %sub3A_1539 = arith.subf %sub3A_1215, %get3A_1538 : vector<16xf32>
        %get3A_1540 = arith.constant 80 : index
        %get3A_1541 = tpu.vector_load %arg19[%get3A_1540] {strides = array<i32>} : memref<240xf32, #tpu.memory_space<vmem>>, vector<16xf32>,
        %sub3A_1542 = arith.subf %sub3A_1218, %get3A_1541 : vector<16xf32>
        %get3A_1543 = arith.constant 80 : index
        %get3A_1544 = tpu.vector_load %arg20[%get3A_1543] {strides = array<i32>} : memref<240xf32, #tpu.memory_space<vmem>>, vector<16xf32>,
        %sub3A_1545 = arith.subf %sub3A_1221, %get3A_1544 : vector<16xf32>
        %mul3A_1546 = arith.mulf %sub3A_1539, %sub3A_1539 : vector<16xf32>
        %mul3A_1547 = arith.mulf %sub3A_1542, %sub3A_1542 : vector<16xf32>
        %add3A_1548 = arith.addf %mul3A_1546, %mul3A_1547 : vector<16xf32>
        %mul3A_1549 = arith.mulf %sub3A_1545, %sub3A_1545 : vector<16xf32>
        %add3A_1550 = arith.addf %add3A_1548, %mul3A_1549 : vector<16xf32>
        %max3A_1551 = arith.constant 9.99999996E-13 : f32
        %max3A_1552 = vector.broadcast %max3A_1551 : f32 to vector<16xf32>
        %max3A_1553 = arith.maximumf %add3A_1550, %max3A_1552 : vector<16xf32>
        %bitcast3A_1554 = vector.bitcast %max3A_1553 : vector<16xf32> to vector<16xi32>
        %shift_right_arithmetic3A_1555 = arith.constant 1 : i32
        %shift_right_arithmetic3A_1556 = vector.broadcast %shift_right_arithmetic3A_1555 : i32 to vector<16xi32>
        %shift_right_arithmetic3A_1557 = arith.shrsi %bitcast3A_1554, %shift_right_arithmetic3A_1556 : vector<16xi32>
        %sub3A_1558 = arith.constant 1597463007 : i32
        %sub3A_1559 = vector.broadcast %sub3A_1558 : i32 to vector<16xi32>
        %sub3A_1560 = arith.subi %sub3A_1559, %shift_right_arithmetic3A_1557 : vector<16xi32>
        %bitcast3A_1561 = vector.bitcast %sub3A_1560 : vector<16xi32> to vector<16xf32>
        %mul3A_1562 = arith.constant 5.000000e-01 : f32
        %mul3A_1563 = vector.broadcast %mul3A_1562 : f32 to vector<16xf32>
        %mul3A_1564 = arith.mulf %mul3A_1563, %max3A_1553 : vector<16xf32>
        %mul3A_1565 = arith.mulf %mul3A_1564, %bitcast3A_1561 : vector<16xf32>
        %mul3A_1566 = arith.mulf %mul3A_1565, %bitcast3A_1561 : vector<16xf32>
        %sub3A_1567 = arith.constant 1.500000e+00 : f32
        %sub3A_1568 = vector.broadcast %sub3A_1567 : f32 to vector<16xf32>
        %sub3A_1569 = arith.subf %sub3A_1568, %mul3A_1566 : vector<16xf32>
        %mul3A_1570 = arith.mulf %bitcast3A_1561, %sub3A_1569 : vector<16xf32>
        %mul3A_1571 = arith.constant 5.000000e-01 : f32
        %mul3A_1572 = vector.broadcast %mul3A_1571 : f32 to vector<16xf32>
        %mul3A_1573 = arith.mulf %mul3A_1572, %max3A_1553 : vector<16xf32>
        %mul3A_1574 = arith.mulf %mul3A_1573, %mul3A_1570 : vector<16xf32>
        %mul3A_1575 = arith.mulf %mul3A_1574, %mul3A_1570 : vector<16xf32>
        %sub3A_1576 = arith.constant 1.500000e+00 : f32
        %sub3A_1577 = vector.broadcast %sub3A_1576 : f32 to vector<16xf32>
        %sub3A_1578 = arith.subf %sub3A_1577, %mul3A_1575 : vector<16xf32>
        %mul3A_1579 = arith.mulf %mul3A_1570, %sub3A_1578 : vector<16xf32>
        %mul3A_1580 = arith.constant 5.000000e-01 : f32
        %mul3A_1581 = vector.broadcast %mul3A_1580 : f32 to vector<16xf32>
        %mul3A_1582 = arith.mulf %mul3A_1581, %max3A_1553 : vector<16xf32>
        %mul3A_1583 = arith.mulf %mul3A_1582, %mul3A_1579 : vector<16xf32>
        %mul3A_1584 = arith.mulf %mul3A_1583, %mul3A_1579 : vector<16xf32>
        %sub3A_1585 = arith.constant 1.500000e+00 : f32
        %sub3A_1586 = vector.broadcast %sub3A_1585 : f32 to vector<16xf32>
        %sub3A_1587 = arith.subf %sub3A_1586, %mul3A_1584 : vector<16xf32>
        %mul3A_1588 = arith.mulf %mul3A_1579, %sub3A_1587 : vector<16xf32>
        %mul3A_1589 = arith.mulf %max3A_1553, %mul3A_1588 : vector<16xf32>
        %mul3A_1590 = vector.broadcast %scan3A_7 : f32 to vector<16xf32>
        %mul3A_1591 = arith.mulf %mul3A_1589, %mul3A_1590 : vector<16xf32>
        %sub3A_1592 = arith.constant 1.000000e+00 : f32
        %sub3A_1593 = vector.broadcast %sub3A_1592 : f32 to vector<16xf32>
        %sub3A_1594 = arith.subf %sub3A_1593, %mul3A_1591 : vector<16xf32>
        %max3A_1595 = arith.constant 0.000000e+00 : f32
        %max3A_1596 = vector.broadcast %max3A_1595 : f32 to vector<16xf32>
        %max3A_1597 = arith.maximumf %max3A_1596, %sub3A_1594 : vector<16xf32>
        %swap3A_1598 = arith.constant 80 : index
        %swap3A_1599 = tpu.vector_load %arg21[%swap3A_1598] {strides = array<i32>} : memref<256xf32, #tpu.memory_space<vmem>>, vector<16xf32>,
        tpu.vector_store %arg21[%swap3A_1598], %max3A_1597 {strides = array<i32>} : memref<256xf32, #tpu.memory_space<vmem>>, vector<16xf32>,
        %get3A_1600 = arith.constant 96 : index
        %get3A_1601 = tpu.vector_load %arg18[%get3A_1600] {strides = array<i32>} : memref<240xf32, #tpu.memory_space<vmem>>, vector<16xf32>,
        %sub3A_1602 = arith.subf %sub3A_1215, %get3A_1601 : vector<16xf32>
        %get3A_1603 = arith.constant 96 : index
        %get3A_1604 = tpu.vector_load %arg19[%get3A_1603] {strides = array<i32>} : memref<240xf32, #tpu.memory_space<vmem>>, vector<16xf32>,
        %sub3A_1605 = arith.subf %sub3A_1218, %get3A_1604 : vector<16xf32>
        %get3A_1606 = arith.constant 96 : index
        %get3A_1607 = tpu.vector_load %arg20[%get3A_1606] {strides = array<i32>} : memref<240xf32, #tpu.memory_space<vmem>>, vector<16xf32>,
        %sub3A_1608 = arith.subf %sub3A_1221, %get3A_1607 : vector<16xf32>
        %mul3A_1609 = arith.mulf %sub3A_1602, %sub3A_1602 : vector<16xf32>
        %mul3A_1610 = arith.mulf %sub3A_1605, %sub3A_1605 : vector<16xf32>
        %add3A_1611 = arith.addf %mul3A_1609, %mul3A_1610 : vector<16xf32>
        %mul3A_1612 = arith.mulf %sub3A_1608, %sub3A_1608 : vector<16xf32>
        %add3A_1613 = arith.addf %add3A_1611, %mul3A_1612 : vector<16xf32>
        %max3A_1614 = arith.constant 9.99999996E-13 : f32
        %max3A_1615 = vector.broadcast %max3A_1614 : f32 to vector<16xf32>
        %max3A_1616 = arith.maximumf %add3A_1613, %max3A_1615 : vector<16xf32>
        %bitcast3A_1617 = vector.bitcast %max3A_1616 : vector<16xf32> to vector<16xi32>
        %shift_right_arithmetic3A_1618 = arith.constant 1 : i32
        %shift_right_arithmetic3A_1619 = vector.broadcast %shift_right_arithmetic3A_1618 : i32 to vector<16xi32>
        %shift_right_arithmetic3A_1620 = arith.shrsi %bitcast3A_1617, %shift_right_arithmetic3A_1619 : vector<16xi32>
        %sub3A_1621 = arith.constant 1597463007 : i32
        %sub3A_1622 = vector.broadcast %sub3A_1621 : i32 to vector<16xi32>
        %sub3A_1623 = arith.subi %sub3A_1622, %shift_right_arithmetic3A_1620 : vector<16xi32>
        %bitcast3A_1624 = vector.bitcast %sub3A_1623 : vector<16xi32> to vector<16xf32>
        %mul3A_1625 = arith.constant 5.000000e-01 : f32
        %mul3A_1626 = vector.broadcast %mul3A_1625 : f32 to vector<16xf32>
        %mul3A_1627 = arith.mulf %mul3A_1626, %max3A_1616 : vector<16xf32>
        %mul3A_1628 = arith.mulf %mul3A_1627, %bitcast3A_1624 : vector<16xf32>
        %mul3A_1629 = arith.mulf %mul3A_1628, %bitcast3A_1624 : vector<16xf32>
        %sub3A_1630 = arith.constant 1.500000e+00 : f32
        %sub3A_1631 = vector.broadcast %sub3A_1630 : f32 to vector<16xf32>
        %sub3A_1632 = arith.subf %sub3A_1631, %mul3A_1629 : vector<16xf32>
        %mul3A_1633 = arith.mulf %bitcast3A_1624, %sub3A_1632 : vector<16xf32>
        %mul3A_1634 = arith.constant 5.000000e-01 : f32
        %mul3A_1635 = vector.broadcast %mul3A_1634 : f32 to vector<16xf32>
        %mul3A_1636 = arith.mulf %mul3A_1635, %max3A_1616 : vector<16xf32>
        %mul3A_1637 = arith.mulf %mul3A_1636, %mul3A_1633 : vector<16xf32>
        %mul3A_1638 = arith.mulf %mul3A_1637, %mul3A_1633 : vector<16xf32>
        %sub3A_1639 = arith.constant 1.500000e+00 : f32
        %sub3A_1640 = vector.broadcast %sub3A_1639 : f32 to vector<16xf32>
        %sub3A_1641 = arith.subf %sub3A_1640, %mul3A_1638 : vector<16xf32>
        %mul3A_1642 = arith.mulf %mul3A_1633, %sub3A_1641 : vector<16xf32>
        %mul3A_1643 = arith.constant 5.000000e-01 : f32
        %mul3A_1644 = vector.broadcast %mul3A_1643 : f32 to vector<16xf32>
        %mul3A_1645 = arith.mulf %mul3A_1644, %max3A_1616 : vector<16xf32>
        %mul3A_1646 = arith.mulf %mul3A_1645, %mul3A_1642 : vector<16xf32>
        %mul3A_1647 = arith.mulf %mul3A_1646, %mul3A_1642 : vector<16xf32>
        %sub3A_1648 = arith.constant 1.500000e+00 : f32
        %sub3A_1649 = vector.broadcast %sub3A_1648 : f32 to vector<16xf32>
        %sub3A_1650 = arith.subf %sub3A_1649, %mul3A_1647 : vector<16xf32>
        %mul3A_1651 = arith.mulf %mul3A_1642, %sub3A_1650 : vector<16xf32>
        %mul3A_1652 = arith.mulf %max3A_1616, %mul3A_1651 : vector<16xf32>
        %mul3A_1653 = vector.broadcast %scan3A_7 : f32 to vector<16xf32>
        %mul3A_1654 = arith.mulf %mul3A_1652, %mul3A_1653 : vector<16xf32>
        %sub3A_1655 = arith.constant 1.000000e+00 : f32
        %sub3A_1656 = vector.broadcast %sub3A_1655 : f32 to vector<16xf32>
        %sub3A_1657 = arith.subf %sub3A_1656, %mul3A_1654 : vector<16xf32>
        %max3A_1658 = arith.constant 0.000000e+00 : f32
        %max3A_1659 = vector.broadcast %max3A_1658 : f32 to vector<16xf32>
        %max3A_1660 = arith.maximumf %max3A_1659, %sub3A_1657 : vector<16xf32>
        %swap3A_1661 = arith.constant 96 : index
        %swap3A_1662 = tpu.vector_load %arg21[%swap3A_1661] {strides = array<i32>} : memref<256xf32, #tpu.memory_space<vmem>>, vector<16xf32>,
        tpu.vector_store %arg21[%swap3A_1661], %max3A_1660 {strides = array<i32>} : memref<256xf32, #tpu.memory_space<vmem>>, vector<16xf32>,
        %get3A_1663 = arith.constant 112 : index
        %get3A_1664 = tpu.vector_load %arg18[%get3A_1663] {strides = array<i32>} : memref<240xf32, #tpu.memory_space<vmem>>, vector<16xf32>,
        %sub3A_1665 = arith.subf %sub3A_1215, %get3A_1664 : vector<16xf32>
        %get3A_1666 = arith.constant 112 : index
        %get3A_1667 = tpu.vector_load %arg19[%get3A_1666] {strides = array<i32>} : memref<240xf32, #tpu.memory_space<vmem>>, vector<16xf32>,
        %sub3A_1668 = arith.subf %sub3A_1218, %get3A_1667 : vector<16xf32>
        %get3A_1669 = arith.constant 112 : index
        %get3A_1670 = tpu.vector_load %arg20[%get3A_1669] {strides = array<i32>} : memref<240xf32, #tpu.memory_space<vmem>>, vector<16xf32>,
        %sub3A_1671 = arith.subf %sub3A_1221, %get3A_1670 : vector<16xf32>
        %mul3A_1672 = arith.mulf %sub3A_1665, %sub3A_1665 : vector<16xf32>
        %mul3A_1673 = arith.mulf %sub3A_1668, %sub3A_1668 : vector<16xf32>
        %add3A_1674 = arith.addf %mul3A_1672, %mul3A_1673 : vector<16xf32>
        %mul3A_1675 = arith.mulf %sub3A_1671, %sub3A_1671 : vector<16xf32>
        %add3A_1676 = arith.addf %add3A_1674, %mul3A_1675 : vector<16xf32>
        %max3A_1677 = arith.constant 9.99999996E-13 : f32
        %max3A_1678 = vector.broadcast %max3A_1677 : f32 to vector<16xf32>
        %max3A_1679 = arith.maximumf %add3A_1676, %max3A_1678 : vector<16xf32>
        %bitcast3A_1680 = vector.bitcast %max3A_1679 : vector<16xf32> to vector<16xi32>
        %shift_right_arithmetic3A_1681 = arith.constant 1 : i32
        %shift_right_arithmetic3A_1682 = vector.broadcast %shift_right_arithmetic3A_1681 : i32 to vector<16xi32>
        %shift_right_arithmetic3A_1683 = arith.shrsi %bitcast3A_1680, %shift_right_arithmetic3A_1682 : vector<16xi32>
        %sub3A_1684 = arith.constant 1597463007 : i32
        %sub3A_1685 = vector.broadcast %sub3A_1684 : i32 to vector<16xi32>
        %sub3A_1686 = arith.subi %sub3A_1685, %shift_right_arithmetic3A_1683 : vector<16xi32>
        %bitcast3A_1687 = vector.bitcast %sub3A_1686 : vector<16xi32> to vector<16xf32>
        %mul3A_1688 = arith.constant 5.000000e-01 : f32
        %mul3A_1689 = vector.broadcast %mul3A_1688 : f32 to vector<16xf32>
        %mul3A_1690 = arith.mulf %mul3A_1689, %max3A_1679 : vector<16xf32>
        %mul3A_1691 = arith.mulf %mul3A_1690, %bitcast3A_1687 : vector<16xf32>
        %mul3A_1692 = arith.mulf %mul3A_1691, %bitcast3A_1687 : vector<16xf32>
        %sub3A_1693 = arith.constant 1.500000e+00 : f32
        %sub3A_1694 = vector.broadcast %sub3A_1693 : f32 to vector<16xf32>
        %sub3A_1695 = arith.subf %sub3A_1694, %mul3A_1692 : vector<16xf32>
        %mul3A_1696 = arith.mulf %bitcast3A_1687, %sub3A_1695 : vector<16xf32>
        %mul3A_1697 = arith.constant 5.000000e-01 : f32
        %mul3A_1698 = vector.broadcast %mul3A_1697 : f32 to vector<16xf32>
        %mul3A_1699 = arith.mulf %mul3A_1698, %max3A_1679 : vector<16xf32>
        %mul3A_1700 = arith.mulf %mul3A_1699, %mul3A_1696 : vector<16xf32>
        %mul3A_1701 = arith.mulf %mul3A_1700, %mul3A_1696 : vector<16xf32>
        %sub3A_1702 = arith.constant 1.500000e+00 : f32
        %sub3A_1703 = vector.broadcast %sub3A_1702 : f32 to vector<16xf32>
        %sub3A_1704 = arith.subf %sub3A_1703, %mul3A_1701 : vector<16xf32>
        %mul3A_1705 = arith.mulf %mul3A_1696, %sub3A_1704 : vector<16xf32>
        %mul3A_1706 = arith.constant 5.000000e-01 : f32
        %mul3A_1707 = vector.broadcast %mul3A_1706 : f32 to vector<16xf32>
        %mul3A_1708 = arith.mulf %mul3A_1707, %max3A_1679 : vector<16xf32>
        %mul3A_1709 = arith.mulf %mul3A_1708, %mul3A_1705 : vector<16xf32>
        %mul3A_1710 = arith.mulf %mul3A_1709, %mul3A_1705 : vector<16xf32>
        %sub3A_1711 = arith.constant 1.500000e+00 : f32
        %sub3A_1712 = vector.broadcast %sub3A_1711 : f32 to vector<16xf32>
        %sub3A_1713 = arith.subf %sub3A_1712, %mul3A_1710 : vector<16xf32>
        %mul3A_1714 = arith.mulf %mul3A_1705, %sub3A_1713 : vector<16xf32>
        %mul3A_1715 = arith.mulf %max3A_1679, %mul3A_1714 : vector<16xf32>
        %mul3A_1716 = vector.broadcast %scan3A_7 : f32 to vector<16xf32>
        %mul3A_1717 = arith.mulf %mul3A_1715, %mul3A_1716 : vector<16xf32>
        %sub3A_1718 = arith.constant 1.000000e+00 : f32
        %sub3A_1719 = vector.broadcast %sub3A_1718 : f32 to vector<16xf32>
        %sub3A_1720 = arith.subf %sub3A_1719, %mul3A_1717 : vector<16xf32>
        %max3A_1721 = arith.constant 0.000000e+00 : f32
        %max3A_1722 = vector.broadcast %max3A_1721 : f32 to vector<16xf32>
        %max3A_1723 = arith.maximumf %max3A_1722, %sub3A_1720 : vector<16xf32>
        %swap3A_1724 = arith.constant 112 : index
        %swap3A_1725 = tpu.vector_load %arg21[%swap3A_1724] {strides = array<i32>} : memref<256xf32, #tpu.memory_space<vmem>>, vector<16xf32>,
        tpu.vector_store %arg21[%swap3A_1724], %max3A_1723 {strides = array<i32>} : memref<256xf32, #tpu.memory_space<vmem>>, vector<16xf32>,
        %get3A_1726 = arith.constant 128 : index
        %get3A_1727 = tpu.vector_load %arg18[%get3A_1726] {strides = array<i32>} : memref<240xf32, #tpu.memory_space<vmem>>, vector<16xf32>,
        %sub3A_1728 = arith.subf %sub3A_1215, %get3A_1727 : vector<16xf32>
        %get3A_1729 = arith.constant 128 : index
        %get3A_1730 = tpu.vector_load %arg19[%get3A_1729] {strides = array<i32>} : memref<240xf32, #tpu.memory_space<vmem>>, vector<16xf32>,
        %sub3A_1731 = arith.subf %sub3A_1218, %get3A_1730 : vector<16xf32>
        %get3A_1732 = arith.constant 128 : index
        %get3A_1733 = tpu.vector_load %arg20[%get3A_1732] {strides = array<i32>} : memref<240xf32, #tpu.memory_space<vmem>>, vector<16xf32>,
        %sub3A_1734 = arith.subf %sub3A_1221, %get3A_1733 : vector<16xf32>
        %mul3A_1735 = arith.mulf %sub3A_1728, %sub3A_1728 : vector<16xf32>
        %mul3A_1736 = arith.mulf %sub3A_1731, %sub3A_1731 : vector<16xf32>
        %add3A_1737 = arith.addf %mul3A_1735, %mul3A_1736 : vector<16xf32>
        %mul3A_1738 = arith.mulf %sub3A_1734, %sub3A_1734 : vector<16xf32>
        %add3A_1739 = arith.addf %add3A_1737, %mul3A_1738 : vector<16xf32>
        %max3A_1740 = arith.constant 9.99999996E-13 : f32
        %max3A_1741 = vector.broadcast %max3A_1740 : f32 to vector<16xf32>
        %max3A_1742 = arith.maximumf %add3A_1739, %max3A_1741 : vector<16xf32>
        %bitcast3A_1743 = vector.bitcast %max3A_1742 : vector<16xf32> to vector<16xi32>
        %shift_right_arithmetic3A_1744 = arith.constant 1 : i32
        %shift_right_arithmetic3A_1745 = vector.broadcast %shift_right_arithmetic3A_1744 : i32 to vector<16xi32>
        %shift_right_arithmetic3A_1746 = arith.shrsi %bitcast3A_1743, %shift_right_arithmetic3A_1745 : vector<16xi32>
        %sub3A_1747 = arith.constant 1597463007 : i32
        %sub3A_1748 = vector.broadcast %sub3A_1747 : i32 to vector<16xi32>
        %sub3A_1749 = arith.subi %sub3A_1748, %shift_right_arithmetic3A_1746 : vector<16xi32>
        %bitcast3A_1750 = vector.bitcast %sub3A_1749 : vector<16xi32> to vector<16xf32>
        %mul3A_1751 = arith.constant 5.000000e-01 : f32
        %mul3A_1752 = vector.broadcast %mul3A_1751 : f32 to vector<16xf32>
        %mul3A_1753 = arith.mulf %mul3A_1752, %max3A_1742 : vector<16xf32>
        %mul3A_1754 = arith.mulf %mul3A_1753, %bitcast3A_1750 : vector<16xf32>
        %mul3A_1755 = arith.mulf %mul3A_1754, %bitcast3A_1750 : vector<16xf32>
        %sub3A_1756 = arith.constant 1.500000e+00 : f32
        %sub3A_1757 = vector.broadcast %sub3A_1756 : f32 to vector<16xf32>
        %sub3A_1758 = arith.subf %sub3A_1757, %mul3A_1755 : vector<16xf32>
        %mul3A_1759 = arith.mulf %bitcast3A_1750, %sub3A_1758 : vector<16xf32>
        %mul3A_1760 = arith.constant 5.000000e-01 : f32
        %mul3A_1761 = vector.broadcast %mul3A_1760 : f32 to vector<16xf32>
        %mul3A_1762 = arith.mulf %mul3A_1761, %max3A_1742 : vector<16xf32>
        %mul3A_1763 = arith.mulf %mul3A_1762, %mul3A_1759 : vector<16xf32>
        %mul3A_1764 = arith.mulf %mul3A_1763, %mul3A_1759 : vector<16xf32>
        %sub3A_1765 = arith.constant 1.500000e+00 : f32
        %sub3A_1766 = vector.broadcast %sub3A_1765 : f32 to vector<16xf32>
        %sub3A_1767 = arith.subf %sub3A_1766, %mul3A_1764 : vector<16xf32>
        %mul3A_1768 = arith.mulf %mul3A_1759, %sub3A_1767 : vector<16xf32>
        %mul3A_1769 = arith.constant 5.000000e-01 : f32
        %mul3A_1770 = vector.broadcast %mul3A_1769 : f32 to vector<16xf32>
        %mul3A_1771 = arith.mulf %mul3A_1770, %max3A_1742 : vector<16xf32>
        %mul3A_1772 = arith.mulf %mul3A_1771, %mul3A_1768 : vector<16xf32>
        %mul3A_1773 = arith.mulf %mul3A_1772, %mul3A_1768 : vector<16xf32>
        %sub3A_1774 = arith.constant 1.500000e+00 : f32
        %sub3A_1775 = vector.broadcast %sub3A_1774 : f32 to vector<16xf32>
        %sub3A_1776 = arith.subf %sub3A_1775, %mul3A_1773 : vector<16xf32>
        %mul3A_1777 = arith.mulf %mul3A_1768, %sub3A_1776 : vector<16xf32>
        %mul3A_1778 = arith.mulf %max3A_1742, %mul3A_1777 : vector<16xf32>
        %mul3A_1779 = vector.broadcast %scan3A_7 : f32 to vector<16xf32>
        %mul3A_1780 = arith.mulf %mul3A_1778, %mul3A_1779 : vector<16xf32>
        %sub3A_1781 = arith.constant 1.000000e+00 : f32
        %sub3A_1782 = vector.broadcast %sub3A_1781 : f32 to vector<16xf32>
        %sub3A_1783 = arith.subf %sub3A_1782, %mul3A_1780 : vector<16xf32>
        %max3A_1784 = arith.constant 0.000000e+00 : f32
        %max3A_1785 = vector.broadcast %max3A_1784 : f32 to vector<16xf32>
        %max3A_1786 = arith.maximumf %max3A_1785, %sub3A_1783 : vector<16xf32>
        %swap3A_1787 = arith.constant 128 : index
        %swap3A_1788 = tpu.vector_load %arg21[%swap3A_1787] {strides = array<i32>} : memref<256xf32, #tpu.memory_space<vmem>>, vector<16xf32>,
        tpu.vector_store %arg21[%swap3A_1787], %max3A_1786 {strides = array<i32>} : memref<256xf32, #tpu.memory_space<vmem>>, vector<16xf32>,
        %get3A_1789 = arith.constant 144 : index
        %get3A_1790 = tpu.vector_load %arg18[%get3A_1789] {strides = array<i32>} : memref<240xf32, #tpu.memory_space<vmem>>, vector<16xf32>,
        %sub3A_1791 = arith.subf %sub3A_1215, %get3A_1790 : vector<16xf32>
        %get3A_1792 = arith.constant 144 : index
        %get3A_1793 = tpu.vector_load %arg19[%get3A_1792] {strides = array<i32>} : memref<240xf32, #tpu.memory_space<vmem>>, vector<16xf32>,
        %sub3A_1794 = arith.subf %sub3A_1218, %get3A_1793 : vector<16xf32>
        %get3A_1795 = arith.constant 144 : index
        %get3A_1796 = tpu.vector_load %arg20[%get3A_1795] {strides = array<i32>} : memref<240xf32, #tpu.memory_space<vmem>>, vector<16xf32>,
        %sub3A_1797 = arith.subf %sub3A_1221, %get3A_1796 : vector<16xf32>
        %mul3A_1798 = arith.mulf %sub3A_1791, %sub3A_1791 : vector<16xf32>
        %mul3A_1799 = arith.mulf %sub3A_1794, %sub3A_1794 : vector<16xf32>
        %add3A_1800 = arith.addf %mul3A_1798, %mul3A_1799 : vector<16xf32>
        %mul3A_1801 = arith.mulf %sub3A_1797, %sub3A_1797 : vector<16xf32>
        %add3A_1802 = arith.addf %add3A_1800, %mul3A_1801 : vector<16xf32>
        %max3A_1803 = arith.constant 9.99999996E-13 : f32
        %max3A_1804 = vector.broadcast %max3A_1803 : f32 to vector<16xf32>
        %max3A_1805 = arith.maximumf %add3A_1802, %max3A_1804 : vector<16xf32>
        %bitcast3A_1806 = vector.bitcast %max3A_1805 : vector<16xf32> to vector<16xi32>
        %shift_right_arithmetic3A_1807 = arith.constant 1 : i32
        %shift_right_arithmetic3A_1808 = vector.broadcast %shift_right_arithmetic3A_1807 : i32 to vector<16xi32>
        %shift_right_arithmetic3A_1809 = arith.shrsi %bitcast3A_1806, %shift_right_arithmetic3A_1808 : vector<16xi32>
        %sub3A_1810 = arith.constant 1597463007 : i32
        %sub3A_1811 = vector.broadcast %sub3A_1810 : i32 to vector<16xi32>
        %sub3A_1812 = arith.subi %sub3A_1811, %shift_right_arithmetic3A_1809 : vector<16xi32>
        %bitcast3A_1813 = vector.bitcast %sub3A_1812 : vector<16xi32> to vector<16xf32>
        %mul3A_1814 = arith.constant 5.000000e-01 : f32
        %mul3A_1815 = vector.broadcast %mul3A_1814 : f32 to vector<16xf32>
        %mul3A_1816 = arith.mulf %mul3A_1815, %max3A_1805 : vector<16xf32>
        %mul3A_1817 = arith.mulf %mul3A_1816, %bitcast3A_1813 : vector<16xf32>
        %mul3A_1818 = arith.mulf %mul3A_1817, %bitcast3A_1813 : vector<16xf32>
        %sub3A_1819 = arith.constant 1.500000e+00 : f32
        %sub3A_1820 = vector.broadcast %sub3A_1819 : f32 to vector<16xf32>
        %sub3A_1821 = arith.subf %sub3A_1820, %mul3A_1818 : vector<16xf32>
        %mul3A_1822 = arith.mulf %bitcast3A_1813, %sub3A_1821 : vector<16xf32>
        %mul3A_1823 = arith.constant 5.000000e-01 : f32
        %mul3A_1824 = vector.broadcast %mul3A_1823 : f32 to vector<16xf32>
        %mul3A_1825 = arith.mulf %mul3A_1824, %max3A_1805 : vector<16xf32>
        %mul3A_1826 = arith.mulf %mul3A_1825, %mul3A_1822 : vector<16xf32>
        %mul3A_1827 = arith.mulf %mul3A_1826, %mul3A_1822 : vector<16xf32>
        %sub3A_1828 = arith.constant 1.500000e+00 : f32
        %sub3A_1829 = vector.broadcast %sub3A_1828 : f32 to vector<16xf32>
        %sub3A_1830 = arith.subf %sub3A_1829, %mul3A_1827 : vector<16xf32>
        %mul3A_1831 = arith.mulf %mul3A_1822, %sub3A_1830 : vector<16xf32>
        %mul3A_1832 = arith.constant 5.000000e-01 : f32
        %mul3A_1833 = vector.broadcast %mul3A_1832 : f32 to vector<16xf32>
        %mul3A_1834 = arith.mulf %mul3A_1833, %max3A_1805 : vector<16xf32>
        %mul3A_1835 = arith.mulf %mul3A_1834, %mul3A_1831 : vector<16xf32>
        %mul3A_1836 = arith.mulf %mul3A_1835, %mul3A_1831 : vector<16xf32>
        %sub3A_1837 = arith.constant 1.500000e+00 : f32
        %sub3A_1838 = vector.broadcast %sub3A_1837 : f32 to vector<16xf32>
        %sub3A_1839 = arith.subf %sub3A_1838, %mul3A_1836 : vector<16xf32>
        %mul3A_1840 = arith.mulf %mul3A_1831, %sub3A_1839 : vector<16xf32>
        %mul3A_1841 = arith.mulf %max3A_1805, %mul3A_1840 : vector<16xf32>
        %mul3A_1842 = vector.broadcast %scan3A_7 : f32 to vector<16xf32>
        %mul3A_1843 = arith.mulf %mul3A_1841, %mul3A_1842 : vector<16xf32>
        %sub3A_1844 = arith.constant 1.000000e+00 : f32
        %sub3A_1845 = vector.broadcast %sub3A_1844 : f32 to vector<16xf32>
        %sub3A_1846 = arith.subf %sub3A_1845, %mul3A_1843 : vector<16xf32>
        %max3A_1847 = arith.constant 0.000000e+00 : f32
        %max3A_1848 = vector.broadcast %max3A_1847 : f32 to vector<16xf32>
        %max3A_1849 = arith.maximumf %max3A_1848, %sub3A_1846 : vector<16xf32>
        %swap3A_1850 = arith.constant 144 : index
        %swap3A_1851 = tpu.vector_load %arg21[%swap3A_1850] {strides = array<i32>} : memref<256xf32, #tpu.memory_space<vmem>>, vector<16xf32>,
        tpu.vector_store %arg21[%swap3A_1850], %max3A_1849 {strides = array<i32>} : memref<256xf32, #tpu.memory_space<vmem>>, vector<16xf32>,
        %get3A_1852 = arith.constant 160 : index
        %get3A_1853 = tpu.vector_load %arg18[%get3A_1852] {strides = array<i32>} : memref<240xf32, #tpu.memory_space<vmem>>, vector<16xf32>,
        %sub3A_1854 = arith.subf %sub3A_1215, %get3A_1853 : vector<16xf32>
        %get3A_1855 = arith.constant 160 : index
        %get3A_1856 = tpu.vector_load %arg19[%get3A_1855] {strides = array<i32>} : memref<240xf32, #tpu.memory_space<vmem>>, vector<16xf32>,
        %sub3A_1857 = arith.subf %sub3A_1218, %get3A_1856 : vector<16xf32>
        %get3A_1858 = arith.constant 160 : index
        %get3A_1859 = tpu.vector_load %arg20[%get3A_1858] {strides = array<i32>} : memref<240xf32, #tpu.memory_space<vmem>>, vector<16xf32>,
        %sub3A_1860 = arith.subf %sub3A_1221, %get3A_1859 : vector<16xf32>
        %mul3A_1861 = arith.mulf %sub3A_1854, %sub3A_1854 : vector<16xf32>
        %mul3A_1862 = arith.mulf %sub3A_1857, %sub3A_1857 : vector<16xf32>
        %add3A_1863 = arith.addf %mul3A_1861, %mul3A_1862 : vector<16xf32>
        %mul3A_1864 = arith.mulf %sub3A_1860, %sub3A_1860 : vector<16xf32>
        %add3A_1865 = arith.addf %add3A_1863, %mul3A_1864 : vector<16xf32>
        %max3A_1866 = arith.constant 9.99999996E-13 : f32
        %max3A_1867 = vector.broadcast %max3A_1866 : f32 to vector<16xf32>
        %max3A_1868 = arith.maximumf %add3A_1865, %max3A_1867 : vector<16xf32>
        %bitcast3A_1869 = vector.bitcast %max3A_1868 : vector<16xf32> to vector<16xi32>
        %shift_right_arithmetic3A_1870 = arith.constant 1 : i32
        %shift_right_arithmetic3A_1871 = vector.broadcast %shift_right_arithmetic3A_1870 : i32 to vector<16xi32>
        %shift_right_arithmetic3A_1872 = arith.shrsi %bitcast3A_1869, %shift_right_arithmetic3A_1871 : vector<16xi32>
        %sub3A_1873 = arith.constant 1597463007 : i32
        %sub3A_1874 = vector.broadcast %sub3A_1873 : i32 to vector<16xi32>
        %sub3A_1875 = arith.subi %sub3A_1874, %shift_right_arithmetic3A_1872 : vector<16xi32>
        %bitcast3A_1876 = vector.bitcast %sub3A_1875 : vector<16xi32> to vector<16xf32>
        %mul3A_1877 = arith.constant 5.000000e-01 : f32
        %mul3A_1878 = vector.broadcast %mul3A_1877 : f32 to vector<16xf32>
        %mul3A_1879 = arith.mulf %mul3A_1878, %max3A_1868 : vector<16xf32>
        %mul3A_1880 = arith.mulf %mul3A_1879, %bitcast3A_1876 : vector<16xf32>
        %mul3A_1881 = arith.mulf %mul3A_1880, %bitcast3A_1876 : vector<16xf32>
        %sub3A_1882 = arith.constant 1.500000e+00 : f32
        %sub3A_1883 = vector.broadcast %sub3A_1882 : f32 to vector<16xf32>
        %sub3A_1884 = arith.subf %sub3A_1883, %mul3A_1881 : vector<16xf32>
        %mul3A_1885 = arith.mulf %bitcast3A_1876, %sub3A_1884 : vector<16xf32>
        %mul3A_1886 = arith.constant 5.000000e-01 : f32
        %mul3A_1887 = vector.broadcast %mul3A_1886 : f32 to vector<16xf32>
        %mul3A_1888 = arith.mulf %mul3A_1887, %max3A_1868 : vector<16xf32>
        %mul3A_1889 = arith.mulf %mul3A_1888, %mul3A_1885 : vector<16xf32>
        %mul3A_1890 = arith.mulf %mul3A_1889, %mul3A_1885 : vector<16xf32>
        %sub3A_1891 = arith.constant 1.500000e+00 : f32
        %sub3A_1892 = vector.broadcast %sub3A_1891 : f32 to vector<16xf32>
        %sub3A_1893 = arith.subf %sub3A_1892, %mul3A_1890 : vector<16xf32>
        %mul3A_1894 = arith.mulf %mul3A_1885, %sub3A_1893 : vector<16xf32>
        %mul3A_1895 = arith.constant 5.000000e-01 : f32
        %mul3A_1896 = vector.broadcast %mul3A_1895 : f32 to vector<16xf32>
        %mul3A_1897 = arith.mulf %mul3A_1896, %max3A_1868 : vector<16xf32>
        %mul3A_1898 = arith.mulf %mul3A_1897, %mul3A_1894 : vector<16xf32>
        %mul3A_1899 = arith.mulf %mul3A_1898, %mul3A_1894 : vector<16xf32>
        %sub3A_1900 = arith.constant 1.500000e+00 : f32
        %sub3A_1901 = vector.broadcast %sub3A_1900 : f32 to vector<16xf32>
        %sub3A_1902 = arith.subf %sub3A_1901, %mul3A_1899 : vector<16xf32>
        %mul3A_1903 = arith.mulf %mul3A_1894, %sub3A_1902 : vector<16xf32>
        %mul3A_1904 = arith.mulf %max3A_1868, %mul3A_1903 : vector<16xf32>
        %mul3A_1905 = vector.broadcast %scan3A_7 : f32 to vector<16xf32>
        %mul3A_1906 = arith.mulf %mul3A_1904, %mul3A_1905 : vector<16xf32>
        %sub3A_1907 = arith.constant 1.000000e+00 : f32
        %sub3A_1908 = vector.broadcast %sub3A_1907 : f32 to vector<16xf32>
        %sub3A_1909 = arith.subf %sub3A_1908, %mul3A_1906 : vector<16xf32>
        %max3A_1910 = arith.constant 0.000000e+00 : f32
        %max3A_1911 = vector.broadcast %max3A_1910 : f32 to vector<16xf32>
        %max3A_1912 = arith.maximumf %max3A_1911, %sub3A_1909 : vector<16xf32>
        %swap3A_1913 = arith.constant 160 : index
        %swap3A_1914 = tpu.vector_load %arg21[%swap3A_1913] {strides = array<i32>} : memref<256xf32, #tpu.memory_space<vmem>>, vector<16xf32>,
        tpu.vector_store %arg21[%swap3A_1913], %max3A_1912 {strides = array<i32>} : memref<256xf32, #tpu.memory_space<vmem>>, vector<16xf32>,
        %get3A_1915 = arith.constant 176 : index
        %get3A_1916 = tpu.vector_load %arg18[%get3A_1915] {strides = array<i32>} : memref<240xf32, #tpu.memory_space<vmem>>, vector<16xf32>,
        %sub3A_1917 = arith.subf %sub3A_1215, %get3A_1916 : vector<16xf32>
        %get3A_1918 = arith.constant 176 : index
        %get3A_1919 = tpu.vector_load %arg19[%get3A_1918] {strides = array<i32>} : memref<240xf32, #tpu.memory_space<vmem>>, vector<16xf32>,
        %sub3A_1920 = arith.subf %sub3A_1218, %get3A_1919 : vector<16xf32>
        %get3A_1921 = arith.constant 176 : index
        %get3A_1922 = tpu.vector_load %arg20[%get3A_1921] {strides = array<i32>} : memref<240xf32, #tpu.memory_space<vmem>>, vector<16xf32>,
        %sub3A_1923 = arith.subf %sub3A_1221, %get3A_1922 : vector<16xf32>
        %mul3A_1924 = arith.mulf %sub3A_1917, %sub3A_1917 : vector<16xf32>
        %mul3A_1925 = arith.mulf %sub3A_1920, %sub3A_1920 : vector<16xf32>
        %add3A_1926 = arith.addf %mul3A_1924, %mul3A_1925 : vector<16xf32>
        %mul3A_1927 = arith.mulf %sub3A_1923, %sub3A_1923 : vector<16xf32>
        %add3A_1928 = arith.addf %add3A_1926, %mul3A_1927 : vector<16xf32>
        %max3A_1929 = arith.constant 9.99999996E-13 : f32
        %max3A_1930 = vector.broadcast %max3A_1929 : f32 to vector<16xf32>
        %max3A_1931 = arith.maximumf %add3A_1928, %max3A_1930 : vector<16xf32>
        %bitcast3A_1932 = vector.bitcast %max3A_1931 : vector<16xf32> to vector<16xi32>
        %shift_right_arithmetic3A_1933 = arith.constant 1 : i32
        %shift_right_arithmetic3A_1934 = vector.broadcast %shift_right_arithmetic3A_1933 : i32 to vector<16xi32>
        %shift_right_arithmetic3A_1935 = arith.shrsi %bitcast3A_1932, %shift_right_arithmetic3A_1934 : vector<16xi32>
        %sub3A_1936 = arith.constant 1597463007 : i32
        %sub3A_1937 = vector.broadcast %sub3A_1936 : i32 to vector<16xi32>
        %sub3A_1938 = arith.subi %sub3A_1937, %shift_right_arithmetic3A_1935 : vector<16xi32>
        %bitcast3A_1939 = vector.bitcast %sub3A_1938 : vector<16xi32> to vector<16xf32>
        %mul3A_1940 = arith.constant 5.000000e-01 : f32
        %mul3A_1941 = vector.broadcast %mul3A_1940 : f32 to vector<16xf32>
        %mul3A_1942 = arith.mulf %mul3A_1941, %max3A_1931 : vector<16xf32>
        %mul3A_1943 = arith.mulf %mul3A_1942, %bitcast3A_1939 : vector<16xf32>
        %mul3A_1944 = arith.mulf %mul3A_1943, %bitcast3A_1939 : vector<16xf32>
        %sub3A_1945 = arith.constant 1.500000e+00 : f32
        %sub3A_1946 = vector.broadcast %sub3A_1945 : f32 to vector<16xf32>
        %sub3A_1947 = arith.subf %sub3A_1946, %mul3A_1944 : vector<16xf32>
        %mul3A_1948 = arith.mulf %bitcast3A_1939, %sub3A_1947 : vector<16xf32>
        %mul3A_1949 = arith.constant 5.000000e-01 : f32
        %mul3A_1950 = vector.broadcast %mul3A_1949 : f32 to vector<16xf32>
        %mul3A_1951 = arith.mulf %mul3A_1950, %max3A_1931 : vector<16xf32>
        %mul3A_1952 = arith.mulf %mul3A_1951, %mul3A_1948 : vector<16xf32>
        %mul3A_1953 = arith.mulf %mul3A_1952, %mul3A_1948 : vector<16xf32>
        %sub3A_1954 = arith.constant 1.500000e+00 : f32
        %sub3A_1955 = vector.broadcast %sub3A_1954 : f32 to vector<16xf32>
        %sub3A_1956 = arith.subf %sub3A_1955, %mul3A_1953 : vector<16xf32>
        %mul3A_1957 = arith.mulf %mul3A_1948, %sub3A_1956 : vector<16xf32>
        %mul3A_1958 = arith.constant 5.000000e-01 : f32
        %mul3A_1959 = vector.broadcast %mul3A_1958 : f32 to vector<16xf32>
        %mul3A_1960 = arith.mulf %mul3A_1959, %max3A_1931 : vector<16xf32>
        %mul3A_1961 = arith.mulf %mul3A_1960, %mul3A_1957 : vector<16xf32>
        %mul3A_1962 = arith.mulf %mul3A_1961, %mul3A_1957 : vector<16xf32>
        %sub3A_1963 = arith.constant 1.500000e+00 : f32
        %sub3A_1964 = vector.broadcast %sub3A_1963 : f32 to vector<16xf32>
        %sub3A_1965 = arith.subf %sub3A_1964, %mul3A_1962 : vector<16xf32>
        %mul3A_1966 = arith.mulf %mul3A_1957, %sub3A_1965 : vector<16xf32>
        %mul3A_1967 = arith.mulf %max3A_1931, %mul3A_1966 : vector<16xf32>
        %mul3A_1968 = vector.broadcast %scan3A_7 : f32 to vector<16xf32>
        %mul3A_1969 = arith.mulf %mul3A_1967, %mul3A_1968 : vector<16xf32>
        %sub3A_1970 = arith.constant 1.000000e+00 : f32
        %sub3A_1971 = vector.broadcast %sub3A_1970 : f32 to vector<16xf32>
        %sub3A_1972 = arith.subf %sub3A_1971, %mul3A_1969 : vector<16xf32>
        %max3A_1973 = arith.constant 0.000000e+00 : f32
        %max3A_1974 = vector.broadcast %max3A_1973 : f32 to vector<16xf32>
        %max3A_1975 = arith.maximumf %max3A_1974, %sub3A_1972 : vector<16xf32>
        %swap3A_1976 = arith.constant 176 : index
        %swap3A_1977 = tpu.vector_load %arg21[%swap3A_1976] {strides = array<i32>} : memref<256xf32, #tpu.memory_space<vmem>>, vector<16xf32>,
        tpu.vector_store %arg21[%swap3A_1976], %max3A_1975 {strides = array<i32>} : memref<256xf32, #tpu.memory_space<vmem>>, vector<16xf32>,
        %get3A_1978 = arith.constant 192 : index
        %get3A_1979 = tpu.vector_load %arg18[%get3A_1978] {strides = array<i32>} : memref<240xf32, #tpu.memory_space<vmem>>, vector<16xf32>,
        %sub3A_1980 = arith.subf %sub3A_1215, %get3A_1979 : vector<16xf32>
        %get3A_1981 = arith.constant 192 : index
        %get3A_1982 = tpu.vector_load %arg19[%get3A_1981] {strides = array<i32>} : memref<240xf32, #tpu.memory_space<vmem>>, vector<16xf32>,
        %sub3A_1983 = arith.subf %sub3A_1218, %get3A_1982 : vector<16xf32>
        %get3A_1984 = arith.constant 192 : index
        %get3A_1985 = tpu.vector_load %arg20[%get3A_1984] {strides = array<i32>} : memref<240xf32, #tpu.memory_space<vmem>>, vector<16xf32>,
        %sub3A_1986 = arith.subf %sub3A_1221, %get3A_1985 : vector<16xf32>
        %mul3A_1987 = arith.mulf %sub3A_1980, %sub3A_1980 : vector<16xf32>
        %mul3A_1988 = arith.mulf %sub3A_1983, %sub3A_1983 : vector<16xf32>
        %add3A_1989 = arith.addf %mul3A_1987, %mul3A_1988 : vector<16xf32>
        %mul3A_1990 = arith.mulf %sub3A_1986, %sub3A_1986 : vector<16xf32>
        %add3A_1991 = arith.addf %add3A_1989, %mul3A_1990 : vector<16xf32>
        %max3A_1992 = arith.constant 9.99999996E-13 : f32
        %max3A_1993 = vector.broadcast %max3A_1992 : f32 to vector<16xf32>
        %max3A_1994 = arith.maximumf %add3A_1991, %max3A_1993 : vector<16xf32>
        %bitcast3A_1995 = vector.bitcast %max3A_1994 : vector<16xf32> to vector<16xi32>
        %shift_right_arithmetic3A_1996 = arith.constant 1 : i32
        %shift_right_arithmetic3A_1997 = vector.broadcast %shift_right_arithmetic3A_1996 : i32 to vector<16xi32>
        %shift_right_arithmetic3A_1998 = arith.shrsi %bitcast3A_1995, %shift_right_arithmetic3A_1997 : vector<16xi32>
        %sub3A_1999 = arith.constant 1597463007 : i32
        %sub3A_2000 = vector.broadcast %sub3A_1999 : i32 to vector<16xi32>
        %sub3A_2001 = arith.subi %sub3A_2000, %shift_right_arithmetic3A_1998 : vector<16xi32>
        %bitcast3A_2002 = vector.bitcast %sub3A_2001 : vector<16xi32> to vector<16xf32>
        %mul3A_2003 = arith.constant 5.000000e-01 : f32
        %mul3A_2004 = vector.broadcast %mul3A_2003 : f32 to vector<16xf32>
        %mul3A_2005 = arith.mulf %mul3A_2004, %max3A_1994 : vector<16xf32>
        %mul3A_2006 = arith.mulf %mul3A_2005, %bitcast3A_2002 : vector<16xf32>
        %mul3A_2007 = arith.mulf %mul3A_2006, %bitcast3A_2002 : vector<16xf32>
        %sub3A_2008 = arith.constant 1.500000e+00 : f32
        %sub3A_2009 = vector.broadcast %sub3A_2008 : f32 to vector<16xf32>
        %sub3A_2010 = arith.subf %sub3A_2009, %mul3A_2007 : vector<16xf32>
        %mul3A_2011 = arith.mulf %bitcast3A_2002, %sub3A_2010 : vector<16xf32>
        %mul3A_2012 = arith.constant 5.000000e-01 : f32
        %mul3A_2013 = vector.broadcast %mul3A_2012 : f32 to vector<16xf32>
        %mul3A_2014 = arith.mulf %mul3A_2013, %max3A_1994 : vector<16xf32>
        %mul3A_2015 = arith.mulf %mul3A_2014, %mul3A_2011 : vector<16xf32>
        %mul3A_2016 = arith.mulf %mul3A_2015, %mul3A_2011 : vector<16xf32>
        %sub3A_2017 = arith.constant 1.500000e+00 : f32
        %sub3A_2018 = vector.broadcast %sub3A_2017 : f32 to vector<16xf32>
        %sub3A_2019 = arith.subf %sub3A_2018, %mul3A_2016 : vector<16xf32>
        %mul3A_2020 = arith.mulf %mul3A_2011, %sub3A_2019 : vector<16xf32>
        %mul3A_2021 = arith.constant 5.000000e-01 : f32
        %mul3A_2022 = vector.broadcast %mul3A_2021 : f32 to vector<16xf32>
        %mul3A_2023 = arith.mulf %mul3A_2022, %max3A_1994 : vector<16xf32>
        %mul3A_2024 = arith.mulf %mul3A_2023, %mul3A_2020 : vector<16xf32>
        %mul3A_2025 = arith.mulf %mul3A_2024, %mul3A_2020 : vector<16xf32>
        %sub3A_2026 = arith.constant 1.500000e+00 : f32
        %sub3A_2027 = vector.broadcast %sub3A_2026 : f32 to vector<16xf32>
        %sub3A_2028 = arith.subf %sub3A_2027, %mul3A_2025 : vector<16xf32>
        %mul3A_2029 = arith.mulf %mul3A_2020, %sub3A_2028 : vector<16xf32>
        %mul3A_2030 = arith.mulf %max3A_1994, %mul3A_2029 : vector<16xf32>
        %mul3A_2031 = vector.broadcast %scan3A_7 : f32 to vector<16xf32>
        %mul3A_2032 = arith.mulf %mul3A_2030, %mul3A_2031 : vector<16xf32>
        %sub3A_2033 = arith.constant 1.000000e+00 : f32
        %sub3A_2034 = vector.broadcast %sub3A_2033 : f32 to vector<16xf32>
        %sub3A_2035 = arith.subf %sub3A_2034, %mul3A_2032 : vector<16xf32>
        %max3A_2036 = arith.constant 0.000000e+00 : f32
        %max3A_2037 = vector.broadcast %max3A_2036 : f32 to vector<16xf32>
        %max3A_2038 = arith.maximumf %max3A_2037, %sub3A_2035 : vector<16xf32>
        %swap3A_2039 = arith.constant 192 : index
        %swap3A_2040 = tpu.vector_load %arg21[%swap3A_2039] {strides = array<i32>} : memref<256xf32, #tpu.memory_space<vmem>>, vector<16xf32>,
        tpu.vector_store %arg21[%swap3A_2039], %max3A_2038 {strides = array<i32>} : memref<256xf32, #tpu.memory_space<vmem>>, vector<16xf32>,
        %get3A_2041 = arith.constant 208 : index
        %get3A_2042 = tpu.vector_load %arg18[%get3A_2041] {strides = array<i32>} : memref<240xf32, #tpu.memory_space<vmem>>, vector<16xf32>,
        %sub3A_2043 = arith.subf %sub3A_1215, %get3A_2042 : vector<16xf32>
        %get3A_2044 = arith.constant 208 : index
        %get3A_2045 = tpu.vector_load %arg19[%get3A_2044] {strides = array<i32>} : memref<240xf32, #tpu.memory_space<vmem>>, vector<16xf32>,
        %sub3A_2046 = arith.subf %sub3A_1218, %get3A_2045 : vector<16xf32>
        %get3A_2047 = arith.constant 208 : index
        %get3A_2048 = tpu.vector_load %arg20[%get3A_2047] {strides = array<i32>} : memref<240xf32, #tpu.memory_space<vmem>>, vector<16xf32>,
        %sub3A_2049 = arith.subf %sub3A_1221, %get3A_2048 : vector<16xf32>
        %mul3A_2050 = arith.mulf %sub3A_2043, %sub3A_2043 : vector<16xf32>
        %mul3A_2051 = arith.mulf %sub3A_2046, %sub3A_2046 : vector<16xf32>
        %add3A_2052 = arith.addf %mul3A_2050, %mul3A_2051 : vector<16xf32>
        %mul3A_2053 = arith.mulf %sub3A_2049, %sub3A_2049 : vector<16xf32>
        %add3A_2054 = arith.addf %add3A_2052, %mul3A_2053 : vector<16xf32>
        %max3A_2055 = arith.constant 9.99999996E-13 : f32
        %max3A_2056 = vector.broadcast %max3A_2055 : f32 to vector<16xf32>
        %max3A_2057 = arith.maximumf %add3A_2054, %max3A_2056 : vector<16xf32>
        %bitcast3A_2058 = vector.bitcast %max3A_2057 : vector<16xf32> to vector<16xi32>
        %shift_right_arithmetic3A_2059 = arith.constant 1 : i32
        %shift_right_arithmetic3A_2060 = vector.broadcast %shift_right_arithmetic3A_2059 : i32 to vector<16xi32>
        %shift_right_arithmetic3A_2061 = arith.shrsi %bitcast3A_2058, %shift_right_arithmetic3A_2060 : vector<16xi32>
        %sub3A_2062 = arith.constant 1597463007 : i32
        %sub3A_2063 = vector.broadcast %sub3A_2062 : i32 to vector<16xi32>
        %sub3A_2064 = arith.subi %sub3A_2063, %shift_right_arithmetic3A_2061 : vector<16xi32>
        %bitcast3A_2065 = vector.bitcast %sub3A_2064 : vector<16xi32> to vector<16xf32>
        %mul3A_2066 = arith.constant 5.000000e-01 : f32
        %mul3A_2067 = vector.broadcast %mul3A_2066 : f32 to vector<16xf32>
        %mul3A_2068 = arith.mulf %mul3A_2067, %max3A_2057 : vector<16xf32>
        %mul3A_2069 = arith.mulf %mul3A_2068, %bitcast3A_2065 : vector<16xf32>
        %mul3A_2070 = arith.mulf %mul3A_2069, %bitcast3A_2065 : vector<16xf32>
        %sub3A_2071 = arith.constant 1.500000e+00 : f32
        %sub3A_2072 = vector.broadcast %sub3A_2071 : f32 to vector<16xf32>
        %sub3A_2073 = arith.subf %sub3A_2072, %mul3A_2070 : vector<16xf32>
        %mul3A_2074 = arith.mulf %bitcast3A_2065, %sub3A_2073 : vector<16xf32>
        %mul3A_2075 = arith.constant 5.000000e-01 : f32
        %mul3A_2076 = vector.broadcast %mul3A_2075 : f32 to vector<16xf32>
        %mul3A_2077 = arith.mulf %mul3A_2076, %max3A_2057 : vector<16xf32>
        %mul3A_2078 = arith.mulf %mul3A_2077, %mul3A_2074 : vector<16xf32>
        %mul3A_2079 = arith.mulf %mul3A_2078, %mul3A_2074 : vector<16xf32>
        %sub3A_2080 = arith.constant 1.500000e+00 : f32
        %sub3A_2081 = vector.broadcast %sub3A_2080 : f32 to vector<16xf32>
        %sub3A_2082 = arith.subf %sub3A_2081, %mul3A_2079 : vector<16xf32>
        %mul3A_2083 = arith.mulf %mul3A_2074, %sub3A_2082 : vector<16xf32>
        %mul3A_2084 = arith.constant 5.000000e-01 : f32
        %mul3A_2085 = vector.broadcast %mul3A_2084 : f32 to vector<16xf32>
        %mul3A_2086 = arith.mulf %mul3A_2085, %max3A_2057 : vector<16xf32>
        %mul3A_2087 = arith.mulf %mul3A_2086, %mul3A_2083 : vector<16xf32>
        %mul3A_2088 = arith.mulf %mul3A_2087, %mul3A_2083 : vector<16xf32>
        %sub3A_2089 = arith.constant 1.500000e+00 : f32
        %sub3A_2090 = vector.broadcast %sub3A_2089 : f32 to vector<16xf32>
        %sub3A_2091 = arith.subf %sub3A_2090, %mul3A_2088 : vector<16xf32>
        %mul3A_2092 = arith.mulf %mul3A_2083, %sub3A_2091 : vector<16xf32>
        %mul3A_2093 = arith.mulf %max3A_2057, %mul3A_2092 : vector<16xf32>
        %mul3A_2094 = vector.broadcast %scan3A_7 : f32 to vector<16xf32>
        %mul3A_2095 = arith.mulf %mul3A_2093, %mul3A_2094 : vector<16xf32>
        %sub3A_2096 = arith.constant 1.000000e+00 : f32
        %sub3A_2097 = vector.broadcast %sub3A_2096 : f32 to vector<16xf32>
        %sub3A_2098 = arith.subf %sub3A_2097, %mul3A_2095 : vector<16xf32>
        %max3A_2099 = arith.constant 0.000000e+00 : f32
        %max3A_2100 = vector.broadcast %max3A_2099 : f32 to vector<16xf32>
        %max3A_2101 = arith.maximumf %max3A_2100, %sub3A_2098 : vector<16xf32>
        %swap3A_2102 = arith.constant 208 : index
        %swap3A_2103 = tpu.vector_load %arg21[%swap3A_2102] {strides = array<i32>} : memref<256xf32, #tpu.memory_space<vmem>>, vector<16xf32>,
        tpu.vector_store %arg21[%swap3A_2102], %max3A_2101 {strides = array<i32>} : memref<256xf32, #tpu.memory_space<vmem>>, vector<16xf32>,
        %get3A_2104 = arith.constant 224 : index
        %get3A_2105 = tpu.vector_load %arg18[%get3A_2104] {strides = array<i32>} : memref<240xf32, #tpu.memory_space<vmem>>, vector<16xf32>,
        %sub3A_2106 = arith.subf %sub3A_1215, %get3A_2105 : vector<16xf32>
        %get3A_2107 = arith.constant 224 : index
        %get3A_2108 = tpu.vector_load %arg19[%get3A_2107] {strides = array<i32>} : memref<240xf32, #tpu.memory_space<vmem>>, vector<16xf32>,
        %sub3A_2109 = arith.subf %sub3A_1218, %get3A_2108 : vector<16xf32>
        %get3A_2110 = arith.constant 224 : index
        %get3A_2111 = tpu.vector_load %arg20[%get3A_2110] {strides = array<i32>} : memref<240xf32, #tpu.memory_space<vmem>>, vector<16xf32>,
        %sub3A_2112 = arith.subf %sub3A_1221, %get3A_2111 : vector<16xf32>
        %mul3A_2113 = arith.mulf %sub3A_2106, %sub3A_2106 : vector<16xf32>
        %mul3A_2114 = arith.mulf %sub3A_2109, %sub3A_2109 : vector<16xf32>
        %add3A_2115 = arith.addf %mul3A_2113, %mul3A_2114 : vector<16xf32>
        %mul3A_2116 = arith.mulf %sub3A_2112, %sub3A_2112 : vector<16xf32>
        %add3A_2117 = arith.addf %add3A_2115, %mul3A_2116 : vector<16xf32>
        %max3A_2118 = arith.constant 9.99999996E-13 : f32
        %max3A_2119 = vector.broadcast %max3A_2118 : f32 to vector<16xf32>
        %max3A_2120 = arith.maximumf %add3A_2117, %max3A_2119 : vector<16xf32>
        %bitcast3A_2121 = vector.bitcast %max3A_2120 : vector<16xf32> to vector<16xi32>
        %shift_right_arithmetic3A_2122 = arith.constant 1 : i32
        %shift_right_arithmetic3A_2123 = vector.broadcast %shift_right_arithmetic3A_2122 : i32 to vector<16xi32>
        %shift_right_arithmetic3A_2124 = arith.shrsi %bitcast3A_2121, %shift_right_arithmetic3A_2123 : vector<16xi32>
        %sub3A_2125 = arith.constant 1597463007 : i32
        %sub3A_2126 = vector.broadcast %sub3A_2125 : i32 to vector<16xi32>
        %sub3A_2127 = arith.subi %sub3A_2126, %shift_right_arithmetic3A_2124 : vector<16xi32>
        %bitcast3A_2128 = vector.bitcast %sub3A_2127 : vector<16xi32> to vector<16xf32>
        %mul3A_2129 = arith.constant 5.000000e-01 : f32
        %mul3A_2130 = vector.broadcast %mul3A_2129 : f32 to vector<16xf32>
        %mul3A_2131 = arith.mulf %mul3A_2130, %max3A_2120 : vector<16xf32>
        %mul3A_2132 = arith.mulf %mul3A_2131, %bitcast3A_2128 : vector<16xf32>
        %mul3A_2133 = arith.mulf %mul3A_2132, %bitcast3A_2128 : vector<16xf32>
        %sub3A_2134 = arith.constant 1.500000e+00 : f32
        %sub3A_2135 = vector.broadcast %sub3A_2134 : f32 to vector<16xf32>
        %sub3A_2136 = arith.subf %sub3A_2135, %mul3A_2133 : vector<16xf32>
        %mul3A_2137 = arith.mulf %bitcast3A_2128, %sub3A_2136 : vector<16xf32>
        %mul3A_2138 = arith.constant 5.000000e-01 : f32
        %mul3A_2139 = vector.broadcast %mul3A_2138 : f32 to vector<16xf32>
        %mul3A_2140 = arith.mulf %mul3A_2139, %max3A_2120 : vector<16xf32>
        %mul3A_2141 = arith.mulf %mul3A_2140, %mul3A_2137 : vector<16xf32>
        %mul3A_2142 = arith.mulf %mul3A_2141, %mul3A_2137 : vector<16xf32>
        %sub3A_2143 = arith.constant 1.500000e+00 : f32
        %sub3A_2144 = vector.broadcast %sub3A_2143 : f32 to vector<16xf32>
        %sub3A_2145 = arith.subf %sub3A_2144, %mul3A_2142 : vector<16xf32>
        %mul3A_2146 = arith.mulf %mul3A_2137, %sub3A_2145 : vector<16xf32>
        %mul3A_2147 = arith.constant 5.000000e-01 : f32
        %mul3A_2148 = vector.broadcast %mul3A_2147 : f32 to vector<16xf32>
        %mul3A_2149 = arith.mulf %mul3A_2148, %max3A_2120 : vector<16xf32>
        %mul3A_2150 = arith.mulf %mul3A_2149, %mul3A_2146 : vector<16xf32>
        %mul3A_2151 = arith.mulf %mul3A_2150, %mul3A_2146 : vector<16xf32>
        %sub3A_2152 = arith.constant 1.500000e+00 : f32
        %sub3A_2153 = vector.broadcast %sub3A_2152 : f32 to vector<16xf32>
        %sub3A_2154 = arith.subf %sub3A_2153, %mul3A_2151 : vector<16xf32>
        %mul3A_2155 = arith.mulf %mul3A_2146, %sub3A_2154 : vector<16xf32>
        %mul3A_2156 = arith.mulf %max3A_2120, %mul3A_2155 : vector<16xf32>
        %mul3A_2157 = vector.broadcast %scan3A_7 : f32 to vector<16xf32>
        %mul3A_2158 = arith.mulf %mul3A_2156, %mul3A_2157 : vector<16xf32>
        %sub3A_2159 = arith.constant 1.000000e+00 : f32
        %sub3A_2160 = vector.broadcast %sub3A_2159 : f32 to vector<16xf32>
        %sub3A_2161 = arith.subf %sub3A_2160, %mul3A_2158 : vector<16xf32>
        %max3A_2162 = arith.constant 0.000000e+00 : f32
        %max3A_2163 = vector.broadcast %max3A_2162 : f32 to vector<16xf32>
        %max3A_2164 = arith.maximumf %max3A_2163, %sub3A_2161 : vector<16xf32>
        %swap3A_2165 = arith.constant 224 : index
        %swap3A_2166 = tpu.vector_load %arg21[%swap3A_2165] {strides = array<i32>} : memref<256xf32, #tpu.memory_space<vmem>>, vector<16xf32>,
        tpu.vector_store %arg21[%swap3A_2165], %max3A_2164 {strides = array<i32>} : memref<256xf32, #tpu.memory_space<vmem>>, vector<16xf32>,
        %parallel_loop3A_2167 = arith.constant 0 : i32
        %parallel_loop3A_2168 = arith.constant 16 : i32
        %parallel_loop3A_2169 = arith.constant 1 : i32
        scf.for %parallel_loop3A_2178 = %parallel_loop3A_2167 to %parallel_loop3A_2168 step %parallel_loop3A_2169  : i32 {
          %parallel_loop3A_2179 = arith.constant 0.000000e+00 : f32
          %parallel_loop3A_2180 = vector.broadcast %parallel_loop3A_2179 : f32 to vector<16xf32>
          %parallel_loop3A_2181 = arith.constant 0.000000e+00 : f32
          %parallel_loop3A_2182 = vector.broadcast %parallel_loop3A_2181 : f32 to vector<16xf32>
          %parallel_loop3A_2183 = arith.constant 0.000000e+00 : f32
          %parallel_loop3A_2184 = vector.broadcast %parallel_loop3A_2183 : f32 to vector<16xf32>
          %parallel_loop3A_2185 = arith.constant 0.000000e+00 : f32
          %parallel_loop3A_2186 = vector.broadcast %parallel_loop3A_2185 : f32 to vector<16xf32>
          %parallel_loop3A_2187 = arith.constant 0 : i32
          %parallel_loop3A_2188 = vector.broadcast %parallel_loop3A_2187 : i32 to vector<16xi32>
          %parallel_loop3A_2189 = vector.broadcast %parallel_loop3A_2178 : i32 to vector<16xi32>
          %parallel_loop3A_2190 = arith.addi %parallel_loop3A_2188, %parallel_loop3A_2189 : vector<16xi32>
          %parallel_loop3A_2191 = tpu.vector_load_idx %arg21[%parallel_loop3A_2190] : memref<256xf32, #tpu.memory_space<vmem>>[vector<16xi32>], vector<16xf32>,
          %parallel_loop3A_2192 = arith.constant 16 : i32
          %parallel_loop3A_2193 = vector.broadcast %parallel_loop3A_2192 : i32 to vector<16xi32>
          %parallel_loop3A_2194 = vector.broadcast %parallel_loop3A_2178 : i32 to vector<16xi32>
          %parallel_loop3A_2195 = arith.addi %parallel_loop3A_2193, %parallel_loop3A_2194 : vector<16xi32>
          %parallel_loop3A_2196 = tpu.vector_load_idx %arg21[%parallel_loop3A_2195] : memref<256xf32, #tpu.memory_space<vmem>>[vector<16xi32>], vector<16xf32>,
          %parallel_loop3A_2197 = arith.constant 0 : i32
          %parallel_loop3A_2198 = arith.addi %parallel_loop3A_2197, %parallel_loop3A_2178 : i32
          %parallel_loop3A_2199 = arith.constant 1 : i32
          %parallel_loop3A_2200 = arith.index_cast %parallel_loop3A_2199 : i32 to index
          %parallel_loop3A_2201 = arith.index_cast %parallel_loop3A_2198 : i32 to index
          %parallel_loop3A_2202 = arith.constant 0 : index
          %parallel_loop3A_2203 = tpu.vector_load %arg23[%parallel_loop3A_2200, %parallel_loop3A_2201, %parallel_loop3A_2202] {strides = array<i32>} : memref<2x128x128xbf16, #tpu.memory_space<vmem>>, vector<32xbf16>,
          %parallel_loop3A_2204 = tpu.unpack_subelements %parallel_loop3A_2203, 0 {pack_format = #tpu.pack_format<interleaved>} : vector<32xbf16> -> vector<16xf32>
          %parallel_loop3A_2205 = tpu.unpack_subelements %parallel_loop3A_2203, 1 {pack_format = #tpu.pack_format<interleaved>} : vector<32xbf16> -> vector<16xf32>
          %parallel_loop3A_2206 = arith.mulf %parallel_loop3A_2191, %parallel_loop3A_2204 : vector<16xf32>
          %parallel_loop3A_2207 = arith.addf %parallel_loop3A_2180, %parallel_loop3A_2206 : vector<16xf32>
          %parallel_loop3A_2208 = arith.mulf %parallel_loop3A_2191, %parallel_loop3A_2205 : vector<16xf32>
          %parallel_loop3A_2209 = arith.addf %parallel_loop3A_2182, %parallel_loop3A_2208 : vector<16xf32>
          %parallel_loop3A_2210 = arith.constant 0 : i32
          %parallel_loop3A_2211 = arith.addi %parallel_loop3A_2210, %parallel_loop3A_2178 : i32
          %parallel_loop3A_2212 = arith.constant 1 : i32
          %parallel_loop3A_2213 = arith.index_cast %parallel_loop3A_2212 : i32 to index
          %parallel_loop3A_2214 = arith.index_cast %parallel_loop3A_2211 : i32 to index
          %parallel_loop3A_2215 = arith.constant 32 : index
          %parallel_loop3A_2216 = tpu.vector_load %arg23[%parallel_loop3A_2213, %parallel_loop3A_2214, %parallel_loop3A_2215] {strides = array<i32>} : memref<2x128x128xbf16, #tpu.memory_space<vmem>>, vector<32xbf16>,
          %parallel_loop3A_2217 = tpu.unpack_subelements %parallel_loop3A_2216, 0 {pack_format = #tpu.pack_format<interleaved>} : vector<32xbf16> -> vector<16xf32>
          %parallel_loop3A_2218 = tpu.unpack_subelements %parallel_loop3A_2216, 1 {pack_format = #tpu.pack_format<interleaved>} : vector<32xbf16> -> vector<16xf32>
          %parallel_loop3A_2219 = arith.mulf %parallel_loop3A_2191, %parallel_loop3A_2217 : vector<16xf32>
          %parallel_loop3A_2220 = arith.addf %parallel_loop3A_2184, %parallel_loop3A_2219 : vector<16xf32>
          %parallel_loop3A_2221 = arith.mulf %parallel_loop3A_2191, %parallel_loop3A_2218 : vector<16xf32>
          %parallel_loop3A_2222 = arith.addf %parallel_loop3A_2186, %parallel_loop3A_2221 : vector<16xf32>
          %parallel_loop3A_2223 = arith.constant 0 : i32
          %parallel_loop3A_2224 = arith.addi %parallel_loop3A_2223, %parallel_loop3A_2178 : i32
          %parallel_loop3A_2225 = arith.constant 1 : i32
          %parallel_loop3A_2226 = arith.index_cast %parallel_loop3A_2225 : i32 to index
          %parallel_loop3A_2227 = arith.index_cast %parallel_loop3A_2224 : i32 to index
          %parallel_loop3A_2228 = arith.constant 64 : index
          %parallel_loop3A_2229 = tpu.vector_load %arg23[%parallel_loop3A_2226, %parallel_loop3A_2227, %parallel_loop3A_2228] {strides = array<i32>} : memref<2x128x128xbf16, #tpu.memory_space<vmem>>, vector<32xbf16>,
          %parallel_loop3A_2230 = tpu.unpack_subelements %parallel_loop3A_2229, 0 {pack_format = #tpu.pack_format<interleaved>} : vector<32xbf16> -> vector<16xf32>
          %parallel_loop3A_2231 = tpu.unpack_subelements %parallel_loop3A_2229, 1 {pack_format = #tpu.pack_format<interleaved>} : vector<32xbf16> -> vector<16xf32>
          %parallel_loop3A_2232 = arith.mulf %parallel_loop3A_2196, %parallel_loop3A_2230 : vector<16xf32>
          %parallel_loop3A_2233 = arith.addf %parallel_loop3A_2207, %parallel_loop3A_2232 : vector<16xf32>
          %parallel_loop3A_2234 = arith.mulf %parallel_loop3A_2196, %parallel_loop3A_2231 : vector<16xf32>
          %parallel_loop3A_2235 = arith.addf %parallel_loop3A_2209, %parallel_loop3A_2234 : vector<16xf32>
          %parallel_loop3A_2236 = arith.constant 0 : i32
          %parallel_loop3A_2237 = arith.addi %parallel_loop3A_2236, %parallel_loop3A_2178 : i32
          %parallel_loop3A_2238 = arith.constant 1 : i32
          %parallel_loop3A_2239 = arith.index_cast %parallel_loop3A_2238 : i32 to index
          %parallel_loop3A_2240 = arith.index_cast %parallel_loop3A_2237 : i32 to index
          %parallel_loop3A_2241 = arith.constant 96 : index
          %parallel_loop3A_2242 = tpu.vector_load %arg23[%parallel_loop3A_2239, %parallel_loop3A_2240, %parallel_loop3A_2241] {strides = array<i32>} : memref<2x128x128xbf16, #tpu.memory_space<vmem>>, vector<32xbf16>,
          %parallel_loop3A_2243 = tpu.unpack_subelements %parallel_loop3A_2242, 0 {pack_format = #tpu.pack_format<interleaved>} : vector<32xbf16> -> vector<16xf32>
          %parallel_loop3A_2244 = tpu.unpack_subelements %parallel_loop3A_2242, 1 {pack_format = #tpu.pack_format<interleaved>} : vector<32xbf16> -> vector<16xf32>
          %parallel_loop3A_2245 = arith.mulf %parallel_loop3A_2196, %parallel_loop3A_2243 : vector<16xf32>
          %parallel_loop3A_2246 = arith.addf %parallel_loop3A_2220, %parallel_loop3A_2245 : vector<16xf32>
          %parallel_loop3A_2247 = arith.mulf %parallel_loop3A_2196, %parallel_loop3A_2244 : vector<16xf32>
          %parallel_loop3A_2248 = arith.addf %parallel_loop3A_2222, %parallel_loop3A_2247 : vector<16xf32>
          %parallel_loop3A_2249 = arith.constant 32 : i32
          %parallel_loop3A_2250 = vector.broadcast %parallel_loop3A_2249 : i32 to vector<16xi32>
          %parallel_loop3A_2251 = vector.broadcast %parallel_loop3A_2178 : i32 to vector<16xi32>
          %parallel_loop3A_2252 = arith.addi %parallel_loop3A_2250, %parallel_loop3A_2251 : vector<16xi32>
          %parallel_loop3A_2253 = tpu.vector_load_idx %arg21[%parallel_loop3A_2252] : memref<256xf32, #tpu.memory_space<vmem>>[vector<16xi32>], vector<16xf32>,
          %parallel_loop3A_2254 = arith.constant 48 : i32
          %parallel_loop3A_2255 = vector.broadcast %parallel_loop3A_2254 : i32 to vector<16xi32>
          %parallel_loop3A_2256 = vector.broadcast %parallel_loop3A_2178 : i32 to vector<16xi32>
          %parallel_loop3A_2257 = arith.addi %parallel_loop3A_2255, %parallel_loop3A_2256 : vector<16xi32>
          %parallel_loop3A_2258 = tpu.vector_load_idx %arg21[%parallel_loop3A_2257] : memref<256xf32, #tpu.memory_space<vmem>>[vector<16xi32>], vector<16xf32>,
          %parallel_loop3A_2259 = arith.constant 16 : i32
          %parallel_loop3A_2260 = arith.addi %parallel_loop3A_2259, %parallel_loop3A_2178 : i32
          %parallel_loop3A_2261 = arith.constant 1 : i32
          %parallel_loop3A_2262 = arith.index_cast %parallel_loop3A_2261 : i32 to index
          %parallel_loop3A_2263 = arith.index_cast %parallel_loop3A_2260 : i32 to index
          %parallel_loop3A_2264 = arith.constant 0 : index
          %parallel_loop3A_2265 = tpu.vector_load %arg23[%parallel_loop3A_2262, %parallel_loop3A_2263, %parallel_loop3A_2264] {strides = array<i32>} : memref<2x128x128xbf16, #tpu.memory_space<vmem>>, vector<32xbf16>,
          %parallel_loop3A_2266 = tpu.unpack_subelements %parallel_loop3A_2265, 0 {pack_format = #tpu.pack_format<interleaved>} : vector<32xbf16> -> vector<16xf32>
          %parallel_loop3A_2267 = tpu.unpack_subelements %parallel_loop3A_2265, 1 {pack_format = #tpu.pack_format<interleaved>} : vector<32xbf16> -> vector<16xf32>
          %parallel_loop3A_2268 = arith.mulf %parallel_loop3A_2253, %parallel_loop3A_2266 : vector<16xf32>
          %parallel_loop3A_2269 = arith.addf %parallel_loop3A_2233, %parallel_loop3A_2268 : vector<16xf32>
          %parallel_loop3A_2270 = arith.mulf %parallel_loop3A_2253, %parallel_loop3A_2267 : vector<16xf32>
          %parallel_loop3A_2271 = arith.addf %parallel_loop3A_2235, %parallel_loop3A_2270 : vector<16xf32>
          %parallel_loop3A_2272 = arith.constant 16 : i32
          %parallel_loop3A_2273 = arith.addi %parallel_loop3A_2272, %parallel_loop3A_2178 : i32
          %parallel_loop3A_2274 = arith.constant 1 : i32
          %parallel_loop3A_2275 = arith.index_cast %parallel_loop3A_2274 : i32 to index
          %parallel_loop3A_2276 = arith.index_cast %parallel_loop3A_2273 : i32 to index
          %parallel_loop3A_2277 = arith.constant 32 : index
          %parallel_loop3A_2278 = tpu.vector_load %arg23[%parallel_loop3A_2275, %parallel_loop3A_2276, %parallel_loop3A_2277] {strides = array<i32>} : memref<2x128x128xbf16, #tpu.memory_space<vmem>>, vector<32xbf16>,
          %parallel_loop3A_2279 = tpu.unpack_subelements %parallel_loop3A_2278, 0 {pack_format = #tpu.pack_format<interleaved>} : vector<32xbf16> -> vector<16xf32>
          %parallel_loop3A_2280 = tpu.unpack_subelements %parallel_loop3A_2278, 1 {pack_format = #tpu.pack_format<interleaved>} : vector<32xbf16> -> vector<16xf32>
          %parallel_loop3A_2281 = arith.mulf %parallel_loop3A_2253, %parallel_loop3A_2279 : vector<16xf32>
          %parallel_loop3A_2282 = arith.addf %parallel_loop3A_2246, %parallel_loop3A_2281 : vector<16xf32>
          %parallel_loop3A_2283 = arith.mulf %parallel_loop3A_2253, %parallel_loop3A_2280 : vector<16xf32>
          %parallel_loop3A_2284 = arith.addf %parallel_loop3A_2248, %parallel_loop3A_2283 : vector<16xf32>
          %parallel_loop3A_2285 = arith.constant 16 : i32
          %parallel_loop3A_2286 = arith.addi %parallel_loop3A_2285, %parallel_loop3A_2178 : i32
          %parallel_loop3A_2287 = arith.constant 1 : i32
          %parallel_loop3A_2288 = arith.index_cast %parallel_loop3A_2287 : i32 to index
          %parallel_loop3A_2289 = arith.index_cast %parallel_loop3A_2286 : i32 to index
          %parallel_loop3A_2290 = arith.constant 64 : index
          %parallel_loop3A_2291 = tpu.vector_load %arg23[%parallel_loop3A_2288, %parallel_loop3A_2289, %parallel_loop3A_2290] {strides = array<i32>} : memref<2x128x128xbf16, #tpu.memory_space<vmem>>, vector<32xbf16>,
          %parallel_loop3A_2292 = tpu.unpack_subelements %parallel_loop3A_2291, 0 {pack_format = #tpu.pack_format<interleaved>} : vector<32xbf16> -> vector<16xf32>
          %parallel_loop3A_2293 = tpu.unpack_subelements %parallel_loop3A_2291, 1 {pack_format = #tpu.pack_format<interleaved>} : vector<32xbf16> -> vector<16xf32>
          %parallel_loop3A_2294 = arith.mulf %parallel_loop3A_2258, %parallel_loop3A_2292 : vector<16xf32>
          %parallel_loop3A_2295 = arith.addf %parallel_loop3A_2269, %parallel_loop3A_2294 : vector<16xf32>
          %parallel_loop3A_2296 = arith.mulf %parallel_loop3A_2258, %parallel_loop3A_2293 : vector<16xf32>
          %parallel_loop3A_2297 = arith.addf %parallel_loop3A_2271, %parallel_loop3A_2296 : vector<16xf32>
          %parallel_loop3A_2298 = arith.constant 16 : i32
          %parallel_loop3A_2299 = arith.addi %parallel_loop3A_2298, %parallel_loop3A_2178 : i32
          %parallel_loop3A_2300 = arith.constant 1 : i32
          %parallel_loop3A_2301 = arith.index_cast %parallel_loop3A_2300 : i32 to index
          %parallel_loop3A_2302 = arith.index_cast %parallel_loop3A_2299 : i32 to index
          %parallel_loop3A_2303 = arith.constant 96 : index
          %parallel_loop3A_2304 = tpu.vector_load %arg23[%parallel_loop3A_2301, %parallel_loop3A_2302, %parallel_loop3A_2303] {strides = array<i32>} : memref<2x128x128xbf16, #tpu.memory_space<vmem>>, vector<32xbf16>,
          %parallel_loop3A_2305 = tpu.unpack_subelements %parallel_loop3A_2304, 0 {pack_format = #tpu.pack_format<interleaved>} : vector<32xbf16> -> vector<16xf32>
          %parallel_loop3A_2306 = tpu.unpack_subelements %parallel_loop3A_2304, 1 {pack_format = #tpu.pack_format<interleaved>} : vector<32xbf16> -> vector<16xf32>
          %parallel_loop3A_2307 = arith.mulf %parallel_loop3A_2258, %parallel_loop3A_2305 : vector<16xf32>
          %parallel_loop3A_2308 = arith.addf %parallel_loop3A_2282, %parallel_loop3A_2307 : vector<16xf32>
          %parallel_loop3A_2309 = arith.mulf %parallel_loop3A_2258, %parallel_loop3A_2306 : vector<16xf32>
          %parallel_loop3A_2310 = arith.addf %parallel_loop3A_2284, %parallel_loop3A_2309 : vector<16xf32>
          %parallel_loop3A_2311 = arith.constant 64 : i32
          %parallel_loop3A_2312 = vector.broadcast %parallel_loop3A_2311 : i32 to vector<16xi32>
          %parallel_loop3A_2313 = vector.broadcast %parallel_loop3A_2178 : i32 to vector<16xi32>
          %parallel_loop3A_2314 = arith.addi %parallel_loop3A_2312, %parallel_loop3A_2313 : vector<16xi32>
          %parallel_loop3A_2315 = tpu.vector_load_idx %arg21[%parallel_loop3A_2314] : memref<256xf32, #tpu.memory_space<vmem>>[vector<16xi32>], vector<16xf32>,
          %parallel_loop3A_2316 = arith.constant 80 : i32
          %parallel_loop3A_2317 = vector.broadcast %parallel_loop3A_2316 : i32 to vector<16xi32>
          %parallel_loop3A_2318 = vector.broadcast %parallel_loop3A_2178 : i32 to vector<16xi32>
          %parallel_loop3A_2319 = arith.addi %parallel_loop3A_2317, %parallel_loop3A_2318 : vector<16xi32>
          %parallel_loop3A_2320 = tpu.vector_load_idx %arg21[%parallel_loop3A_2319] : memref<256xf32, #tpu.memory_space<vmem>>[vector<16xi32>], vector<16xf32>,
          %parallel_loop3A_2321 = arith.constant 32 : i32
          %parallel_loop3A_2322 = arith.addi %parallel_loop3A_2321, %parallel_loop3A_2178 : i32
          %parallel_loop3A_2323 = arith.constant 1 : i32
          %parallel_loop3A_2324 = arith.index_cast %parallel_loop3A_2323 : i32 to index
          %parallel_loop3A_2325 = arith.index_cast %parallel_loop3A_2322 : i32 to index
          %parallel_loop3A_2326 = arith.constant 0 : index
          %parallel_loop3A_2327 = tpu.vector_load %arg23[%parallel_loop3A_2324, %parallel_loop3A_2325, %parallel_loop3A_2326] {strides = array<i32>} : memref<2x128x128xbf16, #tpu.memory_space<vmem>>, vector<32xbf16>,
          %parallel_loop3A_2328 = tpu.unpack_subelements %parallel_loop3A_2327, 0 {pack_format = #tpu.pack_format<interleaved>} : vector<32xbf16> -> vector<16xf32>
          %parallel_loop3A_2329 = tpu.unpack_subelements %parallel_loop3A_2327, 1 {pack_format = #tpu.pack_format<interleaved>} : vector<32xbf16> -> vector<16xf32>
          %parallel_loop3A_2330 = arith.mulf %parallel_loop3A_2315, %parallel_loop3A_2328 : vector<16xf32>
          %parallel_loop3A_2331 = arith.addf %parallel_loop3A_2295, %parallel_loop3A_2330 : vector<16xf32>
          %parallel_loop3A_2332 = arith.mulf %parallel_loop3A_2315, %parallel_loop3A_2329 : vector<16xf32>
          %parallel_loop3A_2333 = arith.addf %parallel_loop3A_2297, %parallel_loop3A_2332 : vector<16xf32>
          %parallel_loop3A_2334 = arith.constant 32 : i32
          %parallel_loop3A_2335 = arith.addi %parallel_loop3A_2334, %parallel_loop3A_2178 : i32
          %parallel_loop3A_2336 = arith.constant 1 : i32
          %parallel_loop3A_2337 = arith.index_cast %parallel_loop3A_2336 : i32 to index
          %parallel_loop3A_2338 = arith.index_cast %parallel_loop3A_2335 : i32 to index
          %parallel_loop3A_2339 = arith.constant 32 : index
          %parallel_loop3A_2340 = tpu.vector_load %arg23[%parallel_loop3A_2337, %parallel_loop3A_2338, %parallel_loop3A_2339] {strides = array<i32>} : memref<2x128x128xbf16, #tpu.memory_space<vmem>>, vector<32xbf16>,
          %parallel_loop3A_2341 = tpu.unpack_subelements %parallel_loop3A_2340, 0 {pack_format = #tpu.pack_format<interleaved>} : vector<32xbf16> -> vector<16xf32>
          %parallel_loop3A_2342 = tpu.unpack_subelements %parallel_loop3A_2340, 1 {pack_format = #tpu.pack_format<interleaved>} : vector<32xbf16> -> vector<16xf32>
          %parallel_loop3A_2343 = arith.mulf %parallel_loop3A_2315, %parallel_loop3A_2341 : vector<16xf32>
          %parallel_loop3A_2344 = arith.addf %parallel_loop3A_2308, %parallel_loop3A_2343 : vector<16xf32>
          %parallel_loop3A_2345 = arith.mulf %parallel_loop3A_2315, %parallel_loop3A_2342 : vector<16xf32>
          %parallel_loop3A_2346 = arith.addf %parallel_loop3A_2310, %parallel_loop3A_2345 : vector<16xf32>
          %parallel_loop3A_2347 = arith.constant 32 : i32
          %parallel_loop3A_2348 = arith.addi %parallel_loop3A_2347, %parallel_loop3A_2178 : i32
          %parallel_loop3A_2349 = arith.constant 1 : i32
          %parallel_loop3A_2350 = arith.index_cast %parallel_loop3A_2349 : i32 to index
          %parallel_loop3A_2351 = arith.index_cast %parallel_loop3A_2348 : i32 to index
          %parallel_loop3A_2352 = arith.constant 64 : index
          %parallel_loop3A_2353 = tpu.vector_load %arg23[%parallel_loop3A_2350, %parallel_loop3A_2351, %parallel_loop3A_2352] {strides = array<i32>} : memref<2x128x128xbf16, #tpu.memory_space<vmem>>, vector<32xbf16>,
          %parallel_loop3A_2354 = tpu.unpack_subelements %parallel_loop3A_2353, 0 {pack_format = #tpu.pack_format<interleaved>} : vector<32xbf16> -> vector<16xf32>
          %parallel_loop3A_2355 = tpu.unpack_subelements %parallel_loop3A_2353, 1 {pack_format = #tpu.pack_format<interleaved>} : vector<32xbf16> -> vector<16xf32>
          %parallel_loop3A_2356 = arith.mulf %parallel_loop3A_2320, %parallel_loop3A_2354 : vector<16xf32>
          %parallel_loop3A_2357 = arith.addf %parallel_loop3A_2331, %parallel_loop3A_2356 : vector<16xf32>
          %parallel_loop3A_2358 = arith.mulf %parallel_loop3A_2320, %parallel_loop3A_2355 : vector<16xf32>
          %parallel_loop3A_2359 = arith.addf %parallel_loop3A_2333, %parallel_loop3A_2358 : vector<16xf32>
          %parallel_loop3A_2360 = arith.constant 32 : i32
          %parallel_loop3A_2361 = arith.addi %parallel_loop3A_2360, %parallel_loop3A_2178 : i32
          %parallel_loop3A_2362 = arith.constant 1 : i32
          %parallel_loop3A_2363 = arith.index_cast %parallel_loop3A_2362 : i32 to index
          %parallel_loop3A_2364 = arith.index_cast %parallel_loop3A_2361 : i32 to index
          %parallel_loop3A_2365 = arith.constant 96 : index
          %parallel_loop3A_2366 = tpu.vector_load %arg23[%parallel_loop3A_2363, %parallel_loop3A_2364, %parallel_loop3A_2365] {strides = array<i32>} : memref<2x128x128xbf16, #tpu.memory_space<vmem>>, vector<32xbf16>,
          %parallel_loop3A_2367 = tpu.unpack_subelements %parallel_loop3A_2366, 0 {pack_format = #tpu.pack_format<interleaved>} : vector<32xbf16> -> vector<16xf32>
          %parallel_loop3A_2368 = tpu.unpack_subelements %parallel_loop3A_2366, 1 {pack_format = #tpu.pack_format<interleaved>} : vector<32xbf16> -> vector<16xf32>
          %parallel_loop3A_2369 = arith.mulf %parallel_loop3A_2320, %parallel_loop3A_2367 : vector<16xf32>
          %parallel_loop3A_2370 = arith.addf %parallel_loop3A_2344, %parallel_loop3A_2369 : vector<16xf32>
          %parallel_loop3A_2371 = arith.mulf %parallel_loop3A_2320, %parallel_loop3A_2368 : vector<16xf32>
          %parallel_loop3A_2372 = arith.addf %parallel_loop3A_2346, %parallel_loop3A_2371 : vector<16xf32>
          %parallel_loop3A_2373 = arith.constant 96 : i32
          %parallel_loop3A_2374 = vector.broadcast %parallel_loop3A_2373 : i32 to vector<16xi32>
          %parallel_loop3A_2375 = vector.broadcast %parallel_loop3A_2178 : i32 to vector<16xi32>
          %parallel_loop3A_2376 = arith.addi %parallel_loop3A_2374, %parallel_loop3A_2375 : vector<16xi32>
          %parallel_loop3A_2377 = tpu.vector_load_idx %arg21[%parallel_loop3A_2376] : memref<256xf32, #tpu.memory_space<vmem>>[vector<16xi32>], vector<16xf32>,
          %parallel_loop3A_2378 = arith.constant 112 : i32
          %parallel_loop3A_2379 = vector.broadcast %parallel_loop3A_2378 : i32 to vector<16xi32>
          %parallel_loop3A_2380 = vector.broadcast %parallel_loop3A_2178 : i32 to vector<16xi32>
          %parallel_loop3A_2381 = arith.addi %parallel_loop3A_2379, %parallel_loop3A_2380 : vector<16xi32>
          %parallel_loop3A_2382 = tpu.vector_load_idx %arg21[%parallel_loop3A_2381] : memref<256xf32, #tpu.memory_space<vmem>>[vector<16xi32>], vector<16xf32>,
          %parallel_loop3A_2383 = arith.constant 48 : i32
          %parallel_loop3A_2384 = arith.addi %parallel_loop3A_2383, %parallel_loop3A_2178 : i32
          %parallel_loop3A_2385 = arith.constant 1 : i32
          %parallel_loop3A_2386 = arith.index_cast %parallel_loop3A_2385 : i32 to index
          %parallel_loop3A_2387 = arith.index_cast %parallel_loop3A_2384 : i32 to index
          %parallel_loop3A_2388 = arith.constant 0 : index
          %parallel_loop3A_2389 = tpu.vector_load %arg23[%parallel_loop3A_2386, %parallel_loop3A_2387, %parallel_loop3A_2388] {strides = array<i32>} : memref<2x128x128xbf16, #tpu.memory_space<vmem>>, vector<32xbf16>,
          %parallel_loop3A_2390 = tpu.unpack_subelements %parallel_loop3A_2389, 0 {pack_format = #tpu.pack_format<interleaved>} : vector<32xbf16> -> vector<16xf32>
          %parallel_loop3A_2391 = tpu.unpack_subelements %parallel_loop3A_2389, 1 {pack_format = #tpu.pack_format<interleaved>} : vector<32xbf16> -> vector<16xf32>
          %parallel_loop3A_2392 = arith.mulf %parallel_loop3A_2377, %parallel_loop3A_2390 : vector<16xf32>
          %parallel_loop3A_2393 = arith.addf %parallel_loop3A_2357, %parallel_loop3A_2392 : vector<16xf32>
          %parallel_loop3A_2394 = arith.mulf %parallel_loop3A_2377, %parallel_loop3A_2391 : vector<16xf32>
          %parallel_loop3A_2395 = arith.addf %parallel_loop3A_2359, %parallel_loop3A_2394 : vector<16xf32>
          %parallel_loop3A_2396 = arith.constant 48 : i32
          %parallel_loop3A_2397 = arith.addi %parallel_loop3A_2396, %parallel_loop3A_2178 : i32
          %parallel_loop3A_2398 = arith.constant 1 : i32
          %parallel_loop3A_2399 = arith.index_cast %parallel_loop3A_2398 : i32 to index
          %parallel_loop3A_2400 = arith.index_cast %parallel_loop3A_2397 : i32 to index
          %parallel_loop3A_2401 = arith.constant 32 : index
          %parallel_loop3A_2402 = tpu.vector_load %arg23[%parallel_loop3A_2399, %parallel_loop3A_2400, %parallel_loop3A_2401] {strides = array<i32>} : memref<2x128x128xbf16, #tpu.memory_space<vmem>>, vector<32xbf16>,
          %parallel_loop3A_2403 = tpu.unpack_subelements %parallel_loop3A_2402, 0 {pack_format = #tpu.pack_format<interleaved>} : vector<32xbf16> -> vector<16xf32>
          %parallel_loop3A_2404 = tpu.unpack_subelements %parallel_loop3A_2402, 1 {pack_format = #tpu.pack_format<interleaved>} : vector<32xbf16> -> vector<16xf32>
          %parallel_loop3A_2405 = arith.mulf %parallel_loop3A_2377, %parallel_loop3A_2403 : vector<16xf32>
          %parallel_loop3A_2406 = arith.addf %parallel_loop3A_2370, %parallel_loop3A_2405 : vector<16xf32>
          %parallel_loop3A_2407 = arith.mulf %parallel_loop3A_2377, %parallel_loop3A_2404 : vector<16xf32>
          %parallel_loop3A_2408 = arith.addf %parallel_loop3A_2372, %parallel_loop3A_2407 : vector<16xf32>
          %parallel_loop3A_2409 = arith.constant 48 : i32
          %parallel_loop3A_2410 = arith.addi %parallel_loop3A_2409, %parallel_loop3A_2178 : i32
          %parallel_loop3A_2411 = arith.constant 1 : i32
          %parallel_loop3A_2412 = arith.index_cast %parallel_loop3A_2411 : i32 to index
          %parallel_loop3A_2413 = arith.index_cast %parallel_loop3A_2410 : i32 to index
          %parallel_loop3A_2414 = arith.constant 64 : index
          %parallel_loop3A_2415 = tpu.vector_load %arg23[%parallel_loop3A_2412, %parallel_loop3A_2413, %parallel_loop3A_2414] {strides = array<i32>} : memref<2x128x128xbf16, #tpu.memory_space<vmem>>, vector<32xbf16>,
          %parallel_loop3A_2416 = tpu.unpack_subelements %parallel_loop3A_2415, 0 {pack_format = #tpu.pack_format<interleaved>} : vector<32xbf16> -> vector<16xf32>
          %parallel_loop3A_2417 = tpu.unpack_subelements %parallel_loop3A_2415, 1 {pack_format = #tpu.pack_format<interleaved>} : vector<32xbf16> -> vector<16xf32>
          %parallel_loop3A_2418 = arith.mulf %parallel_loop3A_2382, %parallel_loop3A_2416 : vector<16xf32>
          %parallel_loop3A_2419 = arith.addf %parallel_loop3A_2393, %parallel_loop3A_2418 : vector<16xf32>
          %parallel_loop3A_2420 = arith.mulf %parallel_loop3A_2382, %parallel_loop3A_2417 : vector<16xf32>
          %parallel_loop3A_2421 = arith.addf %parallel_loop3A_2395, %parallel_loop3A_2420 : vector<16xf32>
          %parallel_loop3A_2422 = arith.constant 48 : i32
          %parallel_loop3A_2423 = arith.addi %parallel_loop3A_2422, %parallel_loop3A_2178 : i32
          %parallel_loop3A_2424 = arith.constant 1 : i32
          %parallel_loop3A_2425 = arith.index_cast %parallel_loop3A_2424 : i32 to index
          %parallel_loop3A_2426 = arith.index_cast %parallel_loop3A_2423 : i32 to index
          %parallel_loop3A_2427 = arith.constant 96 : index
          %parallel_loop3A_2428 = tpu.vector_load %arg23[%parallel_loop3A_2425, %parallel_loop3A_2426, %parallel_loop3A_2427] {strides = array<i32>} : memref<2x128x128xbf16, #tpu.memory_space<vmem>>, vector<32xbf16>,
          %parallel_loop3A_2429 = tpu.unpack_subelements %parallel_loop3A_2428, 0 {pack_format = #tpu.pack_format<interleaved>} : vector<32xbf16> -> vector<16xf32>
          %parallel_loop3A_2430 = tpu.unpack_subelements %parallel_loop3A_2428, 1 {pack_format = #tpu.pack_format<interleaved>} : vector<32xbf16> -> vector<16xf32>
          %parallel_loop3A_2431 = arith.mulf %parallel_loop3A_2382, %parallel_loop3A_2429 : vector<16xf32>
          %parallel_loop3A_2432 = arith.addf %parallel_loop3A_2406, %parallel_loop3A_2431 : vector<16xf32>
          %parallel_loop3A_2433 = arith.mulf %parallel_loop3A_2382, %parallel_loop3A_2430 : vector<16xf32>
          %parallel_loop3A_2434 = arith.addf %parallel_loop3A_2408, %parallel_loop3A_2433 : vector<16xf32>
          %parallel_loop3A_2435 = arith.constant 128 : i32
          %parallel_loop3A_2436 = vector.broadcast %parallel_loop3A_2435 : i32 to vector<16xi32>
          %parallel_loop3A_2437 = vector.broadcast %parallel_loop3A_2178 : i32 to vector<16xi32>
          %parallel_loop3A_2438 = arith.addi %parallel_loop3A_2436, %parallel_loop3A_2437 : vector<16xi32>
          %parallel_loop3A_2439 = tpu.vector_load_idx %arg21[%parallel_loop3A_2438] : memref<256xf32, #tpu.memory_space<vmem>>[vector<16xi32>], vector<16xf32>,
          %parallel_loop3A_2440 = arith.constant 144 : i32
          %parallel_loop3A_2441 = vector.broadcast %parallel_loop3A_2440 : i32 to vector<16xi32>
          %parallel_loop3A_2442 = vector.broadcast %parallel_loop3A_2178 : i32 to vector<16xi32>
          %parallel_loop3A_2443 = arith.addi %parallel_loop3A_2441, %parallel_loop3A_2442 : vector<16xi32>
          %parallel_loop3A_2444 = tpu.vector_load_idx %arg21[%parallel_loop3A_2443] : memref<256xf32, #tpu.memory_space<vmem>>[vector<16xi32>], vector<16xf32>,
          %parallel_loop3A_2445 = arith.constant 64 : i32
          %parallel_loop3A_2446 = arith.addi %parallel_loop3A_2445, %parallel_loop3A_2178 : i32
          %parallel_loop3A_2447 = arith.constant 1 : i32
          %parallel_loop3A_2448 = arith.index_cast %parallel_loop3A_2447 : i32 to index
          %parallel_loop3A_2449 = arith.index_cast %parallel_loop3A_2446 : i32 to index
          %parallel_loop3A_2450 = arith.constant 0 : index
          %parallel_loop3A_2451 = tpu.vector_load %arg23[%parallel_loop3A_2448, %parallel_loop3A_2449, %parallel_loop3A_2450] {strides = array<i32>} : memref<2x128x128xbf16, #tpu.memory_space<vmem>>, vector<32xbf16>,
          %parallel_loop3A_2452 = tpu.unpack_subelements %parallel_loop3A_2451, 0 {pack_format = #tpu.pack_format<interleaved>} : vector<32xbf16> -> vector<16xf32>
          %parallel_loop3A_2453 = tpu.unpack_subelements %parallel_loop3A_2451, 1 {pack_format = #tpu.pack_format<interleaved>} : vector<32xbf16> -> vector<16xf32>
          %parallel_loop3A_2454 = arith.mulf %parallel_loop3A_2439, %parallel_loop3A_2452 : vector<16xf32>
          %parallel_loop3A_2455 = arith.addf %parallel_loop3A_2419, %parallel_loop3A_2454 : vector<16xf32>
          %parallel_loop3A_2456 = arith.mulf %parallel_loop3A_2439, %parallel_loop3A_2453 : vector<16xf32>
          %parallel_loop3A_2457 = arith.addf %parallel_loop3A_2421, %parallel_loop3A_2456 : vector<16xf32>
          %parallel_loop3A_2458 = arith.constant 64 : i32
          %parallel_loop3A_2459 = arith.addi %parallel_loop3A_2458, %parallel_loop3A_2178 : i32
          %parallel_loop3A_2460 = arith.constant 1 : i32
          %parallel_loop3A_2461 = arith.index_cast %parallel_loop3A_2460 : i32 to index
          %parallel_loop3A_2462 = arith.index_cast %parallel_loop3A_2459 : i32 to index
          %parallel_loop3A_2463 = arith.constant 32 : index
          %parallel_loop3A_2464 = tpu.vector_load %arg23[%parallel_loop3A_2461, %parallel_loop3A_2462, %parallel_loop3A_2463] {strides = array<i32>} : memref<2x128x128xbf16, #tpu.memory_space<vmem>>, vector<32xbf16>,
          %parallel_loop3A_2465 = tpu.unpack_subelements %parallel_loop3A_2464, 0 {pack_format = #tpu.pack_format<interleaved>} : vector<32xbf16> -> vector<16xf32>
          %parallel_loop3A_2466 = tpu.unpack_subelements %parallel_loop3A_2464, 1 {pack_format = #tpu.pack_format<interleaved>} : vector<32xbf16> -> vector<16xf32>
          %parallel_loop3A_2467 = arith.mulf %parallel_loop3A_2439, %parallel_loop3A_2465 : vector<16xf32>
          %parallel_loop3A_2468 = arith.addf %parallel_loop3A_2432, %parallel_loop3A_2467 : vector<16xf32>
          %parallel_loop3A_2469 = arith.mulf %parallel_loop3A_2439, %parallel_loop3A_2466 : vector<16xf32>
          %parallel_loop3A_2470 = arith.addf %parallel_loop3A_2434, %parallel_loop3A_2469 : vector<16xf32>
          %parallel_loop3A_2471 = arith.constant 64 : i32
          %parallel_loop3A_2472 = arith.addi %parallel_loop3A_2471, %parallel_loop3A_2178 : i32
          %parallel_loop3A_2473 = arith.constant 1 : i32
          %parallel_loop3A_2474 = arith.index_cast %parallel_loop3A_2473 : i32 to index
          %parallel_loop3A_2475 = arith.index_cast %parallel_loop3A_2472 : i32 to index
          %parallel_loop3A_2476 = arith.constant 64 : index
          %parallel_loop3A_2477 = tpu.vector_load %arg23[%parallel_loop3A_2474, %parallel_loop3A_2475, %parallel_loop3A_2476] {strides = array<i32>} : memref<2x128x128xbf16, #tpu.memory_space<vmem>>, vector<32xbf16>,
          %parallel_loop3A_2478 = tpu.unpack_subelements %parallel_loop3A_2477, 0 {pack_format = #tpu.pack_format<interleaved>} : vector<32xbf16> -> vector<16xf32>
          %parallel_loop3A_2479 = tpu.unpack_subelements %parallel_loop3A_2477, 1 {pack_format = #tpu.pack_format<interleaved>} : vector<32xbf16> -> vector<16xf32>
          %parallel_loop3A_2480 = arith.mulf %parallel_loop3A_2444, %parallel_loop3A_2478 : vector<16xf32>
          %parallel_loop3A_2481 = arith.addf %parallel_loop3A_2455, %parallel_loop3A_2480 : vector<16xf32>
          %parallel_loop3A_2482 = arith.mulf %parallel_loop3A_2444, %parallel_loop3A_2479 : vector<16xf32>
          %parallel_loop3A_2483 = arith.addf %parallel_loop3A_2457, %parallel_loop3A_2482 : vector<16xf32>
          %parallel_loop3A_2484 = arith.constant 64 : i32
          %parallel_loop3A_2485 = arith.addi %parallel_loop3A_2484, %parallel_loop3A_2178 : i32
          %parallel_loop3A_2486 = arith.constant 1 : i32
          %parallel_loop3A_2487 = arith.index_cast %parallel_loop3A_2486 : i32 to index
          %parallel_loop3A_2488 = arith.index_cast %parallel_loop3A_2485 : i32 to index
          %parallel_loop3A_2489 = arith.constant 96 : index
          %parallel_loop3A_2490 = tpu.vector_load %arg23[%parallel_loop3A_2487, %parallel_loop3A_2488, %parallel_loop3A_2489] {strides = array<i32>} : memref<2x128x128xbf16, #tpu.memory_space<vmem>>, vector<32xbf16>,
          %parallel_loop3A_2491 = tpu.unpack_subelements %parallel_loop3A_2490, 0 {pack_format = #tpu.pack_format<interleaved>} : vector<32xbf16> -> vector<16xf32>
          %parallel_loop3A_2492 = tpu.unpack_subelements %parallel_loop3A_2490, 1 {pack_format = #tpu.pack_format<interleaved>} : vector<32xbf16> -> vector<16xf32>
          %parallel_loop3A_2493 = arith.mulf %parallel_loop3A_2444, %parallel_loop3A_2491 : vector<16xf32>
          %parallel_loop3A_2494 = arith.addf %parallel_loop3A_2468, %parallel_loop3A_2493 : vector<16xf32>
          %parallel_loop3A_2495 = arith.mulf %parallel_loop3A_2444, %parallel_loop3A_2492 : vector<16xf32>
          %parallel_loop3A_2496 = arith.addf %parallel_loop3A_2470, %parallel_loop3A_2495 : vector<16xf32>
          %parallel_loop3A_2497 = arith.constant 160 : i32
          %parallel_loop3A_2498 = vector.broadcast %parallel_loop3A_2497 : i32 to vector<16xi32>
          %parallel_loop3A_2499 = vector.broadcast %parallel_loop3A_2178 : i32 to vector<16xi32>
          %parallel_loop3A_2500 = arith.addi %parallel_loop3A_2498, %parallel_loop3A_2499 : vector<16xi32>
          %parallel_loop3A_2501 = tpu.vector_load_idx %arg21[%parallel_loop3A_2500] : memref<256xf32, #tpu.memory_space<vmem>>[vector<16xi32>], vector<16xf32>,
          %parallel_loop3A_2502 = arith.constant 176 : i32
          %parallel_loop3A_2503 = vector.broadcast %parallel_loop3A_2502 : i32 to vector<16xi32>
          %parallel_loop3A_2504 = vector.broadcast %parallel_loop3A_2178 : i32 to vector<16xi32>
          %parallel_loop3A_2505 = arith.addi %parallel_loop3A_2503, %parallel_loop3A_2504 : vector<16xi32>
          %parallel_loop3A_2506 = tpu.vector_load_idx %arg21[%parallel_loop3A_2505] : memref<256xf32, #tpu.memory_space<vmem>>[vector<16xi32>], vector<16xf32>,
          %parallel_loop3A_2507 = arith.constant 80 : i32
          %parallel_loop3A_2508 = arith.addi %parallel_loop3A_2507, %parallel_loop3A_2178 : i32
          %parallel_loop3A_2509 = arith.constant 1 : i32
          %parallel_loop3A_2510 = arith.index_cast %parallel_loop3A_2509 : i32 to index
          %parallel_loop3A_2511 = arith.index_cast %parallel_loop3A_2508 : i32 to index
          %parallel_loop3A_2512 = arith.constant 0 : index
          %parallel_loop3A_2513 = tpu.vector_load %arg23[%parallel_loop3A_2510, %parallel_loop3A_2511, %parallel_loop3A_2512] {strides = array<i32>} : memref<2x128x128xbf16, #tpu.memory_space<vmem>>, vector<32xbf16>,
          %parallel_loop3A_2514 = tpu.unpack_subelements %parallel_loop3A_2513, 0 {pack_format = #tpu.pack_format<interleaved>} : vector<32xbf16> -> vector<16xf32>
          %parallel_loop3A_2515 = tpu.unpack_subelements %parallel_loop3A_2513, 1 {pack_format = #tpu.pack_format<interleaved>} : vector<32xbf16> -> vector<16xf32>
          %parallel_loop3A_2516 = arith.mulf %parallel_loop3A_2501, %parallel_loop3A_2514 : vector<16xf32>
          %parallel_loop3A_2517 = arith.addf %parallel_loop3A_2481, %parallel_loop3A_2516 : vector<16xf32>
          %parallel_loop3A_2518 = arith.mulf %parallel_loop3A_2501, %parallel_loop3A_2515 : vector<16xf32>
          %parallel_loop3A_2519 = arith.addf %parallel_loop3A_2483, %parallel_loop3A_2518 : vector<16xf32>
          %parallel_loop3A_2520 = arith.constant 80 : i32
          %parallel_loop3A_2521 = arith.addi %parallel_loop3A_2520, %parallel_loop3A_2178 : i32
          %parallel_loop3A_2522 = arith.constant 1 : i32
          %parallel_loop3A_2523 = arith.index_cast %parallel_loop3A_2522 : i32 to index
          %parallel_loop3A_2524 = arith.index_cast %parallel_loop3A_2521 : i32 to index
          %parallel_loop3A_2525 = arith.constant 32 : index
          %parallel_loop3A_2526 = tpu.vector_load %arg23[%parallel_loop3A_2523, %parallel_loop3A_2524, %parallel_loop3A_2525] {strides = array<i32>} : memref<2x128x128xbf16, #tpu.memory_space<vmem>>, vector<32xbf16>,
          %parallel_loop3A_2527 = tpu.unpack_subelements %parallel_loop3A_2526, 0 {pack_format = #tpu.pack_format<interleaved>} : vector<32xbf16> -> vector<16xf32>
          %parallel_loop3A_2528 = tpu.unpack_subelements %parallel_loop3A_2526, 1 {pack_format = #tpu.pack_format<interleaved>} : vector<32xbf16> -> vector<16xf32>
          %parallel_loop3A_2529 = arith.mulf %parallel_loop3A_2501, %parallel_loop3A_2527 : vector<16xf32>
          %parallel_loop3A_2530 = arith.addf %parallel_loop3A_2494, %parallel_loop3A_2529 : vector<16xf32>
          %parallel_loop3A_2531 = arith.mulf %parallel_loop3A_2501, %parallel_loop3A_2528 : vector<16xf32>
          %parallel_loop3A_2532 = arith.addf %parallel_loop3A_2496, %parallel_loop3A_2531 : vector<16xf32>
          %parallel_loop3A_2533 = arith.constant 80 : i32
          %parallel_loop3A_2534 = arith.addi %parallel_loop3A_2533, %parallel_loop3A_2178 : i32
          %parallel_loop3A_2535 = arith.constant 1 : i32
          %parallel_loop3A_2536 = arith.index_cast %parallel_loop3A_2535 : i32 to index
          %parallel_loop3A_2537 = arith.index_cast %parallel_loop3A_2534 : i32 to index
          %parallel_loop3A_2538 = arith.constant 64 : index
          %parallel_loop3A_2539 = tpu.vector_load %arg23[%parallel_loop3A_2536, %parallel_loop3A_2537, %parallel_loop3A_2538] {strides = array<i32>} : memref<2x128x128xbf16, #tpu.memory_space<vmem>>, vector<32xbf16>,
          %parallel_loop3A_2540 = tpu.unpack_subelements %parallel_loop3A_2539, 0 {pack_format = #tpu.pack_format<interleaved>} : vector<32xbf16> -> vector<16xf32>
          %parallel_loop3A_2541 = tpu.unpack_subelements %parallel_loop3A_2539, 1 {pack_format = #tpu.pack_format<interleaved>} : vector<32xbf16> -> vector<16xf32>
          %parallel_loop3A_2542 = arith.mulf %parallel_loop3A_2506, %parallel_loop3A_2540 : vector<16xf32>
          %parallel_loop3A_2543 = arith.addf %parallel_loop3A_2517, %parallel_loop3A_2542 : vector<16xf32>
          %parallel_loop3A_2544 = arith.mulf %parallel_loop3A_2506, %parallel_loop3A_2541 : vector<16xf32>
          %parallel_loop3A_2545 = arith.addf %parallel_loop3A_2519, %parallel_loop3A_2544 : vector<16xf32>
          %parallel_loop3A_2546 = arith.constant 80 : i32
          %parallel_loop3A_2547 = arith.addi %parallel_loop3A_2546, %parallel_loop3A_2178 : i32
          %parallel_loop3A_2548 = arith.constant 1 : i32
          %parallel_loop3A_2549 = arith.index_cast %parallel_loop3A_2548 : i32 to index
          %parallel_loop3A_2550 = arith.index_cast %parallel_loop3A_2547 : i32 to index
          %parallel_loop3A_2551 = arith.constant 96 : index
          %parallel_loop3A_2552 = tpu.vector_load %arg23[%parallel_loop3A_2549, %parallel_loop3A_2550, %parallel_loop3A_2551] {strides = array<i32>} : memref<2x128x128xbf16, #tpu.memory_space<vmem>>, vector<32xbf16>,
          %parallel_loop3A_2553 = tpu.unpack_subelements %parallel_loop3A_2552, 0 {pack_format = #tpu.pack_format<interleaved>} : vector<32xbf16> -> vector<16xf32>
          %parallel_loop3A_2554 = tpu.unpack_subelements %parallel_loop3A_2552, 1 {pack_format = #tpu.pack_format<interleaved>} : vector<32xbf16> -> vector<16xf32>
          %parallel_loop3A_2555 = arith.mulf %parallel_loop3A_2506, %parallel_loop3A_2553 : vector<16xf32>
          %parallel_loop3A_2556 = arith.addf %parallel_loop3A_2530, %parallel_loop3A_2555 : vector<16xf32>
          %parallel_loop3A_2557 = arith.mulf %parallel_loop3A_2506, %parallel_loop3A_2554 : vector<16xf32>
          %parallel_loop3A_2558 = arith.addf %parallel_loop3A_2532, %parallel_loop3A_2557 : vector<16xf32>
          %parallel_loop3A_2559 = arith.constant 192 : i32
          %parallel_loop3A_2560 = vector.broadcast %parallel_loop3A_2559 : i32 to vector<16xi32>
          %parallel_loop3A_2561 = vector.broadcast %parallel_loop3A_2178 : i32 to vector<16xi32>
          %parallel_loop3A_2562 = arith.addi %parallel_loop3A_2560, %parallel_loop3A_2561 : vector<16xi32>
          %parallel_loop3A_2563 = tpu.vector_load_idx %arg21[%parallel_loop3A_2562] : memref<256xf32, #tpu.memory_space<vmem>>[vector<16xi32>], vector<16xf32>,
          %parallel_loop3A_2564 = arith.constant 208 : i32
          %parallel_loop3A_2565 = vector.broadcast %parallel_loop3A_2564 : i32 to vector<16xi32>
          %parallel_loop3A_2566 = vector.broadcast %parallel_loop3A_2178 : i32 to vector<16xi32>
          %parallel_loop3A_2567 = arith.addi %parallel_loop3A_2565, %parallel_loop3A_2566 : vector<16xi32>
          %parallel_loop3A_2568 = tpu.vector_load_idx %arg21[%parallel_loop3A_2567] : memref<256xf32, #tpu.memory_space<vmem>>[vector<16xi32>], vector<16xf32>,
          %parallel_loop3A_2569 = arith.constant 96 : i32
          %parallel_loop3A_2570 = arith.addi %parallel_loop3A_2569, %parallel_loop3A_2178 : i32
          %parallel_loop3A_2571 = arith.constant 1 : i32
          %parallel_loop3A_2572 = arith.index_cast %parallel_loop3A_2571 : i32 to index
          %parallel_loop3A_2573 = arith.index_cast %parallel_loop3A_2570 : i32 to index
          %parallel_loop3A_2574 = arith.constant 0 : index
          %parallel_loop3A_2575 = tpu.vector_load %arg23[%parallel_loop3A_2572, %parallel_loop3A_2573, %parallel_loop3A_2574] {strides = array<i32>} : memref<2x128x128xbf16, #tpu.memory_space<vmem>>, vector<32xbf16>,
          %parallel_loop3A_2576 = tpu.unpack_subelements %parallel_loop3A_2575, 0 {pack_format = #tpu.pack_format<interleaved>} : vector<32xbf16> -> vector<16xf32>
          %parallel_loop3A_2577 = tpu.unpack_subelements %parallel_loop3A_2575, 1 {pack_format = #tpu.pack_format<interleaved>} : vector<32xbf16> -> vector<16xf32>
          %parallel_loop3A_2578 = arith.mulf %parallel_loop3A_2563, %parallel_loop3A_2576 : vector<16xf32>
          %parallel_loop3A_2579 = arith.addf %parallel_loop3A_2543, %parallel_loop3A_2578 : vector<16xf32>
          %parallel_loop3A_2580 = arith.mulf %parallel_loop3A_2563, %parallel_loop3A_2577 : vector<16xf32>
          %parallel_loop3A_2581 = arith.addf %parallel_loop3A_2545, %parallel_loop3A_2580 : vector<16xf32>
          %parallel_loop3A_2582 = arith.constant 96 : i32
          %parallel_loop3A_2583 = arith.addi %parallel_loop3A_2582, %parallel_loop3A_2178 : i32
          %parallel_loop3A_2584 = arith.constant 1 : i32
          %parallel_loop3A_2585 = arith.index_cast %parallel_loop3A_2584 : i32 to index
          %parallel_loop3A_2586 = arith.index_cast %parallel_loop3A_2583 : i32 to index
          %parallel_loop3A_2587 = arith.constant 32 : index
          %parallel_loop3A_2588 = tpu.vector_load %arg23[%parallel_loop3A_2585, %parallel_loop3A_2586, %parallel_loop3A_2587] {strides = array<i32>} : memref<2x128x128xbf16, #tpu.memory_space<vmem>>, vector<32xbf16>,
          %parallel_loop3A_2589 = tpu.unpack_subelements %parallel_loop3A_2588, 0 {pack_format = #tpu.pack_format<interleaved>} : vector<32xbf16> -> vector<16xf32>
          %parallel_loop3A_2590 = tpu.unpack_subelements %parallel_loop3A_2588, 1 {pack_format = #tpu.pack_format<interleaved>} : vector<32xbf16> -> vector<16xf32>
          %parallel_loop3A_2591 = arith.mulf %parallel_loop3A_2563, %parallel_loop3A_2589 : vector<16xf32>
          %parallel_loop3A_2592 = arith.addf %parallel_loop3A_2556, %parallel_loop3A_2591 : vector<16xf32>
          %parallel_loop3A_2593 = arith.mulf %parallel_loop3A_2563, %parallel_loop3A_2590 : vector<16xf32>
          %parallel_loop3A_2594 = arith.addf %parallel_loop3A_2558, %parallel_loop3A_2593 : vector<16xf32>
          %parallel_loop3A_2595 = arith.constant 96 : i32
          %parallel_loop3A_2596 = arith.addi %parallel_loop3A_2595, %parallel_loop3A_2178 : i32
          %parallel_loop3A_2597 = arith.constant 1 : i32
          %parallel_loop3A_2598 = arith.index_cast %parallel_loop3A_2597 : i32 to index
          %parallel_loop3A_2599 = arith.index_cast %parallel_loop3A_2596 : i32 to index
          %parallel_loop3A_2600 = arith.constant 64 : index
          %parallel_loop3A_2601 = tpu.vector_load %arg23[%parallel_loop3A_2598, %parallel_loop3A_2599, %parallel_loop3A_2600] {strides = array<i32>} : memref<2x128x128xbf16, #tpu.memory_space<vmem>>, vector<32xbf16>,
          %parallel_loop3A_2602 = tpu.unpack_subelements %parallel_loop3A_2601, 0 {pack_format = #tpu.pack_format<interleaved>} : vector<32xbf16> -> vector<16xf32>
          %parallel_loop3A_2603 = tpu.unpack_subelements %parallel_loop3A_2601, 1 {pack_format = #tpu.pack_format<interleaved>} : vector<32xbf16> -> vector<16xf32>
          %parallel_loop3A_2604 = arith.mulf %parallel_loop3A_2568, %parallel_loop3A_2602 : vector<16xf32>
          %parallel_loop3A_2605 = arith.addf %parallel_loop3A_2579, %parallel_loop3A_2604 : vector<16xf32>
          %parallel_loop3A_2606 = arith.mulf %parallel_loop3A_2568, %parallel_loop3A_2603 : vector<16xf32>
          %parallel_loop3A_2607 = arith.addf %parallel_loop3A_2581, %parallel_loop3A_2606 : vector<16xf32>
          %parallel_loop3A_2608 = arith.constant 96 : i32
          %parallel_loop3A_2609 = arith.addi %parallel_loop3A_2608, %parallel_loop3A_2178 : i32
          %parallel_loop3A_2610 = arith.constant 1 : i32
          %parallel_loop3A_2611 = arith.index_cast %parallel_loop3A_2610 : i32 to index
          %parallel_loop3A_2612 = arith.index_cast %parallel_loop3A_2609 : i32 to index
          %parallel_loop3A_2613 = arith.constant 96 : index
          %parallel_loop3A_2614 = tpu.vector_load %arg23[%parallel_loop3A_2611, %parallel_loop3A_2612, %parallel_loop3A_2613] {strides = array<i32>} : memref<2x128x128xbf16, #tpu.memory_space<vmem>>, vector<32xbf16>,
          %parallel_loop3A_2615 = tpu.unpack_subelements %parallel_loop3A_2614, 0 {pack_format = #tpu.pack_format<interleaved>} : vector<32xbf16> -> vector<16xf32>
          %parallel_loop3A_2616 = tpu.unpack_subelements %parallel_loop3A_2614, 1 {pack_format = #tpu.pack_format<interleaved>} : vector<32xbf16> -> vector<16xf32>
          %parallel_loop3A_2617 = arith.mulf %parallel_loop3A_2568, %parallel_loop3A_2615 : vector<16xf32>
          %parallel_loop3A_2618 = arith.addf %parallel_loop3A_2592, %parallel_loop3A_2617 : vector<16xf32>
          %parallel_loop3A_2619 = arith.mulf %parallel_loop3A_2568, %parallel_loop3A_2616 : vector<16xf32>
          %parallel_loop3A_2620 = arith.addf %parallel_loop3A_2594, %parallel_loop3A_2619 : vector<16xf32>
          %parallel_loop3A_2621 = arith.constant 224 : i32
          %parallel_loop3A_2622 = vector.broadcast %parallel_loop3A_2621 : i32 to vector<16xi32>
          %parallel_loop3A_2623 = vector.broadcast %parallel_loop3A_2178 : i32 to vector<16xi32>
          %parallel_loop3A_2624 = arith.addi %parallel_loop3A_2622, %parallel_loop3A_2623 : vector<16xi32>
          %parallel_loop3A_2625 = tpu.vector_load_idx %arg21[%parallel_loop3A_2624] : memref<256xf32, #tpu.memory_space<vmem>>[vector<16xi32>], vector<16xf32>,
          %parallel_loop3A_2626 = arith.constant 240 : i32
          %parallel_loop3A_2627 = vector.broadcast %parallel_loop3A_2626 : i32 to vector<16xi32>
          %parallel_loop3A_2628 = vector.broadcast %parallel_loop3A_2178 : i32 to vector<16xi32>
          %parallel_loop3A_2629 = arith.addi %parallel_loop3A_2627, %parallel_loop3A_2628 : vector<16xi32>
          %parallel_loop3A_2630 = tpu.vector_load_idx %arg21[%parallel_loop3A_2629] : memref<256xf32, #tpu.memory_space<vmem>>[vector<16xi32>], vector<16xf32>,
          %parallel_loop3A_2631 = arith.constant 112 : i32
          %parallel_loop3A_2632 = arith.addi %parallel_loop3A_2631, %parallel_loop3A_2178 : i32
          %parallel_loop3A_2633 = arith.constant 1 : i32
          %parallel_loop3A_2634 = arith.index_cast %parallel_loop3A_2633 : i32 to index
          %parallel_loop3A_2635 = arith.index_cast %parallel_loop3A_2632 : i32 to index
          %parallel_loop3A_2636 = arith.constant 0 : index
          %parallel_loop3A_2637 = tpu.vector_load %arg23[%parallel_loop3A_2634, %parallel_loop3A_2635, %parallel_loop3A_2636] {strides = array<i32>} : memref<2x128x128xbf16, #tpu.memory_space<vmem>>, vector<32xbf16>,
          %parallel_loop3A_2638 = tpu.unpack_subelements %parallel_loop3A_2637, 0 {pack_format = #tpu.pack_format<interleaved>} : vector<32xbf16> -> vector<16xf32>
          %parallel_loop3A_2639 = tpu.unpack_subelements %parallel_loop3A_2637, 1 {pack_format = #tpu.pack_format<interleaved>} : vector<32xbf16> -> vector<16xf32>
          %parallel_loop3A_2640 = arith.mulf %parallel_loop3A_2625, %parallel_loop3A_2638 : vector<16xf32>
          %parallel_loop3A_2641 = arith.addf %parallel_loop3A_2605, %parallel_loop3A_2640 : vector<16xf32>
          %parallel_loop3A_2642 = arith.mulf %parallel_loop3A_2625, %parallel_loop3A_2639 : vector<16xf32>
          %parallel_loop3A_2643 = arith.addf %parallel_loop3A_2607, %parallel_loop3A_2642 : vector<16xf32>
          %parallel_loop3A_2644 = arith.constant 112 : i32
          %parallel_loop3A_2645 = arith.addi %parallel_loop3A_2644, %parallel_loop3A_2178 : i32
          %parallel_loop3A_2646 = arith.constant 1 : i32
          %parallel_loop3A_2647 = arith.index_cast %parallel_loop3A_2646 : i32 to index
          %parallel_loop3A_2648 = arith.index_cast %parallel_loop3A_2645 : i32 to index
          %parallel_loop3A_2649 = arith.constant 32 : index
          %parallel_loop3A_2650 = tpu.vector_load %arg23[%parallel_loop3A_2647, %parallel_loop3A_2648, %parallel_loop3A_2649] {strides = array<i32>} : memref<2x128x128xbf16, #tpu.memory_space<vmem>>, vector<32xbf16>,
          %parallel_loop3A_2651 = tpu.unpack_subelements %parallel_loop3A_2650, 0 {pack_format = #tpu.pack_format<interleaved>} : vector<32xbf16> -> vector<16xf32>
          %parallel_loop3A_2652 = tpu.unpack_subelements %parallel_loop3A_2650, 1 {pack_format = #tpu.pack_format<interleaved>} : vector<32xbf16> -> vector<16xf32>
          %parallel_loop3A_2653 = arith.mulf %parallel_loop3A_2625, %parallel_loop3A_2651 : vector<16xf32>
          %parallel_loop3A_2654 = arith.addf %parallel_loop3A_2618, %parallel_loop3A_2653 : vector<16xf32>
          %parallel_loop3A_2655 = arith.mulf %parallel_loop3A_2625, %parallel_loop3A_2652 : vector<16xf32>
          %parallel_loop3A_2656 = arith.addf %parallel_loop3A_2620, %parallel_loop3A_2655 : vector<16xf32>
          %parallel_loop3A_2657 = arith.constant 112 : i32
          %parallel_loop3A_2658 = arith.addi %parallel_loop3A_2657, %parallel_loop3A_2178 : i32
          %parallel_loop3A_2659 = arith.constant 1 : i32
          %parallel_loop3A_2660 = arith.index_cast %parallel_loop3A_2659 : i32 to index
          %parallel_loop3A_2661 = arith.index_cast %parallel_loop3A_2658 : i32 to index
          %parallel_loop3A_2662 = arith.constant 64 : index
          %parallel_loop3A_2663 = tpu.vector_load %arg23[%parallel_loop3A_2660, %parallel_loop3A_2661, %parallel_loop3A_2662] {strides = array<i32>} : memref<2x128x128xbf16, #tpu.memory_space<vmem>>, vector<32xbf16>,
          %parallel_loop3A_2664 = tpu.unpack_subelements %parallel_loop3A_2663, 0 {pack_format = #tpu.pack_format<interleaved>} : vector<32xbf16> -> vector<16xf32>
          %parallel_loop3A_2665 = tpu.unpack_subelements %parallel_loop3A_2663, 1 {pack_format = #tpu.pack_format<interleaved>} : vector<32xbf16> -> vector<16xf32>
          %parallel_loop3A_2666 = arith.mulf %parallel_loop3A_2630, %parallel_loop3A_2664 : vector<16xf32>
          %parallel_loop3A_2667 = arith.addf %parallel_loop3A_2641, %parallel_loop3A_2666 : vector<16xf32>
          %parallel_loop3A_2668 = arith.mulf %parallel_loop3A_2630, %parallel_loop3A_2665 : vector<16xf32>
          %parallel_loop3A_2669 = arith.addf %parallel_loop3A_2643, %parallel_loop3A_2668 : vector<16xf32>
          %parallel_loop3A_2670 = arith.constant 112 : i32
          %parallel_loop3A_2671 = arith.addi %parallel_loop3A_2670, %parallel_loop3A_2178 : i32
          %parallel_loop3A_2672 = arith.constant 1 : i32
          %parallel_loop3A_2673 = arith.index_cast %parallel_loop3A_2672 : i32 to index
          %parallel_loop3A_2674 = arith.index_cast %parallel_loop3A_2671 : i32 to index
          %parallel_loop3A_2675 = arith.constant 96 : index
          %parallel_loop3A_2676 = tpu.vector_load %arg23[%parallel_loop3A_2673, %parallel_loop3A_2674, %parallel_loop3A_2675] {strides = array<i32>} : memref<2x128x128xbf16, #tpu.memory_space<vmem>>, vector<32xbf16>,
          %parallel_loop3A_2677 = tpu.unpack_subelements %parallel_loop3A_2676, 0 {pack_format = #tpu.pack_format<interleaved>} : vector<32xbf16> -> vector<16xf32>
          %parallel_loop3A_2678 = tpu.unpack_subelements %parallel_loop3A_2676, 1 {pack_format = #tpu.pack_format<interleaved>} : vector<32xbf16> -> vector<16xf32>
          %parallel_loop3A_2679 = arith.mulf %parallel_loop3A_2630, %parallel_loop3A_2677 : vector<16xf32>
          %parallel_loop3A_2680 = arith.addf %parallel_loop3A_2654, %parallel_loop3A_2679 : vector<16xf32>
          %parallel_loop3A_2681 = arith.mulf %parallel_loop3A_2630, %parallel_loop3A_2678 : vector<16xf32>
          %parallel_loop3A_2682 = arith.addf %parallel_loop3A_2656, %parallel_loop3A_2681 : vector<16xf32>
          %parallel_loop3A_2683 = arith.constant 1 : i32
          %parallel_loop3A_2684 = arith.index_cast %parallel_loop3A_2683 : i32 to index
          %parallel_loop3A_2685 = arith.index_cast %parallel_loop3A_2178 : i32 to index
          %parallel_loop3A_2686 = arith.constant 0 : index
          %parallel_loop3A_2687 = tpu.vector_load %arg24[%parallel_loop3A_2684, %parallel_loop3A_2685, %parallel_loop3A_2686] {strides = array<i32>} : memref<2x16x64xf32, #tpu.memory_space<vmem>>, vector<16xf32>,
          tpu.vector_store %arg24[%parallel_loop3A_2684, %parallel_loop3A_2685, %parallel_loop3A_2686], %parallel_loop3A_2667 {strides = array<i32>} : memref<2x16x64xf32, #tpu.memory_space<vmem>>, vector<16xf32>,
          %parallel_loop3A_2688 = arith.constant 1 : i32
          %parallel_loop3A_2689 = arith.index_cast %parallel_loop3A_2688 : i32 to index
          %parallel_loop3A_2690 = arith.index_cast %parallel_loop3A_2178 : i32 to index
          %parallel_loop3A_2691 = arith.constant 16 : index
          %parallel_loop3A_2692 = tpu.vector_load %arg24[%parallel_loop3A_2689, %parallel_loop3A_2690, %parallel_loop3A_2691] {strides = array<i32>} : memref<2x16x64xf32, #tpu.memory_space<vmem>>, vector<16xf32>,
          tpu.vector_store %arg24[%parallel_loop3A_2689, %parallel_loop3A_2690, %parallel_loop3A_2691], %parallel_loop3A_2669 {strides = array<i32>} : memref<2x16x64xf32, #tpu.memory_space<vmem>>, vector<16xf32>,
          %parallel_loop3A_2693 = arith.constant 1 : i32
          %parallel_loop3A_2694 = arith.index_cast %parallel_loop3A_2693 : i32 to index
          %parallel_loop3A_2695 = arith.index_cast %parallel_loop3A_2178 : i32 to index
          %parallel_loop3A_2696 = arith.constant 32 : index
          %parallel_loop3A_2697 = tpu.vector_load %arg24[%parallel_loop3A_2694, %parallel_loop3A_2695, %parallel_loop3A_2696] {strides = array<i32>} : memref<2x16x64xf32, #tpu.memory_space<vmem>>, vector<16xf32>,
          tpu.vector_store %arg24[%parallel_loop3A_2694, %parallel_loop3A_2695, %parallel_loop3A_2696], %parallel_loop3A_2680 {strides = array<i32>} : memref<2x16x64xf32, #tpu.memory_space<vmem>>, vector<16xf32>,
          %parallel_loop3A_2698 = arith.constant 1 : i32
          %parallel_loop3A_2699 = arith.index_cast %parallel_loop3A_2698 : i32 to index
          %parallel_loop3A_2700 = arith.index_cast %parallel_loop3A_2178 : i32 to index
          %parallel_loop3A_2701 = arith.constant 48 : index
          %parallel_loop3A_2702 = tpu.vector_load %arg24[%parallel_loop3A_2699, %parallel_loop3A_2700, %parallel_loop3A_2701] {strides = array<i32>} : memref<2x16x64xf32, #tpu.memory_space<vmem>>, vector<16xf32>,
          tpu.vector_store %arg24[%parallel_loop3A_2699, %parallel_loop3A_2700, %parallel_loop3A_2701], %parallel_loop3A_2682 {strides = array<i32>} : memref<2x16x64xf32, #tpu.memory_space<vmem>>, vector<16xf32>,
        } {sc.loop_unroll_factor = 4 : i64, sc.parallel_access}
        %dma_start3A_2170 = arith.constant 1 : i32
        %dma_start3A_2171 = arith.constant 0 : i32
        %dma_start3A_2172 = arith.constant 0 : i32
        %dma_start3A_2173 = tpu.memref_slice %arg24[%dma_start3A_2170, %dma_start3A_2171, %dma_start3A_2172] : memref<2x16x64xf32, #tpu.memory_space<vmem>> -> memref<1x16x64xf32, #tpu.memory_space<vmem>>
        %dma_start3A_2174 = tpu.memref_squeeze %dma_start3A_2173 : memref<1x16x64xf32, #tpu.memory_space<vmem>> -> memref<16x64xf32, #tpu.memory_space<vmem>>
        %dma_start3A_2175 = arith.constant 0 : i32
        %dma_start3A_2176 = arith.constant 0 : i32
        %dma_start3A_2177 = tpu.memref_slice %arg25[%dma_start3A_2175, %dma_start3A_2176] : memref<10112x64xf32, #tpu.memory_space<vmem_shared>> -> memref<10112x64xf32, #tpu.memory_space<vmem_shared>>
        tpu.enqueue_indirect_dma source(%dma_start3A_2174 : memref<16x64xf32, #tpu.memory_space<vmem>>) target(%dma_start3A_2177 : memref<10112x64xf32, #tpu.memory_space<vmem_shared>>) offsets(%get3A_1207 : vector<16xi32>) semaphore(%arg28 : memref<!tpu.dma_semaphore, #tpu.memory_space<semaphore_mem>>) {add = true}
      }
      %scan3A_105 = arith.constant 125 : i32
      %get3A_106 = arith.constant 0 : index
      %get3A_107 = tpu.vector_load %arg17[%get3A_106] {strides = array<i32>} : memref<4000xi32, #tpu.memory_space<vmem>>, vector<16xi32>,
      %dma_wait3A = arith.constant 0 : i32
      %dma_wait3A_108 = arith.constant 0 : i32
      %dma_wait3A_109 = arith.constant 0 : i32
      %dma_wait3A_110 = tpu.memref_slice %arg24[%dma_wait3A, %dma_wait3A_108, %dma_wait3A_109] : memref<2x16x64xf32, #tpu.memory_space<vmem>> -> memref<1x16x64xf32, #tpu.memory_space<vmem>>
      %dma_wait3A_111 = tpu.memref_squeeze %dma_wait3A_110 : memref<1x16x64xf32, #tpu.memory_space<vmem>> -> memref<16x64xf32, #tpu.memory_space<vmem>>
      %dma_wait3A_112 = arith.constant 0 : i32
      %dma_wait3A_113 = arith.constant 0 : i32
      %dma_wait3A_114 = tpu.memref_slice %arg25[%dma_wait3A_112, %dma_wait3A_113] : memref<10112x64xf32, #tpu.memory_space<vmem_shared>> -> memref<10112x64xf32, #tpu.memory_space<vmem_shared>>
      tpu.wait_indirect_dma semaphore(%arg28 : memref<!tpu.dma_semaphore, #tpu.memory_space<semaphore_mem>>) src(%dma_wait3A_111 : memref<16x64xf32, #tpu.memory_space<vmem>>) dst(%dma_wait3A_114 : memref<10112x64xf32, #tpu.memory_space<vmem_shared>>)
      %dma_wait3A_115 = arith.constant 1 : i32
      %dma_wait3A_116 = arith.constant 0 : i32
      %dma_wait3A_117 = arith.constant 0 : i32
      %dma_wait3A_118 = tpu.memref_slice %arg24[%dma_wait3A_115, %dma_wait3A_116, %dma_wait3A_117] : memref<2x16x64xf32, #tpu.memory_space<vmem>> -> memref<1x16x64xf32, #tpu.memory_space<vmem>>
      %dma_wait3A_119 = tpu.memref_squeeze %dma_wait3A_118 : memref<1x16x64xf32, #tpu.memory_space<vmem>> -> memref<16x64xf32, #tpu.memory_space<vmem>>
      %dma_wait3A_120 = arith.constant 0 : i32
      %dma_wait3A_121 = arith.constant 0 : i32
      %dma_wait3A_122 = tpu.memref_slice %arg25[%dma_wait3A_120, %dma_wait3A_121] : memref<10112x64xf32, #tpu.memory_space<vmem_shared>> -> memref<10112x64xf32, #tpu.memory_space<vmem_shared>>
      tpu.wait_indirect_dma semaphore(%arg28 : memref<!tpu.dma_semaphore, #tpu.memory_space<semaphore_mem>>) src(%dma_wait3A_119 : memref<16x64xf32, #tpu.memory_space<vmem>>) dst(%dma_wait3A_122 : memref<10112x64xf32, #tpu.memory_space<vmem_shared>>)
    }
    %scan3A_12 = arith.constant 5 : i32
    %barrier3A_13 = arith.constant 0 : index
    tpu.barrier barrier_id(%barrier3A_13)
    %mul3A_14 = arith.constant 632 : i32
    %mul3A_15 = arith.muli %arg1, %mul3A_14 : i32
    %mul3A_16 = arith.constant 10112 : i32
    %mul3A_17 = arith.muli %arg0, %mul3A_16 : i32
    %mul3A_18 = arith.constant 632 : i32
    %mul3A_19 = arith.muli %arg1, %mul3A_18 : i32
    %add3A = arith.addi %mul3A_17, %mul3A_19 : i32
    "tpu.region"() ({
      %run_scoped3A = tpu.sem_alloc : memref<!tpu.dma_semaphore, #tpu.memory_space<semaphore_mem>>
      %dma_start3A = arith.constant 0 : i32
      %dma_start3A_20 = tpu.memref_slice %arg12[%add3A, %dma_start3A] : memref<20224x64xf32, #tpu.memory_space<hbm>> -> memref<632x64xf32, #tpu.memory_space<hbm>>
      %dma_start3A_21 = arith.constant 0 : i32
      %dma_start3A_22 = tpu.memref_slice %arg25[%mul3A_15, %dma_start3A_21] : memref<10112x64xf32, #tpu.memory_space<vmem_shared>> -> memref<632x64xf32, #tpu.memory_space<vmem_shared>>
      tpu.enqueue_dma source(%dma_start3A_22 : memref<632x64xf32, #tpu.memory_space<vmem_shared>>) target(%dma_start3A_20 : memref<632x64xf32, #tpu.memory_space<hbm>>) target_semaphore(%run_scoped3A : memref<!tpu.dma_semaphore, #tpu.memory_space<semaphore_mem>>)
      %dma_wait3A = arith.constant 0 : i32
      %dma_wait3A_23 = tpu.memref_slice %arg12[%add3A, %dma_wait3A] : memref<20224x64xf32, #tpu.memory_space<hbm>> -> memref<632x64xf32, #tpu.memory_space<hbm>>
      %dma_wait3A_24 = arith.constant 0 : i32
      %dma_wait3A_25 = tpu.memref_slice %arg25[%mul3A_15, %dma_wait3A_24] : memref<10112x64xf32, #tpu.memory_space<vmem_shared>> -> memref<632x64xf32, #tpu.memory_space<vmem_shared>>
      tpu.wait_dma2 semaphore(%run_scoped3A : memref<!tpu.dma_semaphore, #tpu.memory_space<semaphore_mem>>) src(%dma_wait3A_25 : memref<632x64xf32, #tpu.memory_space<vmem_shared>>) dst(%dma_wait3A_23 : memref<632x64xf32, #tpu.memory_space<hbm>>)
      tpu.yield
    }) : () -> ()
    return
  }
}

module attributes {stable_mosaic.version = 14 : i64} {
  func.func @_mm_body(%arg0: i32, %arg1: memref<400x128xf32, #tpu.memory_space<vmem>>, %arg2: memref<128x2048xf32, #tpu.memory_space<vmem>>, %arg3: memref<400x2048xbf16, #tpu.memory_space<vmem>>) attributes {dimension_semantics = [#tpu.dimension_semantics<arbitrary>], iteration_bounds = array<i64: 25>, scalar_prefetch = 0 : i64, scratch_operands = 0 : i64, tpu.core_type = #tpu.core_type<tc>, window_params = [{transform_indices = @transform_0, window_bounds = array<i64: 400, 128>}, {pipeline_mode = #tpu.pipeline_mode<synchronous>, transform_indices = @transform_1, window_bounds = array<i64: 128, 2048>}, {transform_indices = @transform_2, window_bounds = array<i64: 400, 2048>}]} {
    %get3A = arith.constant 0 : index
    %get3A_0 = arith.constant 0 : index
    %get3A_1 = vector.load %arg1[%get3A, %get3A_0] : memref<400x128xf32, #tpu.memory_space<vmem>>, vector<400x128xf32>
    %get3A_2 = arith.constant 0 : index
    %get3A_3 = arith.constant 0 : index
    %get3A_4 = vector.load %arg2[%get3A_2, %get3A_3] : memref<128x2048xf32, #tpu.memory_space<vmem>>, vector<128x2048xf32>
    %dot_general3A = arith.constant dense<0.000000e+00> : vector<400x2048xf32>
    %dot_general3A_5 = tpu.matmul %get3A_1, %get3A_4, %dot_general3A {dimension_numbers = #tpu.dot_dimension_numbers<[1], [0], [0], [1], [0, 0, 1, 1], [], []>, transpose_lhs_hint = false} : vector<400x128xf32>, vector<128x2048xf32>, vector<400x2048xf32> -> vector<400x2048xf32>
    %convert_element_type3A = arith.truncf %dot_general3A_5 : vector<400x2048xf32> to vector<400x2048xbf16>
    %swap3A = arith.constant 0 : index
    %swap3A_6 = arith.constant 0 : index
    %swap3A_7 = vector.load %arg3[%swap3A, %swap3A_6] : memref<400x2048xbf16, #tpu.memory_space<vmem>>, vector<400x2048xbf16>
    tpu.vector_store %arg3[%swap3A, %swap3A_6], %convert_element_type3A {strides = array<i32>} : memref<400x2048xbf16, #tpu.memory_space<vmem>>, vector<400x2048xbf16>,
    return
  }
  func.func @transform_0(%arg0: i32) -> (i32, i32) {
    %c0_i32 = arith.constant 0 : i32
    %c0_i32_0 = arith.constant 0 : i32
    return %arg0, %c0_i32 : i32, i32
  }
  func.func @transform_1(%arg0: i32) -> (i32, i32) {
    %c0_i32 = arith.constant 0 : i32
    %c0_i32_0 = arith.constant 0 : i32
    %c0_i32_1 = arith.constant 0 : i32
    return %c0_i32, %c0_i32_0 : i32, i32
  }
  func.func @transform_2(%arg0: i32) -> (i32, i32) {
    %c0_i32 = arith.constant 0 : i32
    %c0_i32_0 = arith.constant 0 : i32
    return %arg0, %c0_i32 : i32, i32
  }
}

</mosaic_0001>

<sc_bundles>
// kernel: kernel.4.cloned.1.call-start
scs
__scs_entry_jumppad:
0x0: {  	(pc) =	sbr.rel $0x88, $3  }
0x1: {  	(tag) =	ssettag $0x0;
	lr =	simm.s32 $0x1  }
0x2: {  	[smem:$0x3F9C] =	sst lr;
	_ =	strace $0xD0000000  }
0x3: {  	_ = 	snop  }
0x4: {  	_ = 	snop  }
0x5: {  	_ = 	snop  }
0x6: {  	_ = 	snop  }
0x7: {  	_ = 	snop  }
__scs_overlays_trampoline_lowered:
0x8: {  	[smem:$0x3FAB] =	sst s0  }
0x9: {  	[smem:$0x3FAC] =	sst s1  }
0xa: {  	[smem:$0x3FAD] =	sst s2  }
0xb: {  	[smem:$0x3FAE] =	sst s3  }
0xc: {  	[smem:$0x3FAF] =	sst s4  }
0xd: {  	[smem:$0x3FB0] =	sst s5  }
0xe: {  	[smem:$0x3FB1] =	sst s6  }
0xf: {  	[smem:$0x3FB2] =	sst s7  }
0x10: {  	[smem:$0x3FB3] =	sst s8  }
0x11: {  	[smem:$0x3FB4] =	sst s9;
	s0 =	simm.s32 @!p0 $0x0  }
0x12: {  	s1 =	sld [smem:$0x3F9A];
	s0 =	simm.s32 @p0 $0x1  }
0x13: {  	[smem:$0x3FB5] =	sst s0;
	s0 =	simm.s32 @!p1 $0x0  }
0x14: {  	s2 =	sld [smem:$0x3F99];
	s0 =	simm.s32 @p1 $0x1  }
0x15: {  	[smem:$0x3FB6] =	sst s0;
	s0 =	simm.s32 @!p2 $0x0  }
0x16: {  	s3 =	sld [smem:$0x3FDB];
	s0 =	simm.s32 @p2 $0x1  }
0x17: {  	s4 =	simm.s32 $0x1BF5;
	[smem:$0x3FB8] =	sst s0  }
0x18: {  	s0 =	sld [smem:$0x3F9B];
	_ =	swait.ge [sflag:s4], $0x0  }
0x19: {  	s7 =	sld [smem:$0x3F9C]  }
0x1a: {  	s8 =	sadd.s32 $0xFFFFE003, lr  }
0x1b: {  	s9 =	sadd.s32 $0xFFFFFEF7, lr;
	s5 =	simm.s32 $0xFFFFFFFF;
	p2 =	slt.u32 s8, $0xFFFFF086  }
0x1c: {  	p1 =	slt.u32 s9, $0xF7A;
	s5 =	simm.s32 @!p2 $0x0  }
0x1d: {  	s5 =	simm.s32 @p1 $0x1;
	p0 =	seq.s32 s7, s2  }
0x1e: {  	s7 =	smul.u32 @!p0 $0xF7A, s2;
	p2 =	seq.s32 @!p0 s5, $0x0  }
0x1f: {  	s9 =	smul.u32 $0xF7A, s1;
	s8 =	simm.s32 @!p0 $0x1BF5;
	p2 =	por !p2, p0  }
0x20: {  	[sflag:s8] =	ssyncset.s32 @!p0 $0xFFFFF086;
	s6 =	sadd.s32 @!p0 s3, s7;
	s7 =	simm.s32 @!p0 $0x108  }
0x21: {  	s3 =	sadd.s32 s3, s9;
	s6 =	sadd.s32 @!p0 $0x88, s6;
	s7 =	simm.s32 @p2 $0x1082  }
0x22: {  	[simem:s7], [sflag:s8] =	dma.local @!p0 [hbm:s6], $0xF7A  }
0x23: {  	s9 =	sor.u32 $0xD0000000, s2;
	s6 =	simm.s32 $0x108;
	_ =	swait.ge @!p0 [sflag:s8], $0x0  }
0x24: {  	s3 =	sadd.s32 $0x88, s3;
	s6 =	simm.s32 @!p1 $0x1082;
	[sflag:s4] =	ssyncset.s32 $0xFFFFF086  }
0x25: {  	[simem:s6], [sflag:s4] =	dma.local [hbm:s3], $0xF7A  }
0x26: {  	[smem:$0x3F9C] =	sst s1;
	(tag) =	ssettag s2;
	_ =	strace s9  }
0x27: {  	s1 =	sld [smem:$0x3FAC]  }
0x28: {  	s2 =	sld [smem:$0x3FAD]  }
0x29: {  	s4 =	sld [smem:$0x3FAF]  }
0x2a: {  	p0 =	seq.s32 s5, $0x0;
	s5 =	sld [smem:$0x3FB0]  }
0x2b: {  	s6 =	sld [smem:$0x3FB1]  }
0x2c: {  	s7 =	sld [smem:$0x3FB2]  }
0x2d: {  	s3 =	simm.s32 $0x108;
	s8 =	sld [smem:$0x3FB3]  }
0x2e: {  	s3 =	simm.s32 @!p0 $0x1082;
	s9 =	sld [smem:$0x3FB4]  }
0x2f: {  	lr =	sadd.s32 s0, s3;
	s0 =	sld [smem:$0x3FAB]  }
0x30: {  	s3 =	sld [smem:$0x3FAE]  }
0x31: {  	[smem:$0x3FB7] =	sst s10  }
0x32: {  	s10 =	sld [smem:$0x3FB5];
	_ =	sdelay $0x3  }
0x33: {  	p0 =	seq.s32 s10, $0x1;
	s10 =	sld [smem:$0x3FB7];
	_ =	sdelay $0x3  }
0x34: {  	[smem:$0x3FB7] =	sst s10  }
0x35: {  	s10 =	sld [smem:$0x3FB6];
	_ =	sdelay $0x3  }
0x36: {  	p1 =	seq.s32 s10, $0x1;
	s10 =	sld [smem:$0x3FB7];
	_ =	sdelay $0x3  }
0x37: {  	[smem:$0x3FB7] =	sst s10  }
0x38: {  	s10 =	sld [smem:$0x3FB8]  }
0x39: {  	_ = 	snop;
	(pc) =	sbr.ind lr, $3  }
0x3a: {  	_ = 	snop  }
0x3b: {  	_ = 	snop  }
0x3c: {  	p2 =	seq.s32 s10, $0x1;
	s10 =	sld [smem:$0x3FB7]  }
0x3d: {  	_ =	shalt  }
0x3e: {  	_ =	shalt  }
0x3f: {  	_ =	shalt  }
0x40: {  	_ =	shalt  }
0x41: {  	_ =	shalt  }
0x42: {  	_ =	shalt  }
0x43: {  	_ =	shalt  }
0x44: {  	_ =	shalt  }
0x45: {  	_ =	shalt  }
0x46: {  	_ =	shalt  }
0x47: {  	_ =	shalt  }
0x48: {  	_ =	shalt  }
0x49: {  	_ =	shalt  }
0x4a: {  	_ =	shalt  }
0x4b: {  	_ =	shalt  }
0x4c: {  	_ =	shalt  }
0x4d: {  	_ =	shalt  }
0x4e: {  	_ =	shalt  }
0x4f: {  	_ =	shalt  }
0x50: {  	_ =	shalt  }
0x51: {  	_ =	shalt  }
0x52: {  	_ =	shalt  }
0x53: {  	_ =	shalt  }
0x54: {  	_ =	shalt  }
0x55: {  	_ =	shalt  }
0x56: {  	_ =	shalt  }
0x57: {  	_ =	shalt  }
0x58: {  	_ =	shalt  }
0x59: {  	_ =	shalt  }
0x5a: {  	_ =	shalt  }
0x5b: {  	_ =	shalt  }
0x5c: {  	_ =	shalt  }
0x5d: {  	_ =	shalt  }
0x5e: {  	_ =	shalt  }
0x5f: {  	_ =	shalt  }
0x60: {  	_ =	shalt  }
0x61: {  	_ =	shalt  }
0x62: {  	_ =	shalt  }
0x63: {  	_ =	shalt  }
0x64: {  	_ =	shalt  }
0x65: {  	_ =	shalt  }
0x66: {  	_ =	shalt  }
0x67: {  	_ =	shalt  }
0x68: {  	_ =	shalt  }
0x69: {  	_ =	shalt  }
0x6a: {  	_ =	shalt  }
0x6b: {  	_ =	shalt  }
0x6c: {  	_ =	shalt  }
0x6d: {  	_ =	shalt  }
0x6e: {  	_ =	shalt  }
0x6f: {  	_ =	shalt  }
0x70: {  	_ =	shalt  }
0x71: {  	_ =	shalt  }
0x72: {  	_ =	shalt  }
0x73: {  	_ =	shalt  }
0x74: {  	_ =	shalt  }
0x75: {  	_ =	shalt  }
0x76: {  	_ =	shalt  }
0x77: {  	_ =	shalt  }
0x78: {  	_ =	shalt  }
0x79: {  	_ =	shalt  }
0x7a: {  	_ =	shalt  }
0x7b: {  	_ =	shalt  }
0x7c: {  	_ =	shalt  }
0x7d: {  	_ =	shalt  }
0x7e: {  	_ =	shalt  }
0x7f: {  	_ =	shalt  }
0x80: {  	_ =	shalt  }
0x81: {  	_ =	shalt  }
0x82: {  	_ =	shalt  }
0x83: {  	_ =	shalt  }
0x84: {  	_ =	shalt  }
0x85: {  	_ =	shalt  }
0x86: {  	_ =	shalt  }
0x87: {  	_ =	shalt  }
.Lfunc_end0:
.L_simem_size_0:
called_computation.1_lowered:
.L_overlay_start_0:
0x88: {  	s2 =	sld [smem:$0x3FD9]  }
0x89: {  	s3 =	sld [smem:$0x3FFE];
	_ =	sdelay $0x1  }
0x8a: {  	s1 =	srdreg.scid  }
0x8b: {  	s0 =	sand.u32 $0x1, s1  }
0x8c: {  	s17 =	sshll.u32 s0, $0xA;
	s2 =	sadd.s32 s3, s2  }
0x8d: {  	s2 =	sadd.s32 s2, s17  }
0x8e: {  	[smem:$0x3FC3] =	sst s2  }
0x8f: {  	_ = 	snop  }
0x90: {  	s2 =	sld [smem:$0x3FD0];
	(tm) =	ssettm $0x1  }
0x91: {  	s18 =	sld [smem:$0x3FFB];
	_ =	sdelay $0x3  }
0x92: {  	_ =	strace s18  }
0x93: {  	s3 =	sld [smem:$0x3FFC];
	_ =	sdelay $0x3  }
0x94: {  	_ =	strace s3  }
0x95: {  	s3 =	sld [smem:$0x3FFD];
	_ =	sdelay $0x3  }
0x96: {  	_ =	strace s3  }
0x97: {  	_ =	strace $0x8FFFFFFF  }
0x98: {  	s19 =	sld [smem:$0x3FDB];
	_ =	sdelay $0x1  }
0x99: {  	s4 =	simm.s32 $_scs_section_size  }
0x9a: {  	s5 =	simm.s32 $_size__tile_overlayer_lowered;
	s6 =	simm.s32 $_tile_overlayer_lowered  }
0x9b: {  	s22 =	simm.s32 $0x1BFF;
	s21 =	sshll.u32 s6, $0x1;
	s3 =	sadd.s32 s4, s19  }
0x9c: {  	s7 =	simm.s32 $0x0;
	s20 =	sshll.u32 s5, $0x1;
	s5 =	sadd.s32 s21, s3  }
0x9d: {  	[timem:s7], [sflag:s22] =	dma.local [hbm:s5], s20  }
0x9e: {  	_ =	swait.ge [sflag:s22], s20  }
0x9f: {  	s4 =	ssub.s32 $0x0, s20;
	[sflag:s22] =	ssyncset.done $0x0  }
0xa0: {  	[sflag:s22] =	ssyncadd.s32 s4;
	_ =	sdelay $0x1  }
0xa1: {  	s23 =	simm.s32 $0x1B8B  }
0xa2: {  	_ =	swait.ge [sflag:s23], $0x1  }
0xa3: {  	[sflag:s23] =	ssyncset.done $0x0  }
0xa4: {  	s25 =	simm.s32 $0x1B8E;
	s24 =	sld [smem:$0x3FFE];
	[sflag:s23] =	ssyncadd.s32 $0xFFFFFFFF  }
0xa5: {  	s26 =	simm.s32 $execute0_lowered;
	[smem:$0x3FD2] =	sst s25  }
0xa6: {  	s5 =	sshll.u32 s26, $0x1;
	_ =	strace $0x80000049;
	[dreg:$0x1] =	wrdreg $0xFFFFFFFF  }
0xa7: {  	s28 =	simm.s32 $_size_execute0_lowered;
	s3 =	sadd.s32 s3, s5;
	[dreg:$0x0] =	wrdreg $0x0  }
0xa8: {  	s5 =	sshll.u32 s28, $0x1;
	[dreg:$0x2] =	wrdreg s3  }
0xa9: {  	[dreg:$0x3] =	wrdreg s5  }
0xaa: {  	[dreg:$0x4] =	wrdreg $0xC0  }
0xab: {  	_ =	task [dreg:s7], $0x5FFFF  }
0xac: {  	[dreg:$0x1] =	wrdreg $0xFFFFFFFF  }
0xad: {  	[dreg:$0x0] =	wrdreg $0x60  }
0xae: {  	[dreg:$0x2] =	wrdreg s24  }
0xaf: {  	[dreg:$0x3] =	wrdreg s2  }
0xb0: {  	[dreg:$0x4] =	wrdreg $0xE1400  }
0xb1: {  	[dreg:$0x5] =	wrdreg $0x9  }
0xb2: {  	_ =	task.clear_ibuf [dreg:s7], $0x6FFFF;
	_ =	strace $0x90000049  }
0xb3: {  	s29 =	simm.s32 $0x9;
	_ =	strace $0x8000004B  }
0xb4: {  	_ =	swait.ge [sflag:s29], $0x1  }
0xb5: {  	[sflag:s29] =	ssyncadd.s32 $0xFFFFFFFF  }
0xb6: {  	_ =	strace $0x9000004B  }
0xb7: {  	_ =	sfence  }
0xb8: {  	s30 =	sld [smem:$0x0];
	_ =	sdelay $0x2  }
0xb9: {  	s31 =	sshll.u32 s1, $0xD;
	s1 =	sshrl.u32 s1, $0x2  }
0xba: {  	s3 =	sand.u32 $0x4000, s31;
	s1 =	sadd.s32 s1, s30  }
0xbb: {  	s0 =	sor.u32 s3, s0;
	s1 =	sshll.u32 s1, $0x11  }
0xbc: {  	s0 =	sor.u32 s1, s0  }
0xbd: {  	s0 =	sadd.s32 $0x8F2B, s0  }
0xbe: {  	[sflag:s0] =	ssyncadd.remote.s32 $0x1  }
0xbf: {  	_ =	sfence.sel $0xFFFF  }
0xc0: {  	[dreg:$0x0] =	wrdreg $0xFFFFFFFF;
	(pc) =	sbr.abs _section_cstart, $3  }
0xc1: {  	[dreg:$0x1] =	wrdreg $0xFFFFFFFF  }
0xc2: {  	_ =	task.clear_ibuf [dreg:s7], $0x2FFFF;
	_ =	strace $0x9FFFFFFF  }
0xc3: {  	(tm) =	ssettm $0x7FFFFFFF  }
tec
execute0_lowered:
.L_overlay_start_1:
0x0: {  	(tag) =	ssettag $0x1  }
0x1: {  	s0 =	rddreg [dreg:$0x0]  }
0x2: {  	s4 =	rddreg [dreg:$0x1]  }
0x3: {  	s1 =	rddreg [dreg:$0x2]  }
0x4: {  	s2 =	simm.s32 $0x0;
	s19 =	srdreg.scid;
	s29 =	simm.s32 $0x9840  }
0x5: {  	s30 =	simm.s32 $0x9940;
	s31 =	simm.s32 $0x98C0;
	[smem:$0x7FF] =	sst s2  }
0x6: {  	s11 =	stileid.u32;
	s3 =	sadd.s32 $0x138C00, s0;
	s5 =	sadd.s32 $0x272200, s0  }
0x7: {  	s28 =	simm.s32 $0x80;
	s17 =	sadd.s32 $0x271C00, s0;
	s18 =	sadd.s32 $0x271600, s0  }
0x8: {  	s8 =	sadd.s32 $0x27CA00, s0;
	_ =	strace $0x8000004A;
	[dreg:$0x4] =	wrdreg s5  }
0x9: {  	s6 =	smul.u32 $0x13C0, s11;
	s9 =	sadd.s32 $0x272C00, s0;
	[dreg:$0x5] =	wrdreg s17  }
0xa: {  	s10 =	sadd.s32 $0x271400, s0;
	s20 =	sadd.s32 $0x272A00, s0;
	[dreg:$0x6] =	wrdreg s18  }
0xb: {  	s22 =	smul.u32 $0x9E00, s11;
	s12 =	sadd.s32 $0x272800, s0;
	[dreg:$0x7] =	wrdreg s10  }
0xc: {  	s13 =	smul.u32 $0x4E20, s11;
	s26 =	sshll.u32 s11, $0x6;
	[dreg:$0x8] =	wrdreg s20  }
0xd: {  	s5 =	sand.u32 $0x1, s19;
	[dreg:$0x9] =	wrdreg s12;
	s17 =	simm.s32 $0x4  }
0xe: {  	s18 =	simm.s32 $0x2710;
	s19 =	simm.s32 $0x4E20;
	s12 =	sor.u32 $0x1C04, s26  }
0xf: {  	s26 =	simm.s32 $0x84D0;
	s20 =	simm.s32 $0x9740;
	s7 =	smul.u32 $0x13C00, s5  }
0x10: {  	s21 =	ssub.s32 $0x2, s5;
	s24 =	sshrl.u32 s22, $0x3;
	s10 =	sadd.s32 s22, s1  }
0x11: {  	s22 =	simm.s32 $0x2;
	v0 =	vmov s5;
	s5 =	simm.s32 $0xDD40;
	[dreg:$0xd] =	wrdreg s12  }
0x12: {  	s23 =	sshrl.u32 s21, $0x1;
	s4 =	sadd.s32 s4, s24;
	s14 =	sshrl.u32 s10, $0x3  }
0x13: {  	s6 =	sadd.s32 s6, s7;
	[dreg:$0xa] =	wrdreg s4;
	s4 =	simm.s32 $0x1  }
0x14: {  	s7 =	simm.s32 $0x0;
	[dreg:$0xe] =	wrdreg s14;
	s0 =	sadd.s32 s6, s0  }
0x15: {  	s6 =	ssub.s32 s21, s23;
	s21 =	simm.s32 $0xD940;
	s0 =	sadd.s32 $0x400, s0  }
0x16: {  	s25 =	smax.u32 s6, $0x1;
	s6 =	simm.s32 $0x3;
	[dreg:$0xb] =	wrdreg s0  }
0x17: {  	v1 =	vimm.f32 $0.0e+00;
	vm0 =	vmmov $0xffff;
	[dreg:$0xc] =	wrdreg s25;
	s25 =	simm.s32 $0x7530;
	s0 =	simm.s32 $0xB940  }
.LBB2_1:
0x18: {  	s10 =	rddreg [dreg:$0x4]  }
0x19: {  	[tilespmem:s2], [sflag:$0x4] =	stream.linear.gather [hbm4b:s10+s2], $0x2710, $0x38;
	[tilespmem:$0x17F40] =	vst v63  }
0x1a: {  	_ =	swait.ge [sflag:s17], $0x2710  }
0x1b: {  	[sflag:s17] =	ssyncset.done $0x0  }
0x1c: {  	s16 =	rddreg [dreg:$0x5];
	[sflag:s17] =	ssyncadd.s32 $0xFFFFD8F0  }
0x1d: {  	[tilespmem:s18], [sflag:$0x4] =	stream.linear.gather [hbm4b:s16+s2], $0x2710, $0x38;
	[tilespmem:$0x17F40] =	vst v63  }
0x1e: {  	_ =	swait.ge [sflag:s17], $0x2710  }
0x1f: {  	[sflag:s17] =	ssyncset.done $0x0  }
0x20: {  	s23 =	rddreg [dreg:$0x6];
	[sflag:s17] =	ssyncadd.s32 $0xFFFFD8F0  }
0x21: {  	[tilespmem:s19], [sflag:$0x4] =	stream.linear.gather [hbm4b:s23+s2], $0x2710, $0x38;
	[tilespmem:$0x17F40] =	vst v63  }
0x22: {  	_ =	swait.ge [sflag:s17], $0x2710  }
0x23: {  	[sflag:s17] =	ssyncset.done $0x0  }
0x24: {  	s11 =	simm.s32 $0x9470;
	s24 =	rddreg [dreg:$0x7];
	[sflag:s17] =	ssyncadd.s32 $0xFFFFD8F0  }
0x25: {  	[tilespmem:s11], [sflag:$0x4] =	stream.linear.gather [hbm4b:s24+s2], $0xF0, $0x38;
	[tilespmem:$0x17F40] =	vst v63  }
0x26: {  	_ =	swait.ge [sflag:s17], $0xF0  }
0x27: {  	[sflag:s17] =	ssyncset.done $0x0  }
0x28: {  	s15 =	simm.s32 $0x9560;
	s11 =	rddreg [dreg:$0x8];
	[sflag:s17] =	ssyncadd.s32 $0xFFFFFF10  }
0x29: {  	[tilespmem:s15], [sflag:$0x4] =	stream.linear.gather [hbm4b:s11+s2], $0xF0, $0x38;
	[tilespmem:$0x17F40] =	vst v63  }
0x2a: {  	_ =	swait.ge [sflag:s17], $0xF0  }
0x2b: {  	[sflag:s17] =	ssyncset.done $0x0  }
0x2c: {  	s23 =	simm.s32 $0x9650;
	s16 =	rddreg [dreg:$0x9];
	[sflag:s17] =	ssyncadd.s32 $0xFFFFFF10  }
0x2d: {  	[tilespmem:s23], [sflag:$0x4] =	stream.linear.gather [hbm4b:s16+s2], $0xF0, $0x38;
	[tilespmem:$0x17F40] =	vst v63  }
0x2e: {  	_ =	swait.ge [sflag:s17], $0xF0  }
0x2f: {  	[sflag:s17] =	ssyncset.done $0x0  }
0x30: {  	s24 =	rddreg [dreg:$0xa];
	[sflag:s17] =	ssyncadd.s32 $0xFFFFFF10  }
0x31: {  	[spmem:s14], [sflag:s12] =	dma.local [hbm:s24], $0x13C0  }
0x32: {  	_ =	swait.ge [sflag:s17], $0x13C0  }
0x33: {  	[sflag:s17] =	ssyncset.done $0x0  }
0x34: {  	[sflag:s17] =	ssyncadd.s32 $0xFFFFEC40  }
0x35: {  	[bflag:$0x0] =	sbarrier.arrive $0xFFFF  }
0x36: {  	s10 =	simm.s32 $0x0;
	[tilespmem:$0x9830] =	vst v1  }
.LBB2_2:
0x37: {  	s11 =	smul.u32 $0xFA0, s10;
	_ =	sdelay $0x1  }
0x38: {  	s11 =	sadd.s32 s13, s11  }
0x39: {  	s12 =	sshrl.u32 s11, $0x3  }
0x3a: {  	s11 =	simm.s32 $0x0;
	s14 =	sadd.s32 s8, s12  }
0x3b: {  	[tilespmem:s25], [sflag:$0x4] =	stream.linear.gather [hbm4b:s14+s11], $0xFA0, $0x38;
	[tilespmem:$0x17F40] =	vst v63  }
0x3c: {  	_ =	swait.ge [sflag:s17], $0xFA0  }
0x3d: {  	[sflag:s17] =	ssyncset.done $0x0  }
0x3e: {  	s12 =	sadd.s32 s9, s12;
	[sflag:s17] =	ssyncadd.s32 $0xFFFFF060  }
0x3f: {  	[tilespmem:s26], [sflag:$0x4] =	stream.linear.gather [hbm4b:s12+s11], $0xFA0, $0x38;
	[tilespmem:$0x17F40] =	vst v63  }
0x40: {  	_ =	swait.ge [sflag:s17], $0xFA0  }
0x41: {  	[sflag:s17] =	ssyncset.done $0x0  }
0x42: {  	[sflag:s17] =	ssyncadd.s32 $0xFFFFF060  }
0x43: {  	v2 =	vld [tilespmem:$0x7530];
	_ =	sdelay $0x4  }
0x44: {  	v2 =	vshll.u32 v2, $0x4  }
0x45: {  	v2 =	vor.u32 v0, v2  }
0x46: {  	[tilespmem:$0x9840] =	vst v2;
	v3 =	vor.u32 $0x2, v2  }
0x47: {  	[tilespmem:$0x9850] =	vst v3;
	v3 =	vor.u32 $0x4, v2  }
0x48: {  	[tilespmem:$0x9860] =	vst v3;
	v3 =	vor.u32 $0x6, v2  }
0x49: {  	[tilespmem:$0x9870] =	vst v3;
	v3 =	vor.u32 $0x8, v2  }
0x4a: {  	[tilespmem:$0x9880] =	vst v3;
	v3 =	vor.u32 $0xA, v2  }
0x4b: {  	[tilespmem:$0x9890] =	vst v3;
	v3 =	vor.u32 $0xC, v2  }
0x4c: {  	v2 =	vor.u32 $0xE, v2;
	[tilespmem:$0x98A0] =	vst v3  }
0x4d: {  	s12 =	simm.s32 $0x0;
	[tilespmem:$0x98B0] =	vst v2  }
0x4e: {  	[tilespmem:s30], [sflag:$0x1] =	stream.indirect.gather [hbm4b:s3+s28], $0x40, s29, s28, $0xb8;
	[tilespmem:$0x17F40] =	vst v63  }
.LBB2_3:
0x4f: {  	s14 =	sshll.u32 s12, $0x5  }
0x50: {  	v2 =	vld [tilespmem:s14+$0x7540];
	_ =	sdelay $0x4  }
0x51: {  	v2 =	vshll.u32 v2, $0x4  }
0x52: {  	v2 =	vor.u32 v0, v2  }
0x53: {  	[tilespmem:$0x98C0] =	vst v2;
	v3 =	vor.u32 $0x2, v2  }
0x54: {  	[tilespmem:$0x98D0] =	vst v3;
	v3 =	vor.u32 $0x4, v2  }
0x55: {  	[tilespmem:$0x98E0] =	vst v3;
	v3 =	vor.u32 $0x6, v2  }
0x56: {  	[tilespmem:$0x98F0] =	vst v3;
	v3 =	vor.u32 $0x8, v2  }
0x57: {  	[tilespmem:$0x9900] =	vst v3;
	v3 =	vor.u32 $0xA, v2  }
0x58: {  	[tilespmem:$0x9910] =	vst v3;
	v3 =	vor.u32 $0xC, v2  }
0x59: {  	v2 =	vor.u32 $0xE, v2;
	[tilespmem:$0x9920] =	vst v3  }
0x5a: {  	[tilespmem:$0x9930] =	vst v2  }
0x5b: {  	[tilespmem:s0], [sflag:$0x2] =	stream.indirect.gather [hbm4b:s3+s28], $0x40, s31, s28, $0xb8;
	[tilespmem:$0x17F40] =	vst v63  }
0x5c: {  	_ =	swait.ge [sflag:s4], $0x2000  }
0x5d: {  	[sflag:s4] =	ssyncset.done $0x0  }
0x5e: {  	[sflag:s4] =	ssyncadd.s32 $0xFFFFE000  }
0x5f: {  	p0 =	seq.s32 s12, $0x0;
	v3 =	vld [tilespmem:s14+$0x7530]  }
0x60: {  	s15 =	simm.s32 @!p0 $0x3;
	v2 =	vld [tilespmem:s14+$0x84D0]  }
0x61: {  	_ =	swait.ge @!p0 [sflag:s15], $0x400  }
0x62: {  	[sflag:s15] =	ssyncset.done @!p0 $0x0  }
0x63: {  	[sflag:s15] =	ssyncadd.s32 @!p0 $0xFFFFFC00  }
0x64: {  	v9 =	vld [tilespmem:$0x9470]  }
0x65: {  	v10 =	vld [tilespmem:$0x9560]  }
0x66: {  	v11 =	vld [tilespmem:$0x9650]  }
0x67: {  	v4 =	vld.idx.msk [tilespmem:v3+s11+$0x0], $0xffff  }
0x68: {  	v5 =	vld.idx.msk [tilespmem:v2+s11+$0x0], $0xffff  }
0x69: {  	v6 =	vld.idx.msk [tilespmem:v3+s18+$0x0], $0xffff  }
0x6a: {  	v7 =	vld.idx.msk [tilespmem:v2+s18+$0x0], $0xffff  }
0x6b: {  	v3 =	vld.idx.msk [tilespmem:v3+s19+$0x0], $0xffff  }
0x6c: {  	v8 =	vld.idx.msk [tilespmem:v2+s19+$0x0], $0xffff  }
0x6d: {  	v39 =	vld [tilespmem:$0x9480]  }
0x6e: {  	v41 =	vld [tilespmem:$0x9570]  }
0x6f: {  	v43 =	vld [tilespmem:$0x9660]  }
0x70: {  	v46 =	vld [tilespmem:$0x9490];
	v4 =	vsub.f32 v4, v5  }
0x71: {  	v13 =	vld [tilespmem:$0x9580];
	v5 =	vsub.f32 v6, v7;
	v3 =	vsub.f32 v3, v8  }
0x72: {  	v14 =	vld [tilespmem:$0x9670];
	v38 =	vsub.f32 v4, v9  }
0x73: {  	v55 =	vld [tilespmem:$0x94A0];
	v7 =	vsub.f32 v5, v10;
	v40 =	vsub.f32 v3, v11  }
0x74: {  	v57 =	vld [tilespmem:$0x9590];
	v44 =	vsub.f32 v4, v39;
	v45 =	vsub.f32 v5, v41  }
0x75: {  	v9 =	vsub.f32 v3, v43;
	v51 =	vsub.f32 v4, v46  }
0x76: {  	v52 =	vsub.f32 v5, v13;
	v6 =	vmul.f32 v38, v38;
	v7 =	vmul.f32 v7, v7  }
0x77: {  	v14 =	vsub.f32 v3, v14;
	v42 =	vmul.f32 v40, v40;
	v48 =	vmul.f32 v9, v9  }
0x78: {  	v58 =	vld [tilespmem:$0x9680];
	v13 =	vsub.f32 v4, v55;
	v9 =	vmul.f32 v51, v51;
	v10 =	vmul.f32 v52, v52  }
0x79: {  	v56 =	vmul.f32 v14, v14;
	v14 =	vsub.f32 v5, v57;
	v6 =	vadd.f32 v7, v6  }
0x7a: {  	v8 =	vmul.f32 v45, v45;
	v7 =	vmul.f32 v44, v44;
	v9 =	vadd.f32 v10, v9  }
0x7b: {  	v61 =	vmul.f32 v13, v13;
	v62 =	vmul.f32 v14, v14;
	v6 =	vadd.f32 v42, v6  }
0x7c: {  	v7 =	vadd.f32 v8, v7;
	v9 =	vadd.f32 v56, v9  }
0x7d: {  	v60 =	vsub.f32 v3, v58;
	v10 =	vadd.f32 v62, v61  }
0x7e: {  	v32 =	vld [tilespmem:$0x95A0];
	v6 =	vmax.f32 v6, $9.999999960e-13;
	v7 =	vadd.f32 v48, v7;
	v18 =	vmax.f32 v9, $9.999999960e-13  }
0x7f: {  	v47 =	vshra.s32 v6, $0x1;
	v12 =	vmul.f32 $5.000000000e-01, v6;
	v9 =	vshra.s32 v18, $0x1  }
0x80: {  	v19 =	vmul.f32 $5.000000000e-01, v18;
	v11 =	vsub.s32 $0x5F3759DF, v47;
	v7 =	vmax.f32 v7, $9.999999960e-13  }
0x81: {  	v59 =	vsub.s32 $0x5F3759DF, v9;
	v9 =	vmul.f32 v60, v60;
	v49 =	vmul.f32 v11, v12  }
0x82: {  	v53 =	vshra.s32 v7, $0x1;
	v15 =	vmul.f32 $5.000000000e-01, v7;
	v24 =	vmul.f32 v59, v19  }
0x83: {  	v36 =	vsub.f32 v5, v32;
	v54 =	vsub.s32 $0x5F3759DF, v53;
	v50 =	vmul.f32 v11, v49  }
0x84: {  	v29 =	vld [tilespmem:$0x94B0];
	v9 =	vadd.f32 v9, v10;
	v16 =	vmul.f32 v54, v15;
	v25 =	vmul.f32 v59, v24  }
0x85: {  	v22 =	vld [tilespmem:$0x9690];
	v14 =	vmul.f32 v36, v36;
	v8 =	vsub.f32 $1.500000000e+00, v50  }
0x86: {  	v39 =	vld [tilespmem:$0x94C0];
	v9 =	vmax.f32 v9, $9.999999960e-13;
	v16 =	vmul.f32 v54, v16;
	v27 =	vsub.f32 $1.500000000e+00, v25  }
0x87: {  	v58 =	vld [tilespmem:$0x96C0];
	v30 =	vshra.s32 v9, $0x1;
	v31 =	vmul.f32 $5.000000000e-01, v9;
	v8 =	vmul.f32 v11, v8  }
0x88: {  	v33 =	vsub.s32 $0x5F3759DF, v30;
	v16 =	vsub.f32 $1.500000000e+00, v16;
	v10 =	vmul.f32 v59, v27  }
0x89: {  	v35 =	vsub.f32 v4, v29;
	v42 =	vld [tilespmem:$0x96A0];
	v21 =	vmul.f32 v33, v31;
	v17 =	vmul.f32 v8, v12  }
0x8a: {  	v38 =	vsub.f32 v3, v22;
	v49 =	vld [tilespmem:$0x95C0];
	v11 =	vmul.f32 v54, v16;
	v34 =	vmul.f32 v10, v19  }
0x8b: {  	v48 =	vsub.f32 v4, v39;
	v21 =	vmul.f32 v33, v21;
	v17 =	vmul.f32 v17, v8  }
0x8c: {  	v40 =	vld [tilespmem:$0x95B0];
	v30 =	vsub.f32 v3, v58;
	v20 =	vmul.f32 v11, v15;
	v16 =	vmul.f32 v34, v10  }
0x8d: {  	v41 =	vmul.f32 v38, v38;
	v24 =	vld [tilespmem:$0x96B0];
	v37 =	vsub.f32 $1.500000000e+00, v21;
	v63 =	vsub.f32 $1.500000000e+00, v17  }
0x8e: {  	v53 =	vld [tilespmem:$0x94E0];
	v21 =	vsub.f32 v3, v42;
	v26 =	vmul.f32 v20, v11;
	v16 =	vsub.f32 $1.500000000e+00, v16  }
0x8f: {  	v56 =	vld [tilespmem:$0x95D0];
	v55 =	vsub.f32 v5, v49;
	v13 =	vmul.f32 v33, v37;
	v8 =	vmul.f32 v63, v8  }
0x90: {  	v47 =	vld [tilespmem:$0x94D0];
	v52 =	vmul.f32 v21, v21;
	v28 =	vsub.f32 $1.500000000e+00, v26;
	v10 =	vmul.f32 v16, v10  }
0x91: {  	v27 =	vld [tilespmem:$0x95E0];
	v20 =	vmul.f32 v13, v31;
	v16 =	vsub.f32 v5, v40;
	v12 =	vmul.f32 v8, v12  }
0x92: {  	v57 =	vsub.f32 v3, v24;
	v11 =	vmul.f32 v28, v11;
	v19 =	vmul.f32 v10, v19  }
0x93: {  	v21 =	vsub.f32 v4, v53;
	v33 =	vld [tilespmem:$0x94F0];
	v46 =	vmul.f32 v20, v13;
	v16 =	vmul.f32 v16, v16  }
0x94: {  	v20 =	vsub.f32 v5, v56;
	v12 =	vmul.f32 v12, v8;
	v15 =	vmul.f32 v11, v15  }
0x95: {  	v54 =	vsub.f32 v4, v47;
	v45 =	vmul.f32 v19, v10;
	v19 =	vmul.f32 v48, v48  }
0x96: {  	v27 =	vsub.f32 v5, v27;
	v21 =	vmul.f32 v21, v21;
	v20 =	vmul.f32 v20, v20  }
0x97: {  	v12 =	vsub.f32 $1.500000000e+00, v12;
	v15 =	vmul.f32 v15, v11;
	v16 =	vadd.f32 v16, v19  }
0x98: {  	v61 =	vmul.f32 v57, v57;
	v32 =	vadd.f32 v20, v21;
	v20 =	vsub.f32 v4, v33  }
0x99: {  	v8 =	vmul.f32 v12, v8;
	v12 =	vmul.f32 v35, v35;
	v15 =	vsub.f32 $1.500000000e+00, v15  }
0x9a: {  	v27 =	vmul.f32 v27, v27;
	v16 =	vadd.f32 v52, v16;
	v20 =	vmul.f32 v20, v20  }
0x9b: {  	v12 =	vadd.f32 v14, v12;
	v6 =	vmul.f32 v8, v6;
	v43 =	vmul.f32 v15, v11  }
0x9c: {  	v14 =	vsub.f32 $1.500000000e+00, v46;
	v8 =	vmul.f32 v54, v54;
	v16 =	vmax.f32 v16, $9.999999960e-13  }
0x9d: {  	v15 =	vmul.f32 v55, v55;
	v62 =	vshra.s32 v16, $0x1;
	v63 =	vmul.f32 $5.000000000e-01, v16  }
0x9e: {  	v44 =	vadd.f32 v41, v12;
	v12 =	vsub.f32 $1.500000000e+00, v45;
	v13 =	vmul.f32 v14, v13  }
0x9f: {  	v7 =	vmul.f32 v43, v7;
	v8 =	vadd.f32 v15, v8;
	v19 =	vsub.s32 $0x5F3759DF, v62  }
0xa0: {  	v37 =	vld [tilespmem:$0x96D0];
	v15 =	vmul.f32 v30, v30;
	v6 =	vmul.f32 $8.333333130e-01, v6;
	v11 =	vmax.f32 v44, $9.999999960e-13  }
0xa1: {  	v17 =	vmul.f32 v13, v31;
	v10 =	vmul.f32 v12, v10;
	v8 =	vadd.f32 v61, v8  }
0xa2: {  	v31 =	vmul.f32 v19, v63;
	v15 =	vadd.f32 v15, v32;
	v50 =	vshra.s32 v11, $0x1  }
0xa3: {  	v7 =	vmul.f32 $8.333333130e-01, v7;
	v23 =	vmul.f32 $5.000000000e-01, v11;
	v51 =	vsub.s32 $0x5F3759DF, v50  }
0xa4: {  	v59 =	vmul.f32 v17, v13;
	v24 =	vmax.f32 v8, $9.999999960e-13;
	v17 =	vmul.f32 v19, v31  }
0xa5: {  	v8 =	vmul.f32 v10, v18;
	v15 =	vmax.f32 v15, $9.999999960e-13;
	v18 =	vsub.f32 v3, v37  }
0xa6: {  	v22 =	vmul.f32 v51, v23;
	v25 =	vshra.s32 v24, $0x1;
	v26 =	vmul.f32 $5.000000000e-01, v24  }
0xa7: {  	v28 =	vshra.s32 v15, $0x1;
	v29 =	vmul.f32 $5.000000000e-01, v15;
	v25 =	vsub.s32 $0x5F3759DF, v25  }
0xa8: {  	v35 =	vsub.f32 $1.500000000e+00, v59;
	v17 =	vsub.f32 $1.500000000e+00, v17;
	v18 =	vmul.f32 v18, v18  }
0xa9: {  	v28 =	vsub.s32 $0x5F3759DF, v28;
	v8 =	vmul.f32 $8.333333130e-01, v8;
	v22 =	vmul.f32 v51, v22  }
0xaa: {  	v20 =	vadd.f32 v27, v20;
	v36 =	vmul.f32 v25, v26;
	v38 =	vmul.f32 v28, v29  }
0xab: {  	v17 =	vmul.f32 v19, v17;
	v10 =	vmul.f32 v35, v13  }
0xac: {  	v18 =	vadd.f32 v18, v20;
	v60 =	vsub.f32 $1.500000000e+00, v22;
	v12 =	vmul.f32 v25, v36  }
0xad: {  	v6 =	vsub.f32 $1.000000000e+00, v6;
	v19 =	vmul.f32 v28, v38;
	v30 =	vmul.f32 v17, v63  }
0xae: {  	v50 =	vld [tilespmem:$0x95F0];
	v18 =	vmax.f32 v18, $9.999999960e-13;
	v9 =	vmul.f32 v10, v9;
	v14 =	vmul.f32 v51, v60  }
0xaf: {  	v12 =	vsub.f32 $1.500000000e+00, v12;
	v40 =	vsub.f32 $1.500000000e+00, v19;
	v41 =	vmul.f32 v30, v17  }
0xb0: {  	v45 =	vshra.s32 v18, $0x1;
	v46 =	vmul.f32 $5.000000000e-01, v18;
	v34 =	vmul.f32 v14, v23  }
0xb1: {  	v49 =	vld [tilespmem:$0x9500];
	v48 =	vsub.s32 $0x5F3759DF, v45;
	v12 =	vmul.f32 v25, v12;
	v19 =	vsub.f32 $1.500000000e+00, v41  }
0xb2: {  	v54 =	vld [tilespmem:$0x96E0];
	v7 =	vsub.f32 $1.000000000e+00, v7;
	v25 =	vmul.f32 v48, v46;
	v21 =	vmul.f32 v34, v14  }
0xb3: {  	v61 =	vld [tilespmem:$0x9600];
	v60 =	vsub.f32 v5, v50;
	v9 =	vmul.f32 $8.333333130e-01, v9;
	v17 =	vmul.f32 v19, v17  }
0xb4: {  	v42 =	vmul.f32 v12, v26;
	v25 =	vmul.f32 v48, v25;
	v21 =	vsub.f32 $1.500000000e+00, v21  }
0xb5: {  	v6 =	vmax.f32 v6, $0.0e+00;
	v19 =	vmul.f32 v60, v60;
	v22 =	vmul.f32 v17, v63  }
0xb6: {  	v59 =	vsub.f32 v4, v49;
	v39 =	vmul.f32 v21, v14;
	v14 =	vmul.f32 v28, v40  }
0xb7: {  	v53 =	vsub.f32 $1.500000000e+00, v25;
	v25 =	vsub.f32 v3, v54;
	v63 =	vld [tilespmem:$0x96F0];
	v21 =	vmul.f32 v42, v12  }
0xb8: {  	v35 =	vsub.f32 v5, v61;
	v22 =	vmul.f32 v22, v17;
	v44 =	vmul.f32 v14, v29  }
0xb9: {  	v58 =	vld [tilespmem:$0x9510];
	v25 =	vmul.f32 v25, v25;
	v43 =	vmul.f32 v39, v23;
	v47 =	vsub.f32 $1.500000000e+00, v21  }
0xba: {  	v38 =	vld [tilespmem:$0x9520];
	v21 =	vmul.f32 v48, v53;
	v56 =	vsub.f32 $1.500000000e+00, v22;
	v23 =	vmul.f32 v44, v14  }
0xbb: {  	v8 =	vsub.f32 $1.000000000e+00, v8;
	v50 =	vld [tilespmem:$0x9710];
	v20 =	vmul.f32 v43, v39;
	v12 =	vmul.f32 v47, v12  }
0xbc: {  	v62 =	vmul.f32 v21, v46;
	v37 =	vsub.f32 v3, v63;
	v44 =	vld [tilespmem:$0x9530];
	v17 =	vmul.f32 v56, v17  }
0xbd: {  	v23 =	vsub.f32 $1.500000000e+00, v23;
	v51 =	vsub.f32 $1.500000000e+00, v20;
	v52 =	vmul.f32 v12, v26  }
0xbe: {  	v34 =	vsub.f32 v4, v58;
	v63 =	vld [tilespmem:$0x9720];
	v33 =	vmul.f32 v62, v21;
	v40 =	vmul.f32 v37, v37  }
0xbf: {  	v48 =	vsub.f32 v4, v38;
	v56 =	vld [tilespmem:$0x9540];
	v14 =	vmul.f32 v23, v14;
	v10 =	vmul.f32 v51, v39  }
0xc0: {  	v55 =	vmul.f32 v52, v12;
	v36 =	vsub.f32 $1.500000000e+00, v33;
	v52 =	vsub.f32 v3, v50  }
0xc1: {  	v39 =	vld [tilespmem:$0x9610];
	v27 =	vsub.f32 v4, v44;
	v57 =	vmul.f32 v14, v29;
	v10 =	vmul.f32 v10, v11  }
0xc2: {  	v13 =	vsub.f32 $1.500000000e+00, v55;
	v11 =	vmul.f32 v59, v59;
	v21 =	vmul.f32 v36, v21  }
0xc3: {  	v47 =	vld [tilespmem:$0x9620];
	v37 =	vsub.f32 v3, v63;
	v53 =	vmul.f32 v27, v27;
	v22 =	vmul.f32 v57, v14  }
0xc4: {  	v59 =	vld [tilespmem:$0x9550];
	v27 =	vsub.f32 v4, v56;
	v13 =	vmul.f32 v13, v12;
	v12 =	vmul.f32 v17, v16  }
0xc5: {  	v19 =	vadd.f32 v19, v11;
	v16 =	vmul.f32 v34, v34;
	v17 =	vmul.f32 v35, v35  }
0xc6: {  	v41 =	vld [tilespmem:$0x9700];
	v42 =	vmul.f32 v21, v46;
	v10 =	vmul.f32 $8.333333130e-01, v10;
	v49 =	vsub.f32 v5, v39  }
0xc7: {  	v57 =	vld [tilespmem:$0x9630];
	v38 =	vmul.f32 v27, v27;
	v32 =	vsub.f32 $1.500000000e+00, v22;
	v11 =	vmul.f32 v13, v24  }
0xc8: {  	v60 =	vld [tilespmem:$0x9640];
	v19 =	vadd.f32 v25, v19;
	v16 =	vadd.f32 v17, v16;
	v22 =	vmul.f32 v42, v21  }
0xc9: {  	v17 =	vsub.f32 v5, v47;
	v23 =	vmul.f32 v49, v49;
	v4 =	vsub.f32 v4, v59  }
0xca: {  	v20 =	vmul.f32 v32, v14;
	v14 =	vmax.f32 v19, $9.999999960e-13;
	v46 =	vadd.f32 v40, v16  }
0xcb: {  	v22 =	vsub.f32 $1.500000000e+00, v22;
	v19 =	vsub.f32 v3, v41;
	v17 =	vmul.f32 v17, v17  }
0xcc: {  	v43 =	vshra.s32 v14, $0x1;
	v26 =	vmul.f32 $5.000000000e-01, v14;
	v24 =	vsub.f32 v5, v57  }
0xcd: {  	v5 =	vsub.f32 v5, v60;
	v4 =	vmul.f32 v4, v4;
	v13 =	vmul.f32 v20, v15  }
0xce: {  	v32 =	vld [tilespmem:$0x9730];
	v45 =	vsub.s32 $0x5F3759DF, v43;
	v16 =	vmax.f32 v46, $9.999999960e-13;
	v15 =	vmul.f32 v48, v48  }
0xcf: {  	v19 =	vmul.f32 v19, v19;
	v21 =	vmul.f32 v22, v21;
	v17 =	vadd.f32 v17, v53  }
0xd0: {  	v25 =	vmul.f32 v45, v26;
	v51 =	vshra.s32 v16, $0x1;
	v29 =	vmul.f32 $5.000000000e-01, v16  }
0xd1: {  	v24 =	vmul.f32 v24, v24;
	v5 =	vmul.f32 v5, v5;
	v28 =	vsub.s32 $0x5F3759DF, v51  }
0xd2: {  	v15 =	vadd.f32 v23, v15;
	v23 =	vmul.f32 v52, v52;
	v25 =	vmul.f32 v45, v25  }
0xd3: {  	v55 =	vmul.f32 v28, v29;
	v3 =	vsub.f32 v3, v32;
	v22 =	vadd.f32 v24, v38  }
0xd4: {  	v4 =	vadd.f32 v5, v4;
	v38 =	vmul.f32 $8.333333130e-01, v12;
	v19 =	vadd.f32 v19, v15  }
0xd5: {  	v15 =	vmul.f32 v21, v18;
	v17 =	vadd.f32 v23, v17;
	v21 =	vmul.f32 v37, v37  }
0xd6: {  	v54 =	vsub.f32 $1.500000000e+00, v25;
	v58 =	vmul.f32 v28, v55;
	v3 =	vmul.f32 v3, v3  }
0xd7: {  	v19 =	vmax.f32 v19, $9.999999960e-13;
	v17 =	vmax.f32 v17, $9.999999960e-13;
	v21 =	vadd.f32 v21, v22  }
0xd8: {  	v20 =	vmul.f32 v45, v54;
	v18 =	vsub.f32 $1.500000000e+00, v58;
	v61 =	vshra.s32 v19, $0x1  }
0xd9: {  	v62 =	vmul.f32 $5.000000000e-01, v19;
	v33 =	vshra.s32 v17, $0x1;
	v34 =	vmul.f32 $5.000000000e-01, v17  }
0xda: {  	v3 =	vadd.f32 v3, v4;
	v23 =	vsub.s32 $0x5F3759DF, v61;
	v33 =	vsub.s32 $0x5F3759DF, v33  }
0xdb: {  	v21 =	vmax.f32 v21, $9.999999960e-13;
	v31 =	vmul.f32 v20, v26;
	v18 =	vmul.f32 v28, v18  }
0xdc: {  	v36 =	vmul.f32 v23, v62;
	v39 =	vmul.f32 v33, v34;
	v3 =	vmax.f32 v3, $9.999999960e-13  }
0xdd: {  	v37 =	vsub.f32 $1.000000000e+00, v9;
	v46 =	vmul.f32 $5.000000000e-01, v21;
	v48 =	vmul.f32 $5.000000000e-01, v3  }
0xde: {  	v45 =	vshra.s32 v21, $0x1;
	v40 =	vmul.f32 v18, v29;
	v41 =	vmul.f32 v23, v36  }
0xdf: {  	v47 =	vshra.s32 v3, $0x1;
	v27 =	vmul.f32 v33, v39;
	v42 =	vmul.f32 v31, v20  }
0xe0: {  	v30 =	vsub.s32 $0x5F3759DF, v47;
	v36 =	vmax.f32 v7, $0.0e+00;
	v47 =	vmul.f32 $8.333333130e-01, v15  }
0xe1: {  	v50 =	vmul.f32 v30, v48;
	v24 =	vmul.f32 v40, v18;
	v43 =	vsub.f32 $1.500000000e+00, v41  }
0xe2: {  	v44 =	vsub.f32 $1.500000000e+00, v27;
	v27 =	vsub.s32 $0x5F3759DF, v45;
	v41 =	vmul.f32 $8.333333130e-01, v11  }
0xe3: {  	v22 =	vsub.f32 $1.500000000e+00, v42;
	v49 =	vmul.f32 v27, v46;
	v32 =	vmul.f32 v30, v50  }
0xe4: {  	v39 =	vmax.f32 v8, $0.0e+00;
	v4 =	vmul.f32 v23, v43;
	v5 =	vmul.f32 v33, v44  }
0xe5: {  	v24 =	vsub.f32 $1.500000000e+00, v24;
	v20 =	vmul.f32 v22, v20;
	v44 =	vmul.f32 $8.333333130e-01, v13  }
0xe6: {  	v23 =	vmul.f32 v27, v49;
	v32 =	vsub.f32 $1.500000000e+00, v32;
	v51 =	vmul.f32 v4, v62  }
0xe7: {  	v40 =	vsub.f32 $1.000000000e+00, v10;
	v35 =	vmul.f32 v5, v34;
	v18 =	vmul.f32 v24, v18  }
0xe8: {  	v26 =	vmul.f32 v20, v26;
	v23 =	vsub.f32 $1.500000000e+00, v23;
	v54 =	vmul.f32 v30, v32  }
0xe9: {  	v42 =	vmax.f32 v37, $0.0e+00;
	v33 =	vmul.f32 v51, v4;
	v35 =	vmul.f32 v35, v5  }
0xea: {  	v43 =	vsub.f32 $1.000000000e+00, v38;
	v29 =	vmul.f32 v18, v29;
	v52 =	vmul.f32 v27, v23  }
0xeb: {  	v26 =	vmul.f32 v26, v20;
	v57 =	vmul.f32 v54, v48;
	v53 =	vsub.f32 $1.500000000e+00, v33  }
0xec: {  	v55 =	vsub.f32 $1.500000000e+00, v35;
	v29 =	vmul.f32 v29, v18;
	v56 =	vmul.f32 v52, v46  }
0xed: {  	v59 =	vsub.f32 $1.500000000e+00, v26;
	v27 =	vmul.f32 v57, v54;
	v4 =	vmul.f32 v53, v4  }
0xee: {  	v5 =	vmul.f32 v55, v5;
	v60 =	vsub.f32 $1.500000000e+00, v29;
	v23 =	vmul.f32 v56, v52  }
0xef: {  	v20 =	vmul.f32 v59, v20;
	v27 =	vsub.f32 $1.500000000e+00, v27;
	v25 =	vmul.f32 v4, v62  }
0xf0: {  	v58 =	vmul.f32 v5, v34;
	v18 =	vmul.f32 v60, v18;
	v23 =	vsub.f32 $1.500000000e+00, v23  }
0xf1: {  	v49 =	vsub.f32 $1.000000000e+00, v44;
	v14 =	vmul.f32 v20, v14;
	v24 =	vmul.f32 v27, v54  }
0xf2: {  	v45 =	vmax.f32 v40, $0.0e+00;
	v25 =	vmul.f32 v25, v4;
	v22 =	vmul.f32 v23, v52  }
0xf3: {  	v54 =	vmax.f32 v49, $0.0e+00;
	v61 =	vmul.f32 v58, v5;
	v31 =	vmul.f32 v24, v48  }
0xf4: {  	v16 =	vmul.f32 v18, v16;
	v62 =	vsub.f32 $1.500000000e+00, v25;
	v63 =	vmul.f32 v22, v46  }
0xf5: {  	[tilespmem:$0x9740] =	vst v6;
	v50 =	vmul.f32 $8.333333130e-01, v14;
	v30 =	vsub.f32 $1.500000000e+00, v61;
	v33 =	vmul.f32 v31, v24  }
0xf6: {  	[tilespmem:$0x9750] =	vst v36;
	v48 =	vmax.f32 v43, $0.0e+00;
	v4 =	vmul.f32 v62, v4;
	v32 =	vmul.f32 v63, v22  }
0xf7: {  	[tilespmem:$0x9760] =	vst v39;
	v52 =	vsub.f32 $1.000000000e+00, v47;
	v5 =	vmul.f32 v30, v5;
	v35 =	vsub.f32 $1.500000000e+00, v33  }
0xf8: {  	[tilespmem:$0x9770] =	vst v42;
	v53 =	vmul.f32 $8.333333130e-01, v16;
	v4 =	vmul.f32 v4, v19;
	v34 =	vsub.f32 $1.500000000e+00, v32  }
0xf9: {  	[tilespmem:$0x9780] =	vst v45;
	v55 =	vsub.f32 $1.000000000e+00, v50;
	v5 =	vmul.f32 v5, v17;
	v17 =	vmul.f32 v35, v24  }
0xfa: {  	[tilespmem:$0x97B0] =	vst v54;
	v46 =	vsub.f32 $1.000000000e+00, v41;
	v56 =	vmax.f32 v52, $0.0e+00;
	v18 =	vmul.f32 v34, v22  }
0xfb: {  	[tilespmem:$0x9790] =	vst v48;
	v57 =	vsub.f32 $1.000000000e+00, v53;
	v4 =	vmul.f32 $8.333333130e-01, v4;
	v3 =	vmul.f32 v17, v3  }
0xfc: {  	[tilespmem:$0x97C0] =	vst v56;
	v58 =	vmax.f32 v55, $0.0e+00;
	v5 =	vmul.f32 $8.333333130e-01, v5;
	v18 =	vmul.f32 v18, v21  }
0xfd: {  	v51 =	vmax.f32 v46, $0.0e+00;
	[tilespmem:$0x97D0] =	vst v58;
	v4 =	vsub.f32 $1.000000000e+00, v4;
	v3 =	vmul.f32 $8.333333130e-01, v3  }
0xfe: {  	[tilespmem:$0x97A0] =	vst v51;
	v60 =	vmax.f32 v57, $0.0e+00;
	v5 =	vsub.f32 $1.000000000e+00, v5;
	v59 =	vmul.f32 $8.333333130e-01, v18  }
0xff: {  	[tilespmem:$0x97E0] =	vst v60;
	v4 =	vmax.f32 v4, $0.0e+00;
	v3 =	vsub.f32 $1.000000000e+00, v3  }
0x100: {  	v62 =	vmax.f32 v5, $0.0e+00;
	[tilespmem:$0x97F0] =	vst v4;
	v61 =	vsub.f32 $1.000000000e+00, v59  }
0x101: {  	[tilespmem:$0x9800] =	vst v62;
	v3 =	vmax.f32 v3, $0.0e+00  }
0x102: {  	s16 =	simm.s32 $0xD9C0;
	[tilespmem:$0x9820] =	vst v3;
	v63 =	vmax.f32 v61, $0.0e+00  }
0x103: {  	s23 =	simm.s32 $0x0;
	s14 =	sor.u32 $0x10, s14;
	s15 =	simm.s32 $0xA940;
	[tilespmem:$0x9810] =	vst v63  }
.LBB2_4:
0x104: {  	v6 =	vld [tilespmem:s15+$0xFFFFF000]  }
0x105: {  	v7 =	vld [tilespmem:s15+$0xFFFFF010]  }
0x106: {  	v9 =	vld [tilespmem:s15+$0xFFFFF020]  }
0x107: {  	v12 =	vld [tilespmem:s15+$0xFFFFF030]  }
0x108: {  	v14 =	vld [tilespmem:s15+$0xFFFFF400]  }
0x109: {  	v15 =	vld [tilespmem:s15+$0xFFFFF410]  }
0x10a: {  	v56 =	vld [tilespmem:s15+$0xFFFFF420]  }
0x10b: {  	v61 =	vld [tilespmem:s15+$0xFFFFF430]  }
0x10c: {  	v17 =	vld [tilespmem:s15+$0xFFFFF800]  }
0x10d: {  	v24 =	vld [tilespmem:s15+$0xFFFFF810]  }
0x10e: {  	v3 =	vmov s23;
	v19 =	vld [tilespmem:s15+$0xFFFFF820]  }
0x10f: {  	v29 =	vld [tilespmem:s15+$0xFFFFF830];
	v5 =	vor.u32 $0x10, v3  }
0x110: {  	v34 =	vld [tilespmem:s15+$0xFFFFFC00];
	v8 =	vor.u32 $0x20, v3;
	v13 =	vor.u32 $0x30, v3;
	v55 =	vor.u32 $0x40, v3  }
0x111: {  	v36 =	vld [tilespmem:s15+$0xFFFFFC10];
	v63 =	vor.u32 $0x50, v3;
	v25 =	vor.u32 $0x60, v3;
	v32 =	vor.u32 $0x70, v3  }
0x112: {  	v48 =	vld [tilespmem:s15+$0xFFFFFC30];
	v45 =	vor.u32 $0x80, v3;
	v51 =	vor.u32 $0x90, v3;
	v10 =	vunpack.i.u.bf16.f32 v6  }
0x113: {  	v4 =	vld.idx.msk [tilespmem:v3+s20+$0x0], $0xffff;
	v6 =	vunpack.i.l.bf16.f32 v6;
	v11 =	vunpack.i.l.bf16.f32 v7;
	v7 =	vunpack.i.u.bf16.f32 v7  }
0x114: {  	v54 =	vunpack.i.l.bf16.f32 v9;
	v20 =	vunpack.i.l.bf16.f32 v56;
	v21 =	vunpack.i.u.bf16.f32 v56;
	v56 =	vld [tilespmem:s15+$0x10]  }
0x115: {  	v9 =	vunpack.i.u.bf16.f32 v9;
	v16 =	vunpack.i.u.bf16.f32 v12;
	v12 =	vunpack.i.l.bf16.f32 v12;
	v5 =	vld.idx.msk [tilespmem:v5+s20+$0x0], $0xffff  }
0x116: {  	v58 =	vunpack.i.l.bf16.f32 v14;
	v59 =	vunpack.i.u.bf16.f32 v14;
	v60 =	vunpack.i.l.bf16.f32 v15;
	v52 =	vld.idx.msk [tilespmem:v8+s20+$0x0], $0xffff  }
0x117: {  	v15 =	vunpack.i.u.bf16.f32 v15;
	v23 =	vunpack.i.l.bf16.f32 v61;
	v14 =	vunpack.i.u.bf16.f32 v61;
	v57 =	vld.idx.msk [tilespmem:v13+s20+$0x0], $0xffff  }
0x118: {  	v18 =	vunpack.i.l.bf16.f32 v17;
	v28 =	vunpack.i.u.bf16.f32 v17;
	v30 =	vunpack.i.l.bf16.f32 v24;
	v62 =	vld.idx.msk [tilespmem:v55+s20+$0x0], $0xffff  }
0x119: {  	v33 =	vunpack.i.l.bf16.f32 v19;
	v35 =	vunpack.i.u.bf16.f32 v19;
	v26 =	vld.idx.msk [tilespmem:v63+s20+$0x0], $0xffff;
	v6 =	vmul.f32 v6, v4  }
0x11a: {  	v39 =	vunpack.i.l.bf16.f32 v29;
	v31 =	vld.idx.msk [tilespmem:v25+s20+$0x0], $0xffff;
	v10 =	vmul.f32 v10, v4;
	v11 =	vmul.f32 v11, v4  }
0x11b: {  	v40 =	vunpack.i.u.bf16.f32 v29;
	v42 =	vld.idx.msk [tilespmem:v32+s20+$0x0], $0xffff;
	v4 =	vmul.f32 v7, v4;
	v9 =	vmul.f32 v9, v5  }
0x11c: {  	v43 =	vunpack.i.l.bf16.f32 v34;
	v63 =	vld [tilespmem:s15+$0x30];
	v12 =	vmul.f32 v12, v5;
	v13 =	vmul.f32 v60, v52  }
0x11d: {  	v46 =	vunpack.i.u.bf16.f32 v34;
	v7 =	vmul.f32 v15, v52;
	v22 =	vmul.f32 v20, v57  }
0x11e: {  	v47 =	vunpack.i.l.bf16.f32 v36;
	v27 =	vmul.f32 v18, v62;
	v38 =	vmul.f32 v35, v26  }
0x11f: {  	v55 =	vunpack.i.l.bf16.f32 v48;
	v41 =	vmul.f32 v39, v26;
	v49 =	vmul.f32 v46, v31  }
0x120: {  	v44 =	vld [tilespmem:s15+$0xFFFFFC20];
	v29 =	vor.u32 $0xC0, v3;
	v50 =	vmul.f32 v47, v31;
	v15 =	vmul.f32 v55, v42  }
0x121: {  	v60 =	vor.u32 $0xA0, v3;
	v20 =	vunpack.i.u.bf16.f32 v56;
	v25 =	vunpack.i.l.bf16.f32 v63  }
0x122: {  	v6 =	vadd.f32 $0.0e+00, v6;
	v53 =	vadd.f32 $0.0e+00, v11;
	v11 =	vmul.f32 v54, v5  }
0x123: {  	v35 =	vor.u32 $0xD0, v3;
	v10 =	vadd.f32 $0.0e+00, v10;
	v4 =	vadd.f32 $0.0e+00, v4  }
0x124: {  	v5 =	vmul.f32 v16, v5;
	v16 =	vmul.f32 v33, v26;
	v6 =	vadd.f32 v11, v6  }
0x125: {  	v54 =	vunpack.i.u.bf16.f32 v44;
	v9 =	vadd.f32 v9, v10;
	v8 =	vadd.f32 v12, v53  }
0x126: {  	v46 =	vld [tilespmem:s15+$0x820];
	v4 =	vadd.f32 v5, v4;
	v11 =	vmul.f32 v58, v52;
	v12 =	vmul.f32 v59, v52  }
0x127: {  	v5 =	vmul.f32 v14, v57;
	v10 =	vmul.f32 v43, v31;
	v52 =	vunpack.i.u.bf16.f32 v36  }
0x128: {  	v14 =	vmul.f32 v54, v42;
	v6 =	vadd.f32 v11, v6;
	v9 =	vadd.f32 v12, v9  }
0x129: {  	v53 =	vld [tilespmem:s15+$0x0];
	v8 =	vadd.f32 v13, v8;
	v4 =	vadd.f32 v7, v4;
	v7 =	vmul.f32 v21, v57  }
0x12a: {  	v59 =	vld [tilespmem:s15+$0x20];
	v12 =	vmul.f32 v23, v57;
	v13 =	vunpack.i.u.bf16.f32 v24;
	v57 =	vunpack.i.u.bf16.f32 v48  }
0x12b: {  	v21 =	vor.u32 $0xB0, v3;
	v54 =	vunpack.i.l.bf16.f32 v46;
	v6 =	vadd.f32 v22, v6  }
0x12c: {  	v34 =	vld [tilespmem:s15+$0x430];
	v11 =	vmul.f32 v13, v62;
	v7 =	vadd.f32 v7, v9;
	v8 =	vadd.f32 v12, v8  }
0x12d: {  	v24 =	vld.idx.msk [tilespmem:v60+s20+$0x0], $0xffff;
	v4 =	vadd.f32 v5, v4;
	v5 =	vmul.f32 v28, v62;
	v12 =	vmul.f32 v30, v62  }
0x12e: {  	v60 =	vld [tilespmem:s15+$0xC20];
	v9 =	vmul.f32 v52, v31;
	v58 =	vunpack.i.l.bf16.f32 v53;
	v61 =	vunpack.i.u.bf16.f32 v53  }
0x12f: {  	v13 =	vld.idx.msk [tilespmem:v45+s20+$0x0], $0xffff;
	v23 =	vunpack.i.l.bf16.f32 v59;
	v6 =	vadd.f32 v27, v6;
	v5 =	vadd.f32 v5, v7  }
0x130: {  	v22 =	vld [tilespmem:s15+$0x400];
	v37 =	vadd.f32 v12, v8;
	v4 =	vadd.f32 v11, v4;
	v8 =	vmul.f32 v40, v26  }
0x131: {  	v48 =	vld [tilespmem:s15+$0x830];
	v12 =	vunpack.i.l.bf16.f32 v44;
	v11 =	vunpack.i.u.bf16.f32 v63;
	v44 =	vor.u32 $0xE0, v3  }
0x132: {  	v26 =	vld [tilespmem:s15+$0x410];
	v3 =	vor.u32 $0xF0, v3;
	v12 =	vmul.f32 v12, v42;
	v6 =	vadd.f32 v16, v6  }
0x133: {  	v28 =	vld.idx.msk [tilespmem:v21+s20+$0x0], $0xffff;
	v21 =	vunpack.i.l.bf16.f32 v60;
	v5 =	vadd.f32 v38, v5;
	v7 =	vadd.f32 v41, v37  }
0x134: {  	v27 =	vld [tilespmem:s15+$0x420];
	v4 =	vadd.f32 v8, v4;
	v62 =	vmul.f32 v58, v13;
	v16 =	vunpack.i.l.bf16.f32 v56  }
0x135: {  	v63 =	vld [tilespmem:s15+$0xC30];
	v56 =	vunpack.i.u.bf16.f32 v46;
	v16 =	vmul.f32 v16, v13;
	v30 =	vunpack.i.l.bf16.f32 v22  }
0x136: {  	v31 =	vunpack.i.u.bf16.f32 v22;
	v6 =	vadd.f32 v10, v6;
	v5 =	vadd.f32 v49, v5  }
0x137: {  	v43 =	vld.idx.msk [tilespmem:v35+s20+$0x0], $0xffff;
	v7 =	vadd.f32 v50, v7;
	v4 =	vadd.f32 v9, v4;
	v9 =	vmul.f32 v57, v42  }
0x138: {  	v8 =	vld.idx.msk [tilespmem:v51+s20+$0x0], $0xffff;
	v32 =	vmul.f32 v30, v24;
	v42 =	vunpack.i.l.bf16.f32 v34;
	v57 =	vunpack.i.l.bf16.f32 v48  }
0x139: {  	v55 =	vld [tilespmem:s15+$0xC00];
	v33 =	vunpack.i.l.bf16.f32 v26;
	v36 =	vunpack.i.l.bf16.f32 v27;
	v40 =	vunpack.i.u.bf16.f32 v27  }
0x13a: {  	v37 =	vld [tilespmem:s15+$0x800];
	v27 =	vunpack.i.u.bf16.f32 v63;
	v6 =	vadd.f32 v12, v6;
	v5 =	vadd.f32 v14, v5  }
0x13b: {  	v41 =	vld [tilespmem:s15+$0x810];
	v7 =	vadd.f32 v15, v7;
	v4 =	vadd.f32 v9, v4;
	v9 =	vmul.f32 v61, v13  }
0x13c: {  	v58 =	vld [tilespmem:s15+$0xC10];
	v13 =	vmul.f32 v20, v13;
	v12 =	vunpack.i.u.bf16.f32 v59;
	v39 =	vmul.f32 v36, v28  }
0x13d: {  	v15 =	vmul.f32 v57, v43;
	v59 =	vunpack.i.u.bf16.f32 v48;
	v10 =	vmul.f32 v23, v8  }
0x13e: {  	v61 =	vunpack.i.u.bf16.f32 v55;
	v12 =	vmul.f32 v12, v8;
	v14 =	vmul.f32 v25, v8  }
0x13f: {  	v8 =	vmul.f32 v11, v8;
	v45 =	vunpack.i.l.bf16.f32 v37;
	v47 =	vunpack.i.u.bf16.f32 v37  }
0x140: {  	v53 =	vld.idx.msk [tilespmem:v44+s20+$0x0], $0xffff;
	v50 =	vunpack.i.l.bf16.f32 v41;
	v51 =	vunpack.i.u.bf16.f32 v41;
	v6 =	vadd.f32 v62, v6  }
0x141: {  	v3 =	vld.idx.msk [tilespmem:v3+s20+$0x0], $0xffff;
	v19 =	vunpack.i.u.bf16.f32 v58;
	v5 =	vadd.f32 v9, v5;
	v7 =	vadd.f32 v16, v7  }
0x142: {  	v44 =	vld [tilespmem:s15+$0xFFFFF470];
	v4 =	vadd.f32 v13, v4;
	v16 =	vunpack.i.u.bf16.f32 v26;
	v62 =	vunpack.i.l.bf16.f32 v58  }
0x143: {  	v38 =	vmul.f32 v16, v24;
	v6 =	vadd.f32 v10, v6;
	v5 =	vadd.f32 v12, v5  }
0x144: {  	v11 =	vld.idx.msk [tilespmem:v29+s20+$0x0], $0xffff;
	v7 =	vadd.f32 v14, v7;
	v4 =	vadd.f32 v8, v4;
	v8 =	vmul.f32 v31, v24  }
0x145: {  	v23 =	vld [tilespmem:s15+$0xFFFFF040];
	v12 =	vmul.f32 v33, v24;
	v14 =	vunpack.i.u.bf16.f32 v34;
	v13 =	vmul.f32 v61, v53  }
0x146: {  	v29 =	vld [tilespmem:s15+$0xFFFFF060];
	v24 =	vunpack.i.u.bf16.f32 v60;
	v25 =	vmul.f32 v21, v3;
	v10 =	vmul.f32 v14, v28  }
0x147: {  	v26 =	vld [tilespmem:s15+$0xFFFFF050];
	v14 =	vmul.f32 v56, v43;
	v56 =	vunpack.i.u.bf16.f32 v44;
	v6 =	vadd.f32 v32, v6  }
0x148: {  	v5 =	vadd.f32 v8, v5;
	v7 =	vadd.f32 v12, v7;
	v8 =	vmul.f32 v40, v28  }
0x149: {  	v4 =	vadd.f32 v38, v4;
	v12 =	vmul.f32 v42, v28;
	v16 =	vmul.f32 v45, v11  }
0x14a: {  	v34 =	vld [tilespmem:s15+$0xFFFFF070];
	v49 =	vmul.f32 v47, v11;
	v52 =	vmul.f32 v50, v11;
	v31 =	vunpack.i.l.bf16.f32 v23  }
0x14b: {  	v32 =	vunpack.i.u.bf16.f32 v23;
	v38 =	vunpack.i.l.bf16.f32 v29;
	v6 =	vadd.f32 v39, v6  }
0x14c: {  	v35 =	vld [tilespmem:s15+$0xFFFFF440];
	v33 =	vunpack.i.l.bf16.f32 v26;
	v5 =	vadd.f32 v8, v5;
	v7 =	vadd.f32 v12, v7  }
0x14d: {  	v4 =	vadd.f32 v10, v4;
	v8 =	vmul.f32 v51, v11;
	v12 =	vunpack.i.l.bf16.f32 v55  }
0x14e: {  	v23 =	vld [tilespmem:s15+$0xFFFFF460];
	v11 =	vmul.f32 v54, v43;
	v55 =	vunpack.i.l.bf16.f32 v44;
	v12 =	vmul.f32 v12, v53  }
0x14f: {  	s24 =	sadd.s32 $0x1, s23;
	v50 =	vld [tilespmem:s15+$0xFFFFF840];
	v39 =	vunpack.i.l.bf16.f32 v34;
	v6 =	vadd.f32 v16, v6;
	v5 =	vadd.f32 v49, v5  }
0x150: {  	v9 =	vadd.f32 v52, v7;
	v4 =	vadd.f32 v8, v4;
	v7 =	vmov s24  }
0x151: {  	v8 =	vmul.f32 v59, v43;
	v43 =	vunpack.i.u.bf16.f32 v35;
	v22 =	vor.u32 $0x10, v7  }
0x152: {  	v28 =	vor.u32 $0x20, v7;
	v37 =	vor.u32 $0x30, v7;
	v21 =	vor.u32 $0x40, v7  }
0x153: {  	v47 =	vor.u32 $0x50, v7;
	v49 =	vunpack.i.l.bf16.f32 v23;
	v51 =	vunpack.i.u.bf16.f32 v23  }
0x154: {  	v58 =	vunpack.i.l.bf16.f32 v50;
	v60 =	vor.u32 $0x60, v7;
	v61 =	vunpack.i.u.bf16.f32 v50  }
0x155: {  	v52 =	vld [tilespmem:s15+$0xFFFFF850];
	v50 =	vor.u32 $0xB0, v7;
	v6 =	vadd.f32 v11, v6;
	v5 =	vadd.f32 v14, v5  }
0x156: {  	v59 =	vld [tilespmem:s15+$0xFFFFF860];
	v9 =	vadd.f32 v15, v9;
	v4 =	vadd.f32 v8, v4;
	v14 =	vmul.f32 v62, v53  }
0x157: {  	v8 =	vmul.f32 v19, v53;
	v15 =	vunpack.i.l.bf16.f32 v63;
	v11 =	vunpack.i.u.bf16.f32 v29;
	v63 =	vld [tilespmem:s15+$0xFFFFF870]  }
0x158: {  	v15 =	vmul.f32 v15, v3;
	v6 =	vadd.f32 v12, v6;
	v5 =	vadd.f32 v13, v5;
	v20 =	vld.idx.msk [tilespmem:v7+s20+$0x0], $0xffff  }
0x159: {  	v8 =	vadd.f32 v8, v4;
	v4 =	vmul.f32 v24, v3;
	v3 =	vmul.f32 v27, v3;
	v27 =	vld [tilespmem:s15+$0xFFFFFC40]  }
0x15a: {  	v9 =	vadd.f32 v14, v9;
	v12 =	vunpack.i.u.bf16.f32 v26;
	v62 =	vunpack.i.l.bf16.f32 v52;
	v30 =	vld.idx.msk [tilespmem:v22+s20+$0x0], $0xffff  }
0x15b: {  	v26 =	vunpack.i.u.bf16.f32 v52;
	v6 =	vadd.f32 v25, v6;
	v5 =	vadd.f32 v4, v5;
	v36 =	vld.idx.msk [tilespmem:v28+s20+$0x0], $0xffff  }
0x15c: {  	v4 =	vadd.f32 v15, v9;
	v3 =	vadd.f32 v3, v8;
	v15 =	vunpack.i.u.bf16.f32 v34;
	v40 =	vld.idx.msk [tilespmem:v37+s20+$0x0], $0xffff  }
0x15d: {  	v22 =	vunpack.i.l.bf16.f32 v35;
	v46 =	vld.idx.msk [tilespmem:v21+s20+$0x0], $0xffff;
	v25 =	vor.u32 $0x70, v7;
	v9 =	vmul.f32 v31, v20  }
0x15e: {  	v28 =	vunpack.i.u.bf16.f32 v59;
	v13 =	vmul.f32 v32, v20;
	v14 =	vmul.f32 v33, v20  }
0x15f: {  	v57 =	vld.idx.msk [tilespmem:v47+s20+$0x0], $0xffff;
	v34 =	vor.u32 $0x80, v7;
	v10 =	vmul.f32 v12, v20;
	v18 =	vmul.f32 v38, v30  }
0x160: {  	v52 =	vld [tilespmem:s15+$0x440];
	v29 =	vunpack.i.l.bf16.f32 v63;
	v11 =	vmul.f32 v11, v30;
	v19 =	vmul.f32 v39, v30  }
0x161: {  	v35 =	vunpack.i.u.bf16.f32 v27;
	v8 =	vmul.f32 v15, v30;
	v41 =	vmul.f32 v22, v36  }
0x162: {  	v31 =	vunpack.i.u.bf16.f32 v63;
	v54 =	vmul.f32 v51, v40;
	v15 =	vmul.f32 v58, v46  }
0x163: {  	v32 =	vunpack.i.l.bf16.f32 v27;
	v23 =	vmul.f32 v61, v46;
	v24 =	vmul.f32 v62, v46  }
0x164: {  	v20 =	vld [tilespmem:s15+$0xFFFFF450];
	v17 =	vmul.f32 v28, v57;
	v38 =	vor.u32 $0x90, v7;
	v9 =	vadd.f32 $0.0e+00, v9  }
0x165: {  	v62 =	vunpack.i.u.bf16.f32 v52;
	v13 =	vadd.f32 $0.0e+00, v13;
	v10 =	vadd.f32 $0.0e+00, v10  }
0x166: {  	v30 =	vld [tilespmem:s15+$0xFFFFFC50];
	v28 =	vor.u32 $0xD0, v7;
	v14 =	vadd.f32 $0.0e+00, v14;
	v9 =	vadd.f32 v18, v9  }
0x167: {  	v33 =	vld [tilespmem:s15+$0xFFFFFC60];
	v11 =	vadd.f32 v11, v13;
	v8 =	vadd.f32 v8, v10;
	v10 =	vmul.f32 v43, v36  }
0x168: {  	v61 =	vld [tilespmem:s15+$0x460];
	v42 =	vadd.f32 v19, v14;
	v13 =	vmul.f32 v56, v40;
	v19 =	vmul.f32 v29, v57  }
0x169: {  	v63 =	vld [tilespmem:s15+$0x470];
	v45 =	vunpack.i.l.bf16.f32 v20;
	v48 =	vunpack.i.u.bf16.f32 v20;
	v20 =	vmul.f32 v49, v40  }
0x16a: {  	v18 =	vld.idx.msk [tilespmem:v60+s20+$0x0], $0xffff;
	v60 =	vunpack.i.l.bf16.f32 v52;
	v16 =	vmul.f32 v45, v36;
	v12 =	vmul.f32 v48, v36  }
0x16b: {  	v39 =	vld [tilespmem:s15+$0x40];
	v9 =	vadd.f32 v41, v9;
	v10 =	vadd.f32 v10, v11;
	v37 =	vunpack.i.u.bf16.f32 v30  }
0x16c: {  	v43 =	vld [tilespmem:s15+$0x60];
	v45 =	vor.u32 $0xA0, v7;
	v53 =	vadd.f32 v16, v42;
	v8 =	vadd.f32 v12, v8  }
0x16d: {  	v29 =	vld [tilespmem:s15+$0x840];
	v27 =	vunpack.i.l.bf16.f32 v61;
	v9 =	vadd.f32 v20, v9;
	v10 =	vadd.f32 v54, v10  }
0x16e: {  	v56 =	vld [tilespmem:s15+$0x450];
	v12 =	vmul.f32 v55, v40;
	v16 =	vunpack.i.l.bf16.f32 v59;
	v20 =	vunpack.i.l.bf16.f32 v30  }
0x16f: {  	v36 =	vld [tilespmem:s15+$0xFFFFFC70];
	v40 =	vunpack.i.l.bf16.f32 v33;
	v59 =	vor.u32 $0xC0, v7;
	v16 =	vmul.f32 v16, v57  }
0x170: {  	v44 =	vld.idx.msk [tilespmem:v38+s20+$0x0], $0xffff;
	v30 =	vunpack.i.u.bf16.f32 v61;
	v14 =	vmul.f32 v32, v18;
	v20 =	vmul.f32 v20, v18  }
0x171: {  	v58 =	vld.idx.msk [tilespmem:v50+s20+$0x0], $0xffff;
	v51 =	vunpack.i.l.bf16.f32 v43;
	v55 =	vunpack.i.u.bf16.f32 v43;
	v11 =	vadd.f32 v12, v53  }
0x172: {  	v49 =	vld [tilespmem:s15+$0x70];
	v38 =	vunpack.i.u.bf16.f32 v29;
	v8 =	vadd.f32 v13, v8;
	v9 =	vadd.f32 v15, v9  }
0x173: {  	v50 =	vld [tilespmem:s15+$0xC60];
	v10 =	vadd.f32 v23, v10;
	v12 =	vmul.f32 v26, v46;
	v46 =	vunpack.i.l.bf16.f32 v39  }
0x174: {  	v42 =	vld [tilespmem:s15+$0x50];
	v23 =	vunpack.i.l.bf16.f32 v56;
	v41 =	vunpack.i.l.bf16.f32 v36;
	v15 =	vunpack.i.u.bf16.f32 v36  }
0x175: {  	v54 =	vmul.f32 v51, v44;
	v11 =	vadd.f32 v24, v11;
	v8 =	vadd.f32 v12, v8  }
0x176: {  	v36 =	vunpack.i.u.bf16.f32 v63;
	v9 =	vadd.f32 v16, v9;
	v10 =	vadd.f32 v17, v10  }
0x177: {  	v13 =	vld.idx.msk [tilespmem:v25+s20+$0x0], $0xffff;
	v12 =	vmul.f32 v31, v57;
	v16 =	vunpack.i.u.bf16.f32 v33;
	v57 =	vunpack.i.l.bf16.f32 v49  }
0x178: {  	v17 =	vld.idx.msk [tilespmem:v34+s20+$0x0], $0xffff;
	v24 =	vunpack.i.u.bf16.f32 v56;
	v31 =	vunpack.i.l.bf16.f32 v63;
	v33 =	vmul.f32 v30, v58  }
0x179: {  	v48 =	vunpack.i.l.bf16.f32 v42;
	v26 =	vld.idx.msk [tilespmem:v59+s20+$0x0], $0xffff;
	v34 =	vmul.f32 v31, v58;
	v59 =	vunpack.i.u.bf16.f32 v50  }
0x17a: {  	v32 =	vld [tilespmem:s15+$0x850];
	v11 =	vadd.f32 v19, v11;
	v8 =	vadd.f32 v12, v8;
	v12 =	vmul.f32 v35, v18  }
0x17b: {  	v18 =	vmul.f32 v37, v18;
	v9 =	vadd.f32 v14, v9;
	v35 =	vor.u32 $0xE0, v7  }
0x17c: {  	v7 =	vor.u32 $0xF0, v7;
	v14 =	vmul.f32 v40, v13;
	v10 =	vadd.f32 v12, v10  }
0x17d: {  	v16 =	vmul.f32 v16, v13;
	v11 =	vadd.f32 v20, v11;
	v8 =	vadd.f32 v18, v8  }
0x17e: {  	v18 =	vmul.f32 v41, v13;
	v13 =	vmul.f32 v15, v13;
	v12 =	vunpack.i.u.bf16.f32 v39  }
0x17f: {  	v37 =	vld [tilespmem:s15+$0x860];
	v20 =	vunpack.i.u.bf16.f32 v42;
	v39 =	vunpack.i.l.bf16.f32 v32;
	v41 =	vunpack.i.u.bf16.f32 v32  }
0x180: {  	v9 =	vadd.f32 v14, v9;
	v47 =	vmul.f32 v46, v17;
	v12 =	vmul.f32 v12, v17  }
0x181: {  	v53 =	vmul.f32 v20, v17;
	v10 =	vadd.f32 v16, v10;
	v11 =	vadd.f32 v18, v11  }
0x182: {  	v40 =	vld [tilespmem:s15+$0x870];
	v8 =	vadd.f32 v13, v8;
	v16 =	vmul.f32 v48, v17;
	v13 =	vmul.f32 v36, v58  }
0x183: {  	v15 =	vld.idx.msk [tilespmem:v45+s20+$0x0], $0xffff;
	v18 =	vunpack.i.u.bf16.f32 v49;
	v17 =	vmul.f32 v38, v26;
	v19 =	vmul.f32 v39, v26  }
0x184: {  	v9 =	vadd.f32 v47, v9;
	v14 =	vmul.f32 v18, v44;
	v43 =	vunpack.i.l.bf16.f32 v37  }
0x185: {  	v45 =	vunpack.i.u.bf16.f32 v37;
	v10 =	vadd.f32 v12, v10;
	v11 =	vadd.f32 v16, v11  }
0x186: {  	v61 =	vld [tilespmem:s15+$0xFFFFF090];
	v8 =	vadd.f32 v53, v8;
	v12 =	vmul.f32 v55, v44;
	v16 =	vmul.f32 v57, v44  }
0x187: {  	v47 =	vld [tilespmem:s15+$0xC50];
	v48 =	vunpack.i.u.bf16.f32 v40;
	v49 =	vunpack.i.l.bf16.f32 v40;
	v9 =	vadd.f32 v54, v9  }
0x188: {  	v44 =	vld [tilespmem:s15+$0xC40];
	v20 =	vmul.f32 v60, v15;
	v18 =	vmul.f32 v62, v15;
	v10 =	vadd.f32 v12, v10  }
0x189: {  	v55 =	vld [tilespmem:s15+$0xFFFFF080];
	v25 =	vmul.f32 v23, v15;
	v11 =	vadd.f32 v16, v11;
	v8 =	vadd.f32 v14, v8  }
0x18a: {  	v54 =	vld [tilespmem:s15+$0xC70];
	v12 =	vmul.f32 v24, v15;
	v15 =	vmul.f32 v27, v58;
	v9 =	vadd.f32 v20, v9  }
0x18b: {  	v16 =	vld.idx.msk [tilespmem:v28+s20+$0x0], $0xffff;
	v58 =	vunpack.i.l.bf16.f32 v50;
	v10 =	vadd.f32 v18, v10;
	v11 =	vadd.f32 v25, v11  }
0x18c: {  	v24 =	vld [tilespmem:s15+$0xFFFFF0A0];
	v8 =	vadd.f32 v12, v8;
	v18 =	vunpack.i.l.bf16.f32 v29;
	v53 =	vunpack.i.l.bf16.f32 v47  }
0x18d: {  	v28 =	vld [tilespmem:s15+$0xFFFFF0B0];
	v29 =	vunpack.i.l.bf16.f32 v61;
	v9 =	vadd.f32 v15, v9;
	v18 =	vmul.f32 v18, v26  }
0x18e: {  	v51 =	vunpack.i.l.bf16.f32 v44;
	v52 =	vunpack.i.u.bf16.f32 v44;
	v10 =	vadd.f32 v33, v10  }
0x18f: {  	v63 =	vunpack.i.l.bf16.f32 v55;
	v11 =	vadd.f32 v34, v11;
	v8 =	vadd.f32 v13, v8  }
0x190: {  	v39 =	vld [tilespmem:s15+$0xFFFFF4A0];
	v13 =	vmul.f32 v41, v26;
	v60 =	vunpack.i.l.bf16.f32 v54;
	v26 =	vunpack.i.u.bf16.f32 v55  }
0x191: {  	v12 =	vld.idx.msk [tilespmem:v35+s20+$0x0], $0xffff;
	v9 =	vadd.f32 v18, v9;
	v46 =	vmul.f32 v43, v16;
	v18 =	vunpack.i.u.bf16.f32 v47  }
0x192: {  	v32 =	vunpack.i.l.bf16.f32 v24;
	v34 =	vunpack.i.u.bf16.f32 v24;
	v36 =	vunpack.i.l.bf16.f32 v28  }
0x193: {  	v35 =	vld [tilespmem:s15+$0xFFFFF490];
	v10 =	vadd.f32 v17, v10;
	v8 =	vadd.f32 v13, v8;
	v13 =	vmul.f32 v45, v16  }
0x194: {  	s24 =	sadd.s32 $0x2, s23;
	v42 =	vadd.f32 v19, v11;
	v19 =	vmul.f32 v49, v16;
	v16 =	vmul.f32 v48, v16  }
0x195: {  	v7 =	vld.idx.msk [tilespmem:v7+s20+$0x0], $0xffff;
	v11 =	vmov s24;
	v45 =	vunpack.i.u.bf16.f32 v39;
	v9 =	vadd.f32 v46, v9  }
0x196: {  	v44 =	vld [tilespmem:s15+$0xFFFFF880];
	v15 =	vmul.f32 v51, v12;
	v17 =	vmul.f32 v53, v12;
	v57 =	vor.u32 $0x10, v11  }
0x197: {  	v33 =	vld [tilespmem:s15+$0xFFFFF480];
	v62 =	vor.u32 $0x20, v11;
	v31 =	vor.u32 $0x30, v11;
	v24 =	vor.u32 $0x40, v11  }
0x198: {  	v43 =	vunpack.i.u.bf16.f32 v35;
	v10 =	vadd.f32 v13, v10;
	v14 =	vadd.f32 v19, v42  }
0x199: {  	v55 =	vld [tilespmem:s15+$0xFFFFF8B0];
	v8 =	vadd.f32 v16, v8;
	v16 =	vmul.f32 v52, v12;
	v12 =	vmul.f32 v18, v12  }
0x19a: {  	v48 =	vld [tilespmem:s15+$0xFFFFF890];
	v19 =	vunpack.i.u.bf16.f32 v54;
	v13 =	vmul.f32 v60, v7;
	v42 =	vor.u32 $0x50, v11  }
0x19b: {  	v51 =	vld [tilespmem:s15+$0xFFFFF8A0];
	v50 =	vunpack.i.l.bf16.f32 v44;
	v52 =	vor.u32 $0x60, v11;
	v53 =	vunpack.i.u.bf16.f32 v44  }
0x19c: {  	v9 =	vadd.f32 v15, v9;
	v38 =	vunpack.i.l.bf16.f32 v33;
	v16 =	vadd.f32 v16, v10;
	v56 =	vld.idx.msk [tilespmem:v11+s20+$0x0], $0xffff  }
0x19d: {  	v12 =	vadd.f32 v12, v8;
	v10 =	vmul.f32 v58, v7;
	v8 =	vmul.f32 v59, v7;
	v58 =	vld [tilespmem:s15+$0xFFFFFC80]  }
0x19e: {  	v22 =	vunpack.i.u.bf16.f32 v33;
	v14 =	vadd.f32 v17, v14;
	v7 =	vmul.f32 v19, v7;
	v18 =	vld.idx.msk [tilespmem:v57+s20+$0x0], $0xffff  }
0x19f: {  	v60 =	vunpack.i.l.bf16.f32 v55;
	v10 =	vadd.f32 v10, v9;
	v9 =	vadd.f32 v8, v16;
	v30 =	vld.idx.msk [tilespmem:v62+s20+$0x0], $0xffff  }
0x1a0: {  	v17 =	vunpack.i.u.bf16.f32 v61;
	v8 =	vadd.f32 v13, v14;
	v7 =	vadd.f32 v7, v12;
	v20 =	vld.idx.msk [tilespmem:v31+s20+$0x0], $0xffff  }
0x1a1: {  	v14 =	vunpack.i.u.bf16.f32 v28;
	v46 =	vld.idx.msk [tilespmem:v24+s20+$0x0], $0xffff;
	v25 =	vmul.f32 v63, v56;
	v12 =	vmul.f32 v26, v56  }
0x1a2: {  	v24 =	vunpack.i.l.bf16.f32 v48;
	v16 =	vmul.f32 v29, v56;
	v15 =	vmul.f32 v17, v56  }
0x1a3: {  	v61 =	vld [tilespmem:s15+$0xFFFFFC90];
	v57 =	vor.u32 $0x70, v11;
	v21 =	vmul.f32 v32, v18;
	v17 =	vmul.f32 v34, v18  }
0x1a4: {  	v59 =	vunpack.i.l.bf16.f32 v51;
	v37 =	vmul.f32 v36, v18;
	v14 =	vmul.f32 v14, v18  }
0x1a5: {  	v31 =	vunpack.i.l.bf16.f32 v58;
	v18 =	vmul.f32 v38, v30;
	v40 =	vmul.f32 v22, v30  }
0x1a6: {  	v56 =	vunpack.i.u.bf16.f32 v48;
	v19 =	vmul.f32 v45, v20;
	v54 =	vmul.f32 v50, v46  }
0x1a7: {  	v24 =	vmul.f32 v24, v46;
	v22 =	vmul.f32 v56, v46;
	v32 =	vunpack.i.u.bf16.f32 v58  }
0x1a8: {  	v62 =	vld [tilespmem:s15+$0xFFFFFCA0];
	v34 =	vunpack.i.l.bf16.f32 v61;
	v36 =	vor.u32 $0x90, v11;
	v45 =	vor.u32 $0xA0, v11  }
0x1a9: {  	v26 =	vld [tilespmem:s15+$0xFFFFF4B0];
	v56 =	vor.u32 $0xB0, v11;
	v27 =	vadd.f32 $0.0e+00, v25;
	v12 =	vadd.f32 $0.0e+00, v12  }
0x1aa: {  	v16 =	vadd.f32 $0.0e+00, v16;
	v15 =	vadd.f32 $0.0e+00, v15;
	v25 =	vunpack.i.l.bf16.f32 v35  }
0x1ab: {  	v41 =	vmul.f32 v25, v30;
	v13 =	vadd.f32 v21, v27;
	v12 =	vadd.f32 v17, v12  }
0x1ac: {  	v63 =	vld.idx.msk [tilespmem:v57+s20+$0x0], $0xffff;
	v16 =	vadd.f32 v37, v16;
	v14 =	vadd.f32 v14, v15;
	v17 =	vmul.f32 v43, v30  }
0x1ad: {  	v29 =	vld [tilespmem:s15+$0x4A0];
	v21 =	vunpack.i.l.bf16.f32 v39;
	v30 =	vor.u32 $0x80, v11;
	v37 =	vunpack.i.l.bf16.f32 v62  }
0x1ae: {  	v35 =	vld [tilespmem:s15+$0xFFFFFCB0];
	v21 =	vmul.f32 v21, v20;
	v47 =	vunpack.i.l.bf16.f32 v26;
	v13 =	vadd.f32 v18, v13  }
0x1af: {  	v15 =	vld.idx.msk [tilespmem:v42+s20+$0x0], $0xffff;
	v49 =	vunpack.i.u.bf16.f32 v26;
	v12 =	vadd.f32 v40, v12;
	v16 =	vadd.f32 v41, v16  }
0x1b0: {  	v27 =	vld [tilespmem:s15+$0x80];
	v14 =	vadd.f32 v17, v14;
	v23 =	vmul.f32 v47, v20;
	v17 =	vmul.f32 v49, v20  }
0x1b1: {  	v42 =	vld [tilespmem:s15+$0x90];
	v20 =	vunpack.i.u.bf16.f32 v51;
	v39 =	vmul.f32 v37, v63;
	v41 =	vunpack.i.u.bf16.f32 v62  }
0x1b2: {  	v37 =	vunpack.i.u.bf16.f32 v29;
	v13 =	vadd.f32 v21, v13;
	v12 =	vadd.f32 v19, v12  }
0x1b3: {  	v57 =	vld [tilespmem:s15+$0x480];
	v43 =	vunpack.i.l.bf16.f32 v35;
	v16 =	vadd.f32 v23, v16;
	v14 =	vadd.f32 v17, v14  }
0x1b4: {  	v47 =	vld [tilespmem:s15+$0xA0];
	v17 =	vmul.f32 v53, v46;
	v19 =	vunpack.i.u.bf16.f32 v55;
	v18 =	vmul.f32 v59, v15  }
0x1b5: {  	v49 =	vld [tilespmem:s15+$0xB0];
	v20 =	vmul.f32 v20, v15;
	v46 =	vunpack.i.l.bf16.f32 v27;
	v48 =	vunpack.i.u.bf16.f32 v27  }
0x1b6: {  	v44 =	vld.idx.msk [tilespmem:v36+s20+$0x0], $0xffff;
	v51 =	vunpack.i.l.bf16.f32 v42;
	v13 =	vadd.f32 v54, v13;
	v12 =	vadd.f32 v17, v12  }
0x1b7: {  	v21 =	vld.idx.msk [tilespmem:v52+s20+$0x0], $0xffff;
	v52 =	vunpack.i.u.bf16.f32 v42;
	v16 =	vadd.f32 v24, v16;
	v14 =	vadd.f32 v22, v14  }
0x1b8: {  	v22 =	vmul.f32 v60, v15;
	v15 =	vmul.f32 v19, v15;
	v24 =	vunpack.i.u.bf16.f32 v61  }
0x1b9: {  	v19 =	vld.idx.msk [tilespmem:v30+s20+$0x0], $0xffff;
	v30 =	vunpack.i.u.bf16.f32 v57;
	v55 =	vunpack.i.l.bf16.f32 v47;
	v58 =	vunpack.i.u.bf16.f32 v47  }
0x1ba: {  	v59 =	vunpack.i.l.bf16.f32 v49;
	v28 =	vunpack.i.u.bf16.f32 v49;
	v13 =	vadd.f32 v18, v13  }
0x1bb: {  	v12 =	vadd.f32 v20, v12;
	v16 =	vadd.f32 v22, v16;
	v61 =	vmul.f32 v58, v44  }
0x1bc: {  	v14 =	vadd.f32 v15, v14;
	v62 =	vmul.f32 v59, v44;
	v17 =	vmul.f32 v28, v44  }
0x1bd: {  	v36 =	vld [tilespmem:s15+$0x880];
	v22 =	vunpack.i.u.bf16.f32 v35;
	v33 =	vmul.f32 v31, v21;
	v15 =	vmul.f32 v32, v21  }
0x1be: {  	v54 =	vld.idx.msk [tilespmem:v45+s20+$0x0], $0xffff;
	v35 =	vor.u32 $0xD0, v11;
	v20 =	vmul.f32 v34, v21;
	v38 =	vmul.f32 v24, v21  }
0x1bf: {  	v60 =	vld [tilespmem:s15+$0x490];
	v18 =	vmul.f32 v22, v63;
	v22 =	vunpack.i.l.bf16.f32 v57;
	v34 =	vunpack.i.l.bf16.f32 v29  }
0x1c0: {  	v13 =	vadd.f32 v33, v13;
	v40 =	vadd.f32 v20, v16;
	v16 =	vmul.f32 v41, v63  }
0x1c1: {  	v12 =	vadd.f32 v15, v12;
	v20 =	vmul.f32 v43, v63;
	v24 =	vmul.f32 v46, v19  }
0x1c2: {  	v47 =	vld [tilespmem:s15+$0xC80];
	v14 =	vadd.f32 v38, v14;
	v50 =	vmul.f32 v48, v19;
	v53 =	vmul.f32 v51, v19  }
0x1c3: {  	v32 =	vld [tilespmem:s15+$0x4B0];
	v63 =	vor.u32 $0xC0, v11;
	v22 =	vmul.f32 v22, v54;
	v21 =	vmul.f32 v30, v54  }
0x1c4: {  	v57 =	vld [tilespmem:s15+$0xCA0];
	v31 =	vunpack.i.l.bf16.f32 v60;
	v33 =	vunpack.i.u.bf16.f32 v60;
	v43 =	vunpack.i.l.bf16.f32 v36  }
0x1c5: {  	v38 =	vld [tilespmem:s15+$0x890];
	v23 =	vmul.f32 v31, v54;
	v13 =	vadd.f32 v39, v13;
	v12 =	vadd.f32 v16, v12  }
0x1c6: {  	v41 =	vld [tilespmem:s15+$0x8A0];
	v15 =	vadd.f32 v20, v40;
	v14 =	vadd.f32 v18, v14;
	v16 =	vmul.f32 v52, v19  }
0x1c7: {  	v46 =	vld [tilespmem:s15+$0x8B0];
	v19 =	vmul.f32 v55, v44;
	v40 =	vor.u32 $0xE0, v11;
	v44 =	vunpack.i.u.bf16.f32 v36  }
0x1c8: {  	v20 =	vld.idx.msk [tilespmem:v56+s20+$0x0], $0xffff;
	v11 =	vor.u32 $0xF0, v11;
	v56 =	vunpack.i.l.bf16.f32 v47;
	v39 =	vunpack.i.u.bf16.f32 v32  }
0x1c9: {  	v30 =	vunpack.i.l.bf16.f32 v57;
	v13 =	vadd.f32 v24, v13;
	v12 =	vadd.f32 v50, v12  }
0x1ca: {  	v15 =	vadd.f32 v53, v15;
	v14 =	vadd.f32 v16, v14;
	v24 =	vunpack.i.l.bf16.f32 v32  }
0x1cb: {  	v42 =	vld.idx.msk [tilespmem:v35+s20+$0x0], $0xffff;
	v32 =	vunpack.i.u.bf16.f32 v57;
	v45 =	vunpack.i.l.bf16.f32 v38;
	v50 =	vunpack.i.l.bf16.f32 v41  }
0x1cc: {  	v51 =	vunpack.i.u.bf16.f32 v41;
	v53 =	vunpack.i.l.bf16.f32 v46;
	v13 =	vadd.f32 v19, v13  }
0x1cd: {  	v31 =	vld [tilespmem:s15+$0xFFFFF0C0];
	v55 =	vunpack.i.u.bf16.f32 v46;
	v12 =	vadd.f32 v61, v12;
	v15 =	vadd.f32 v62, v15  }
0x1ce: {  	v16 =	vld.idx.msk [tilespmem:v63+s20+$0x0], $0xffff;
	v14 =	vadd.f32 v17, v14;
	v17 =	vmul.f32 v33, v54;
	v19 =	vunpack.i.u.bf16.f32 v38  }
0x1cf: {  	v63 =	vld [tilespmem:s15+$0xCB0];
	v62 =	vunpack.i.u.bf16.f32 v47;
	v18 =	vmul.f32 v34, v20;
	v24 =	vmul.f32 v24, v20  }
0x1d0: {  	v54 =	vld [tilespmem:s15+$0xC90];
	v52 =	vmul.f32 v50, v42;
	v58 =	vmul.f32 v55, v42;
	v13 =	vadd.f32 v22, v13  }
0x1d1: {  	v33 =	vld [tilespmem:s15+$0xFFFFF0D0];
	v12 =	vadd.f32 v21, v12;
	v14 =	vadd.f32 v17, v14;
	v17 =	vmul.f32 v37, v20  }
0x1d2: {  	v48 =	vld.idx.msk [tilespmem:v40+s20+$0x0], $0xffff;
	v40 =	vunpack.i.u.bf16.f32 v31;
	v15 =	vadd.f32 v23, v15;
	v20 =	vmul.f32 v39, v20  }
0x1d3: {  	v37 =	vunpack.i.l.bf16.f32 v31;
	v13 =	vadd.f32 v18, v13;
	v12 =	vadd.f32 v17, v12  }
0x1d4: {  	v14 =	vadd.f32 v20, v14;
	v20 =	vmul.f32 v43, v16;
	v21 =	vmul.f32 v44, v16  }
0x1d5: {  	v47 =	vld [tilespmem:s15+$0xFFFFF4C0];
	v15 =	vadd.f32 v24, v15;
	v22 =	vmul.f32 v45, v16;
	v16 =	vmul.f32 v19, v16  }
0x1d6: {  	v59 =	vld.idx.msk [tilespmem:v11+s20+$0x0], $0xffff;
	v35 =	vunpack.i.l.bf16.f32 v63;
	v27 =	vunpack.i.l.bf16.f32 v54;
	v41 =	vunpack.i.l.bf16.f32 v33  }
0x1d7: {  	v55 =	vld [tilespmem:s15+$0xFFFFF4F0];
	v46 =	vunpack.i.u.bf16.f32 v33;
	v13 =	vadd.f32 v20, v13;
	v12 =	vadd.f32 v21, v12  }
0x1d8: {  	s24 =	sadd.s32 $0x3, s23;
	v49 =	vadd.f32 v22, v15;
	v14 =	vadd.f32 v16, v14;
	v16 =	vmul.f32 v51, v42  }
0x1d9: {  	v38 =	vld [tilespmem:s15+$0xFFFFF0E0];
	v15 =	vmov s24;
	v21 =	vmul.f32 v53, v42;
	v60 =	vmul.f32 v56, v48  }
0x1da: {  	v17 =	vmul.f32 v62, v48;
	v22 =	vunpack.i.u.bf16.f32 v54;
	v20 =	vmul.f32 v27, v48  }
0x1db: {  	v24 =	vmul.f32 v30, v59;
	v34 =	vmul.f32 v32, v59;
	v51 =	vunpack.i.l.bf16.f32 v47  }
0x1dc: {  	v54 =	vunpack.i.u.bf16.f32 v47;
	v26 =	vunpack.i.u.bf16.f32 v55;
	v29 =	vor.u32 $0x10, v15  }
0x1dd: {  	v42 =	vld [tilespmem:s15+$0xFFFFF0F0];
	v19 =	vmul.f32 v22, v48;
	v39 =	vor.u32 $0x20, v15;
	v45 =	vor.u32 $0x30, v15  }
0x1de: {  	v62 =	vld [tilespmem:s15+$0xFFFFF8D0];
	v48 =	vunpack.i.u.bf16.f32 v38;
	v53 =	vor.u32 $0x40, v15;
	v57 =	vor.u32 $0x50, v15  }
0x1df: {  	v33 =	vor.u32 $0x60, v15;
	v13 =	vadd.f32 v52, v13;
	v61 =	vadd.f32 v21, v49;
	v52 =	vld [tilespmem:s15+$0xFFFFF4E0]  }
0x1e0: {  	v47 =	vor.u32 $0x80, v15;
	v12 =	vadd.f32 v16, v12;
	v14 =	vadd.f32 v58, v14;
	v58 =	vld [tilespmem:s15+$0xFFFFF8C0]  }
0x1e1: {  	v11 =	vadd.f32 v60, v13;
	v16 =	vadd.f32 v20, v61;
	v20 =	vunpack.i.l.bf16.f32 v38;
	v38 =	vld [tilespmem:s15+$0xFFFFF8F0]  }
0x1e2: {  	v32 =	vor.u32 $0xA0, v15;
	v17 =	vadd.f32 v17, v12;
	v19 =	vadd.f32 v19, v14;
	v28 =	vld.idx.msk [tilespmem:v15+s20+$0x0], $0xffff  }
0x1e3: {  	v13 =	vunpack.i.u.bf16.f32 v63;
	v14 =	vmul.f32 v35, v59;
	v61 =	vunpack.i.l.bf16.f32 v55;
	v36 =	vld.idx.msk [tilespmem:v29+s20+$0x0], $0xffff  }
0x1e4: {  	v13 =	vmul.f32 v13, v59;
	v49 =	vunpack.i.l.bf16.f32 v42;
	v12 =	vadd.f32 v24, v11;
	v22 =	vld.idx.msk [tilespmem:v39+s20+$0x0], $0xffff  }
0x1e5: {  	v25 =	vunpack.i.u.bf16.f32 v42;
	v11 =	vadd.f32 v34, v17;
	v14 =	vadd.f32 v14, v16;
	v60 =	vld.idx.msk [tilespmem:v53+s20+$0x0], $0xffff  }
0x1e6: {  	v29 =	vld [tilespmem:s15+$0xFFFFF8E0];
	v39 =	vor.u32 $0x70, v15;
	v13 =	vadd.f32 v13, v19;
	v59 =	vunpack.i.l.bf16.f32 v52  }
0x1e7: {  	v31 =	vld [tilespmem:s15+$0xFFFFFCC0];
	v34 =	vunpack.i.l.bf16.f32 v58;
	v35 =	vunpack.i.u.bf16.f32 v58;
	v18 =	vmul.f32 v37, v28  }
0x1e8: {  	v19 =	vld.idx.msk [tilespmem:v45+s20+$0x0], $0xffff;
	v58 =	vor.u32 $0x90, v15;
	v43 =	vmul.f32 v40, v28;
	v44 =	vmul.f32 v41, v28  }
0x1e9: {  	v63 =	vld.idx.msk [tilespmem:v57+s20+$0x0], $0xffff;
	v45 =	vunpack.i.l.bf16.f32 v38;
	v21 =	vmul.f32 v46, v28;
	v20 =	vmul.f32 v20, v36  }
0x1ea: {  	v37 =	vunpack.i.l.bf16.f32 v62;
	v24 =	vmul.f32 v48, v36;
	v27 =	vmul.f32 v49, v36  }
0x1eb: {  	v17 =	vmul.f32 v25, v36;
	v36 =	vmul.f32 v34, v60;
	v30 =	vunpack.i.l.bf16.f32 v29  }
0x1ec: {  	v28 =	vld [tilespmem:s15+$0xFFFFF4D0];
	v48 =	vunpack.i.l.bf16.f32 v31;
	v18 =	vadd.f32 $0.0e+00, v18;
	v16 =	vadd.f32 $0.0e+00, v43  }
0x1ed: {  	v23 =	vadd.f32 $0.0e+00, v44;
	v21 =	vadd.f32 $0.0e+00, v21;
	v25 =	vmul.f32 v61, v19  }
0x1ee: {  	v49 =	vld [tilespmem:s15+$0xFFFFFCE0];
	v41 =	vmul.f32 v30, v63;
	v18 =	vadd.f32 v20, v18;
	v16 =	vadd.f32 v24, v16  }
0x1ef: {  	v43 =	vunpack.i.u.bf16.f32 v29;
	v44 =	vld [tilespmem:s15+$0xFFFFFCD0];
	v50 =	vadd.f32 v27, v23;
	v17 =	vadd.f32 v17, v21  }
0x1f0: {  	v23 =	vmul.f32 v51, v22;
	v21 =	vmul.f32 v54, v22;
	v24 =	vunpack.i.u.bf16.f32 v52  }
0x1f1: {  	v56 =	vunpack.i.u.bf16.f32 v28;
	v28 =	vunpack.i.l.bf16.f32 v28;
	v24 =	vmul.f32 v24, v19  }
0x1f2: {  	v51 =	vld [tilespmem:s15+$0xFFFFFCF0];
	v28 =	vmul.f32 v28, v22;
	v22 =	vmul.f32 v56, v22;
	v18 =	vadd.f32 v23, v18  }
0x1f3: {  	v16 =	vadd.f32 v21, v16;
	v23 =	vmul.f32 v45, v63;
	v57 =	vunpack.i.l.bf16.f32 v49  }
0x1f4: {  	v53 =	vunpack.i.l.bf16.f32 v44;
	v54 =	vunpack.i.u.bf16.f32 v44;
	v20 =	vadd.f32 v28, v50  }
0x1f5: {  	v46 =	vld.idx.msk [tilespmem:v39+s20+$0x0], $0xffff;
	v17 =	vadd.f32 v22, v17;
	v22 =	vmul.f32 v59, v19;
	v19 =	vmul.f32 v26, v19  }
0x1f6: {  	v16 =	vadd.f32 v24, v16;
	v28 =	vunpack.i.u.bf16.f32 v62;
	v24 =	vmul.f32 v37, v60  }
0x1f7: {  	v34 =	vld [tilespmem:s15+$0xE0];
	v50 =	vunpack.i.u.bf16.f32 v31;
	v40 =	vmul.f32 v28, v60;
	v61 =	vunpack.i.l.bf16.f32 v51  }
0x1f8: {  	v26 =	vld.idx.msk [tilespmem:v33+s20+$0x0], $0xffff;
	v33 =	vunpack.i.u.bf16.f32 v51;
	v18 =	vadd.f32 v22, v18;
	v20 =	vadd.f32 v25, v20  }
0x1f9: {  	v44 =	vld [tilespmem:s15+$0x4D0];
	v17 =	vadd.f32 v19, v17;
	v19 =	vmul.f32 v35, v60;
	v25 =	vunpack.i.u.bf16.f32 v38  }
0x1fa: {  	v59 =	vld [tilespmem:s15+$0xC0];
	v60 =	vunpack.i.u.bf16.f32 v49;
	v31 =	vmul.f32 v61, v46;
	v21 =	vmul.f32 v33, v46  }
0x1fb: {  	v62 =	vld [tilespmem:s15+$0xD0];
	v61 =	vor.u32 $0xE0, v15;
	v18 =	vadd.f32 v36, v18;
	v16 =	vadd.f32 v19, v16  }
0x1fc: {  	v22 =	vmul.f32 v25, v63;
	v42 =	vadd.f32 v24, v20;
	v17 =	vadd.f32 v40, v17  }
0x1fd: {  	v20 =	vmul.f32 v43, v63;
	v63 =	vmul.f32 v60, v46;
	v40 =	vunpack.i.l.bf16.f32 v34  }
0x1fe: {  	v56 =	vld.idx.msk [tilespmem:v47+s20+$0x0], $0xffff;
	v43 =	vunpack.i.u.bf16.f32 v34;
	v51 =	vunpack.i.l.bf16.f32 v44;
	v28 =	vmul.f32 v48, v26  }
0x1ff: {  	v47 =	vld [tilespmem:s15+$0x4E0];
	v52 =	vmul.f32 v50, v26;
	v55 =	vmul.f32 v53, v26;
	v36 =	vunpack.i.u.bf16.f32 v59  }
0x200: {  	v35 =	vld.idx.msk [tilespmem:v58+s20+$0x0], $0xffff;
	v37 =	vunpack.i.l.bf16.f32 v62;
	v18 =	vadd.f32 v41, v18;
	v16 =	vadd.f32 v20, v16  }
0x201: {  	v38 =	vld [tilespmem:s15+$0xF0];
	v39 =	vunpack.i.u.bf16.f32 v62;
	v19 =	vadd.f32 v23, v42;
	v17 =	vadd.f32 v22, v17  }
0x202: {  	v20 =	vmul.f32 v54, v26;
	v23 =	vmul.f32 v57, v46;
	v26 =	vunpack.i.l.bf16.f32 v59  }
0x203: {  	v60 =	vld [tilespmem:s15+$0x8D0];
	v25 =	vmul.f32 v36, v56;
	v27 =	vmul.f32 v37, v56;
	v41 =	vor.u32 $0xB0, v15  }
0x204: {  	v46 =	vor.u32 $0xC0, v15;
	v57 =	vunpack.i.u.bf16.f32 v47;
	v26 =	vmul.f32 v26, v56  }
0x205: {  	v22 =	vmul.f32 v40, v35;
	v18 =	vadd.f32 v28, v18;
	v16 =	vadd.f32 v52, v16  }
0x206: {  	v53 =	vld [tilespmem:s15+$0x8C0];
	v45 =	vunpack.i.u.bf16.f32 v38;
	v19 =	vadd.f32 v55, v19;
	v17 =	vadd.f32 v20, v17  }
0x207: {  	v42 =	vld [tilespmem:s15+$0x4C0];
	v28 =	vunpack.i.l.bf16.f32 v38;
	v24 =	vmul.f32 v45, v35;
	v55 =	vor.u32 $0xD0, v15  }
0x208: {  	v15 =	vor.u32 $0xF0, v15;
	v28 =	vmul.f32 v28, v35;
	v36 =	vunpack.i.u.bf16.f32 v60  }
0x209: {  	v40 =	vld [tilespmem:s15+$0xCC0];
	v37 =	vunpack.i.l.bf16.f32 v60;
	v18 =	vadd.f32 v23, v18;
	v16 =	vadd.f32 v63, v16  }
0x20a: {  	v20 =	vld.idx.msk [tilespmem:v32+s20+$0x0], $0xffff;
	v19 =	vadd.f32 v31, v19;
	v17 =	vadd.f32 v21, v17;
	v21 =	vmul.f32 v39, v56  }
0x20b: {  	v52 =	vld [tilespmem:s15+$0x4F0];
	v23 =	vunpack.i.u.bf16.f32 v44;
	v56 =	vunpack.i.l.bf16.f32 v47;
	v62 =	vunpack.i.l.bf16.f32 v53  }
0x20c: {  	v34 =	vunpack.i.u.bf16.f32 v53;
	v49 =	vunpack.i.l.bf16.f32 v42;
	v18 =	vadd.f32 v26, v18  }
0x20d: {  	v63 =	vld [tilespmem:s15+$0x8E0];
	v50 =	vunpack.i.u.bf16.f32 v42;
	v16 =	vadd.f32 v25, v16;
	v19 =	vadd.f32 v27, v19  }
0x20e: {  	v48 =	vld.idx.msk [tilespmem:v41+s20+$0x0], $0xffff;
	v17 =	vadd.f32 v21, v17;
	v21 =	vmul.f32 v43, v35;
	v53 =	vunpack.i.u.bf16.f32 v40  }
0x20f: {  	v38 =	vld.idx.msk [tilespmem:v61+s20+$0x0], $0xffff;
	v25 =	vmul.f32 v50, v20;
	v26 =	vmul.f32 v51, v20;
	v18 =	vadd.f32 v22, v18  }
0x210: {  	v54 =	vld.idx.msk [tilespmem:v46+s20+$0x0], $0xffff;
	v59 =	vunpack.i.l.bf16.f32 v52;
	v16 =	vadd.f32 v21, v16;
	v19 =	vadd.f32 v28, v19  }
0x211: {  	v42 =	vld [tilespmem:s15+$0xCD0];
	v17 =	vadd.f32 v24, v17;
	v24 =	vmul.f32 v49, v20;
	v20 =	vmul.f32 v23, v20  }
0x212: {  	v35 =	vld [tilespmem:s15+$0x8F0];
	v28 =	vunpack.i.u.bf16.f32 v52;
	v52 =	vunpack.i.l.bf16.f32 v40;
	v39 =	vunpack.i.l.bf16.f32 v63  }
0x213: {  	v41 =	vunpack.i.u.bf16.f32 v63;
	v16 =	vadd.f32 v25, v16;
	v58 =	vmul.f32 v56, v48  }
0x214: {  	v17 =	vadd.f32 v20, v17;
	v20 =	vmul.f32 v57, v48;
	v25 =	vmul.f32 v59, v48  }
0x215: {  	v32 =	vld.idx.msk [tilespmem:v55+s20+$0x0], $0xffff;
	v18 =	vadd.f32 v24, v18;
	v28 =	vmul.f32 v28, v48;
	v33 =	vmul.f32 v62, v54  }
0x216: {  	v19 =	vadd.f32 v26, v19;
	v23 =	vmul.f32 v36, v54;
	v56 =	vmul.f32 v53, v38  }
0x217: {  	v51 =	vld [tilespmem:s15+$0xCE0];
	v60 =	vunpack.i.u.bf16.f32 v42;
	v49 =	vunpack.i.u.bf16.f32 v35;
	v50 =	vunpack.i.l.bf16.f32 v35  }
0x218: {  	[tilespmem:s16+$0xFFFFFFE0] =	vst v8;
	v55 =	vld [tilespmem:s15+$0xCF0];
	v8 =	vmul.f32 v60, v38;
	v18 =	vadd.f32 v58, v18;
	v16 =	vadd.f32 v20, v16  }
0x219: {  	[tilespmem:s16+$0xFFFFFF80] =	vst v6;
	v19 =	vadd.f32 v25, v19;
	v20 =	vmul.f32 v34, v54;
	v25 =	vmul.f32 v37, v54  }
0x21a: {  	[tilespmem:s16+$0xFFFFFF90] =	vst v5;
	v17 =	vadd.f32 v28, v17;
	v27 =	vmul.f32 v39, v32;
	v45 =	vmul.f32 v41, v32  }
0x21b: {  	[tilespmem:s16+$0xFFFFFFB0] =	vst v3;
	v15 =	vld.idx.msk [tilespmem:v15+s20+$0x0], $0xffff;
	v3 =	vmul.f32 v50, v32;
	v6 =	vmul.f32 v49, v32;
	v54 =	vunpack.i.l.bf16.f32 v42  }
0x21c: {  	[tilespmem:s16+$0xFFFFFFA0] =	vst v4;
	v59 =	vunpack.i.l.bf16.f32 v51;
	v61 =	vunpack.i.u.bf16.f32 v51;
	v18 =	vadd.f32 v33, v18  }
0x21d: {  	[tilespmem:s16+$0xFFFFFFC0] =	vst v10;
	v62 =	vunpack.i.l.bf16.f32 v55;
	v63 =	vunpack.i.u.bf16.f32 v55;
	v43 =	vadd.f32 v20, v16  }
0x21e: {  	[tilespmem:s16+$0xFFFFFFD0] =	vst v9;
	v44 =	vadd.f32 v25, v19;
	v47 =	vadd.f32 v27, v18;
	v18 =	vmul.f32 v52, v38  }
0x21f: {  	[tilespmem:s16+$0xFFFFFFF0] =	vst v7;
	v57 =	vmul.f32 v54, v38;
	v46 =	vadd.f32 v23, v17;
	v48 =	vadd.f32 v45, v43  }
0x220: {  	[tilespmem:s16+$0x0] =	vst v12;
	v7 =	vmul.f32 v59, v15;
	v3 =	vadd.f32 v3, v44;
	v58 =	vadd.f32 v18, v47  }
0x221: {  	[tilespmem:s16+$0x10] =	vst v11;
	v9 =	vmul.f32 v61, v15;
	v5 =	vadd.f32 v6, v46;
	v4 =	vadd.f32 v56, v48  }
0x222: {  	p1 =	slt.u32 s23, $0xC;
	[tilespmem:s16+$0x20] =	vst v14;
	v10 =	vmul.f32 v62, v15;
	v3 =	vadd.f32 v57, v3;
	v6 =	vadd.f32 v7, v58  }
.Ltmp0:
0x223: {  	[tilespmem:s16+$0x30] =	vst v13;
	v5 =	vadd.f32 v8, v5;
	v4 =	vadd.f32 v9, v4;
	v7 =	vmul.f32 v63, v15;
	(pc) =	sbr.rel @p1 .LBB2_4-.Ltmp0, $4  }
0x224: {  	v3 =	vadd.f32 v10, v3;
	[tilespmem:s16+$0x40] =	vst v6  }
0x225: {  	v5 =	vadd.f32 v7, v5;
	[tilespmem:s16+$0x50] =	vst v4  }
0x226: {  	[tilespmem:s16+$0x60] =	vst v3  }
0x227: {  	s23 =	sadd.s32 $0x4, s23;
	s15 =	sadd.s32 $0x100, s15;
	[tilespmem:s16+$0x70] =	vst v5;
	s16 =	sadd.s32 $0x100, s16  }
0x228: {  	_ =	sdelay $0x3  }
0x229: {  	[spmem:s1] =	stream.indirect_vreg.scatter.add.f32 [tilespmem:s21], [sflag:$0x3], $0x40, v2, vm0, $0xb8;
	[tilespmem:$0x17F40] =	vst v63  }
0x22a: {  	p1 =	seq.s32 s12, $0x7C  }
0x22b: {  	s15 =	sshll.u32 @!p1 s12, $0x5  }
0x22c: {  	s15 =	sand.u32 @!p1 $0x3FFFFFE0, s15  }
0x22d: {  	v2 =	vld @!p1 [tilespmem:s15+$0x7550];
	_ =	sdelay $0x4  }
0x22e: {  	v2 =	vshll.u32 @!p1 v2, $0x4  }
0x22f: {  	v2 =	vor.u32 @!p1 v0, v2  }
0x230: {  	[tilespmem:$0x9840] =	vst @!p1 v2;
	v3 =	vor.u32 @!p1 $0x2, v2  }
0x231: {  	[tilespmem:$0x9850] =	vst @!p1 v3;
	v3 =	vor.u32 @!p1 $0x4, v2  }
0x232: {  	[tilespmem:$0x9860] =	vst @!p1 v3;
	v3 =	vor.u32 @!p1 $0x6, v2  }
0x233: {  	[tilespmem:$0x9870] =	vst @!p1 v3;
	v3 =	vor.u32 @!p1 $0x8, v2  }
0x234: {  	[tilespmem:$0x9880] =	vst @!p1 v3;
	v3 =	vor.u32 @!p1 $0xA, v2  }
0x235: {  	[tilespmem:$0x9890] =	vst @!p1 v3;
	v3 =	vor.u32 @!p1 $0xC, v2  }
0x236: {  	v2 =	vor.u32 @!p1 $0xE, v2;
	[tilespmem:$0x98A0] =	vst @!p1 v3  }
0x237: {  	s16 =	simm.s32 @!p1 $0x9840;
	s23 =	simm.s32 @!p1 $0x9940;
	s15 =	simm.s32 @!p1 $0x80;
	[tilespmem:$0x98B0] =	vst @!p1 v2  }
0x238: {  	[tilespmem:s23], [sflag:$0x1] =	stream.indirect.gather @!p1 [hbm4b:s3+s15], $0x40, s16, s15, $0xb8;
	[tilespmem:$0x17F40] =	vst v63  }
0x239: {  	_ =	swait.ge [sflag:s22], $0x2000  }
0x23a: {  	[sflag:s22] =	ssyncset.done $0x0  }
0x23b: {  	[sflag:s22] =	ssyncadd.s32 $0xFFFFE000  }
0x23c: {  	v3 =	vld [tilespmem:s14+$0x7530]  }
0x23d: {  	v2 =	vld [tilespmem:s14+$0x84D0];
	s14 =	simm.s32 @!p0 $0x3  }
0x23e: {  	_ =	swait.ge @!p0 [sflag:s14], $0x400  }
0x23f: {  	[sflag:s14] =	ssyncset.done @!p0 $0x0  }
0x240: {  	[sflag:s14] =	ssyncadd.s32 @!p0 $0xFFFFFC00  }
0x241: {  	v9 =	vld [tilespmem:$0x9470]  }
0x242: {  	v10 =	vld [tilespmem:$0x9560]  }
0x243: {  	s14 =	simm.s32 $0x0;
	v11 =	vld [tilespmem:$0x9650]  }
0x244: {  	v4 =	vld.idx.msk [tilespmem:v3+s14+$0x0], $0xffff  }
0x245: {  	v5 =	vld.idx.msk [tilespmem:v2+s14+$0x0], $0xffff  }
0x246: {  	v6 =	vld.idx.msk [tilespmem:v3+s18+$0x0], $0xffff  }
0x247: {  	v7 =	vld.idx.msk [tilespmem:v2+s18+$0x0], $0xffff  }
0x248: {  	v3 =	vld.idx.msk [tilespmem:v3+s19+$0x0], $0xffff  }
0x249: {  	v8 =	vld.idx.msk [tilespmem:v2+s19+$0x0], $0xffff  }
0x24a: {  	v39 =	vld [tilespmem:$0x9480]  }
0x24b: {  	v41 =	vld [tilespmem:$0x9570]  }
0x24c: {  	v43 =	vld [tilespmem:$0x9660]  }
0x24d: {  	v46 =	vld [tilespmem:$0x9490];
	v4 =	vsub.f32 v4, v5  }
0x24e: {  	v13 =	vld [tilespmem:$0x9580];
	v5 =	vsub.f32 v6, v7;
	v3 =	vsub.f32 v3, v8  }
0x24f: {  	v14 =	vld [tilespmem:$0x9670];
	v38 =	vsub.f32 v4, v9  }
0x250: {  	v55 =	vld [tilespmem:$0x94A0];
	v7 =	vsub.f32 v5, v10;
	v40 =	vsub.f32 v3, v11  }
0x251: {  	v57 =	vld [tilespmem:$0x9590];
	v44 =	vsub.f32 v4, v39;
	v45 =	vsub.f32 v5, v41  }
0x252: {  	v9 =	vsub.f32 v3, v43;
	v51 =	vsub.f32 v4, v46  }
0x253: {  	v52 =	vsub.f32 v5, v13;
	v6 =	vmul.f32 v38, v38;
	v7 =	vmul.f32 v7, v7  }
0x254: {  	v14 =	vsub.f32 v3, v14;
	v42 =	vmul.f32 v40, v40;
	v48 =	vmul.f32 v9, v9  }
0x255: {  	v58 =	vld [tilespmem:$0x9680];
	v13 =	vsub.f32 v4, v55;
	v9 =	vmul.f32 v51, v51;
	v10 =	vmul.f32 v52, v52  }
0x256: {  	v56 =	vmul.f32 v14, v14;
	v14 =	vsub.f32 v5, v57;
	v6 =	vadd.f32 v7, v6  }
0x257: {  	v8 =	vmul.f32 v45, v45;
	v7 =	vmul.f32 v44, v44;
	v9 =	vadd.f32 v10, v9  }
0x258: {  	v61 =	vmul.f32 v13, v13;
	v62 =	vmul.f32 v14, v14;
	v6 =	vadd.f32 v42, v6  }
0x259: {  	v7 =	vadd.f32 v8, v7;
	v9 =	vadd.f32 v56, v9  }
0x25a: {  	v60 =	vsub.f32 v3, v58;
	v10 =	vadd.f32 v62, v61  }
0x25b: {  	v32 =	vld [tilespmem:$0x95A0];
	v6 =	vmax.f32 v6, $9.999999960e-13;
	v7 =	vadd.f32 v48, v7;
	v18 =	vmax.f32 v9, $9.999999960e-13  }
0x25c: {  	v47 =	vshra.s32 v6, $0x1;
	v12 =	vmul.f32 $5.000000000e-01, v6;
	v9 =	vshra.s32 v18, $0x1  }
0x25d: {  	v19 =	vmul.f32 $5.000000000e-01, v18;
	v11 =	vsub.s32 $0x5F3759DF, v47;
	v7 =	vmax.f32 v7, $9.999999960e-13  }
0x25e: {  	v59 =	vsub.s32 $0x5F3759DF, v9;
	v9 =	vmul.f32 v60, v60;
	v49 =	vmul.f32 v11, v12  }
0x25f: {  	v53 =	vshra.s32 v7, $0x1;
	v15 =	vmul.f32 $5.000000000e-01, v7;
	v24 =	vmul.f32 v59, v19  }
0x260: {  	v36 =	vsub.f32 v5, v32;
	v54 =	vsub.s32 $0x5F3759DF, v53;
	v50 =	vmul.f32 v11, v49  }
0x261: {  	v29 =	vld [tilespmem:$0x94B0];
	v9 =	vadd.f32 v9, v10;
	v16 =	vmul.f32 v54, v15;
	v25 =	vmul.f32 v59, v24  }
0x262: {  	v22 =	vld [tilespmem:$0x9690];
	v14 =	vmul.f32 v36, v36;
	v8 =	vsub.f32 $1.500000000e+00, v50  }
0x263: {  	v39 =	vld [tilespmem:$0x94C0];
	v9 =	vmax.f32 v9, $9.999999960e-13;
	v16 =	vmul.f32 v54, v16;
	v27 =	vsub.f32 $1.500000000e+00, v25  }
0x264: {  	v58 =	vld [tilespmem:$0x96C0];
	v30 =	vshra.s32 v9, $0x1;
	v31 =	vmul.f32 $5.000000000e-01, v9;
	v8 =	vmul.f32 v11, v8  }
0x265: {  	v33 =	vsub.s32 $0x5F3759DF, v30;
	v16 =	vsub.f32 $1.500000000e+00, v16;
	v10 =	vmul.f32 v59, v27  }
0x266: {  	v35 =	vsub.f32 v4, v29;
	v42 =	vld [tilespmem:$0x96A0];
	v21 =	vmul.f32 v33, v31;
	v17 =	vmul.f32 v8, v12  }
0x267: {  	v38 =	vsub.f32 v3, v22;
	v49 =	vld [tilespmem:$0x95C0];
	v11 =	vmul.f32 v54, v16;
	v34 =	vmul.f32 v10, v19  }
0x268: {  	v48 =	vsub.f32 v4, v39;
	v21 =	vmul.f32 v33, v21;
	v17 =	vmul.f32 v17, v8  }
0x269: {  	v40 =	vld [tilespmem:$0x95B0];
	v30 =	vsub.f32 v3, v58;
	v20 =	vmul.f32 v11, v15;
	v16 =	vmul.f32 v34, v10  }
0x26a: {  	v41 =	vmul.f32 v38, v38;
	v24 =	vld [tilespmem:$0x96B0];
	v37 =	vsub.f32 $1.500000000e+00, v21;
	v63 =	vsub.f32 $1.500000000e+00, v17  }
0x26b: {  	v53 =	vld [tilespmem:$0x94E0];
	v21 =	vsub.f32 v3, v42;
	v26 =	vmul.f32 v20, v11;
	v16 =	vsub.f32 $1.500000000e+00, v16  }
0x26c: {  	v56 =	vld [tilespmem:$0x95D0];
	v55 =	vsub.f32 v5, v49;
	v13 =	vmul.f32 v33, v37;
	v8 =	vmul.f32 v63, v8  }
0x26d: {  	v47 =	vld [tilespmem:$0x94D0];
	v52 =	vmul.f32 v21, v21;
	v28 =	vsub.f32 $1.500000000e+00, v26;
	v10 =	vmul.f32 v16, v10  }
0x26e: {  	v27 =	vld [tilespmem:$0x95E0];
	v20 =	vmul.f32 v13, v31;
	v16 =	vsub.f32 v5, v40;
	v12 =	vmul.f32 v8, v12  }
0x26f: {  	v57 =	vsub.f32 v3, v24;
	v11 =	vmul.f32 v28, v11;
	v19 =	vmul.f32 v10, v19  }
0x270: {  	v21 =	vsub.f32 v4, v53;
	v33 =	vld [tilespmem:$0x94F0];
	v46 =	vmul.f32 v20, v13;
	v16 =	vmul.f32 v16, v16  }
0x271: {  	v20 =	vsub.f32 v5, v56;
	v12 =	vmul.f32 v12, v8;
	v15 =	vmul.f32 v11, v15  }
0x272: {  	v54 =	vsub.f32 v4, v47;
	v45 =	vmul.f32 v19, v10;
	v19 =	vmul.f32 v48, v48  }
0x273: {  	v27 =	vsub.f32 v5, v27;
	v21 =	vmul.f32 v21, v21;
	v20 =	vmul.f32 v20, v20  }
0x274: {  	v12 =	vsub.f32 $1.500000000e+00, v12;
	v15 =	vmul.f32 v15, v11;
	v16 =	vadd.f32 v16, v19  }
0x275: {  	v61 =	vmul.f32 v57, v57;
	v32 =	vadd.f32 v20, v21;
	v20 =	vsub.f32 v4, v33  }
0x276: {  	v8 =	vmul.f32 v12, v8;
	v12 =	vmul.f32 v35, v35;
	v15 =	vsub.f32 $1.500000000e+00, v15  }
0x277: {  	v27 =	vmul.f32 v27, v27;
	v16 =	vadd.f32 v52, v16;
	v20 =	vmul.f32 v20, v20  }
0x278: {  	v12 =	vadd.f32 v14, v12;
	v6 =	vmul.f32 v8, v6;
	v43 =	vmul.f32 v15, v11  }
0x279: {  	v14 =	vsub.f32 $1.500000000e+00, v46;
	v8 =	vmul.f32 v54, v54;
	v16 =	vmax.f32 v16, $9.999999960e-13  }
0x27a: {  	v15 =	vmul.f32 v55, v55;
	v62 =	vshra.s32 v16, $0x1;
	v63 =	vmul.f32 $5.000000000e-01, v16  }
0x27b: {  	v44 =	vadd.f32 v41, v12;
	v12 =	vsub.f32 $1.500000000e+00, v45;
	v13 =	vmul.f32 v14, v13  }
0x27c: {  	v7 =	vmul.f32 v43, v7;
	v8 =	vadd.f32 v15, v8;
	v19 =	vsub.s32 $0x5F3759DF, v62  }
0x27d: {  	v37 =	vld [tilespmem:$0x96D0];
	v15 =	vmul.f32 v30, v30;
	v6 =	vmul.f32 $8.333333130e-01, v6;
	v11 =	vmax.f32 v44, $9.999999960e-13  }
0x27e: {  	v17 =	vmul.f32 v13, v31;
	v10 =	vmul.f32 v12, v10;
	v8 =	vadd.f32 v61, v8  }
0x27f: {  	v31 =	vmul.f32 v19, v63;
	v15 =	vadd.f32 v15, v32;
	v50 =	vshra.s32 v11, $0x1  }
0x280: {  	v7 =	vmul.f32 $8.333333130e-01, v7;
	v23 =	vmul.f32 $5.000000000e-01, v11;
	v51 =	vsub.s32 $0x5F3759DF, v50  }
0x281: {  	v59 =	vmul.f32 v17, v13;
	v24 =	vmax.f32 v8, $9.999999960e-13;
	v17 =	vmul.f32 v19, v31  }
0x282: {  	v8 =	vmul.f32 v10, v18;
	v15 =	vmax.f32 v15, $9.999999960e-13;
	v18 =	vsub.f32 v3, v37  }
0x283: {  	v22 =	vmul.f32 v51, v23;
	v25 =	vshra.s32 v24, $0x1;
	v26 =	vmul.f32 $5.000000000e-01, v24  }
0x284: {  	v28 =	vshra.s32 v15, $0x1;
	v29 =	vmul.f32 $5.000000000e-01, v15;
	v25 =	vsub.s32 $0x5F3759DF, v25  }
0x285: {  	v35 =	vsub.f32 $1.500000000e+00, v59;
	v17 =	vsub.f32 $1.500000000e+00, v17;
	v18 =	vmul.f32 v18, v18  }
0x286: {  	v28 =	vsub.s32 $0x5F3759DF, v28;
	v8 =	vmul.f32 $8.333333130e-01, v8;
	v22 =	vmul.f32 v51, v22  }
0x287: {  	v20 =	vadd.f32 v27, v20;
	v36 =	vmul.f32 v25, v26;
	v38 =	vmul.f32 v28, v29  }
0x288: {  	v17 =	vmul.f32 v19, v17;
	v10 =	vmul.f32 v35, v13  }
0x289: {  	v18 =	vadd.f32 v18, v20;
	v60 =	vsub.f32 $1.500000000e+00, v22;
	v12 =	vmul.f32 v25, v36  }
0x28a: {  	v6 =	vsub.f32 $1.000000000e+00, v6;
	v19 =	vmul.f32 v28, v38;
	v30 =	vmul.f32 v17, v63  }
0x28b: {  	v50 =	vld [tilespmem:$0x95F0];
	v18 =	vmax.f32 v18, $9.999999960e-13;
	v9 =	vmul.f32 v10, v9;
	v14 =	vmul.f32 v51, v60  }
0x28c: {  	v12 =	vsub.f32 $1.500000000e+00, v12;
	v40 =	vsub.f32 $1.500000000e+00, v19;
	v41 =	vmul.f32 v30, v17  }
0x28d: {  	v45 =	vshra.s32 v18, $0x1;
	v46 =	vmul.f32 $5.000000000e-01, v18;
	v34 =	vmul.f32 v14, v23  }
0x28e: {  	v49 =	vld [tilespmem:$0x9500];
	v48 =	vsub.s32 $0x5F3759DF, v45;
	v12 =	vmul.f32 v25, v12;
	v19 =	vsub.f32 $1.500000000e+00, v41  }
0x28f: {  	v54 =	vld [tilespmem:$0x96E0];
	v7 =	vsub.f32 $1.000000000e+00, v7;
	v25 =	vmul.f32 v48, v46;
	v21 =	vmul.f32 v34, v14  }
0x290: {  	v61 =	vld [tilespmem:$0x9600];
	v60 =	vsub.f32 v5, v50;
	v9 =	vmul.f32 $8.333333130e-01, v9;
	v17 =	vmul.f32 v19, v17  }
0x291: {  	v42 =	vmul.f32 v12, v26;
	v25 =	vmul.f32 v48, v25;
	v21 =	vsub.f32 $1.500000000e+00, v21  }
0x292: {  	v6 =	vmax.f32 v6, $0.0e+00;
	v19 =	vmul.f32 v60, v60;
	v22 =	vmul.f32 v17, v63  }
0x293: {  	v59 =	vsub.f32 v4, v49;
	v39 =	vmul.f32 v21, v14;
	v14 =	vmul.f32 v28, v40  }
0x294: {  	v53 =	vsub.f32 $1.500000000e+00, v25;
	v25 =	vsub.f32 v3, v54;
	v63 =	vld [tilespmem:$0x96F0];
	v21 =	vmul.f32 v42, v12  }
0x295: {  	v35 =	vsub.f32 v5, v61;
	v22 =	vmul.f32 v22, v17;
	v44 =	vmul.f32 v14, v29  }
0x296: {  	v58 =	vld [tilespmem:$0x9510];
	v25 =	vmul.f32 v25, v25;
	v43 =	vmul.f32 v39, v23;
	v47 =	vsub.f32 $1.500000000e+00, v21  }
0x297: {  	v38 =	vld [tilespmem:$0x9520];
	v21 =	vmul.f32 v48, v53;
	v56 =	vsub.f32 $1.500000000e+00, v22;
	v23 =	vmul.f32 v44, v14  }
0x298: {  	v8 =	vsub.f32 $1.000000000e+00, v8;
	v50 =	vld [tilespmem:$0x9710];
	v20 =	vmul.f32 v43, v39;
	v12 =	vmul.f32 v47, v12  }
0x299: {  	v62 =	vmul.f32 v21, v46;
	v37 =	vsub.f32 v3, v63;
	v44 =	vld [tilespmem:$0x9530];
	v17 =	vmul.f32 v56, v17  }
0x29a: {  	v23 =	vsub.f32 $1.500000000e+00, v23;
	v51 =	vsub.f32 $1.500000000e+00, v20;
	v52 =	vmul.f32 v12, v26  }
0x29b: {  	v34 =	vsub.f32 v4, v58;
	v63 =	vld [tilespmem:$0x9720];
	v33 =	vmul.f32 v62, v21;
	v40 =	vmul.f32 v37, v37  }
0x29c: {  	v48 =	vsub.f32 v4, v38;
	v56 =	vld [tilespmem:$0x9540];
	v14 =	vmul.f32 v23, v14;
	v10 =	vmul.f32 v51, v39  }
0x29d: {  	v55 =	vmul.f32 v52, v12;
	v36 =	vsub.f32 $1.500000000e+00, v33;
	v52 =	vsub.f32 v3, v50  }
0x29e: {  	v39 =	vld [tilespmem:$0x9610];
	v27 =	vsub.f32 v4, v44;
	v57 =	vmul.f32 v14, v29;
	v10 =	vmul.f32 v10, v11  }
0x29f: {  	v13 =	vsub.f32 $1.500000000e+00, v55;
	v11 =	vmul.f32 v59, v59;
	v21 =	vmul.f32 v36, v21  }
0x2a0: {  	v47 =	vld [tilespmem:$0x9620];
	v37 =	vsub.f32 v3, v63;
	v53 =	vmul.f32 v27, v27;
	v22 =	vmul.f32 v57, v14  }
0x2a1: {  	v59 =	vld [tilespmem:$0x9550];
	v27 =	vsub.f32 v4, v56;
	v13 =	vmul.f32 v13, v12;
	v12 =	vmul.f32 v17, v16  }
0x2a2: {  	v19 =	vadd.f32 v19, v11;
	v16 =	vmul.f32 v34, v34;
	v17 =	vmul.f32 v35, v35  }
0x2a3: {  	v41 =	vld [tilespmem:$0x9700];
	v42 =	vmul.f32 v21, v46;
	v10 =	vmul.f32 $8.333333130e-01, v10;
	v49 =	vsub.f32 v5, v39  }
0x2a4: {  	v57 =	vld [tilespmem:$0x9630];
	v38 =	vmul.f32 v27, v27;
	v32 =	vsub.f32 $1.500000000e+00, v22;
	v11 =	vmul.f32 v13, v24  }
0x2a5: {  	v60 =	vld [tilespmem:$0x9640];
	v19 =	vadd.f32 v25, v19;
	v16 =	vadd.f32 v17, v16;
	v22 =	vmul.f32 v42, v21  }
0x2a6: {  	v17 =	vsub.f32 v5, v47;
	v23 =	vmul.f32 v49, v49;
	v4 =	vsub.f32 v4, v59  }
0x2a7: {  	v20 =	vmul.f32 v32, v14;
	v14 =	vmax.f32 v19, $9.999999960e-13;
	v46 =	vadd.f32 v40, v16  }
0x2a8: {  	v22 =	vsub.f32 $1.500000000e+00, v22;
	v19 =	vsub.f32 v3, v41;
	v17 =	vmul.f32 v17, v17  }
0x2a9: {  	v43 =	vshra.s32 v14, $0x1;
	v26 =	vmul.f32 $5.000000000e-01, v14;
	v24 =	vsub.f32 v5, v57  }
0x2aa: {  	v5 =	vsub.f32 v5, v60;
	v4 =	vmul.f32 v4, v4;
	v13 =	vmul.f32 v20, v15  }
0x2ab: {  	v32 =	vld [tilespmem:$0x9730];
	v45 =	vsub.s32 $0x5F3759DF, v43;
	v16 =	vmax.f32 v46, $9.999999960e-13;
	v15 =	vmul.f32 v48, v48  }
0x2ac: {  	v19 =	vmul.f32 v19, v19;
	v21 =	vmul.f32 v22, v21;
	v17 =	vadd.f32 v17, v53  }
0x2ad: {  	v25 =	vmul.f32 v45, v26;
	v51 =	vshra.s32 v16, $0x1;
	v29 =	vmul.f32 $5.000000000e-01, v16  }
0x2ae: {  	v24 =	vmul.f32 v24, v24;
	v5 =	vmul.f32 v5, v5;
	v28 =	vsub.s32 $0x5F3759DF, v51  }
0x2af: {  	v15 =	vadd.f32 v23, v15;
	v23 =	vmul.f32 v52, v52;
	v25 =	vmul.f32 v45, v25  }
0x2b0: {  	v55 =	vmul.f32 v28, v29;
	v3 =	vsub.f32 v3, v32;
	v22 =	vadd.f32 v24, v38  }
0x2b1: {  	v4 =	vadd.f32 v5, v4;
	v38 =	vmul.f32 $8.333333130e-01, v12;
	v19 =	vadd.f32 v19, v15  }
0x2b2: {  	v15 =	vmul.f32 v21, v18;
	v17 =	vadd.f32 v23, v17;
	v21 =	vmul.f32 v37, v37  }
0x2b3: {  	v54 =	vsub.f32 $1.500000000e+00, v25;
	v58 =	vmul.f32 v28, v55;
	v3 =	vmul.f32 v3, v3  }
0x2b4: {  	v19 =	vmax.f32 v19, $9.999999960e-13;
	v17 =	vmax.f32 v17, $9.999999960e-13;
	v21 =	vadd.f32 v21, v22  }
0x2b5: {  	v20 =	vmul.f32 v45, v54;
	v18 =	vsub.f32 $1.500000000e+00, v58;
	v61 =	vshra.s32 v19, $0x1  }
0x2b6: {  	v62 =	vmul.f32 $5.000000000e-01, v19;
	v33 =	vshra.s32 v17, $0x1;
	v34 =	vmul.f32 $5.000000000e-01, v17  }
0x2b7: {  	v3 =	vadd.f32 v3, v4;
	v23 =	vsub.s32 $0x5F3759DF, v61;
	v33 =	vsub.s32 $0x5F3759DF, v33  }
0x2b8: {  	v21 =	vmax.f32 v21, $9.999999960e-13;
	v31 =	vmul.f32 v20, v26;
	v18 =	vmul.f32 v28, v18  }
0x2b9: {  	v36 =	vmul.f32 v23, v62;
	v39 =	vmul.f32 v33, v34;
	v3 =	vmax.f32 v3, $9.999999960e-13  }
0x2ba: {  	v37 =	vsub.f32 $1.000000000e+00, v9;
	v46 =	vmul.f32 $5.000000000e-01, v21;
	v48 =	vmul.f32 $5.000000000e-01, v3  }
0x2bb: {  	v45 =	vshra.s32 v21, $0x1;
	v40 =	vmul.f32 v18, v29;
	v41 =	vmul.f32 v23, v36  }
0x2bc: {  	v47 =	vshra.s32 v3, $0x1;
	v27 =	vmul.f32 v33, v39;
	v42 =	vmul.f32 v31, v20  }
0x2bd: {  	v30 =	vsub.s32 $0x5F3759DF, v47;
	v36 =	vmax.f32 v7, $0.0e+00;
	v47 =	vmul.f32 $8.333333130e-01, v15  }
0x2be: {  	v50 =	vmul.f32 v30, v48;
	v24 =	vmul.f32 v40, v18;
	v43 =	vsub.f32 $1.500000000e+00, v41  }
0x2bf: {  	v44 =	vsub.f32 $1.500000000e+00, v27;
	v27 =	vsub.s32 $0x5F3759DF, v45;
	v41 =	vmul.f32 $8.333333130e-01, v11  }
0x2c0: {  	v22 =	vsub.f32 $1.500000000e+00, v42;
	v49 =	vmul.f32 v27, v46;
	v32 =	vmul.f32 v30, v50  }
0x2c1: {  	v39 =	vmax.f32 v8, $0.0e+00;
	v4 =	vmul.f32 v23, v43;
	v5 =	vmul.f32 v33, v44  }
0x2c2: {  	v24 =	vsub.f32 $1.500000000e+00, v24;
	v20 =	vmul.f32 v22, v20;
	v44 =	vmul.f32 $8.333333130e-01, v13  }
0x2c3: {  	v23 =	vmul.f32 v27, v49;
	v32 =	vsub.f32 $1.500000000e+00, v32;
	v51 =	vmul.f32 v4, v62  }
0x2c4: {  	v40 =	vsub.f32 $1.000000000e+00, v10;
	v35 =	vmul.f32 v5, v34;
	v18 =	vmul.f32 v24, v18  }
0x2c5: {  	v26 =	vmul.f32 v20, v26;
	v23 =	vsub.f32 $1.500000000e+00, v23;
	v54 =	vmul.f32 v30, v32  }
0x2c6: {  	v42 =	vmax.f32 v37, $0.0e+00;
	v33 =	vmul.f32 v51, v4;
	v35 =	vmul.f32 v35, v5  }
0x2c7: {  	v43 =	vsub.f32 $1.000000000e+00, v38;
	v29 =	vmul.f32 v18, v29;
	v52 =	vmul.f32 v27, v23  }
0x2c8: {  	v26 =	vmul.f32 v26, v20;
	v57 =	vmul.f32 v54, v48;
	v53 =	vsub.f32 $1.500000000e+00, v33  }
0x2c9: {  	v55 =	vsub.f32 $1.500000000e+00, v35;
	v29 =	vmul.f32 v29, v18;
	v56 =	vmul.f32 v52, v46  }
0x2ca: {  	v59 =	vsub.f32 $1.500000000e+00, v26;
	v27 =	vmul.f32 v57, v54;
	v4 =	vmul.f32 v53, v4  }
0x2cb: {  	v5 =	vmul.f32 v55, v5;
	v60 =	vsub.f32 $1.500000000e+00, v29;
	v23 =	vmul.f32 v56, v52  }
0x2cc: {  	v20 =	vmul.f32 v59, v20;
	v27 =	vsub.f32 $1.500000000e+00, v27;
	v25 =	vmul.f32 v4, v62  }
0x2cd: {  	v58 =	vmul.f32 v5, v34;
	v18 =	vmul.f32 v60, v18;
	v23 =	vsub.f32 $1.500000000e+00, v23  }
0x2ce: {  	v49 =	vsub.f32 $1.000000000e+00, v44;
	v14 =	vmul.f32 v20, v14;
	v24 =	vmul.f32 v27, v54  }
0x2cf: {  	v45 =	vmax.f32 v40, $0.0e+00;
	v25 =	vmul.f32 v25, v4;
	v22 =	vmul.f32 v23, v52  }
0x2d0: {  	v54 =	vmax.f32 v49, $0.0e+00;
	v61 =	vmul.f32 v58, v5;
	v31 =	vmul.f32 v24, v48  }
0x2d1: {  	v16 =	vmul.f32 v18, v16;
	v62 =	vsub.f32 $1.500000000e+00, v25;
	v63 =	vmul.f32 v22, v46  }
0x2d2: {  	[tilespmem:$0x9740] =	vst v6;
	v50 =	vmul.f32 $8.333333130e-01, v14;
	v30 =	vsub.f32 $1.500000000e+00, v61;
	v33 =	vmul.f32 v31, v24  }
0x2d3: {  	[tilespmem:$0x9750] =	vst v36;
	v48 =	vmax.f32 v43, $0.0e+00;
	v4 =	vmul.f32 v62, v4;
	v32 =	vmul.f32 v63, v22  }
0x2d4: {  	[tilespmem:$0x9760] =	vst v39;
	v52 =	vsub.f32 $1.000000000e+00, v47;
	v5 =	vmul.f32 v30, v5;
	v35 =	vsub.f32 $1.500000000e+00, v33  }
0x2d5: {  	[tilespmem:$0x9770] =	vst v42;
	v53 =	vmul.f32 $8.333333130e-01, v16;
	v4 =	vmul.f32 v4, v19;
	v34 =	vsub.f32 $1.500000000e+00, v32  }
0x2d6: {  	[tilespmem:$0x9780] =	vst v45;
	v55 =	vsub.f32 $1.000000000e+00, v50;
	v5 =	vmul.f32 v5, v17;
	v17 =	vmul.f32 v35, v24  }
0x2d7: {  	[tilespmem:$0x97B0] =	vst v54;
	v46 =	vsub.f32 $1.000000000e+00, v41;
	v56 =	vmax.f32 v52, $0.0e+00;
	v18 =	vmul.f32 v34, v22  }
0x2d8: {  	[tilespmem:$0x9790] =	vst v48;
	v57 =	vsub.f32 $1.000000000e+00, v53;
	v4 =	vmul.f32 $8.333333130e-01, v4;
	v3 =	vmul.f32 v17, v3  }
0x2d9: {  	[tilespmem:$0x97C0] =	vst v56;
	v58 =	vmax.f32 v55, $0.0e+00;
	v5 =	vmul.f32 $8.333333130e-01, v5;
	v18 =	vmul.f32 v18, v21  }
0x2da: {  	v51 =	vmax.f32 v46, $0.0e+00;
	[tilespmem:$0x97D0] =	vst v58;
	v4 =	vsub.f32 $1.000000000e+00, v4;
	v3 =	vmul.f32 $8.333333130e-01, v3  }
0x2db: {  	[tilespmem:$0x97A0] =	vst v51;
	v60 =	vmax.f32 v57, $0.0e+00;
	v5 =	vsub.f32 $1.000000000e+00, v5;
	v59 =	vmul.f32 $8.333333130e-01, v18  }
0x2dc: {  	[tilespmem:$0x97E0] =	vst v60;
	v4 =	vmax.f32 v4, $0.0e+00;
	v3 =	vsub.f32 $1.000000000e+00, v3  }
0x2dd: {  	v62 =	vmax.f32 v5, $0.0e+00;
	[tilespmem:$0x97F0] =	vst v4;
	v61 =	vsub.f32 $1.000000000e+00, v59  }
0x2de: {  	[tilespmem:$0x9800] =	vst v62;
	v3 =	vmax.f32 v3, $0.0e+00  }
0x2df: {  	[tilespmem:$0x9820] =	vst v3;
	v63 =	vmax.f32 v61, $0.0e+00  }
0x2e0: {  	s15 =	simm.s32 $0xD630;
	s16 =	simm.s32 $0xDE30;
	[tilespmem:$0x9810] =	vst v63  }
.LBB2_6:
0x2e1: {  	v6 =	vld [tilespmem:s15+$0xFFFFE310]  }
0x2e2: {  	v7 =	vld [tilespmem:s15+$0xFFFFE320]  }
0x2e3: {  	v9 =	vld [tilespmem:s15+$0xFFFFE330]  }
0x2e4: {  	v12 =	vld [tilespmem:s15+$0xFFFFE340]  }
0x2e5: {  	v14 =	vld [tilespmem:s15+$0xFFFFE710]  }
0x2e6: {  	v15 =	vld [tilespmem:s15+$0xFFFFE720]  }
0x2e7: {  	v56 =	vld [tilespmem:s15+$0xFFFFE730]  }
0x2e8: {  	v61 =	vld [tilespmem:s15+$0xFFFFE740]  }
0x2e9: {  	v17 =	vld [tilespmem:s15+$0xFFFFEB10]  }
0x2ea: {  	v24 =	vld [tilespmem:s15+$0xFFFFEB20]  }
0x2eb: {  	v3 =	vmov s14;
	v19 =	vld [tilespmem:s15+$0xFFFFEB30]  }
0x2ec: {  	v29 =	vld [tilespmem:s15+$0xFFFFEB40];
	v5 =	vor.u32 $0x10, v3  }
0x2ed: {  	v34 =	vld [tilespmem:s15+$0xFFFFEF10];
	v8 =	vor.u32 $0x20, v3;
	v13 =	vor.u32 $0x30, v3;
	v55 =	vor.u32 $0x40, v3  }
0x2ee: {  	v36 =	vld [tilespmem:s15+$0xFFFFEF20];
	v63 =	vor.u32 $0x50, v3;
	v25 =	vor.u32 $0x60, v3;
	v32 =	vor.u32 $0x70, v3  }
0x2ef: {  	v48 =	vld [tilespmem:s15+$0xFFFFEF40];
	v45 =	vor.u32 $0x80, v3;
	v51 =	vor.u32 $0x90, v3;
	v10 =	vunpack.i.u.bf16.f32 v6  }
0x2f0: {  	v4 =	vld.idx.msk [tilespmem:v3+s20+$0x0], $0xffff;
	v6 =	vunpack.i.l.bf16.f32 v6;
	v11 =	vunpack.i.l.bf16.f32 v7;
	v7 =	vunpack.i.u.bf16.f32 v7  }
0x2f1: {  	v54 =	vunpack.i.l.bf16.f32 v9;
	v20 =	vunpack.i.l.bf16.f32 v56;
	v21 =	vunpack.i.u.bf16.f32 v56;
	v56 =	vld [tilespmem:s15+$0xFFFFF320]  }
0x2f2: {  	v9 =	vunpack.i.u.bf16.f32 v9;
	v16 =	vunpack.i.u.bf16.f32 v12;
	v12 =	vunpack.i.l.bf16.f32 v12;
	v5 =	vld.idx.msk [tilespmem:v5+s20+$0x0], $0xffff  }
0x2f3: {  	v58 =	vunpack.i.l.bf16.f32 v14;
	v59 =	vunpack.i.u.bf16.f32 v14;
	v60 =	vunpack.i.l.bf16.f32 v15;
	v52 =	vld.idx.msk [tilespmem:v8+s20+$0x0], $0xffff  }
0x2f4: {  	v15 =	vunpack.i.u.bf16.f32 v15;
	v23 =	vunpack.i.l.bf16.f32 v61;
	v14 =	vunpack.i.u.bf16.f32 v61;
	v57 =	vld.idx.msk [tilespmem:v13+s20+$0x0], $0xffff  }
0x2f5: {  	v18 =	vunpack.i.l.bf16.f32 v17;
	v28 =	vunpack.i.u.bf16.f32 v17;
	v30 =	vunpack.i.l.bf16.f32 v24;
	v62 =	vld.idx.msk [tilespmem:v55+s20+$0x0], $0xffff  }
0x2f6: {  	v33 =	vunpack.i.l.bf16.f32 v19;
	v35 =	vunpack.i.u.bf16.f32 v19;
	v26 =	vld.idx.msk [tilespmem:v63+s20+$0x0], $0xffff;
	v6 =	vmul.f32 v6, v4  }
0x2f7: {  	v39 =	vunpack.i.l.bf16.f32 v29;
	v31 =	vld.idx.msk [tilespmem:v25+s20+$0x0], $0xffff;
	v10 =	vmul.f32 v10, v4;
	v11 =	vmul.f32 v11, v4  }
0x2f8: {  	v40 =	vunpack.i.u.bf16.f32 v29;
	v42 =	vld.idx.msk [tilespmem:v32+s20+$0x0], $0xffff;
	v4 =	vmul.f32 v7, v4;
	v9 =	vmul.f32 v9, v5  }
0x2f9: {  	v43 =	vunpack.i.l.bf16.f32 v34;
	v63 =	vld [tilespmem:s15+$0xFFFFF340];
	v12 =	vmul.f32 v12, v5;
	v13 =	vmul.f32 v60, v52  }
0x2fa: {  	v46 =	vunpack.i.u.bf16.f32 v34;
	v7 =	vmul.f32 v15, v52;
	v22 =	vmul.f32 v20, v57  }
0x2fb: {  	v47 =	vunpack.i.l.bf16.f32 v36;
	v27 =	vmul.f32 v18, v62;
	v38 =	vmul.f32 v35, v26  }
0x2fc: {  	v55 =	vunpack.i.l.bf16.f32 v48;
	v41 =	vmul.f32 v39, v26;
	v49 =	vmul.f32 v46, v31  }
0x2fd: {  	v44 =	vld [tilespmem:s15+$0xFFFFEF30];
	v29 =	vor.u32 $0xC0, v3;
	v50 =	vmul.f32 v47, v31;
	v15 =	vmul.f32 v55, v42  }
0x2fe: {  	v60 =	vor.u32 $0xA0, v3;
	v20 =	vunpack.i.u.bf16.f32 v56;
	v25 =	vunpack.i.l.bf16.f32 v63  }
0x2ff: {  	v6 =	vadd.f32 $0.0e+00, v6;
	v53 =	vadd.f32 $0.0e+00, v11;
	v11 =	vmul.f32 v54, v5  }
0x300: {  	v35 =	vor.u32 $0xD0, v3;
	v10 =	vadd.f32 $0.0e+00, v10;
	v4 =	vadd.f32 $0.0e+00, v4  }
0x301: {  	v5 =	vmul.f32 v16, v5;
	v16 =	vmul.f32 v33, v26;
	v6 =	vadd.f32 v11, v6  }
0x302: {  	v54 =	vunpack.i.u.bf16.f32 v44;
	v9 =	vadd.f32 v9, v10;
	v8 =	vadd.f32 v12, v53  }
0x303: {  	v46 =	vld [tilespmem:s15+$0xFFFFFB30];
	v4 =	vadd.f32 v5, v4;
	v11 =	vmul.f32 v58, v52;
	v12 =	vmul.f32 v59, v52  }
0x304: {  	v5 =	vmul.f32 v14, v57;
	v10 =	vmul.f32 v43, v31;
	v52 =	vunpack.i.u.bf16.f32 v36  }
0x305: {  	v14 =	vmul.f32 v54, v42;
	v6 =	vadd.f32 v11, v6;
	v9 =	vadd.f32 v12, v9  }
0x306: {  	v53 =	vld [tilespmem:s15+$0xFFFFF310];
	v8 =	vadd.f32 v13, v8;
	v4 =	vadd.f32 v7, v4;
	v7 =	vmul.f32 v21, v57  }
0x307: {  	v59 =	vld [tilespmem:s15+$0xFFFFF330];
	v12 =	vmul.f32 v23, v57;
	v13 =	vunpack.i.u.bf16.f32 v24;
	v57 =	vunpack.i.u.bf16.f32 v48  }
0x308: {  	v21 =	vor.u32 $0xB0, v3;
	v54 =	vunpack.i.l.bf16.f32 v46;
	v6 =	vadd.f32 v22, v6  }
0x309: {  	v34 =	vld [tilespmem:s15+$0xFFFFF740];
	v11 =	vmul.f32 v13, v62;
	v7 =	vadd.f32 v7, v9;
	v8 =	vadd.f32 v12, v8  }
0x30a: {  	v24 =	vld.idx.msk [tilespmem:v60+s20+$0x0], $0xffff;
	v4 =	vadd.f32 v5, v4;
	v5 =	vmul.f32 v28, v62;
	v12 =	vmul.f32 v30, v62  }
0x30b: {  	v60 =	vld [tilespmem:s15+$0xFFFFFF30];
	v9 =	vmul.f32 v52, v31;
	v58 =	vunpack.i.l.bf16.f32 v53;
	v61 =	vunpack.i.u.bf16.f32 v53  }
0x30c: {  	v13 =	vld.idx.msk [tilespmem:v45+s20+$0x0], $0xffff;
	v23 =	vunpack.i.l.bf16.f32 v59;
	v6 =	vadd.f32 v27, v6;
	v5 =	vadd.f32 v5, v7  }
0x30d: {  	v22 =	vld [tilespmem:s15+$0xFFFFF710];
	v37 =	vadd.f32 v12, v8;
	v4 =	vadd.f32 v11, v4;
	v8 =	vmul.f32 v40, v26  }
0x30e: {  	v48 =	vld [tilespmem:s15+$0xFFFFFB40];
	v12 =	vunpack.i.l.bf16.f32 v44;
	v11 =	vunpack.i.u.bf16.f32 v63;
	v44 =	vor.u32 $0xE0, v3  }
0x30f: {  	v26 =	vld [tilespmem:s15+$0xFFFFF720];
	v3 =	vor.u32 $0xF0, v3;
	v12 =	vmul.f32 v12, v42;
	v6 =	vadd.f32 v16, v6  }
0x310: {  	v28 =	vld.idx.msk [tilespmem:v21+s20+$0x0], $0xffff;
	v21 =	vunpack.i.l.bf16.f32 v60;
	v5 =	vadd.f32 v38, v5;
	v7 =	vadd.f32 v41, v37  }
0x311: {  	v27 =	vld [tilespmem:s15+$0xFFFFF730];
	v4 =	vadd.f32 v8, v4;
	v62 =	vmul.f32 v58, v13;
	v16 =	vunpack.i.l.bf16.f32 v56  }
0x312: {  	v63 =	vld [tilespmem:s15+$0xFFFFFF40];
	v56 =	vunpack.i.u.bf16.f32 v46;
	v16 =	vmul.f32 v16, v13;
	v30 =	vunpack.i.l.bf16.f32 v22  }
0x313: {  	v31 =	vunpack.i.u.bf16.f32 v22;
	v6 =	vadd.f32 v10, v6;
	v5 =	vadd.f32 v49, v5  }
0x314: {  	v43 =	vld.idx.msk [tilespmem:v35+s20+$0x0], $0xffff;
	v7 =	vadd.f32 v50, v7;
	v4 =	vadd.f32 v9, v4;
	v9 =	vmul.f32 v57, v42  }
0x315: {  	v8 =	vld.idx.msk [tilespmem:v51+s20+$0x0], $0xffff;
	v32 =	vmul.f32 v30, v24;
	v42 =	vunpack.i.l.bf16.f32 v34;
	v57 =	vunpack.i.l.bf16.f32 v48  }
0x316: {  	v55 =	vld [tilespmem:s15+$0xFFFFFF10];
	v33 =	vunpack.i.l.bf16.f32 v26;
	v36 =	vunpack.i.l.bf16.f32 v27;
	v40 =	vunpack.i.u.bf16.f32 v27  }
0x317: {  	v37 =	vld [tilespmem:s15+$0xFFFFFB10];
	v27 =	vunpack.i.u.bf16.f32 v63;
	v6 =	vadd.f32 v12, v6;
	v5 =	vadd.f32 v14, v5  }
0x318: {  	v41 =	vld [tilespmem:s15+$0xFFFFFB20];
	v7 =	vadd.f32 v15, v7;
	v4 =	vadd.f32 v9, v4;
	v9 =	vmul.f32 v61, v13  }
0x319: {  	v58 =	vld [tilespmem:s15+$0xFFFFFF20];
	v13 =	vmul.f32 v20, v13;
	v12 =	vunpack.i.u.bf16.f32 v59;
	v39 =	vmul.f32 v36, v28  }
0x31a: {  	v15 =	vmul.f32 v57, v43;
	v59 =	vunpack.i.u.bf16.f32 v48;
	v10 =	vmul.f32 v23, v8  }
0x31b: {  	v61 =	vunpack.i.u.bf16.f32 v55;
	v12 =	vmul.f32 v12, v8;
	v14 =	vmul.f32 v25, v8  }
0x31c: {  	v8 =	vmul.f32 v11, v8;
	v45 =	vunpack.i.l.bf16.f32 v37;
	v47 =	vunpack.i.u.bf16.f32 v37  }
0x31d: {  	v53 =	vld.idx.msk [tilespmem:v44+s20+$0x0], $0xffff;
	v50 =	vunpack.i.l.bf16.f32 v41;
	v51 =	vunpack.i.u.bf16.f32 v41;
	v6 =	vadd.f32 v62, v6  }
0x31e: {  	v3 =	vld.idx.msk [tilespmem:v3+s20+$0x0], $0xffff;
	v19 =	vunpack.i.u.bf16.f32 v58;
	v5 =	vadd.f32 v9, v5;
	v7 =	vadd.f32 v16, v7  }
0x31f: {  	v44 =	vld [tilespmem:s15+$0xFFFFE780];
	v4 =	vadd.f32 v13, v4;
	v16 =	vunpack.i.u.bf16.f32 v26;
	v62 =	vunpack.i.l.bf16.f32 v58  }
0x320: {  	v38 =	vmul.f32 v16, v24;
	v6 =	vadd.f32 v10, v6;
	v5 =	vadd.f32 v12, v5  }
0x321: {  	v11 =	vld.idx.msk [tilespmem:v29+s20+$0x0], $0xffff;
	v7 =	vadd.f32 v14, v7;
	v4 =	vadd.f32 v8, v4;
	v8 =	vmul.f32 v31, v24  }
0x322: {  	v23 =	vld [tilespmem:s15+$0xFFFFE350];
	v12 =	vmul.f32 v33, v24;
	v14 =	vunpack.i.u.bf16.f32 v34;
	v13 =	vmul.f32 v61, v53  }
0x323: {  	v29 =	vld [tilespmem:s15+$0xFFFFE370];
	v24 =	vunpack.i.u.bf16.f32 v60;
	v25 =	vmul.f32 v21, v3;
	v10 =	vmul.f32 v14, v28  }
0x324: {  	v26 =	vld [tilespmem:s15+$0xFFFFE360];
	v14 =	vmul.f32 v56, v43;
	v56 =	vunpack.i.u.bf16.f32 v44;
	v6 =	vadd.f32 v32, v6  }
0x325: {  	v5 =	vadd.f32 v8, v5;
	v7 =	vadd.f32 v12, v7;
	v8 =	vmul.f32 v40, v28  }
0x326: {  	v4 =	vadd.f32 v38, v4;
	v12 =	vmul.f32 v42, v28;
	v16 =	vmul.f32 v45, v11  }
0x327: {  	v34 =	vld [tilespmem:s15+$0xFFFFE380];
	v49 =	vmul.f32 v47, v11;
	v52 =	vmul.f32 v50, v11;
	v31 =	vunpack.i.l.bf16.f32 v23  }
0x328: {  	v32 =	vunpack.i.u.bf16.f32 v23;
	v38 =	vunpack.i.l.bf16.f32 v29;
	v6 =	vadd.f32 v39, v6  }
0x329: {  	v35 =	vld [tilespmem:s15+$0xFFFFE750];
	v33 =	vunpack.i.l.bf16.f32 v26;
	v5 =	vadd.f32 v8, v5;
	v7 =	vadd.f32 v12, v7  }
0x32a: {  	v4 =	vadd.f32 v10, v4;
	v8 =	vmul.f32 v51, v11;
	v12 =	vunpack.i.l.bf16.f32 v55  }
0x32b: {  	v23 =	vld [tilespmem:s15+$0xFFFFE770];
	v11 =	vmul.f32 v54, v43;
	v55 =	vunpack.i.l.bf16.f32 v44;
	v12 =	vmul.f32 v12, v53  }
0x32c: {  	s23 =	sadd.s32 $0x1, s14;
	v50 =	vld [tilespmem:s15+$0xFFFFEB50];
	v39 =	vunpack.i.l.bf16.f32 v34;
	v6 =	vadd.f32 v16, v6;
	v5 =	vadd.f32 v49, v5  }
0x32d: {  	v9 =	vadd.f32 v52, v7;
	v4 =	vadd.f32 v8, v4;
	v7 =	vmov s23  }
0x32e: {  	v8 =	vmul.f32 v59, v43;
	v43 =	vunpack.i.u.bf16.f32 v35;
	v22 =	vor.u32 $0x10, v7  }
0x32f: {  	v28 =	vor.u32 $0x20, v7;
	v37 =	vor.u32 $0x30, v7;
	v21 =	vor.u32 $0x40, v7  }
0x330: {  	v47 =	vor.u32 $0x50, v7;
	v49 =	vunpack.i.l.bf16.f32 v23;
	v51 =	vunpack.i.u.bf16.f32 v23  }
0x331: {  	v58 =	vunpack.i.l.bf16.f32 v50;
	v60 =	vor.u32 $0x60, v7;
	v61 =	vunpack.i.u.bf16.f32 v50  }
0x332: {  	v52 =	vld [tilespmem:s15+$0xFFFFEB60];
	v50 =	vor.u32 $0xB0, v7;
	v6 =	vadd.f32 v11, v6;
	v5 =	vadd.f32 v14, v5  }
0x333: {  	v59 =	vld [tilespmem:s15+$0xFFFFEB70];
	v9 =	vadd.f32 v15, v9;
	v4 =	vadd.f32 v8, v4;
	v14 =	vmul.f32 v62, v53  }
0x334: {  	v8 =	vmul.f32 v19, v53;
	v15 =	vunpack.i.l.bf16.f32 v63;
	v11 =	vunpack.i.u.bf16.f32 v29;
	v63 =	vld [tilespmem:s15+$0xFFFFEB80]  }
0x335: {  	v15 =	vmul.f32 v15, v3;
	v6 =	vadd.f32 v12, v6;
	v5 =	vadd.f32 v13, v5;
	v20 =	vld.idx.msk [tilespmem:v7+s20+$0x0], $0xffff  }
0x336: {  	v8 =	vadd.f32 v8, v4;
	v4 =	vmul.f32 v24, v3;
	v3 =	vmul.f32 v27, v3;
	v27 =	vld [tilespmem:s15+$0xFFFFEF50]  }
0x337: {  	v9 =	vadd.f32 v14, v9;
	v12 =	vunpack.i.u.bf16.f32 v26;
	v62 =	vunpack.i.l.bf16.f32 v52;
	v30 =	vld.idx.msk [tilespmem:v22+s20+$0x0], $0xffff  }
0x338: {  	v26 =	vunpack.i.u.bf16.f32 v52;
	v6 =	vadd.f32 v25, v6;
	v5 =	vadd.f32 v4, v5;
	v36 =	vld.idx.msk [tilespmem:v28+s20+$0x0], $0xffff  }
0x339: {  	v4 =	vadd.f32 v15, v9;
	v3 =	vadd.f32 v3, v8;
	v15 =	vunpack.i.u.bf16.f32 v34;
	v40 =	vld.idx.msk [tilespmem:v37+s20+$0x0], $0xffff  }
0x33a: {  	v22 =	vunpack.i.l.bf16.f32 v35;
	v46 =	vld.idx.msk [tilespmem:v21+s20+$0x0], $0xffff;
	v25 =	vor.u32 $0x70, v7;
	v9 =	vmul.f32 v31, v20  }
0x33b: {  	v28 =	vunpack.i.u.bf16.f32 v59;
	v13 =	vmul.f32 v32, v20;
	v14 =	vmul.f32 v33, v20  }
0x33c: {  	v57 =	vld.idx.msk [tilespmem:v47+s20+$0x0], $0xffff;
	v34 =	vor.u32 $0x80, v7;
	v10 =	vmul.f32 v12, v20;
	v18 =	vmul.f32 v38, v30  }
0x33d: {  	v52 =	vld [tilespmem:s15+$0xFFFFF750];
	v29 =	vunpack.i.l.bf16.f32 v63;
	v11 =	vmul.f32 v11, v30;
	v19 =	vmul.f32 v39, v30  }
0x33e: {  	v35 =	vunpack.i.u.bf16.f32 v27;
	v8 =	vmul.f32 v15, v30;
	v41 =	vmul.f32 v22, v36  }
0x33f: {  	v31 =	vunpack.i.u.bf16.f32 v63;
	v54 =	vmul.f32 v51, v40;
	v15 =	vmul.f32 v58, v46  }
0x340: {  	v32 =	vunpack.i.l.bf16.f32 v27;
	v23 =	vmul.f32 v61, v46;
	v24 =	vmul.f32 v62, v46  }
0x341: {  	v20 =	vld [tilespmem:s15+$0xFFFFE760];
	v17 =	vmul.f32 v28, v57;
	v38 =	vor.u32 $0x90, v7;
	v9 =	vadd.f32 $0.0e+00, v9  }
0x342: {  	v62 =	vunpack.i.u.bf16.f32 v52;
	v13 =	vadd.f32 $0.0e+00, v13;
	v10 =	vadd.f32 $0.0e+00, v10  }
0x343: {  	v30 =	vld [tilespmem:s15+$0xFFFFEF60];
	v28 =	vor.u32 $0xD0, v7;
	v14 =	vadd.f32 $0.0e+00, v14;
	v9 =	vadd.f32 v18, v9  }
0x344: {  	v33 =	vld [tilespmem:s15+$0xFFFFEF70];
	v11 =	vadd.f32 v11, v13;
	v8 =	vadd.f32 v8, v10;
	v10 =	vmul.f32 v43, v36  }
0x345: {  	v61 =	vld [tilespmem:s15+$0xFFFFF770];
	v42 =	vadd.f32 v19, v14;
	v13 =	vmul.f32 v56, v40;
	v19 =	vmul.f32 v29, v57  }
0x346: {  	v63 =	vld [tilespmem:s15+$0xFFFFF780];
	v45 =	vunpack.i.l.bf16.f32 v20;
	v48 =	vunpack.i.u.bf16.f32 v20;
	v20 =	vmul.f32 v49, v40  }
0x347: {  	v18 =	vld.idx.msk [tilespmem:v60+s20+$0x0], $0xffff;
	v60 =	vunpack.i.l.bf16.f32 v52;
	v16 =	vmul.f32 v45, v36;
	v12 =	vmul.f32 v48, v36  }
0x348: {  	v39 =	vld [tilespmem:s15+$0xFFFFF350];
	v9 =	vadd.f32 v41, v9;
	v10 =	vadd.f32 v10, v11;
	v37 =	vunpack.i.u.bf16.f32 v30  }
0x349: {  	v43 =	vld [tilespmem:s15+$0xFFFFF370];
	v45 =	vor.u32 $0xA0, v7;
	v53 =	vadd.f32 v16, v42;
	v8 =	vadd.f32 v12, v8  }
0x34a: {  	v29 =	vld [tilespmem:s15+$0xFFFFFB50];
	v27 =	vunpack.i.l.bf16.f32 v61;
	v9 =	vadd.f32 v20, v9;
	v10 =	vadd.f32 v54, v10  }
0x34b: {  	v56 =	vld [tilespmem:s15+$0xFFFFF760];
	v12 =	vmul.f32 v55, v40;
	v16 =	vunpack.i.l.bf16.f32 v59;
	v20 =	vunpack.i.l.bf16.f32 v30  }
0x34c: {  	v36 =	vld [tilespmem:s15+$0xFFFFEF80];
	v40 =	vunpack.i.l.bf16.f32 v33;
	v59 =	vor.u32 $0xC0, v7;
	v16 =	vmul.f32 v16, v57  }
0x34d: {  	v44 =	vld.idx.msk [tilespmem:v38+s20+$0x0], $0xffff;
	v30 =	vunpack.i.u.bf16.f32 v61;
	v14 =	vmul.f32 v32, v18;
	v20 =	vmul.f32 v20, v18  }
0x34e: {  	v58 =	vld.idx.msk [tilespmem:v50+s20+$0x0], $0xffff;
	v51 =	vunpack.i.l.bf16.f32 v43;
	v55 =	vunpack.i.u.bf16.f32 v43;
	v11 =	vadd.f32 v12, v53  }
0x34f: {  	v49 =	vld [tilespmem:s15+$0xFFFFF380];
	v38 =	vunpack.i.u.bf16.f32 v29;
	v8 =	vadd.f32 v13, v8;
	v9 =	vadd.f32 v15, v9  }
0x350: {  	v50 =	vld [tilespmem:s15+$0xFFFFFF70];
	v10 =	vadd.f32 v23, v10;
	v12 =	vmul.f32 v26, v46;
	v46 =	vunpack.i.l.bf16.f32 v39  }
0x351: {  	v42 =	vld [tilespmem:s15+$0xFFFFF360];
	v23 =	vunpack.i.l.bf16.f32 v56;
	v41 =	vunpack.i.l.bf16.f32 v36;
	v15 =	vunpack.i.u.bf16.f32 v36  }
0x352: {  	v54 =	vmul.f32 v51, v44;
	v11 =	vadd.f32 v24, v11;
	v8 =	vadd.f32 v12, v8  }
0x353: {  	v36 =	vunpack.i.u.bf16.f32 v63;
	v9 =	vadd.f32 v16, v9;
	v10 =	vadd.f32 v17, v10  }
0x354: {  	v13 =	vld.idx.msk [tilespmem:v25+s20+$0x0], $0xffff;
	v12 =	vmul.f32 v31, v57;
	v16 =	vunpack.i.u.bf16.f32 v33;
	v57 =	vunpack.i.l.bf16.f32 v49  }
0x355: {  	v17 =	vld.idx.msk [tilespmem:v34+s20+$0x0], $0xffff;
	v24 =	vunpack.i.u.bf16.f32 v56;
	v31 =	vunpack.i.l.bf16.f32 v63;
	v33 =	vmul.f32 v30, v58  }
0x356: {  	v48 =	vunpack.i.l.bf16.f32 v42;
	v26 =	vld.idx.msk [tilespmem:v59+s20+$0x0], $0xffff;
	v34 =	vmul.f32 v31, v58;
	v59 =	vunpack.i.u.bf16.f32 v50  }
0x357: {  	v32 =	vld [tilespmem:s15+$0xFFFFFB60];
	v11 =	vadd.f32 v19, v11;
	v8 =	vadd.f32 v12, v8;
	v12 =	vmul.f32 v35, v18  }
0x358: {  	v18 =	vmul.f32 v37, v18;
	v9 =	vadd.f32 v14, v9;
	v35 =	vor.u32 $0xE0, v7  }
0x359: {  	v7 =	vor.u32 $0xF0, v7;
	v14 =	vmul.f32 v40, v13;
	v10 =	vadd.f32 v12, v10  }
0x35a: {  	v16 =	vmul.f32 v16, v13;
	v11 =	vadd.f32 v20, v11;
	v8 =	vadd.f32 v18, v8  }
0x35b: {  	v18 =	vmul.f32 v41, v13;
	v13 =	vmul.f32 v15, v13;
	v12 =	vunpack.i.u.bf16.f32 v39  }
0x35c: {  	v37 =	vld [tilespmem:s15+$0xFFFFFB70];
	v20 =	vunpack.i.u.bf16.f32 v42;
	v39 =	vunpack.i.l.bf16.f32 v32;
	v41 =	vunpack.i.u.bf16.f32 v32  }
0x35d: {  	v9 =	vadd.f32 v14, v9;
	v47 =	vmul.f32 v46, v17;
	v12 =	vmul.f32 v12, v17  }
0x35e: {  	v53 =	vmul.f32 v20, v17;
	v10 =	vadd.f32 v16, v10;
	v11 =	vadd.f32 v18, v11  }
0x35f: {  	v40 =	vld [tilespmem:s15+$0xFFFFFB80];
	v8 =	vadd.f32 v13, v8;
	v16 =	vmul.f32 v48, v17;
	v13 =	vmul.f32 v36, v58  }
0x360: {  	v15 =	vld.idx.msk [tilespmem:v45+s20+$0x0], $0xffff;
	v18 =	vunpack.i.u.bf16.f32 v49;
	v17 =	vmul.f32 v38, v26;
	v19 =	vmul.f32 v39, v26  }
0x361: {  	v9 =	vadd.f32 v47, v9;
	v14 =	vmul.f32 v18, v44;
	v43 =	vunpack.i.l.bf16.f32 v37  }
0x362: {  	v45 =	vunpack.i.u.bf16.f32 v37;
	v10 =	vadd.f32 v12, v10;
	v11 =	vadd.f32 v16, v11  }
0x363: {  	v61 =	vld [tilespmem:s15+$0xFFFFE3A0];
	v8 =	vadd.f32 v53, v8;
	v12 =	vmul.f32 v55, v44;
	v16 =	vmul.f32 v57, v44  }
0x364: {  	v47 =	vld [tilespmem:s15+$0xFFFFFF60];
	v48 =	vunpack.i.u.bf16.f32 v40;
	v49 =	vunpack.i.l.bf16.f32 v40;
	v9 =	vadd.f32 v54, v9  }
0x365: {  	v44 =	vld [tilespmem:s15+$0xFFFFFF50];
	v20 =	vmul.f32 v60, v15;
	v18 =	vmul.f32 v62, v15;
	v10 =	vadd.f32 v12, v10  }
0x366: {  	v55 =	vld [tilespmem:s15+$0xFFFFE390];
	v25 =	vmul.f32 v23, v15;
	v11 =	vadd.f32 v16, v11;
	v8 =	vadd.f32 v14, v8  }
0x367: {  	v54 =	vld [tilespmem:s15+$0xFFFFFF80];
	v12 =	vmul.f32 v24, v15;
	v15 =	vmul.f32 v27, v58;
	v9 =	vadd.f32 v20, v9  }
0x368: {  	v16 =	vld.idx.msk [tilespmem:v28+s20+$0x0], $0xffff;
	v58 =	vunpack.i.l.bf16.f32 v50;
	v10 =	vadd.f32 v18, v10;
	v11 =	vadd.f32 v25, v11  }
0x369: {  	v24 =	vld [tilespmem:s15+$0xFFFFE3B0];
	v8 =	vadd.f32 v12, v8;
	v18 =	vunpack.i.l.bf16.f32 v29;
	v53 =	vunpack.i.l.bf16.f32 v47  }
0x36a: {  	v28 =	vld [tilespmem:s15+$0xFFFFE3C0];
	v29 =	vunpack.i.l.bf16.f32 v61;
	v9 =	vadd.f32 v15, v9;
	v18 =	vmul.f32 v18, v26  }
0x36b: {  	v51 =	vunpack.i.l.bf16.f32 v44;
	v52 =	vunpack.i.u.bf16.f32 v44;
	v10 =	vadd.f32 v33, v10  }
0x36c: {  	v63 =	vunpack.i.l.bf16.f32 v55;
	v11 =	vadd.f32 v34, v11;
	v8 =	vadd.f32 v13, v8  }
0x36d: {  	v39 =	vld [tilespmem:s15+$0xFFFFE7B0];
	v13 =	vmul.f32 v41, v26;
	v60 =	vunpack.i.l.bf16.f32 v54;
	v26 =	vunpack.i.u.bf16.f32 v55  }
0x36e: {  	v12 =	vld.idx.msk [tilespmem:v35+s20+$0x0], $0xffff;
	v9 =	vadd.f32 v18, v9;
	v46 =	vmul.f32 v43, v16;
	v18 =	vunpack.i.u.bf16.f32 v47  }
0x36f: {  	v32 =	vunpack.i.l.bf16.f32 v24;
	v34 =	vunpack.i.u.bf16.f32 v24;
	v36 =	vunpack.i.l.bf16.f32 v28  }
0x370: {  	v35 =	vld [tilespmem:s15+$0xFFFFE7A0];
	v10 =	vadd.f32 v17, v10;
	v8 =	vadd.f32 v13, v8;
	v13 =	vmul.f32 v45, v16  }
0x371: {  	s24 =	sadd.s32 $0x2, s14;
	v42 =	vadd.f32 v19, v11;
	v19 =	vmul.f32 v49, v16;
	v16 =	vmul.f32 v48, v16  }
0x372: {  	v7 =	vld.idx.msk [tilespmem:v7+s20+$0x0], $0xffff;
	v11 =	vmov s24;
	v45 =	vunpack.i.u.bf16.f32 v39;
	v9 =	vadd.f32 v46, v9  }
0x373: {  	v44 =	vld [tilespmem:s15+$0xFFFFEB90];
	v15 =	vmul.f32 v51, v12;
	v17 =	vmul.f32 v53, v12;
	v57 =	vor.u32 $0x10, v11  }
0x374: {  	v33 =	vld [tilespmem:s15+$0xFFFFE790];
	v62 =	vor.u32 $0x20, v11;
	v31 =	vor.u32 $0x30, v11;
	v24 =	vor.u32 $0x40, v11  }
0x375: {  	v43 =	vunpack.i.u.bf16.f32 v35;
	v10 =	vadd.f32 v13, v10;
	v14 =	vadd.f32 v19, v42  }
0x376: {  	v55 =	vld [tilespmem:s15+$0xFFFFEBC0];
	v8 =	vadd.f32 v16, v8;
	v16 =	vmul.f32 v52, v12;
	v12 =	vmul.f32 v18, v12  }
0x377: {  	v48 =	vld [tilespmem:s15+$0xFFFFEBA0];
	v19 =	vunpack.i.u.bf16.f32 v54;
	v13 =	vmul.f32 v60, v7;
	v42 =	vor.u32 $0x50, v11  }
0x378: {  	v51 =	vld [tilespmem:s15+$0xFFFFEBB0];
	v50 =	vunpack.i.l.bf16.f32 v44;
	v52 =	vor.u32 $0x60, v11;
	v53 =	vunpack.i.u.bf16.f32 v44  }
0x379: {  	v9 =	vadd.f32 v15, v9;
	v38 =	vunpack.i.l.bf16.f32 v33;
	v16 =	vadd.f32 v16, v10;
	v56 =	vld.idx.msk [tilespmem:v11+s20+$0x0], $0xffff  }
0x37a: {  	v12 =	vadd.f32 v12, v8;
	v10 =	vmul.f32 v58, v7;
	v8 =	vmul.f32 v59, v7;
	v58 =	vld [tilespmem:s15+$0xFFFFEF90]  }
0x37b: {  	v22 =	vunpack.i.u.bf16.f32 v33;
	v14 =	vadd.f32 v17, v14;
	v7 =	vmul.f32 v19, v7;
	v18 =	vld.idx.msk [tilespmem:v57+s20+$0x0], $0xffff  }
0x37c: {  	v60 =	vunpack.i.l.bf16.f32 v55;
	v10 =	vadd.f32 v10, v9;
	v9 =	vadd.f32 v8, v16;
	v30 =	vld.idx.msk [tilespmem:v62+s20+$0x0], $0xffff  }
0x37d: {  	v17 =	vunpack.i.u.bf16.f32 v61;
	v8 =	vadd.f32 v13, v14;
	v7 =	vadd.f32 v7, v12;
	v20 =	vld.idx.msk [tilespmem:v31+s20+$0x0], $0xffff  }
0x37e: {  	v14 =	vunpack.i.u.bf16.f32 v28;
	v46 =	vld.idx.msk [tilespmem:v24+s20+$0x0], $0xffff;
	v25 =	vmul.f32 v63, v56;
	v12 =	vmul.f32 v26, v56  }
0x37f: {  	v24 =	vunpack.i.l.bf16.f32 v48;
	v16 =	vmul.f32 v29, v56;
	v15 =	vmul.f32 v17, v56  }
0x380: {  	v61 =	vld [tilespmem:s15+$0xFFFFEFA0];
	v57 =	vor.u32 $0x70, v11;
	v21 =	vmul.f32 v32, v18;
	v17 =	vmul.f32 v34, v18  }
0x381: {  	v59 =	vunpack.i.l.bf16.f32 v51;
	v37 =	vmul.f32 v36, v18;
	v14 =	vmul.f32 v14, v18  }
0x382: {  	v31 =	vunpack.i.l.bf16.f32 v58;
	v18 =	vmul.f32 v38, v30;
	v40 =	vmul.f32 v22, v30  }
0x383: {  	v56 =	vunpack.i.u.bf16.f32 v48;
	v19 =	vmul.f32 v45, v20;
	v54 =	vmul.f32 v50, v46  }
0x384: {  	v24 =	vmul.f32 v24, v46;
	v22 =	vmul.f32 v56, v46;
	v32 =	vunpack.i.u.bf16.f32 v58  }
0x385: {  	v62 =	vld [tilespmem:s15+$0xFFFFEFB0];
	v34 =	vunpack.i.l.bf16.f32 v61;
	v36 =	vor.u32 $0x90, v11;
	v45 =	vor.u32 $0xA0, v11  }
0x386: {  	v26 =	vld [tilespmem:s15+$0xFFFFE7C0];
	v56 =	vor.u32 $0xB0, v11;
	v27 =	vadd.f32 $0.0e+00, v25;
	v12 =	vadd.f32 $0.0e+00, v12  }
0x387: {  	v16 =	vadd.f32 $0.0e+00, v16;
	v15 =	vadd.f32 $0.0e+00, v15;
	v25 =	vunpack.i.l.bf16.f32 v35  }
0x388: {  	v41 =	vmul.f32 v25, v30;
	v13 =	vadd.f32 v21, v27;
	v12 =	vadd.f32 v17, v12  }
0x389: {  	v63 =	vld.idx.msk [tilespmem:v57+s20+$0x0], $0xffff;
	v16 =	vadd.f32 v37, v16;
	v14 =	vadd.f32 v14, v15;
	v17 =	vmul.f32 v43, v30  }
0x38a: {  	v29 =	vld [tilespmem:s15+$0xFFFFF7B0];
	v21 =	vunpack.i.l.bf16.f32 v39;
	v30 =	vor.u32 $0x80, v11;
	v37 =	vunpack.i.l.bf16.f32 v62  }
0x38b: {  	v35 =	vld [tilespmem:s15+$0xFFFFEFC0];
	v21 =	vmul.f32 v21, v20;
	v47 =	vunpack.i.l.bf16.f32 v26;
	v13 =	vadd.f32 v18, v13  }
0x38c: {  	v15 =	vld.idx.msk [tilespmem:v42+s20+$0x0], $0xffff;
	v49 =	vunpack.i.u.bf16.f32 v26;
	v12 =	vadd.f32 v40, v12;
	v16 =	vadd.f32 v41, v16  }
0x38d: {  	v27 =	vld [tilespmem:s15+$0xFFFFF390];
	v14 =	vadd.f32 v17, v14;
	v23 =	vmul.f32 v47, v20;
	v17 =	vmul.f32 v49, v20  }
0x38e: {  	v42 =	vld [tilespmem:s15+$0xFFFFF3A0];
	v20 =	vunpack.i.u.bf16.f32 v51;
	v39 =	vmul.f32 v37, v63;
	v41 =	vunpack.i.u.bf16.f32 v62  }
0x38f: {  	v37 =	vunpack.i.u.bf16.f32 v29;
	v13 =	vadd.f32 v21, v13;
	v12 =	vadd.f32 v19, v12  }
0x390: {  	v57 =	vld [tilespmem:s15+$0xFFFFF790];
	v43 =	vunpack.i.l.bf16.f32 v35;
	v16 =	vadd.f32 v23, v16;
	v14 =	vadd.f32 v17, v14  }
0x391: {  	v47 =	vld [tilespmem:s15+$0xFFFFF3B0];
	v17 =	vmul.f32 v53, v46;
	v19 =	vunpack.i.u.bf16.f32 v55;
	v18 =	vmul.f32 v59, v15  }
0x392: {  	v49 =	vld [tilespmem:s15+$0xFFFFF3C0];
	v20 =	vmul.f32 v20, v15;
	v46 =	vunpack.i.l.bf16.f32 v27;
	v48 =	vunpack.i.u.bf16.f32 v27  }
0x393: {  	v44 =	vld.idx.msk [tilespmem:v36+s20+$0x0], $0xffff;
	v51 =	vunpack.i.l.bf16.f32 v42;
	v13 =	vadd.f32 v54, v13;
	v12 =	vadd.f32 v17, v12  }
0x394: {  	v21 =	vld.idx.msk [tilespmem:v52+s20+$0x0], $0xffff;
	v52 =	vunpack.i.u.bf16.f32 v42;
	v16 =	vadd.f32 v24, v16;
	v14 =	vadd.f32 v22, v14  }
0x395: {  	v22 =	vmul.f32 v60, v15;
	v15 =	vmul.f32 v19, v15;
	v24 =	vunpack.i.u.bf16.f32 v61  }
0x396: {  	v19 =	vld.idx.msk [tilespmem:v30+s20+$0x0], $0xffff;
	v30 =	vunpack.i.u.bf16.f32 v57;
	v55 =	vunpack.i.l.bf16.f32 v47;
	v58 =	vunpack.i.u.bf16.f32 v47  }
0x397: {  	v59 =	vunpack.i.l.bf16.f32 v49;
	v28 =	vunpack.i.u.bf16.f32 v49;
	v13 =	vadd.f32 v18, v13  }
0x398: {  	v12 =	vadd.f32 v20, v12;
	v16 =	vadd.f32 v22, v16;
	v61 =	vmul.f32 v58, v44  }
0x399: {  	v14 =	vadd.f32 v15, v14;
	v62 =	vmul.f32 v59, v44;
	v17 =	vmul.f32 v28, v44  }
0x39a: {  	v36 =	vld [tilespmem:s15+$0xFFFFFB90];
	v22 =	vunpack.i.u.bf16.f32 v35;
	v33 =	vmul.f32 v31, v21;
	v15 =	vmul.f32 v32, v21  }
0x39b: {  	v54 =	vld.idx.msk [tilespmem:v45+s20+$0x0], $0xffff;
	v35 =	vor.u32 $0xD0, v11;
	v20 =	vmul.f32 v34, v21;
	v38 =	vmul.f32 v24, v21  }
0x39c: {  	v60 =	vld [tilespmem:s15+$0xFFFFF7A0];
	v18 =	vmul.f32 v22, v63;
	v22 =	vunpack.i.l.bf16.f32 v57;
	v34 =	vunpack.i.l.bf16.f32 v29  }
0x39d: {  	v13 =	vadd.f32 v33, v13;
	v40 =	vadd.f32 v20, v16;
	v16 =	vmul.f32 v41, v63  }
0x39e: {  	v12 =	vadd.f32 v15, v12;
	v20 =	vmul.f32 v43, v63;
	v24 =	vmul.f32 v46, v19  }
0x39f: {  	v47 =	vld [tilespmem:s15+$0xFFFFFF90];
	v14 =	vadd.f32 v38, v14;
	v50 =	vmul.f32 v48, v19;
	v53 =	vmul.f32 v51, v19  }
0x3a0: {  	v32 =	vld [tilespmem:s15+$0xFFFFF7C0];
	v63 =	vor.u32 $0xC0, v11;
	v22 =	vmul.f32 v22, v54;
	v21 =	vmul.f32 v30, v54  }
0x3a1: {  	v57 =	vld [tilespmem:s15+$0xFFFFFFB0];
	v31 =	vunpack.i.l.bf16.f32 v60;
	v33 =	vunpack.i.u.bf16.f32 v60;
	v43 =	vunpack.i.l.bf16.f32 v36  }
0x3a2: {  	v38 =	vld [tilespmem:s15+$0xFFFFFBA0];
	v23 =	vmul.f32 v31, v54;
	v13 =	vadd.f32 v39, v13;
	v12 =	vadd.f32 v16, v12  }
0x3a3: {  	v41 =	vld [tilespmem:s15+$0xFFFFFBB0];
	v15 =	vadd.f32 v20, v40;
	v14 =	vadd.f32 v18, v14;
	v16 =	vmul.f32 v52, v19  }
0x3a4: {  	v46 =	vld [tilespmem:s15+$0xFFFFFBC0];
	v19 =	vmul.f32 v55, v44;
	v40 =	vor.u32 $0xE0, v11;
	v44 =	vunpack.i.u.bf16.f32 v36  }
0x3a5: {  	v20 =	vld.idx.msk [tilespmem:v56+s20+$0x0], $0xffff;
	v11 =	vor.u32 $0xF0, v11;
	v56 =	vunpack.i.l.bf16.f32 v47;
	v39 =	vunpack.i.u.bf16.f32 v32  }
0x3a6: {  	v30 =	vunpack.i.l.bf16.f32 v57;
	v13 =	vadd.f32 v24, v13;
	v12 =	vadd.f32 v50, v12  }
0x3a7: {  	v15 =	vadd.f32 v53, v15;
	v14 =	vadd.f32 v16, v14;
	v24 =	vunpack.i.l.bf16.f32 v32  }
0x3a8: {  	v42 =	vld.idx.msk [tilespmem:v35+s20+$0x0], $0xffff;
	v32 =	vunpack.i.u.bf16.f32 v57;
	v45 =	vunpack.i.l.bf16.f32 v38;
	v50 =	vunpack.i.l.bf16.f32 v41  }
0x3a9: {  	v51 =	vunpack.i.u.bf16.f32 v41;
	v53 =	vunpack.i.l.bf16.f32 v46;
	v13 =	vadd.f32 v19, v13  }
0x3aa: {  	v31 =	vld [tilespmem:s15+$0xFFFFE3D0];
	v55 =	vunpack.i.u.bf16.f32 v46;
	v12 =	vadd.f32 v61, v12;
	v15 =	vadd.f32 v62, v15  }
0x3ab: {  	v16 =	vld.idx.msk [tilespmem:v63+s20+$0x0], $0xffff;
	v14 =	vadd.f32 v17, v14;
	v17 =	vmul.f32 v33, v54;
	v19 =	vunpack.i.u.bf16.f32 v38  }
0x3ac: {  	v63 =	vld [tilespmem:s15+$0xFFFFFFC0];
	v62 =	vunpack.i.u.bf16.f32 v47;
	v18 =	vmul.f32 v34, v20;
	v24 =	vmul.f32 v24, v20  }
0x3ad: {  	v54 =	vld [tilespmem:s15+$0xFFFFFFA0];
	v52 =	vmul.f32 v50, v42;
	v58 =	vmul.f32 v55, v42;
	v13 =	vadd.f32 v22, v13  }
0x3ae: {  	v33 =	vld [tilespmem:s15+$0xFFFFE3E0];
	v12 =	vadd.f32 v21, v12;
	v14 =	vadd.f32 v17, v14;
	v17 =	vmul.f32 v37, v20  }
0x3af: {  	v48 =	vld.idx.msk [tilespmem:v40+s20+$0x0], $0xffff;
	v40 =	vunpack.i.u.bf16.f32 v31;
	v15 =	vadd.f32 v23, v15;
	v20 =	vmul.f32 v39, v20  }
0x3b0: {  	v37 =	vunpack.i.l.bf16.f32 v31;
	v13 =	vadd.f32 v18, v13;
	v12 =	vadd.f32 v17, v12  }
0x3b1: {  	v14 =	vadd.f32 v20, v14;
	v20 =	vmul.f32 v43, v16;
	v21 =	vmul.f32 v44, v16  }
0x3b2: {  	v47 =	vld [tilespmem:s15+$0xFFFFE7D0];
	v15 =	vadd.f32 v24, v15;
	v22 =	vmul.f32 v45, v16;
	v16 =	vmul.f32 v19, v16  }
0x3b3: {  	v59 =	vld.idx.msk [tilespmem:v11+s20+$0x0], $0xffff;
	v35 =	vunpack.i.l.bf16.f32 v63;
	v27 =	vunpack.i.l.bf16.f32 v54;
	v41 =	vunpack.i.l.bf16.f32 v33  }
0x3b4: {  	v55 =	vld [tilespmem:s15+$0xFFFFE800];
	v46 =	vunpack.i.u.bf16.f32 v33;
	v13 =	vadd.f32 v20, v13;
	v12 =	vadd.f32 v21, v12  }
0x3b5: {  	s24 =	sadd.s32 $0x3, s14;
	v49 =	vadd.f32 v22, v15;
	v14 =	vadd.f32 v16, v14;
	v16 =	vmul.f32 v51, v42  }
0x3b6: {  	v38 =	vld [tilespmem:s15+$0xFFFFE3F0];
	v15 =	vmov s24;
	v21 =	vmul.f32 v53, v42;
	v60 =	vmul.f32 v56, v48  }
0x3b7: {  	v17 =	vmul.f32 v62, v48;
	v22 =	vunpack.i.u.bf16.f32 v54;
	v20 =	vmul.f32 v27, v48  }
0x3b8: {  	v24 =	vmul.f32 v30, v59;
	v34 =	vmul.f32 v32, v59;
	v51 =	vunpack.i.l.bf16.f32 v47  }
0x3b9: {  	v54 =	vunpack.i.u.bf16.f32 v47;
	v26 =	vunpack.i.u.bf16.f32 v55;
	v29 =	vor.u32 $0x10, v15  }
0x3ba: {  	v42 =	vld [tilespmem:s15+$0xFFFFE400];
	v19 =	vmul.f32 v22, v48;
	v39 =	vor.u32 $0x20, v15;
	v45 =	vor.u32 $0x30, v15  }
0x3bb: {  	v62 =	vld [tilespmem:s15+$0xFFFFEBE0];
	v48 =	vunpack.i.u.bf16.f32 v38;
	v53 =	vor.u32 $0x40, v15;
	v57 =	vor.u32 $0x50, v15  }
0x3bc: {  	v33 =	vor.u32 $0x60, v15;
	v13 =	vadd.f32 v52, v13;
	v61 =	vadd.f32 v21, v49;
	v52 =	vld [tilespmem:s15+$0xFFFFE7F0]  }
0x3bd: {  	v47 =	vor.u32 $0x80, v15;
	v12 =	vadd.f32 v16, v12;
	v14 =	vadd.f32 v58, v14;
	v58 =	vld [tilespmem:s15+$0xFFFFEBD0]  }
0x3be: {  	v11 =	vadd.f32 v60, v13;
	v16 =	vadd.f32 v20, v61;
	v20 =	vunpack.i.l.bf16.f32 v38;
	v38 =	vld [tilespmem:s15+$0xFFFFEC00]  }
0x3bf: {  	v32 =	vor.u32 $0xA0, v15;
	v17 =	vadd.f32 v17, v12;
	v19 =	vadd.f32 v19, v14;
	v28 =	vld.idx.msk [tilespmem:v15+s20+$0x0], $0xffff  }
0x3c0: {  	v13 =	vunpack.i.u.bf16.f32 v63;
	v14 =	vmul.f32 v35, v59;
	v61 =	vunpack.i.l.bf16.f32 v55;
	v36 =	vld.idx.msk [tilespmem:v29+s20+$0x0], $0xffff  }
0x3c1: {  	v13 =	vmul.f32 v13, v59;
	v49 =	vunpack.i.l.bf16.f32 v42;
	v12 =	vadd.f32 v24, v11;
	v22 =	vld.idx.msk [tilespmem:v39+s20+$0x0], $0xffff  }
0x3c2: {  	v25 =	vunpack.i.u.bf16.f32 v42;
	v11 =	vadd.f32 v34, v17;
	v14 =	vadd.f32 v14, v16;
	v60 =	vld.idx.msk [tilespmem:v53+s20+$0x0], $0xffff  }
0x3c3: {  	v29 =	vld [tilespmem:s15+$0xFFFFEBF0];
	v39 =	vor.u32 $0x70, v15;
	v13 =	vadd.f32 v13, v19;
	v59 =	vunpack.i.l.bf16.f32 v52  }
0x3c4: {  	v31 =	vld [tilespmem:s15+$0xFFFFEFD0];
	v34 =	vunpack.i.l.bf16.f32 v58;
	v35 =	vunpack.i.u.bf16.f32 v58;
	v18 =	vmul.f32 v37, v28  }
0x3c5: {  	v19 =	vld.idx.msk [tilespmem:v45+s20+$0x0], $0xffff;
	v58 =	vor.u32 $0x90, v15;
	v43 =	vmul.f32 v40, v28;
	v44 =	vmul.f32 v41, v28  }
0x3c6: {  	v63 =	vld.idx.msk [tilespmem:v57+s20+$0x0], $0xffff;
	v45 =	vunpack.i.l.bf16.f32 v38;
	v21 =	vmul.f32 v46, v28;
	v20 =	vmul.f32 v20, v36  }
0x3c7: {  	v37 =	vunpack.i.l.bf16.f32 v62;
	v24 =	vmul.f32 v48, v36;
	v27 =	vmul.f32 v49, v36  }
0x3c8: {  	v17 =	vmul.f32 v25, v36;
	v36 =	vmul.f32 v34, v60;
	v30 =	vunpack.i.l.bf16.f32 v29  }
0x3c9: {  	v28 =	vld [tilespmem:s15+$0xFFFFE7E0];
	v48 =	vunpack.i.l.bf16.f32 v31;
	v18 =	vadd.f32 $0.0e+00, v18;
	v16 =	vadd.f32 $0.0e+00, v43  }
0x3ca: {  	v23 =	vadd.f32 $0.0e+00, v44;
	v21 =	vadd.f32 $0.0e+00, v21;
	v25 =	vmul.f32 v61, v19  }
0x3cb: {  	v49 =	vld [tilespmem:s15+$0xFFFFEFF0];
	v41 =	vmul.f32 v30, v63;
	v18 =	vadd.f32 v20, v18;
	v16 =	vadd.f32 v24, v16  }
0x3cc: {  	v43 =	vunpack.i.u.bf16.f32 v29;
	v44 =	vld [tilespmem:s15+$0xFFFFEFE0];
	v50 =	vadd.f32 v27, v23;
	v17 =	vadd.f32 v17, v21  }
0x3cd: {  	v23 =	vmul.f32 v51, v22;
	v21 =	vmul.f32 v54, v22;
	v24 =	vunpack.i.u.bf16.f32 v52  }
0x3ce: {  	v56 =	vunpack.i.u.bf16.f32 v28;
	v28 =	vunpack.i.l.bf16.f32 v28;
	v24 =	vmul.f32 v24, v19  }
0x3cf: {  	v51 =	vld [tilespmem:s15+$0xFFFFF000];
	v28 =	vmul.f32 v28, v22;
	v22 =	vmul.f32 v56, v22;
	v18 =	vadd.f32 v23, v18  }
0x3d0: {  	v16 =	vadd.f32 v21, v16;
	v23 =	vmul.f32 v45, v63;
	v57 =	vunpack.i.l.bf16.f32 v49  }
0x3d1: {  	v53 =	vunpack.i.l.bf16.f32 v44;
	v54 =	vunpack.i.u.bf16.f32 v44;
	v20 =	vadd.f32 v28, v50  }
0x3d2: {  	v46 =	vld.idx.msk [tilespmem:v39+s20+$0x0], $0xffff;
	v17 =	vadd.f32 v22, v17;
	v22 =	vmul.f32 v59, v19;
	v19 =	vmul.f32 v26, v19  }
0x3d3: {  	v16 =	vadd.f32 v24, v16;
	v28 =	vunpack.i.u.bf16.f32 v62;
	v24 =	vmul.f32 v37, v60  }
0x3d4: {  	v34 =	vld [tilespmem:s15+$0xFFFFF3F0];
	v50 =	vunpack.i.u.bf16.f32 v31;
	v40 =	vmul.f32 v28, v60;
	v61 =	vunpack.i.l.bf16.f32 v51  }
0x3d5: {  	v26 =	vld.idx.msk [tilespmem:v33+s20+$0x0], $0xffff;
	v33 =	vunpack.i.u.bf16.f32 v51;
	v18 =	vadd.f32 v22, v18;
	v20 =	vadd.f32 v25, v20  }
0x3d6: {  	v44 =	vld [tilespmem:s15+$0xFFFFF7E0];
	v17 =	vadd.f32 v19, v17;
	v19 =	vmul.f32 v35, v60;
	v25 =	vunpack.i.u.bf16.f32 v38  }
0x3d7: {  	v59 =	vld [tilespmem:s15+$0xFFFFF3D0];
	v60 =	vunpack.i.u.bf16.f32 v49;
	v31 =	vmul.f32 v61, v46;
	v21 =	vmul.f32 v33, v46  }
0x3d8: {  	v62 =	vld [tilespmem:s15+$0xFFFFF3E0];
	v61 =	vor.u32 $0xE0, v15;
	v18 =	vadd.f32 v36, v18;
	v16 =	vadd.f32 v19, v16  }
0x3d9: {  	v22 =	vmul.f32 v25, v63;
	v42 =	vadd.f32 v24, v20;
	v17 =	vadd.f32 v40, v17  }
0x3da: {  	v20 =	vmul.f32 v43, v63;
	v63 =	vmul.f32 v60, v46;
	v40 =	vunpack.i.l.bf16.f32 v34  }
0x3db: {  	v56 =	vld.idx.msk [tilespmem:v47+s20+$0x0], $0xffff;
	v43 =	vunpack.i.u.bf16.f32 v34;
	v51 =	vunpack.i.l.bf16.f32 v44;
	v28 =	vmul.f32 v48, v26  }
0x3dc: {  	v47 =	vld [tilespmem:s15+$0xFFFFF7F0];
	v52 =	vmul.f32 v50, v26;
	v55 =	vmul.f32 v53, v26;
	v36 =	vunpack.i.u.bf16.f32 v59  }
0x3dd: {  	v35 =	vld.idx.msk [tilespmem:v58+s20+$0x0], $0xffff;
	v37 =	vunpack.i.l.bf16.f32 v62;
	v18 =	vadd.f32 v41, v18;
	v16 =	vadd.f32 v20, v16  }
0x3de: {  	v38 =	vld [tilespmem:s15+$0xFFFFF400];
	v39 =	vunpack.i.u.bf16.f32 v62;
	v19 =	vadd.f32 v23, v42;
	v17 =	vadd.f32 v22, v17  }
0x3df: {  	v20 =	vmul.f32 v54, v26;
	v23 =	vmul.f32 v57, v46;
	v26 =	vunpack.i.l.bf16.f32 v59  }
0x3e0: {  	v60 =	vld [tilespmem:s15+$0xFFFFFBE0];
	v25 =	vmul.f32 v36, v56;
	v27 =	vmul.f32 v37, v56;
	v41 =	vor.u32 $0xB0, v15  }
0x3e1: {  	v46 =	vor.u32 $0xC0, v15;
	v57 =	vunpack.i.u.bf16.f32 v47;
	v26 =	vmul.f32 v26, v56  }
0x3e2: {  	v22 =	vmul.f32 v40, v35;
	v18 =	vadd.f32 v28, v18;
	v16 =	vadd.f32 v52, v16  }
0x3e3: {  	v53 =	vld [tilespmem:s15+$0xFFFFFBD0];
	v45 =	vunpack.i.u.bf16.f32 v38;
	v19 =	vadd.f32 v55, v19;
	v17 =	vadd.f32 v20, v17  }
0x3e4: {  	v42 =	vld [tilespmem:s15+$0xFFFFF7D0];
	v28 =	vunpack.i.l.bf16.f32 v38;
	v24 =	vmul.f32 v45, v35;
	v55 =	vor.u32 $0xD0, v15  }
0x3e5: {  	v15 =	vor.u32 $0xF0, v15;
	v28 =	vmul.f32 v28, v35;
	v36 =	vunpack.i.u.bf16.f32 v60  }
0x3e6: {  	v40 =	vld [tilespmem:s15+$0xFFFFFFD0];
	v37 =	vunpack.i.l.bf16.f32 v60;
	v18 =	vadd.f32 v23, v18;
	v16 =	vadd.f32 v63, v16  }
0x3e7: {  	v20 =	vld.idx.msk [tilespmem:v32+s20+$0x0], $0xffff;
	v19 =	vadd.f32 v31, v19;
	v17 =	vadd.f32 v21, v17;
	v21 =	vmul.f32 v39, v56  }
0x3e8: {  	v52 =	vld [tilespmem:s15+$0xFFFFF800];
	v23 =	vunpack.i.u.bf16.f32 v44;
	v56 =	vunpack.i.l.bf16.f32 v47;
	v62 =	vunpack.i.l.bf16.f32 v53  }
0x3e9: {  	v34 =	vunpack.i.u.bf16.f32 v53;
	v49 =	vunpack.i.l.bf16.f32 v42;
	v18 =	vadd.f32 v26, v18  }
0x3ea: {  	v63 =	vld [tilespmem:s15+$0xFFFFFBF0];
	v50 =	vunpack.i.u.bf16.f32 v42;
	v16 =	vadd.f32 v25, v16;
	v19 =	vadd.f32 v27, v19  }
0x3eb: {  	v48 =	vld.idx.msk [tilespmem:v41+s20+$0x0], $0xffff;
	v17 =	vadd.f32 v21, v17;
	v21 =	vmul.f32 v43, v35;
	v53 =	vunpack.i.u.bf16.f32 v40  }
0x3ec: {  	v38 =	vld.idx.msk [tilespmem:v61+s20+$0x0], $0xffff;
	v25 =	vmul.f32 v50, v20;
	v26 =	vmul.f32 v51, v20;
	v18 =	vadd.f32 v22, v18  }
0x3ed: {  	v54 =	vld.idx.msk [tilespmem:v46+s20+$0x0], $0xffff;
	v59 =	vunpack.i.l.bf16.f32 v52;
	v16 =	vadd.f32 v21, v16;
	v19 =	vadd.f32 v28, v19  }
0x3ee: {  	v42 =	vld [tilespmem:s15+$0xFFFFFFE0];
	v17 =	vadd.f32 v24, v17;
	v24 =	vmul.f32 v49, v20;
	v20 =	vmul.f32 v23, v20  }
0x3ef: {  	v35 =	vld [tilespmem:s15+$0xFFFFFC00];
	v28 =	vunpack.i.u.bf16.f32 v52;
	v52 =	vunpack.i.l.bf16.f32 v40;
	v39 =	vunpack.i.l.bf16.f32 v63  }
0x3f0: {  	v41 =	vunpack.i.u.bf16.f32 v63;
	v16 =	vadd.f32 v25, v16;
	v58 =	vmul.f32 v56, v48  }
0x3f1: {  	v17 =	vadd.f32 v20, v17;
	v20 =	vmul.f32 v57, v48;
	v25 =	vmul.f32 v59, v48  }
0x3f2: {  	v32 =	vld.idx.msk [tilespmem:v55+s20+$0x0], $0xffff;
	v18 =	vadd.f32 v24, v18;
	v28 =	vmul.f32 v28, v48;
	v33 =	vmul.f32 v62, v54  }
0x3f3: {  	v19 =	vadd.f32 v26, v19;
	v23 =	vmul.f32 v36, v54;
	v56 =	vmul.f32 v53, v38  }
0x3f4: {  	v51 =	vld [tilespmem:s15+$0xFFFFFFF0];
	v60 =	vunpack.i.u.bf16.f32 v42;
	v49 =	vunpack.i.u.bf16.f32 v35;
	v50 =	vunpack.i.l.bf16.f32 v35  }
0x3f5: {  	[tilespmem:s16+$0xFFFFFF70] =	vst v8;
	v55 =	vld [tilespmem:s15+$0x0];
	v8 =	vmul.f32 v60, v38;
	v18 =	vadd.f32 v58, v18;
	v16 =	vadd.f32 v20, v16  }
0x3f6: {  	[tilespmem:s16+$0xFFFFFF10] =	vst v6;
	v19 =	vadd.f32 v25, v19;
	v20 =	vmul.f32 v34, v54;
	v25 =	vmul.f32 v37, v54  }
0x3f7: {  	[tilespmem:s16+$0xFFFFFF20] =	vst v5;
	v17 =	vadd.f32 v28, v17;
	v27 =	vmul.f32 v39, v32;
	v45 =	vmul.f32 v41, v32  }
0x3f8: {  	[tilespmem:s16+$0xFFFFFF40] =	vst v3;
	v15 =	vld.idx.msk [tilespmem:v15+s20+$0x0], $0xffff;
	v3 =	vmul.f32 v50, v32;
	v6 =	vmul.f32 v49, v32;
	v54 =	vunpack.i.l.bf16.f32 v42  }
0x3f9: {  	[tilespmem:s16+$0xFFFFFF30] =	vst v4;
	v59 =	vunpack.i.l.bf16.f32 v51;
	v61 =	vunpack.i.u.bf16.f32 v51;
	v18 =	vadd.f32 v33, v18  }
0x3fa: {  	[tilespmem:s16+$0xFFFFFF50] =	vst v10;
	v62 =	vunpack.i.l.bf16.f32 v55;
	v63 =	vunpack.i.u.bf16.f32 v55;
	v43 =	vadd.f32 v20, v16  }
0x3fb: {  	[tilespmem:s16+$0xFFFFFF60] =	vst v9;
	v44 =	vadd.f32 v25, v19;
	v47 =	vadd.f32 v27, v18;
	v18 =	vmul.f32 v52, v38  }
0x3fc: {  	[tilespmem:s16+$0xFFFFFF80] =	vst v7;
	v57 =	vmul.f32 v54, v38;
	v46 =	vadd.f32 v23, v17;
	v48 =	vadd.f32 v45, v43  }
0x3fd: {  	[tilespmem:s16+$0xFFFFFF90] =	vst v12;
	v7 =	vmul.f32 v59, v15;
	v3 =	vadd.f32 v3, v44;
	v58 =	vadd.f32 v18, v47  }
0x3fe: {  	[tilespmem:s16+$0xFFFFFFA0] =	vst v11;
	v9 =	vmul.f32 v61, v15;
	v5 =	vadd.f32 v6, v46;
	v4 =	vadd.f32 v56, v48  }
0x3ff: {  	p0 =	slt.u32 s14, $0xC;
	[tilespmem:s16+$0xFFFFFFB0] =	vst v14;
	v10 =	vmul.f32 v62, v15;
	v3 =	vadd.f32 v57, v3;
	v6 =	vadd.f32 v7, v58  }
.Ltmp1:
0x400: {  	[tilespmem:s16+$0xFFFFFFC0] =	vst v13;
	v5 =	vadd.f32 v8, v5;
	v4 =	vadd.f32 v9, v4;
	v7 =	vmul.f32 v63, v15;
	(pc) =	sbr.rel @p0 .LBB2_6-.Ltmp1, $4  }
0x401: {  	v3 =	vadd.f32 v10, v3;
	[tilespmem:s16+$0xFFFFFFD0] =	vst v6  }
0x402: {  	v5 =	vadd.f32 v7, v5;
	[tilespmem:s16+$0xFFFFFFE0] =	vst v4  }
0x403: {  	[tilespmem:s16+$0xFFFFFFF0] =	vst v3  }
0x404: {  	s14 =	sadd.s32 $0x4, s14;
	s15 =	sadd.s32 $0x100, s15;
	[tilespmem:s16+$0x0] =	vst v5;
	s16 =	sadd.s32 $0x100, s16  }
0x405: {  	s12 =	sadd.s32 $0x1, s12  }
0x406: {  	p0 =	sne.s32 s12, $0x7D  }
.Ltmp2:
0x407: {  	_ = 	snop;
	(pc) =	sbr.rel @p0 .LBB2_3-.Ltmp2, $2  }
0x408: {  	_ =	sdelay $0x2  }
0x409: {  	[spmem:s1] =	stream.indirect_vreg.scatter.add.f32 [tilespmem:s5], [sflag:$0x3], $0x40, v2, vm0, $0xb8;
	[tilespmem:$0x17F40] =	vst v63  }
0x40a: {  	s10 =	sadd.s32 $0x1, s10  }
0x40b: {  	_ =	swait.ge [sflag:s6], $0x400;
	p0 =	sne.s32 s10, $0x5  }
.Ltmp3:
0x40c: {  	[sflag:s6] =	ssyncset.done $0x0;
	(pc) =	sbr.rel @p0 .LBB2_2-.Ltmp3, $4  }
0x40d: {  	[sflag:s6] =	ssyncadd.s32 $0xFFFFFC00  }
0x40e: {  	_ =	swait.ge [sflag:s6], $0x400  }
0x40f: {  	[sflag:s6] =	ssyncset.done $0x0  }
0x410: {  	[sflag:s6] =	ssyncadd.s32 $0xFFFFFC00  }
0x411: {  	[bflag:$0x0] =	sbarrier.arrive $0xFFFF  }
0x412: {  	s10 =	rddreg [dreg:$0xb]  }
0x413: {  	s12 =	rddreg [dreg:$0xd]  }
0x414: {  	s14 =	rddreg [dreg:$0xe]  }
0x415: {  	[hbm:s10], [sflag:s12] =	dma.local [spmem:s14], $0x13C0  }
0x416: {  	_ =	swait.ge [sflag:s17], $0x13C0  }
0x417: {  	s7 =	sadd.s32 $0x1, s7;
	s24 =	rddreg [dreg:$0xc]  }
0x418: {  	p0 =	sne.s32 s7, s24  }
.Ltmp4:
0x419: {  	_ = 	snop;
	(pc) =	sbr.rel @p0 .LBB2_1-.Ltmp4, $3  }
0x41a: {  	_ =	sdelay $0x1  }
0x41b: {  	[sflag:s17] =	ssyncset.done $0x0  }
0x41c: {  	[sflag:s17] =	ssyncadd.s32 $0xFFFFEC40  }
0x41d: {  	_ =	sfence.sel $0x180000  }
0x41e: {  	[bflag:$0x0] =	sbarrier.arrive $0xFFFF  }
0x41f: {  	_ =	strace $0x9000004A  }
0x420: {  	s0 =	stileid.u32;
	[bflag:$0x2] =	sbarrier.arrive $0xFFFF  }
0x421: {  	p0 =	sne.s32 s0, $0x0;
	s0 =	rddreg [dreg:$0x3]  }
0x422: {  	s0 =	sadd.s32 @!p0 $0x100000, s0  }
0x423: {  	[sflag:s0] =	ssyncadd.tile.s32 @!p0 $0x1;
	_ =	shalt  }
.Lfunc_end2:
_tile_overlayer_lowered:
.L_overlay_start_2:
0x424: {  	(tag) =	ssettag $0x2  }
0x425: {  	s0 =	rddreg [dreg:$0x0];
	s2 =	stileid.u32  }
0x426: {  	s1 =	rddreg [dreg:$0x1];
	p0 =	sne.s32 s2, $0x0  }
0x427: {  	s3 =	rddreg [dreg:$0x2];
	[bflag:$0x3] =	sbarrier.arrive $0xFFFF;
	s2 =	simm.s32 @!p0 $0x1C04  }
0x428: {  	[timem:s3], [sflag:s2] =	dma.local @!p0 [hbm:s0], s1  }
0x429: {  	s0 =	simm.s32 @!p0 $0x4  }
0x42a: {  	_ =	swait.ge @!p0 [sflag:s0], s1  }
0x42b: {  	s1 =	ssub.s32 @!p0 $0x0, s1;
	[sflag:s0] =	ssyncset.done @!p0 $0x0  }
0x42c: {  	[sflag:s0] =	ssyncadd.s32 @!p0 s1  }
0x42d: {  	[bflag:$0x3] =	sbarrier.arrive $0xFFFF  }
0x42e: {  	_ =	shalt  }

// kernel: sparse-core-data-format-call.cloned.1.call-start
scs
called_computation_lowered:
.L_overlay_start_0:
0x0: {  	s1 =	sld [smem:$0x3FD9]  }
0x1: {  	s2 =	sld [smem:$0x3FFE];
	_ =	sdelay $0x1  }
0x2: {  	s3 =	srdreg.scid  }
0x3: {  	s0 =	sand.u32 $0x1, s3  }
0x4: {  	s17 =	sshll.u32 s0, $0xA;
	s1 =	sadd.s32 s2, s1  }
0x5: {  	s1 =	sadd.s32 s1, s17  }
0x6: {  	[smem:$0x3FC3] =	sst s1  }
0x7: {  	_ = 	snop  }
0x8: {  	(tm) =	ssettm $0x1  }
0x9: {  	s18 =	sld [smem:$0x3FFB];
	_ =	sdelay $0x3  }
0xa: {  	_ =	strace s18  }
0xb: {  	s1 =	sld [smem:$0x3FFC];
	_ =	sdelay $0x3  }
0xc: {  	_ =	strace s1  }
0xd: {  	s1 =	sld [smem:$0x3FFD];
	_ =	sdelay $0x3  }
0xe: {  	_ =	strace s1  }
0xf: {  	_ =	strace $0x8FFFFFFF  }
0x10: {  	s19 =	sld [smem:$0x3FDB];
	_ =	sdelay $0x1  }
0x11: {  	s20 =	simm.s32 $_scs_section_size  }
0x12: {  	s4 =	simm.s32 $_size__tile_overlayer_lowered;
	s5 =	simm.s32 $_tile_overlayer_lowered  }
0x13: {  	s23 =	simm.s32 $0x1BFF;
	s22 =	sshll.u32 s5, $0x1;
	s1 =	sadd.s32 s20, s19  }
0x14: {  	s6 =	simm.s32 $0x0;
	s21 =	sshll.u32 s4, $0x1;
	s4 =	sadd.s32 s22, s1  }
0x15: {  	[timem:s6], [sflag:s23] =	dma.local [hbm:s4], s21  }
0x16: {  	_ =	swait.ge [sflag:s23], s21  }
0x17: {  	s2 =	ssub.s32 $0x0, s21;
	[sflag:s23] =	ssyncset.done $0x0  }
0x18: {  	[sflag:s23] =	ssyncadd.s32 s2;
	_ =	sdelay $0x1  }
0x19: {  	s24 =	simm.s32 $0x1B8B  }
0x1a: {  	_ =	swait.ge [sflag:s24], $0x1  }
0x1b: {  	[sflag:s24] =	ssyncset.done $0x0  }
0x1c: {  	s26 =	simm.s32 $0x1B8E;
	s25 =	sld [smem:$0x3FFE];
	[sflag:s24] =	ssyncadd.s32 $0xFFFFFFFF  }
0x1d: {  	s27 =	simm.s32 $execute0_lowered;
	[smem:$0x3FD2] =	sst s26  }
0x1e: {  	s4 =	sshll.u32 s27, $0x1;
	_ =	strace $0x80000046;
	[dreg:$0x1] =	wrdreg $0xFFFFFFFF  }
0x1f: {  	s28 =	simm.s32 $_size_execute0_lowered;
	s1 =	sadd.s32 s1, s4;
	[dreg:$0x0] =	wrdreg $0x0  }
0x20: {  	s4 =	sshll.u32 s28, $0x1;
	[dreg:$0x2] =	wrdreg s1  }
0x21: {  	[dreg:$0x3] =	wrdreg s4  }
0x22: {  	[dreg:$0x4] =	wrdreg $0xC0  }
0x23: {  	_ =	task [dreg:s6], $0x5FFFF  }
0x24: {  	[dreg:$0x1] =	wrdreg $0xFFFFFFFF  }
0x25: {  	[dreg:$0x0] =	wrdreg $0x60  }
0x26: {  	[dreg:$0x2] =	wrdreg s25  }
0x27: {  	[dreg:$0x3] =	wrdreg $0x9  }
0x28: {  	_ =	task.clear_ibuf [dreg:s6], $0x4FFFF;
	_ =	strace $0x90000046  }
0x29: {  	s29 =	simm.s32 $0x9;
	_ =	strace $0x80000048  }
0x2a: {  	_ =	swait.ge [sflag:s29], $0x1  }
0x2b: {  	[sflag:s29] =	ssyncadd.s32 $0xFFFFFFFF  }
0x2c: {  	_ =	strace $0x90000048  }
0x2d: {  	_ =	sfence  }
0x2e: {  	s30 =	sld [smem:$0x0];
	_ =	sdelay $0x2  }
0x2f: {  	s31 =	sshll.u32 s3, $0xD;
	s3 =	sshrl.u32 s3, $0x2  }
0x30: {  	s2 =	sand.u32 $0x4000, s31;
	s1 =	sadd.s32 s3, s30  }
0x31: {  	s0 =	sor.u32 s2, s0;
	s1 =	sshll.u32 s1, $0x11  }
0x32: {  	s0 =	sor.u32 s1, s0  }
0x33: {  	s0 =	sadd.s32 $0x8F2B, s0  }
0x34: {  	[sflag:s0] =	ssyncadd.remote.s32 $0x1  }
0x35: {  	_ =	sfence.sel $0xFFFF  }
0x36: {  	[dreg:$0x0] =	wrdreg $0xFFFFFFFF;
	(pc) =	sbr.abs _section_cstart, $3  }
0x37: {  	[dreg:$0x1] =	wrdreg $0xFFFFFFFF  }
0x38: {  	_ =	task.clear_ibuf [dreg:s6], $0x2FFFF;
	_ =	strace $0x9FFFFFFF  }
0x39: {  	(tm) =	ssettm $0x7FFFFFFF  }
tec
execute0_lowered:
.L_overlay_start_1:
0x0: {  	(tag) =	ssettag $0x1  }
0x1: {  	s0 =	srdreg.scid  }
0x2: {  	s1 =	sshll.u32 s0, $0x4  }
0x3: {  	s4 =	rddreg [dreg:$0x0];
	s0 =	stileid.u32;
	s1 =	sand.u32 $0x10, s1  }
0x4: {  	s7 =	simm.s32 $0x1;
	s8 =	simm.s32 $0x2;
	s1 =	sor.u32 s0, s1  }
0x5: {  	s9 =	simm.s32 $0x0;
	s12 =	simm.s32 $0x0;
	s2 =	sshll.u32 s1, $0x4  }
0x6: {  	s11 =	simm.s32 $0x0;
	s3 =	sadd.s32 $0x400, s4;
	s6 =	ssub.s32 $0x2710, s2  }
.Ltmp0:
0x7: {  	s4 =	sadd.s32 $0x138C00, s4;
	s5 =	sand.u32 $0x1F0, s6;
	(pc) =	sbr.rel .LBB1_1-.Ltmp0, $4  }
0x8: {  	s1 =	rddreg [dreg:$0x1];
	_ =	strace $0x80000047;
	p0 =	sne.s32 s5, $0x0  }
0x9: {  	s6 =	sshrl.u32 s6, $0x9;
	s5 =	simm.s32 $0x1;
	s7 =	simm.s32 @!p0 $0x0  }
0xa: {  	s10 =	smov.u32 s2;
	[sflag:s5] =	ssyncpa.u1 $0x0;
	s6 =	sadd.s32 s7, s6  }
0xb: {  	[sflag:s8] =	ssyncpa.u1 $0x0;
	s8 =	simm.s32 $0x0;
	s7 =	sadd.s32 $0x1, s6  }
.LBB1_7:
0xc: {  	s14 =	sadd.s32 $0x200, s10  }
0xd: {  	p1 =	sgt.s32 s14, $0x270F  }
0xe: {  	s14 =	smov.u32 @p1 s2;
	p1 =	sne.s32 s11, s7  }
.Ltmp1:
0xf: {  	p0 =	slt.u32 s11, $0x2;
	(pc) =	sbr.rel @!p1 .LBB1_8-.Ltmp1, $4  }
0x10: {  	s13 =	simm.s32 @!p0 $0x2  }
0x11: {  	s15 =	sadd.s32 $0x1, s11;
	_ =	swait.ge @!p0 [sflag:s13], $0x4000  }
0x12: {  	s12 =	smov.u32 s10;
	s9 =	sadd.s32 $0x8000, s9;
	[sflag:s13] =	ssyncset.done @!p0 $0x0  }
0x13: {  	s11 =	smov.u32 s15;
	s10 =	smov.u32 s14;
	[sflag:s13] =	ssyncadd.s32 @!p0 $0xFFFFC000  }
.LBB1_1:
0x14: {  	p0 =	sge.u32 s11, s6  }
0x15: {  	s13 =	sxor.u32 @!p0 $0xFFFFFFFF, s11  }
0x16: {  	s31 =	sadd.s32 $0xFFFFFFFF, s11;
	s14 =	sshll.u32 @!p0 s10, $0x7;
	s13 =	sshll.u32 @!p0 s13, $0xE  }
0x17: {  	s15 =	simm.s32 @!p0 $0x0;
	s14 =	sadd.s32 @!p0 s3, s14;
	s13 =	sand.u32 @!p0 $0x4000, s13  }
0x18: {  	[tilespmem:s13], [sflag:$0x1] =	stream.linear.gather @!p0 [hbm4b:s14+s15], $0x4000, $0x38;
	[tilespmem:$0x10000] =	vst v63  }
0x19: {  	p0 =	sge.u32 s31, s6  }
.Ltmp2:
0x1a: {  	_ = 	snop;
	(pc) =	sbr.rel @p0 .LBB1_7-.Ltmp2, $1  }
0x1b: {  	_ =	sdelay $0x3  }
0x1c: {  	s13 =	sshrl.u32 s9, $0x1;
	_ =	swait.ge [sflag:s5], $0x4000  }
0x1d: {  	s15 =	sshll.u32 s11, $0xE;
	s16 =	simm.s32 $0x0;
	s14 =	sand.u32 $0x4000, s13  }
0x1e: {  	[sflag:s5] =	ssyncset.done $0x0;
	s15 =	sand.u32 $0x4000, s15;
	s13 =	sor.u32 $0x200, s14  }
0x1f: {  	s14 =	sor.u32 $0x8080, s14;
	[sflag:s5] =	ssyncadd.s32 $0xFFFFC000;
	s15 =	sor.u32 $0x8000, s15  }
.LBB1_3:
0x20: {  	v0 =	vld [tilespmem:s13+$0xFFFFFE70]  }
0x21: {  	v1 =	vld [tilespmem:s13+$0x70]  }
0x22: {  	v2 =	vld [tilespmem:s13+$0x0]  }
0x23: {  	v3 =	vld [tilespmem:s13+$0xFFFFFE10]  }
0x24: {  	v4 =	vld [tilespmem:s13+$0x10]  }
0x25: {  	v5 =	vld [tilespmem:s13+$0xFFFFFE20]  }
0x26: {  	v7 =	vld [tilespmem:s13+$0x20]  }
0x27: {  	v11 =	vld [tilespmem:s13+$0x30];
	v6 =	vunpack.i.l.s16.s32 v0;
	v8 =	vunpack.i.u.s16.s32 v0;
	v9 =	vunpack.i.u.s16.s32 v1  }
0x28: {  	v10 =	vunpack.i.l.s16.s32 v1;
	v0 =	vunpack.i.u.s16.s32 v2;
	v1 =	vunpack.i.l.s16.s32 v2;
	v2 =	vld [tilespmem:s13+$0xFFFFFE30]  }
0x29: {  	v8 =	vpack.i.b32.b16 v9, v8;
	v9 =	vunpack.i.u.s16.s32 v3;
	v3 =	vunpack.i.l.s16.s32 v3  }
0x2a: {  	v12 =	vld [tilespmem:s13+$0xFFFFFE40];
	v6 =	vpack.i.b32.b16 v10, v6;
	[tilespmem:s14+$0x70] =	vst v8;
	v8 =	vunpack.i.u.s16.s32 v4;
	v4 =	vunpack.i.l.s16.s32 v4  }
0x2b: {  	v13 =	vld [tilespmem:s13+$0x40];
	v10 =	vunpack.i.u.s16.s32 v5;
	v5 =	vunpack.i.l.s16.s32 v5;
	[tilespmem:s14+$0xFFFFFFF0] =	vst v6;
	v3 =	vpack.i.b32.b16 v4, v3  }
0x2c: {  	v6 =	vunpack.i.l.s16.s32 v7;
	v4 =	vld [tilespmem:s13+$0xFFFFFE50];
	[tilespmem:s14+$0xFFFFFF90] =	vst v3;
	v3 =	vpack.i.b32.b16 v8, v9;
	v8 =	vunpack.i.u.s16.s32 v7  }
0x2d: {  	v7 =	vunpack.i.l.s16.s32 v11;
	[tilespmem:s14+$0x10] =	vst v3;
	v3 =	vpack.i.b32.b16 v6, v5;
	v9 =	vunpack.i.u.s16.s32 v2;
	v6 =	vld [tilespmem:s13+$0x50]  }
0x2e: {  	v5 =	vunpack.i.l.s16.s32 v2;
	v2 =	vld [tilespmem:s13+$0xFFFFFE60];
	[tilespmem:s14+$0xFFFFFFA0] =	vst v3;
	v3 =	vpack.i.b32.b16 v8, v10;
	v10 =	vunpack.i.u.s16.s32 v11  }
0x2f: {  	s19 =	simm.s32 $0x0;
	v11 =	vpack.i.b32.b16 v7, v5;
	v7 =	vunpack.i.u.s16.s32 v12;
	v8 =	vunpack.i.l.s16.s32 v12;
	[tilespmem:s14+$0x20] =	vst v3;
	v3 =	vld [tilespmem:s13+$0x60]  }
0x30: {  	s20 =	sadd.s32 $0x80, s13;
	s18 =	smov.u32 s14;
	s17 =	smov.u32 s14;
	v5 =	vld [tilespmem:s13+$0xFFFFFE00];
	[tilespmem:s14+$0xFFFFFFB0] =	vst v11;
	v10 =	vpack.i.b32.b16 v10, v9;
	v9 =	vunpack.i.u.s16.s32 v13;
	v11 =	vunpack.i.l.s16.s32 v13  }
.LBB1_4:
0x31: {  	v12 =	vld [tilespmem:s20+$0xFFFFFE70];
	[tilespmem:s18+$0x30] =	vst v10;
	v8 =	vpack.i.b32.b16 v11, v8;
	v10 =	vunpack.i.u.s16.s32 v4;
	v4 =	vunpack.i.l.s16.s32 v4  }
0x32: {  	s19 =	sadd.s32 $0x2, s19;
	v7 =	vpack.i.b32.b16 v9, v7;
	v11 =	vld [tilespmem:s20+$0x70];
	[tilespmem:s18+$0xFFFFFFC0] =	vst v8;
	v8 =	vunpack.i.u.s16.s32 v6;
	v6 =	vunpack.i.l.s16.s32 v6  }
0x33: {  	p0 =	slt.u32 s19, $0x6;
	v9 =	vld [tilespmem:s20+$0x0];
	[tilespmem:s18+$0x40] =	vst v7;
	v4 =	vpack.i.b32.b16 v6, v4;
	v6 =	vunpack.i.u.s16.s32 v2;
	v2 =	vunpack.i.l.s16.s32 v2  }
0x34: {  	v7 =	vld [tilespmem:s20+$0xFFFFFE10];
	[tilespmem:s18+$0xFFFFFFD0] =	vst v4;
	v4 =	vpack.i.b32.b16 v8, v10;
	v8 =	vunpack.i.u.s16.s32 v3;
	v3 =	vunpack.i.l.s16.s32 v3  }
0x35: {  	v10 =	vld [tilespmem:s20+$0x10];
	v13 =	vunpack.i.u.s16.s32 v5;
	v5 =	vunpack.i.l.s16.s32 v5;
	[tilespmem:s18+$0x50] =	vst v4;
	v2 =	vpack.i.b32.b16 v3, v2  }
0x36: {  	v3 =	vld [tilespmem:s20+$0xFFFFFE20];
	v4 =	vunpack.i.l.s16.s32 v12;
	v1 =	vpack.i.b32.b16 v1, v5;
	v5 =	vpack.i.b32.b16 v0, v13;
	[tilespmem:s18+$0xFFFFFFE0] =	vst v2  }
0x37: {  	v12 =	vunpack.i.u.s16.s32 v12;
	v2 =	vld [tilespmem:s20+$0x20];
	v13 =	vunpack.i.u.s16.s32 v11;
	v11 =	vunpack.i.l.s16.s32 v11;
	[tilespmem:s18+$0xFFFFFF80] =	vst v1  }
0x38: {  	s18 =	sadd.s32 $0x100, s18;
	v0 =	vunpack.i.u.s16.s32 v9;
	v1 =	vunpack.i.l.s16.s32 v9;
	v9 =	vld [tilespmem:s20+$0xFFFFFE30];
	v12 =	vpack.i.b32.b16 v13, v12;
	[tilespmem:s17+$0x0] =	vst v5  }
0x39: {  	v6 =	vpack.i.b32.b16 v8, v6;
	v5 =	vunpack.i.u.s16.s32 v7;
	v7 =	vunpack.i.l.s16.s32 v7;
	v13 =	vld [tilespmem:s20+$0x30];
	[tilespmem:s18+$0x70] =	vst v12  }
0x3a: {  	v4 =	vpack.i.b32.b16 v11, v4;
	v8 =	vunpack.i.u.s16.s32 v10;
	v10 =	vunpack.i.l.s16.s32 v10;
	v12 =	vld [tilespmem:s20+$0xFFFFFE40];
	[tilespmem:s17+$0x60] =	vst v6;
	s17 =	smov.u32 s18  }
0x3b: {  	v6 =	vpack.i.b32.b16 v10, v7;
	v7 =	vunpack.i.u.s16.s32 v3;
	v3 =	vunpack.i.l.s16.s32 v3;
	v11 =	vld [tilespmem:s20+$0x40];
	[tilespmem:s18+$0xFFFFFFF0] =	vst v4  }
.Ltmp3:
0x3c: {  	v5 =	vpack.i.b32.b16 v8, v5;
	[tilespmem:s18+$0xFFFFFF90] =	vst v6;
	v8 =	vunpack.i.u.s16.s32 v2;
	v2 =	vunpack.i.l.s16.s32 v2;
	v4 =	vld [tilespmem:s20+$0xFFFFFE50];
	(pc) =	sbr.rel @p0 .LBB1_4-.Ltmp3, $4  }
0x3d: {  	[tilespmem:s18+$0x10] =	vst v5;
	v2 =	vpack.i.b32.b16 v2, v3;
	v10 =	vunpack.i.u.s16.s32 v9;
	v3 =	vunpack.i.l.s16.s32 v9;
	v6 =	vld [tilespmem:s20+$0x50]  }
0x3e: {  	v5 =	vpack.i.b32.b16 v8, v7;
	[tilespmem:s18+$0xFFFFFFA0] =	vst v2;
	v9 =	vunpack.i.u.s16.s32 v13;
	v7 =	vunpack.i.l.s16.s32 v13;
	v2 =	vld [tilespmem:s20+$0xFFFFFE60]  }
0x3f: {  	[tilespmem:s18+$0x20] =	vst v5;
	v13 =	vpack.i.b32.b16 v7, v3;
	v7 =	vunpack.i.u.s16.s32 v12;
	v8 =	vunpack.i.l.s16.s32 v12;
	v3 =	vld [tilespmem:s20+$0x60]  }
0x40: {  	v10 =	vpack.i.b32.b16 v9, v10;
	v5 =	vld [tilespmem:s20+$0xFFFFFE00];
	[tilespmem:s18+$0xFFFFFFB0] =	vst v13;
	v9 =	vunpack.i.u.s16.s32 v11;
	v11 =	vunpack.i.l.s16.s32 v11;
	s20 =	sadd.s32 $0x80, s20  }
0x41: {  	[tilespmem:s18+$0x30] =	vst v10;
	v8 =	vpack.i.b32.b16 v11, v8  }
0x42: {  	v51 =	vunpack.i.l.s16.s32 v4;
	v7 =	vpack.i.b32.b16 v9, v7;
	[tilespmem:s18+$0xFFFFFFC0] =	vst v8;
	v52 =	vunpack.i.l.s16.s32 v6  }
0x43: {  	v53 =	vunpack.i.u.s16.s32 v4;
	s16 =	sadd.s32 $0x1, s16;
	v54 =	vunpack.i.u.s16.s32 v6;
	[tilespmem:s18+$0x40] =	vst v7;
	v55 =	vpack.i.b32.b16 v52, v51  }
0x44: {  	p0 =	sne.s32 s16, $0x10;
	v56 =	vunpack.i.l.s16.s32 v2;
	v4 =	vpack.i.b32.b16 v54, v53;
	[tilespmem:s18+$0xFFFFFFD0] =	vst v55;
	v57 =	vunpack.i.l.s16.s32 v3  }
.Ltmp4:
0x45: {  	[tilespmem:s18+$0x50] =	vst v4;
	v58 =	vunpack.i.l.s16.s32 v5;
	v59 =	vpack.i.b32.b16 v57, v56;
	(pc) =	sbr.rel @p0 .LBB1_3-.Ltmp4, $4  }
0x46: {  	v61 =	vunpack.i.u.s16.s32 v2;
	v62 =	vunpack.i.u.s16.s32 v3;
	v1 =	vpack.i.b32.b16 v1, v58;
	[tilespmem:s18+$0xFFFFFFE0] =	vst v59  }
0x47: {  	v60 =	vunpack.i.u.s16.s32 v5;
	v63 =	vpack.i.b32.b16 v62, v61;
	[tilespmem:s18+$0xFFFFFF80] =	vst v1  }
0x48: {  	v0 =	vpack.i.b32.b16 v0, v60;
	[tilespmem:s17+$0x60] =	vst v63  }
0x49: {  	s13 =	sadd.s32 $0x400, s13;
	s14 =	sadd.s32 $0x400, s14;
	[tilespmem:s17+$0x0] =	vst v0  }
.Ltmp5:
0x4a: {  	(pc) =	sbr.rel .LBB1_7-.Ltmp5, $4  }
0x4b: {  	_ = 	snop  }
0x4c: {  	s12 =	sshll.u32 s12, $0x7  }
0x4d: {  	s12 =	sadd.s32 s4, s12  }
0x4e: {  	[hbm4b:s12+s8] =	stream.linear.scatter [tilespmem:s15], [sflag:$0x2], $0x4000, $0x38;
	[tilespmem:$0x10000] =	vst v63  }
.LBB1_8:
0x4f: {  	_ =	sfence.sel $0x180000  }
0x50: {  	s2 =	simm.s32 $0x1;
	[bflag:$0x0] =	sbarrier.arrive $0xFFFF  }
0x51: {  	s31 =	simm.s32 $0x2;
	[sflag:s2] =	ssyncpa.u1 $0x1  }
0x52: {  	[sflag:s31] =	ssyncpa.u1 $0x1  }
0x53: {  	p0 =	sne.s32 s0, $0x0;
	_ =	strace $0x90000047  }
0x54: {  	s0 =	sadd.s32 @!p0 $0x100000, s1;
	[bflag:$0x2] =	sbarrier.arrive $0xFFFF  }
0x55: {  	[sflag:s0] =	ssyncadd.tile.s32 @!p0 $0x1;
	_ =	shalt  }
.Lfunc_end1:
_tile_overlayer_lowered:
.L_overlay_start_2:
0x56: {  	(tag) =	ssettag $0x2  }
0x57: {  	s0 =	rddreg [dreg:$0x0];
	s2 =	stileid.u32  }
0x58: {  	s1 =	rddreg [dreg:$0x1];
	p0 =	sne.s32 s2, $0x0  }
0x59: {  	s3 =	rddreg [dreg:$0x2];
	[bflag:$0x3] =	sbarrier.arrive $0xFFFF;
	s2 =	simm.s32 @!p0 $0x1C01  }
0x5a: {  	[timem:s3], [sflag:s2] =	dma.local @!p0 [hbm:s0], s1  }
0x5b: {  	s0 =	simm.s32 @!p0 $0x1  }
0x5c: {  	_ =	swait.ge @!p0 [sflag:s0], s1  }
0x5d: {  	s1 =	ssub.s32 @!p0 $0x0, s1;
	[sflag:s0] =	ssyncset.done @!p0 $0x0  }
0x5e: {  	[sflag:s0] =	ssyncadd.s32 @!p0 s1  }
0x5f: {  	[bflag:$0x3] =	sbarrier.arrive $0xFFFF  }
0x60: {  	_ =	shalt  }

</sc_bundles>
